<compile_context>
chip_gen: v7x
topology: tpu7x:2x2x1
jax: 0.10.2.dev20260603
libtpu: 0.0.44.dev20260713+nightly
codegen_flags: <defaults>
</compile_context>

<pallas_src>
import jax
import jax.numpy as jnp
from jax import lax
from jax.experimental import pallas as pl
from jax.experimental.pallas import tpu as pltpu
from jax.experimental.pallas import tpu_sc as plsc

N = 10000
R = 4
E = 80000
DF = 128
DH = 128
DE = 128
DQ = 64

NC = 2
NS = 16
WA = 144
HALF = WA // 2
NPAD = 10240
RPT = NPAD // NS
BN = 400
EPT = E // NS
CH = 128
NCHUNK = 40
EPAD = NCHUNK * CH - EPT
ZROW = 64
ZCH = RPT // ZROW
DROW = 128
DCH = RPT // DROW


def _haug_body(x_ref, wf_ref, o_ref):
    h = jnp.tanh(
        lax.dot_general(x_ref[...], wf_ref[...], (((1,), (1,)), ((), ())),
                        preferred_element_type=jnp.float32))
    ones = jnp.ones((BN, 1), jnp.float32)
    zeros = jnp.zeros((BN, WA - DH - 1), jnp.float32)
    o_ref[...] = jnp.concatenate([h, ones, zeros], axis=1)


def _haug(x, w_feat):
    return pl.pallas_call(
        _haug_body,
        grid=(N // BN,),
        in_specs=[
            pl.BlockSpec((BN, DF), lambda i: (i, 0)),
            pl.BlockSpec((DH, DF), lambda i: (0, 0)),
        ],
        out_specs=pl.BlockSpec((BN, WA), lambda i: (i, 0)),
        out_shape=jax.ShapeDtypeStruct((NPAD, WA), jnp.float32),
    )(x, w_feat)


NB = 2


def _seg_body(h_hbm, sidx_hbm, didx_hbm, zeros_hbm, out_hbm,
              rows0, rows1, sidx, didx, table, acc, sem0, sem1):
    c = lax.axis_index("c")
    s = lax.axis_index("s")
    bufs = (rows0, rows1)
    sems = (sem0, sem1)

    def start_gather(j, b):
        pltpu.make_async_copy(table.at[sidx.at[j]], bufs[b], sems[b]).start()

    def wait_gather(b):
        pltpu.make_async_copy(table.at[sidx.at[0]], bufs[b], sems[b]).wait()

    for p in range(2):
        pltpu.sync_copy(
            h_hbm.at[pl.ds(s * RPT, RPT), pl.ds(p * HALF, HALF)],
            table.at[pl.ds(s * RPT, RPT)])
        plsc.subcore_barrier()
        for i in range(R // NC):
            r = c * (R // NC) + i
            pltpu.sync_copy(zeros_hbm, rows0.at[pl.ds(0, ZROW)])
            for z in range(ZCH):
                row0 = s * RPT + z * ZROW
                pltpu.sync_copy(rows0.at[pl.ds(0, ZROW)],
                                acc.at[pl.ds(row0, ZROW)])
            pltpu.sync_copy(sidx_hbm.at[r, s], sidx)
            pltpu.sync_copy(didx_hbm.at[r, s], didx)
            plsc.subcore_barrier()

            for b in range(NB):
                start_gather(b, b)

            def ring(j, carry):
                for b in range(NB):
                    jj = NB * j + b
                    wait_gather(b)
                    pltpu.sync_copy(bufs[b], acc.at[didx.at[jj]], add=True)
                    start_gather(jj + NB, b)
                return carry

            lax.fori_loop(0, NCHUNK // NB - 1, ring, 0)
            for b in range(NB):
                wait_gather(b)
                pltpu.sync_copy(bufs[b], acc.at[didx.at[NCHUNK - NB + b]],
                                add=True)
            plsc.subcore_barrier()
            for z in range(DCH):
                row0 = s * RPT + z * DROW
                pltpu.sync_copy(acc.at[pl.ds(row0, DROW)],
                                out_hbm.at[p, r, pl.ds(row0, DROW)])


def _segsum(h_aug, sidxp, didxp, zeros_in):
    mesh = plsc.VectorSubcoreMesh(
        core_axis_name="c", subcore_axis_name="s",
        num_cores=NC, num_subcores=NS)
    f = pl.kernel(
        _seg_body,
        out_type=jax.ShapeDtypeStruct((2, R, NPAD, HALF), jnp.float32),
        mesh=mesh,
        scratch_types=[
            pltpu.VMEM((CH, HALF), jnp.float32),
            pltpu.VMEM((CH, HALF), jnp.float32),
            pltpu.VMEM((NCHUNK, CH), jnp.int32),
            pltpu.VMEM((NCHUNK, CH), jnp.int32),
            pltpu.VMEM_SHARED((NPAD, HALF), jnp.float32),
            pltpu.VMEM_SHARED((NPAD, HALF), jnp.float32),
            pltpu.SemaphoreType.DMA,
            pltpu.SemaphoreType.DMA,
        ],
        compiler_params=pltpu.CompilerParams(use_tc_tiling_on_sc=False),
    )
    return f(h_aug, sidxp, didxp, zeros_in)


def _final_body(s_ref, ha_ref, wconv_ref, wattn_ref, b_ref, q_ref, wcat_ref,
                y_ref, a_ref):
    hr = []
    scores = []
    for r in range(R):
        s0 = s_ref[0, r]
        s1 = s_ref[1, r]
        rdeg = 1.0 / jnp.maximum(s1[:, DH - HALF:DH - HALF + 1], 1.0)
        wc = wconv_ref[r]
        h_r = (lax.dot_general(s0, wc[:, :HALF], (((1,), (1,)), ((), ())),
                               preferred_element_type=jnp.float32)
               + lax.dot_general(s1[:, :DH - HALF], wc[:, HALF:],
                                 (((1,), (1,)), ((), ())),
                                 preferred_element_type=jnp.float32)) * rdeg
        t = jnp.tanh(
            lax.dot_general(h_r, wattn_ref[...], (((1,), (1,)), ((), ())),
                            preferred_element_type=jnp.float32)
            + b_ref[...])
        sc = jnp.sum(t * q_ref[...], axis=1, keepdims=True)
        hr.append(h_r)
        scores.append(sc)
    sc = jnp.concatenate(scores, axis=1)
    m = jnp.max(sc, axis=1, keepdims=True)
    ex = jnp.exp(sc - m)
    alpha = ex / jnp.sum(ex, axis=1, keepdims=True)
    h1 = alpha[:, 0:1] * hr[0]
    for r in range(1, R):
        h1 = h1 + alpha[:, r:r + 1] * hr[r]
    h0 = ha_ref[:, :DH]
    wcat = wcat_ref[...]
    y = (lax.dot_general(h0, wcat[:, :DH], (((1,), (1,)), ((), ())),
                         preferred_element_type=jnp.float32)
         + lax.dot_general(h1, wcat[:, DH:], (((1,), (1,)), ((), ())),
                           preferred_element_type=jnp.float32))
    y_ref[...] = y
    a_ref[...] = alpha


def _final(sums, h_aug, w_conv, w_attn, b_attn, q_attn, w_cat):
    return pl.pallas_call(
        _final_body,
        grid=(N // BN,),
        in_specs=[
            pl.BlockSpec((2, R, BN, HALF), lambda i: (0, 0, i, 0)),
            pl.BlockSpec((BN, WA), lambda i: (i, 0)),
            pl.BlockSpec((R, DE, DH), lambda i: (0, 0, 0)),
            pl.BlockSpec((DQ, DE), lambda i: (0, 0)),
            pl.BlockSpec((1, DQ), lambda i: (0, 0)),
            pl.BlockSpec((1, DQ), lambda i: (0, 0)),
            pl.BlockSpec((DE, 2 * DE), lambda i: (0, 0)),
        ],
        out_specs=[
            pl.BlockSpec((BN, DE), lambda i: (i, 0)),
            pl.BlockSpec((BN, R), lambda i: (i, 0)),
        ],
        out_shape=[
            jax.ShapeDtypeStruct((N, DE), jnp.float32),
            jax.ShapeDtypeStruct((N, R), jnp.float32),
        ],
    )(sums, h_aug, w_conv, w_attn, b_attn, q_attn, w_cat)


def kernel(x, edge_index, W_feat, W_conv, W_attn, b_attn, q_attn, W_concat):
    idx = edge_index.reshape(R, 2, NS, EPT)
    pad = jnp.full((R, 2, NS, EPAD), N, dtype=jnp.int32)
    idxp = jnp.concatenate([idx, pad], axis=3)
    sidxp = idxp[:, 0].reshape(R, NS, NCHUNK, CH)
    didxp = idxp[:, 1].reshape(R, NS, NCHUNK, CH)
    zeros_in = jnp.zeros((ZROW, HALF), jnp.float32)

    h_aug = _haug(x, W_feat)
    sums = _segsum(h_aug, sidxp, didxp, zeros_in)
    y, attn = _final(sums, h_aug, W_conv, W_attn,
                     b_attn.reshape(1, DQ), q_attn.reshape(1, DQ), W_concat)
    return (y, attn)

# --- scband reference (transcript-rebuilt; emitter-appended) ---
"""Pipeline reference for scband-het-attn-30846455120584 (READ-ONLY COPY).

The authoritative reference and input builder live on the scoring server;
editing this copy changes nothing except your own understanding.
"""

import jax, jax.numpy as jnp
import numpy as np

N = 10000      # n_nodes
R = 4          # num edge types
E = 80000      # edges per etype
DF = 128       # dim_features
DH = 128       # dim_hiddens
DE = 128       # dim_embs
DQ = 64        # dim_query


def setup_inputs(seed: int = 0) -> dict:
    key = jax.random.key(seed)
    ks = jax.random.split(key, 8)
    x = jax.random.normal(ks[0], (N, DF), dtype=jnp.float32)
    # edge_index[r] = [2, E] (src row 0, dst row 1) for edge type r
    edge_index = jax.random.randint(ks[1], (R, 2, E), 0, N, dtype=jnp.int32)
    # feature_trans: Linear(DF -> DH, bias=False), xavier uniform
    lim = float(np.sqrt(6.0 / (DF + DH)))
    W_feat = jax.random.uniform(ks[2], (DH, DF), minval=-lim, maxval=lim, dtype=jnp.float32)
    # one GraphConv weight per edge type: DH -> DE
    W_conv = jax.random.normal(ks[3], (R, DE, DH), dtype=jnp.float32) * 0.05
    # heterogeneous attention aggregation (query-based, per-node scores over etypes)
    W_attn = jax.random.normal(ks[4], (DQ, DE), dtype=jnp.float32) * 0.05
    b_attn = jnp.zeros((DQ,), dtype=jnp.float32)
    q_attn = jax.random.normal(ks[5], (DQ, 1), dtype=jnp.float32) * 0.05
    # concat_weight: Linear((conv_depth+1)*DE -> DE, bias=False)
    W_concat = jax.random.normal(ks[6], (DE, 2 * DE), dtype=jnp.float32) * 0.05
    return {"x": x, "edge_index": edge_index, "W_feat": W_feat, "W_conv": W_conv,
            "W_attn": W_attn, "b_attn": b_attn, "q_attn": q_attn, "W_concat": W_concat}


def reference(x, edge_index, W_feat, W_conv, W_attn, b_attn, q_attn, W_concat):
    # h0 = tanh(feature_trans(x))  (applied to all nodes; full-graph block)
    h = jnp.tanh(x @ W_feat.T)
    # per-etype GraphConv: mean aggregation over incoming edges, then linear
    outs = []
    for r in range(R):
        src = edge_index[r, 0]
        dst = edge_index[r, 1]
        msgs = jnp.take(h, src, axis=0)                                   # gather  [E, DH]
        summed = jax.ops.segment_sum(msgs, dst, num_segments=N)          # scatter-add [N, DH]
        deg = jax.ops.segment_sum(jnp.ones((E,), dtype=h.dtype), dst, num_segments=N)
        agg = summed / jnp.maximum(deg, 1.0)[:, None]
        outs.append(agg @ W_conv[r].T)                                    # [N, DE]
    h_r = jnp.stack(outs, axis=0)                                         # [R, N, DE]
    # heterogeneous attention over edge types (per destination node)
    scores = jnp.tanh(jnp.einsum('rnd,qd->rnq', h_r, W_attn) + b_attn) @ q_attn  # [R, N, 1]
    alpha = jax.nn.softmax(scores, axis=0)                                # softmax over etypes
    h1 = jnp.sum(alpha * h_r, axis=0)                                     # [N, DE]
    # y = concat_weight(cat([h0, h1]))
    y = jnp.concatenate([h, h1], axis=-1) @ W_concat.T                    # [N, DE]
    attn_res = jnp.squeeze(alpha, axis=-1).T                              # [N, R]
    return (y, attn_res)

if __name__ == "__main__":
    import jax
    _d = setup_inputs()
    print(jax.jit(kernel)(*tuple(_d.values())))

</pallas_src>

<mosaic_0001>
#map = affine_map<(d0, d1) -> (0, 0)>
#map1 = affine_map<(d0, d1) -> (0, 0, 0, 0)>
module attributes {stable_mosaic.version = 14 : i64} {
  func.func @_seg_body(%arg0: i32, %arg1: i32, %arg2: memref<10240x144xf32, #tpu.memory_space<hbm>>, %arg3: memref<4x16x40x128xi32, #tpu.memory_space<hbm>>, %arg4: memref<4x16x40x128xi32, #tpu.memory_space<hbm>>, %arg5: memref<64x72xf32, #tpu.memory_space<hbm>>, %arg6: memref<2x4x10240x72xf32, #tpu.memory_space<hbm>>, %arg7: memref<128x72xf32, #tpu.memory_space<vmem>>, %arg8: memref<128x72xf32, #tpu.memory_space<vmem>>, %arg9: memref<40x128xi32, #tpu.memory_space<vmem>>, %arg10: memref<40x128xi32, #tpu.memory_space<vmem>>, %arg11: memref<10240x72xf32, #tpu.memory_space<vmem_shared>>, %arg12: memref<10240x72xf32, #tpu.memory_space<vmem_shared>>, %arg13: memref<!tpu.dma_semaphore, #tpu.memory_space<semaphore_mem>>, %arg14: memref<!tpu.dma_semaphore, #tpu.memory_space<semaphore_mem>>) attributes {dimension_semantics = [#tpu.dimension_semantics<core_parallel>, #tpu.dimension_semantics<subcore_parallel>], iteration_bounds = array<i64: 2, 16>, scalar_prefetch = 0 : i64, scratch_operands = 8 : i64, tpu.core_type = #tpu.core_type<sc_vector_subcore>, window_params = [{transform_indices = #map}, {transform_indices = #map1}, {transform_indices = #map1}, {transform_indices = #map}, {transform_indices = #map1}]} {
    %mul3A = arith.constant 640 : i32
    %mul3A_0 = arith.muli %arg1, %mul3A : i32
    %mul3A_1 = arith.constant 640 : i32
    %mul3A_2 = arith.muli %arg1, %mul3A_1 : i32
    "tpu.region"() ({
      %run_scoped3A_431 = tpu.sem_alloc : memref<!tpu.dma_semaphore, #tpu.memory_space<semaphore_mem>>
      %dma_start3A_432 = arith.constant 0 : i32
      %dma_start3A_433 = tpu.memref_slice %arg11[%mul3A_2, %dma_start3A_432] : memref<10240x72xf32, #tpu.memory_space<vmem_shared>> -> memref<640x72xf32, #tpu.memory_space<vmem_shared>>
      %dma_start3A_434 = arith.constant 0 : i32
      %dma_start3A_435 = tpu.memref_slice %arg2[%mul3A_0, %dma_start3A_434] : memref<10240x144xf32, #tpu.memory_space<hbm>> -> memref<640x72xf32, #tpu.memory_space<hbm>>
      tpu.enqueue_dma source(%dma_start3A_435 : memref<640x72xf32, #tpu.memory_space<hbm>>) target(%dma_start3A_433 : memref<640x72xf32, #tpu.memory_space<vmem_shared>>) target_semaphore(%run_scoped3A_431 : memref<!tpu.dma_semaphore, #tpu.memory_space<semaphore_mem>>)
      %dma_wait3A_436 = arith.constant 0 : i32
      %dma_wait3A_437 = tpu.memref_slice %arg11[%mul3A_2, %dma_wait3A_436] : memref<10240x72xf32, #tpu.memory_space<vmem_shared>> -> memref<640x72xf32, #tpu.memory_space<vmem_shared>>
      %dma_wait3A_438 = arith.constant 0 : i32
      %dma_wait3A_439 = tpu.memref_slice %arg2[%mul3A_0, %dma_wait3A_438] : memref<10240x144xf32, #tpu.memory_space<hbm>> -> memref<640x72xf32, #tpu.memory_space<hbm>>
      tpu.wait_dma2 semaphore(%run_scoped3A_431 : memref<!tpu.dma_semaphore, #tpu.memory_space<semaphore_mem>>) src(%dma_wait3A_439 : memref<640x72xf32, #tpu.memory_space<hbm>>) dst(%dma_wait3A_437 : memref<640x72xf32, #tpu.memory_space<vmem_shared>>)
      tpu.yield
    }) : () -> ()
    %barrier3A = arith.constant 0 : index
    tpu.barrier barrier_id(%barrier3A)
    %mul3A_3 = arith.constant 2 : i32
    %mul3A_4 = arith.muli %arg0, %mul3A_3 : i32
    %add3A = arith.constant 0 : i32
    %add3A_5 = arith.addi %mul3A_4, %add3A : i32
    "tpu.region"() ({
      %run_scoped3A_431 = tpu.sem_alloc : memref<!tpu.dma_semaphore, #tpu.memory_space<semaphore_mem>>
      %dma_start3A_432 = arith.constant 0 : i32
      %dma_start3A_433 = arith.constant 0 : i32
      %dma_start3A_434 = tpu.memref_slice %arg7[%dma_start3A_432, %dma_start3A_433] : memref<128x72xf32, #tpu.memory_space<vmem>> -> memref<64x72xf32, #tpu.memory_space<vmem>>
      %dma_start3A_435 = arith.constant 0 : i32
      %dma_start3A_436 = arith.constant 0 : i32
      %dma_start3A_437 = tpu.memref_slice %arg7[%dma_start3A_435, %dma_start3A_436] : memref<128x72xf32, #tpu.memory_space<vmem>> -> memref<64x72xf32, #tpu.memory_space<vmem>>
      tpu.enqueue_dma source(%arg5 : memref<64x72xf32, #tpu.memory_space<hbm>>) target(%dma_start3A_437 : memref<64x72xf32, #tpu.memory_space<vmem>>) target_semaphore(%run_scoped3A_431 : memref<!tpu.dma_semaphore, #tpu.memory_space<semaphore_mem>>)
      %dma_wait3A_438 = arith.constant 0 : i32
      %dma_wait3A_439 = arith.constant 0 : i32
      %dma_wait3A_440 = tpu.memref_slice %arg7[%dma_wait3A_438, %dma_wait3A_439] : memref<128x72xf32, #tpu.memory_space<vmem>> -> memref<64x72xf32, #tpu.memory_space<vmem>>
      %dma_wait3A_441 = arith.constant 0 : i32
      %dma_wait3A_442 = arith.constant 0 : i32
      %dma_wait3A_443 = tpu.memref_slice %arg7[%dma_wait3A_441, %dma_wait3A_442] : memref<128x72xf32, #tpu.memory_space<vmem>> -> memref<64x72xf32, #tpu.memory_space<vmem>>
      tpu.wait_dma2 semaphore(%run_scoped3A_431 : memref<!tpu.dma_semaphore, #tpu.memory_space<semaphore_mem>>) src(%arg5 : memref<64x72xf32, #tpu.memory_space<hbm>>) dst(%dma_wait3A_443 : memref<64x72xf32, #tpu.memory_space<vmem>>)
      tpu.yield
    }) : () -> ()
    %mul3A_6 = arith.constant 640 : i32
    %mul3A_7 = arith.muli %arg1, %mul3A_6 : i32
    %add3A_8 = arith.constant 0 : i32
    %add3A_9 = arith.addi %mul3A_7, %add3A_8 : i32
    "tpu.region"() ({
      %run_scoped3A_431 = tpu.sem_alloc : memref<!tpu.dma_semaphore, #tpu.memory_space<semaphore_mem>>
      %dma_start3A_432 = arith.constant 0 : i32
      %dma_start3A_433 = arith.constant 0 : i32
      %dma_start3A_434 = tpu.memref_slice %arg7[%dma_start3A_432, %dma_start3A_433] : memref<128x72xf32, #tpu.memory_space<vmem>> -> memref<64x72xf32, #tpu.memory_space<vmem>>
      %dma_start3A_435 = arith.constant 0 : i32
      %dma_start3A_436 = tpu.memref_slice %arg12[%add3A_9, %dma_start3A_435] : memref<10240x72xf32, #tpu.memory_space<vmem_shared>> -> memref<64x72xf32, #tpu.memory_space<vmem_shared>>
      %dma_start3A_437 = arith.constant 0 : i32
      %dma_start3A_438 = tpu.memref_slice %arg12[%add3A_9, %dma_start3A_437] : memref<10240x72xf32, #tpu.memory_space<vmem_shared>> -> memref<64x72xf32, #tpu.memory_space<vmem_shared>>
      %dma_start3A_439 = arith.constant 0 : i32
      %dma_start3A_440 = arith.constant 0 : i32
      %dma_start3A_441 = tpu.memref_slice %arg7[%dma_start3A_439, %dma_start3A_440] : memref<128x72xf32, #tpu.memory_space<vmem>> -> memref<64x72xf32, #tpu.memory_space<vmem>>
      tpu.enqueue_dma source(%dma_start3A_441 : memref<64x72xf32, #tpu.memory_space<vmem>>) target(%dma_start3A_438 : memref<64x72xf32, #tpu.memory_space<vmem_shared>>) target_semaphore(%run_scoped3A_431 : memref<!tpu.dma_semaphore, #tpu.memory_space<semaphore_mem>>)
      %dma_wait3A_442 = arith.constant 0 : i32
      %dma_wait3A_443 = arith.constant 0 : i32
      %dma_wait3A_444 = tpu.memref_slice %arg7[%dma_wait3A_442, %dma_wait3A_443] : memref<128x72xf32, #tpu.memory_space<vmem>> -> memref<64x72xf32, #tpu.memory_space<vmem>>
      %dma_wait3A_445 = arith.constant 0 : i32
      %dma_wait3A_446 = tpu.memref_slice %arg12[%add3A_9, %dma_wait3A_445] : memref<10240x72xf32, #tpu.memory_space<vmem_shared>> -> memref<64x72xf32, #tpu.memory_space<vmem_shared>>
      %dma_wait3A_447 = arith.constant 0 : i32
      %dma_wait3A_448 = tpu.memref_slice %arg12[%add3A_9, %dma_wait3A_447] : memref<10240x72xf32, #tpu.memory_space<vmem_shared>> -> memref<64x72xf32, #tpu.memory_space<vmem_shared>>
      %dma_wait3A_449 = arith.constant 0 : i32
      %dma_wait3A_450 = arith.constant 0 : i32
      %dma_wait3A_451 = tpu.memref_slice %arg7[%dma_wait3A_449, %dma_wait3A_450] : memref<128x72xf32, #tpu.memory_space<vmem>> -> memref<64x72xf32, #tpu.memory_space<vmem>>
      tpu.wait_dma2 semaphore(%run_scoped3A_431 : memref<!tpu.dma_semaphore, #tpu.memory_space<semaphore_mem>>) src(%dma_wait3A_451 : memref<64x72xf32, #tpu.memory_space<vmem>>) dst(%dma_wait3A_448 : memref<64x72xf32, #tpu.memory_space<vmem_shared>>)
      tpu.yield
    }) : () -> ()
    %mul3A_10 = arith.constant 640 : i32
    %mul3A_11 = arith.muli %arg1, %mul3A_10 : i32
    %add3A_12 = arith.constant 64 : i32
    %add3A_13 = arith.addi %mul3A_11, %add3A_12 : i32
    "tpu.region"() ({
      %run_scoped3A_431 = tpu.sem_alloc : memref<!tpu.dma_semaphore, #tpu.memory_space<semaphore_mem>>
      %dma_start3A_432 = arith.constant 0 : i32
      %dma_start3A_433 = arith.constant 0 : i32
      %dma_start3A_434 = tpu.memref_slice %arg7[%dma_start3A_432, %dma_start3A_433] : memref<128x72xf32, #tpu.memory_space<vmem>> -> memref<64x72xf32, #tpu.memory_space<vmem>>
      %dma_start3A_435 = arith.constant 0 : i32
      %dma_start3A_436 = tpu.memref_slice %arg12[%add3A_13, %dma_start3A_435] : memref<10240x72xf32, #tpu.memory_space<vmem_shared>> -> memref<64x72xf32, #tpu.memory_space<vmem_shared>>
      %dma_start3A_437 = arith.constant 0 : i32
      %dma_start3A_438 = tpu.memref_slice %arg12[%add3A_13, %dma_start3A_437] : memref<10240x72xf32, #tpu.memory_space<vmem_shared>> -> memref<64x72xf32, #tpu.memory_space<vmem_shared>>
      %dma_start3A_439 = arith.constant 0 : i32
      %dma_start3A_440 = arith.constant 0 : i32
      %dma_start3A_441 = tpu.memref_slice %arg7[%dma_start3A_439, %dma_start3A_440] : memref<128x72xf32, #tpu.memory_space<vmem>> -> memref<64x72xf32, #tpu.memory_space<vmem>>
      tpu.enqueue_dma source(%dma_start3A_441 : memref<64x72xf32, #tpu.memory_space<vmem>>) target(%dma_start3A_438 : memref<64x72xf32, #tpu.memory_space<vmem_shared>>) target_semaphore(%run_scoped3A_431 : memref<!tpu.dma_semaphore, #tpu.memory_space<semaphore_mem>>)
      %dma_wait3A_442 = arith.constant 0 : i32
      %dma_wait3A_443 = arith.constant 0 : i32
      %dma_wait3A_444 = tpu.memref_slice %arg7[%dma_wait3A_442, %dma_wait3A_443] : memref<128x72xf32, #tpu.memory_space<vmem>> -> memref<64x72xf32, #tpu.memory_space<vmem>>
      %dma_wait3A_445 = arith.constant 0 : i32
      %dma_wait3A_446 = tpu.memref_slice %arg12[%add3A_13, %dma_wait3A_445] : memref<10240x72xf32, #tpu.memory_space<vmem_shared>> -> memref<64x72xf32, #tpu.memory_space<vmem_shared>>
      %dma_wait3A_447 = arith.constant 0 : i32
      %dma_wait3A_448 = tpu.memref_slice %arg12[%add3A_13, %dma_wait3A_447] : memref<10240x72xf32, #tpu.memory_space<vmem_shared>> -> memref<64x72xf32, #tpu.memory_space<vmem_shared>>
      %dma_wait3A_449 = arith.constant 0 : i32
      %dma_wait3A_450 = arith.constant 0 : i32
      %dma_wait3A_451 = tpu.memref_slice %arg7[%dma_wait3A_449, %dma_wait3A_450] : memref<128x72xf32, #tpu.memory_space<vmem>> -> memref<64x72xf32, #tpu.memory_space<vmem>>
      tpu.wait_dma2 semaphore(%run_scoped3A_431 : memref<!tpu.dma_semaphore, #tpu.memory_space<semaphore_mem>>) src(%dma_wait3A_451 : memref<64x72xf32, #tpu.memory_space<vmem>>) dst(%dma_wait3A_448 : memref<64x72xf32, #tpu.memory_space<vmem_shared>>)
      tpu.yield
    }) : () -> ()
    %mul3A_14 = arith.constant 640 : i32
    %mul3A_15 = arith.muli %arg1, %mul3A_14 : i32
    %add3A_16 = arith.constant 128 : i32
    %add3A_17 = arith.addi %mul3A_15, %add3A_16 : i32
    "tpu.region"() ({
      %run_scoped3A_431 = tpu.sem_alloc : memref<!tpu.dma_semaphore, #tpu.memory_space<semaphore_mem>>
      %dma_start3A_432 = arith.constant 0 : i32
      %dma_start3A_433 = arith.constant 0 : i32
      %dma_start3A_434 = tpu.memref_slice %arg7[%dma_start3A_432, %dma_start3A_433] : memref<128x72xf32, #tpu.memory_space<vmem>> -> memref<64x72xf32, #tpu.memory_space<vmem>>
      %dma_start3A_435 = arith.constant 0 : i32
      %dma_start3A_436 = tpu.memref_slice %arg12[%add3A_17, %dma_start3A_435] : memref<10240x72xf32, #tpu.memory_space<vmem_shared>> -> memref<64x72xf32, #tpu.memory_space<vmem_shared>>
      %dma_start3A_437 = arith.constant 0 : i32
      %dma_start3A_438 = tpu.memref_slice %arg12[%add3A_17, %dma_start3A_437] : memref<10240x72xf32, #tpu.memory_space<vmem_shared>> -> memref<64x72xf32, #tpu.memory_space<vmem_shared>>
      %dma_start3A_439 = arith.constant 0 : i32
      %dma_start3A_440 = arith.constant 0 : i32
      %dma_start3A_441 = tpu.memref_slice %arg7[%dma_start3A_439, %dma_start3A_440] : memref<128x72xf32, #tpu.memory_space<vmem>> -> memref<64x72xf32, #tpu.memory_space<vmem>>
      tpu.enqueue_dma source(%dma_start3A_441 : memref<64x72xf32, #tpu.memory_space<vmem>>) target(%dma_start3A_438 : memref<64x72xf32, #tpu.memory_space<vmem_shared>>) target_semaphore(%run_scoped3A_431 : memref<!tpu.dma_semaphore, #tpu.memory_space<semaphore_mem>>)
      %dma_wait3A_442 = arith.constant 0 : i32
      %dma_wait3A_443 = arith.constant 0 : i32
      %dma_wait3A_444 = tpu.memref_slice %arg7[%dma_wait3A_442, %dma_wait3A_443] : memref<128x72xf32, #tpu.memory_space<vmem>> -> memref<64x72xf32, #tpu.memory_space<vmem>>
      %dma_wait3A_445 = arith.constant 0 : i32
      %dma_wait3A_446 = tpu.memref_slice %arg12[%add3A_17, %dma_wait3A_445] : memref<10240x72xf32, #tpu.memory_space<vmem_shared>> -> memref<64x72xf32, #tpu.memory_space<vmem_shared>>
      %dma_wait3A_447 = arith.constant 0 : i32
      %dma_wait3A_448 = tpu.memref_slice %arg12[%add3A_17, %dma_wait3A_447] : memref<10240x72xf32, #tpu.memory_space<vmem_shared>> -> memref<64x72xf32, #tpu.memory_space<vmem_shared>>
      %dma_wait3A_449 = arith.constant 0 : i32
      %dma_wait3A_450 = arith.constant 0 : i32
      %dma_wait3A_451 = tpu.memref_slice %arg7[%dma_wait3A_449, %dma_wait3A_450] : memref<128x72xf32, #tpu.memory_space<vmem>> -> memref<64x72xf32, #tpu.memory_space<vmem>>
      tpu.wait_dma2 semaphore(%run_scoped3A_431 : memref<!tpu.dma_semaphore, #tpu.memory_space<semaphore_mem>>) src(%dma_wait3A_451 : memref<64x72xf32, #tpu.memory_space<vmem>>) dst(%dma_wait3A_448 : memref<64x72xf32, #tpu.memory_space<vmem_shared>>)
      tpu.yield
    }) : () -> ()
    %mul3A_18 = arith.constant 640 : i32
    %mul3A_19 = arith.muli %arg1, %mul3A_18 : i32
    %add3A_20 = arith.constant 192 : i32
    %add3A_21 = arith.addi %mul3A_19, %add3A_20 : i32
    "tpu.region"() ({
      %run_scoped3A_431 = tpu.sem_alloc : memref<!tpu.dma_semaphore, #tpu.memory_space<semaphore_mem>>
      %dma_start3A_432 = arith.constant 0 : i32
      %dma_start3A_433 = arith.constant 0 : i32
      %dma_start3A_434 = tpu.memref_slice %arg7[%dma_start3A_432, %dma_start3A_433] : memref<128x72xf32, #tpu.memory_space<vmem>> -> memref<64x72xf32, #tpu.memory_space<vmem>>
      %dma_start3A_435 = arith.constant 0 : i32
      %dma_start3A_436 = tpu.memref_slice %arg12[%add3A_21, %dma_start3A_435] : memref<10240x72xf32, #tpu.memory_space<vmem_shared>> -> memref<64x72xf32, #tpu.memory_space<vmem_shared>>
      %dma_start3A_437 = arith.constant 0 : i32
      %dma_start3A_438 = tpu.memref_slice %arg12[%add3A_21, %dma_start3A_437] : memref<10240x72xf32, #tpu.memory_space<vmem_shared>> -> memref<64x72xf32, #tpu.memory_space<vmem_shared>>
      %dma_start3A_439 = arith.constant 0 : i32
      %dma_start3A_440 = arith.constant 0 : i32
      %dma_start3A_441 = tpu.memref_slice %arg7[%dma_start3A_439, %dma_start3A_440] : memref<128x72xf32, #tpu.memory_space<vmem>> -> memref<64x72xf32, #tpu.memory_space<vmem>>
      tpu.enqueue_dma source(%dma_start3A_441 : memref<64x72xf32, #tpu.memory_space<vmem>>) target(%dma_start3A_438 : memref<64x72xf32, #tpu.memory_space<vmem_shared>>) target_semaphore(%run_scoped3A_431 : memref<!tpu.dma_semaphore, #tpu.memory_space<semaphore_mem>>)
      %dma_wait3A_442 = arith.constant 0 : i32
      %dma_wait3A_443 = arith.constant 0 : i32
      %dma_wait3A_444 = tpu.memref_slice %arg7[%dma_wait3A_442, %dma_wait3A_443] : memref<128x72xf32, #tpu.memory_space<vmem>> -> memref<64x72xf32, #tpu.memory_space<vmem>>
      %dma_wait3A_445 = arith.constant 0 : i32
      %dma_wait3A_446 = tpu.memref_slice %arg12[%add3A_21, %dma_wait3A_445] : memref<10240x72xf32, #tpu.memory_space<vmem_shared>> -> memref<64x72xf32, #tpu.memory_space<vmem_shared>>
      %dma_wait3A_447 = arith.constant 0 : i32
      %dma_wait3A_448 = tpu.memref_slice %arg12[%add3A_21, %dma_wait3A_447] : memref<10240x72xf32, #tpu.memory_space<vmem_shared>> -> memref<64x72xf32, #tpu.memory_space<vmem_shared>>
      %dma_wait3A_449 = arith.constant 0 : i32
      %dma_wait3A_450 = arith.constant 0 : i32
      %dma_wait3A_451 = tpu.memref_slice %arg7[%dma_wait3A_449, %dma_wait3A_450] : memref<128x72xf32, #tpu.memory_space<vmem>> -> memref<64x72xf32, #tpu.memory_space<vmem>>
      tpu.wait_dma2 semaphore(%run_scoped3A_431 : memref<!tpu.dma_semaphore, #tpu.memory_space<semaphore_mem>>) src(%dma_wait3A_451 : memref<64x72xf32, #tpu.memory_space<vmem>>) dst(%dma_wait3A_448 : memref<64x72xf32, #tpu.memory_space<vmem_shared>>)
      tpu.yield
    }) : () -> ()
    %mul3A_22 = arith.constant 640 : i32
    %mul3A_23 = arith.muli %arg1, %mul3A_22 : i32
    %add3A_24 = arith.constant 256 : i32
    %add3A_25 = arith.addi %mul3A_23, %add3A_24 : i32
    "tpu.region"() ({
      %run_scoped3A_431 = tpu.sem_alloc : memref<!tpu.dma_semaphore, #tpu.memory_space<semaphore_mem>>
      %dma_start3A_432 = arith.constant 0 : i32
      %dma_start3A_433 = arith.constant 0 : i32
      %dma_start3A_434 = tpu.memref_slice %arg7[%dma_start3A_432, %dma_start3A_433] : memref<128x72xf32, #tpu.memory_space<vmem>> -> memref<64x72xf32, #tpu.memory_space<vmem>>
      %dma_start3A_435 = arith.constant 0 : i32
      %dma_start3A_436 = tpu.memref_slice %arg12[%add3A_25, %dma_start3A_435] : memref<10240x72xf32, #tpu.memory_space<vmem_shared>> -> memref<64x72xf32, #tpu.memory_space<vmem_shared>>
      %dma_start3A_437 = arith.constant 0 : i32
      %dma_start3A_438 = tpu.memref_slice %arg12[%add3A_25, %dma_start3A_437] : memref<10240x72xf32, #tpu.memory_space<vmem_shared>> -> memref<64x72xf32, #tpu.memory_space<vmem_shared>>
      %dma_start3A_439 = arith.constant 0 : i32
      %dma_start3A_440 = arith.constant 0 : i32
      %dma_start3A_441 = tpu.memref_slice %arg7[%dma_start3A_439, %dma_start3A_440] : memref<128x72xf32, #tpu.memory_space<vmem>> -> memref<64x72xf32, #tpu.memory_space<vmem>>
      tpu.enqueue_dma source(%dma_start3A_441 : memref<64x72xf32, #tpu.memory_space<vmem>>) target(%dma_start3A_438 : memref<64x72xf32, #tpu.memory_space<vmem_shared>>) target_semaphore(%run_scoped3A_431 : memref<!tpu.dma_semaphore, #tpu.memory_space<semaphore_mem>>)
      %dma_wait3A_442 = arith.constant 0 : i32
      %dma_wait3A_443 = arith.constant 0 : i32
      %dma_wait3A_444 = tpu.memref_slice %arg7[%dma_wait3A_442, %dma_wait3A_443] : memref<128x72xf32, #tpu.memory_space<vmem>> -> memref<64x72xf32, #tpu.memory_space<vmem>>
      %dma_wait3A_445 = arith.constant 0 : i32
      %dma_wait3A_446 = tpu.memref_slice %arg12[%add3A_25, %dma_wait3A_445] : memref<10240x72xf32, #tpu.memory_space<vmem_shared>> -> memref<64x72xf32, #tpu.memory_space<vmem_shared>>
      %dma_wait3A_447 = arith.constant 0 : i32
      %dma_wait3A_448 = tpu.memref_slice %arg12[%add3A_25, %dma_wait3A_447] : memref<10240x72xf32, #tpu.memory_space<vmem_shared>> -> memref<64x72xf32, #tpu.memory_space<vmem_shared>>
      %dma_wait3A_449 = arith.constant 0 : i32
      %dma_wait3A_450 = arith.constant 0 : i32
      %dma_wait3A_451 = tpu.memref_slice %arg7[%dma_wait3A_449, %dma_wait3A_450] : memref<128x72xf32, #tpu.memory_space<vmem>> -> memref<64x72xf32, #tpu.memory_space<vmem>>
      tpu.wait_dma2 semaphore(%run_scoped3A_431 : memref<!tpu.dma_semaphore, #tpu.memory_space<semaphore_mem>>) src(%dma_wait3A_451 : memref<64x72xf32, #tpu.memory_space<vmem>>) dst(%dma_wait3A_448 : memref<64x72xf32, #tpu.memory_space<vmem_shared>>)
      tpu.yield
    }) : () -> ()
    %mul3A_26 = arith.constant 640 : i32
    %mul3A_27 = arith.muli %arg1, %mul3A_26 : i32
    %add3A_28 = arith.constant 320 : i32
    %add3A_29 = arith.addi %mul3A_27, %add3A_28 : i32
    "tpu.region"() ({
      %run_scoped3A_431 = tpu.sem_alloc : memref<!tpu.dma_semaphore, #tpu.memory_space<semaphore_mem>>
      %dma_start3A_432 = arith.constant 0 : i32
      %dma_start3A_433 = arith.constant 0 : i32
      %dma_start3A_434 = tpu.memref_slice %arg7[%dma_start3A_432, %dma_start3A_433] : memref<128x72xf32, #tpu.memory_space<vmem>> -> memref<64x72xf32, #tpu.memory_space<vmem>>
      %dma_start3A_435 = arith.constant 0 : i32
      %dma_start3A_436 = tpu.memref_slice %arg12[%add3A_29, %dma_start3A_435] : memref<10240x72xf32, #tpu.memory_space<vmem_shared>> -> memref<64x72xf32, #tpu.memory_space<vmem_shared>>
      %dma_start3A_437 = arith.constant 0 : i32
      %dma_start3A_438 = tpu.memref_slice %arg12[%add3A_29, %dma_start3A_437] : memref<10240x72xf32, #tpu.memory_space<vmem_shared>> -> memref<64x72xf32, #tpu.memory_space<vmem_shared>>
      %dma_start3A_439 = arith.constant 0 : i32
      %dma_start3A_440 = arith.constant 0 : i32
      %dma_start3A_441 = tpu.memref_slice %arg7[%dma_start3A_439, %dma_start3A_440] : memref<128x72xf32, #tpu.memory_space<vmem>> -> memref<64x72xf32, #tpu.memory_space<vmem>>
      tpu.enqueue_dma source(%dma_start3A_441 : memref<64x72xf32, #tpu.memory_space<vmem>>) target(%dma_start3A_438 : memref<64x72xf32, #tpu.memory_space<vmem_shared>>) target_semaphore(%run_scoped3A_431 : memref<!tpu.dma_semaphore, #tpu.memory_space<semaphore_mem>>)
      %dma_wait3A_442 = arith.constant 0 : i32
      %dma_wait3A_443 = arith.constant 0 : i32
      %dma_wait3A_444 = tpu.memref_slice %arg7[%dma_wait3A_442, %dma_wait3A_443] : memref<128x72xf32, #tpu.memory_space<vmem>> -> memref<64x72xf32, #tpu.memory_space<vmem>>
      %dma_wait3A_445 = arith.constant 0 : i32
      %dma_wait3A_446 = tpu.memref_slice %arg12[%add3A_29, %dma_wait3A_445] : memref<10240x72xf32, #tpu.memory_space<vmem_shared>> -> memref<64x72xf32, #tpu.memory_space<vmem_shared>>
      %dma_wait3A_447 = arith.constant 0 : i32
      %dma_wait3A_448 = tpu.memref_slice %arg12[%add3A_29, %dma_wait3A_447] : memref<10240x72xf32, #tpu.memory_space<vmem_shared>> -> memref<64x72xf32, #tpu.memory_space<vmem_shared>>
      %dma_wait3A_449 = arith.constant 0 : i32
      %dma_wait3A_450 = arith.constant 0 : i32
      %dma_wait3A_451 = tpu.memref_slice %arg7[%dma_wait3A_449, %dma_wait3A_450] : memref<128x72xf32, #tpu.memory_space<vmem>> -> memref<64x72xf32, #tpu.memory_space<vmem>>
      tpu.wait_dma2 semaphore(%run_scoped3A_431 : memref<!tpu.dma_semaphore, #tpu.memory_space<semaphore_mem>>) src(%dma_wait3A_451 : memref<64x72xf32, #tpu.memory_space<vmem>>) dst(%dma_wait3A_448 : memref<64x72xf32, #tpu.memory_space<vmem_shared>>)
      tpu.yield
    }) : () -> ()
    %mul3A_30 = arith.constant 640 : i32
    %mul3A_31 = arith.muli %arg1, %mul3A_30 : i32
    %add3A_32 = arith.constant 384 : i32
    %add3A_33 = arith.addi %mul3A_31, %add3A_32 : i32
    "tpu.region"() ({
      %run_scoped3A_431 = tpu.sem_alloc : memref<!tpu.dma_semaphore, #tpu.memory_space<semaphore_mem>>
      %dma_start3A_432 = arith.constant 0 : i32
      %dma_start3A_433 = arith.constant 0 : i32
      %dma_start3A_434 = tpu.memref_slice %arg7[%dma_start3A_432, %dma_start3A_433] : memref<128x72xf32, #tpu.memory_space<vmem>> -> memref<64x72xf32, #tpu.memory_space<vmem>>
      %dma_start3A_435 = arith.constant 0 : i32
      %dma_start3A_436 = tpu.memref_slice %arg12[%add3A_33, %dma_start3A_435] : memref<10240x72xf32, #tpu.memory_space<vmem_shared>> -> memref<64x72xf32, #tpu.memory_space<vmem_shared>>
      %dma_start3A_437 = arith.constant 0 : i32
      %dma_start3A_438 = tpu.memref_slice %arg12[%add3A_33, %dma_start3A_437] : memref<10240x72xf32, #tpu.memory_space<vmem_shared>> -> memref<64x72xf32, #tpu.memory_space<vmem_shared>>
      %dma_start3A_439 = arith.constant 0 : i32
      %dma_start3A_440 = arith.constant 0 : i32
      %dma_start3A_441 = tpu.memref_slice %arg7[%dma_start3A_439, %dma_start3A_440] : memref<128x72xf32, #tpu.memory_space<vmem>> -> memref<64x72xf32, #tpu.memory_space<vmem>>
      tpu.enqueue_dma source(%dma_start3A_441 : memref<64x72xf32, #tpu.memory_space<vmem>>) target(%dma_start3A_438 : memref<64x72xf32, #tpu.memory_space<vmem_shared>>) target_semaphore(%run_scoped3A_431 : memref<!tpu.dma_semaphore, #tpu.memory_space<semaphore_mem>>)
      %dma_wait3A_442 = arith.constant 0 : i32
      %dma_wait3A_443 = arith.constant 0 : i32
      %dma_wait3A_444 = tpu.memref_slice %arg7[%dma_wait3A_442, %dma_wait3A_443] : memref<128x72xf32, #tpu.memory_space<vmem>> -> memref<64x72xf32, #tpu.memory_space<vmem>>
      %dma_wait3A_445 = arith.constant 0 : i32
      %dma_wait3A_446 = tpu.memref_slice %arg12[%add3A_33, %dma_wait3A_445] : memref<10240x72xf32, #tpu.memory_space<vmem_shared>> -> memref<64x72xf32, #tpu.memory_space<vmem_shared>>
      %dma_wait3A_447 = arith.constant 0 : i32
      %dma_wait3A_448 = tpu.memref_slice %arg12[%add3A_33, %dma_wait3A_447] : memref<10240x72xf32, #tpu.memory_space<vmem_shared>> -> memref<64x72xf32, #tpu.memory_space<vmem_shared>>
      %dma_wait3A_449 = arith.constant 0 : i32
      %dma_wait3A_450 = arith.constant 0 : i32
      %dma_wait3A_451 = tpu.memref_slice %arg7[%dma_wait3A_449, %dma_wait3A_450] : memref<128x72xf32, #tpu.memory_space<vmem>> -> memref<64x72xf32, #tpu.memory_space<vmem>>
      tpu.wait_dma2 semaphore(%run_scoped3A_431 : memref<!tpu.dma_semaphore, #tpu.memory_space<semaphore_mem>>) src(%dma_wait3A_451 : memref<64x72xf32, #tpu.memory_space<vmem>>) dst(%dma_wait3A_448 : memref<64x72xf32, #tpu.memory_space<vmem_shared>>)
      tpu.yield
    }) : () -> ()
    %mul3A_34 = arith.constant 640 : i32
    %mul3A_35 = arith.muli %arg1, %mul3A_34 : i32
    %add3A_36 = arith.constant 448 : i32
    %add3A_37 = arith.addi %mul3A_35, %add3A_36 : i32
    "tpu.region"() ({
      %run_scoped3A_431 = tpu.sem_alloc : memref<!tpu.dma_semaphore, #tpu.memory_space<semaphore_mem>>
      %dma_start3A_432 = arith.constant 0 : i32
      %dma_start3A_433 = arith.constant 0 : i32
      %dma_start3A_434 = tpu.memref_slice %arg7[%dma_start3A_432, %dma_start3A_433] : memref<128x72xf32, #tpu.memory_space<vmem>> -> memref<64x72xf32, #tpu.memory_space<vmem>>
      %dma_start3A_435 = arith.constant 0 : i32
      %dma_start3A_436 = tpu.memref_slice %arg12[%add3A_37, %dma_start3A_435] : memref<10240x72xf32, #tpu.memory_space<vmem_shared>> -> memref<64x72xf32, #tpu.memory_space<vmem_shared>>
      %dma_start3A_437 = arith.constant 0 : i32
      %dma_start3A_438 = tpu.memref_slice %arg12[%add3A_37, %dma_start3A_437] : memref<10240x72xf32, #tpu.memory_space<vmem_shared>> -> memref<64x72xf32, #tpu.memory_space<vmem_shared>>
      %dma_start3A_439 = arith.constant 0 : i32
      %dma_start3A_440 = arith.constant 0 : i32
      %dma_start3A_441 = tpu.memref_slice %arg7[%dma_start3A_439, %dma_start3A_440] : memref<128x72xf32, #tpu.memory_space<vmem>> -> memref<64x72xf32, #tpu.memory_space<vmem>>
      tpu.enqueue_dma source(%dma_start3A_441 : memref<64x72xf32, #tpu.memory_space<vmem>>) target(%dma_start3A_438 : memref<64x72xf32, #tpu.memory_space<vmem_shared>>) target_semaphore(%run_scoped3A_431 : memref<!tpu.dma_semaphore, #tpu.memory_space<semaphore_mem>>)
      %dma_wait3A_442 = arith.constant 0 : i32
      %dma_wait3A_443 = arith.constant 0 : i32
      %dma_wait3A_444 = tpu.memref_slice %arg7[%dma_wait3A_442, %dma_wait3A_443] : memref<128x72xf32, #tpu.memory_space<vmem>> -> memref<64x72xf32, #tpu.memory_space<vmem>>
      %dma_wait3A_445 = arith.constant 0 : i32
      %dma_wait3A_446 = tpu.memref_slice %arg12[%add3A_37, %dma_wait3A_445] : memref<10240x72xf32, #tpu.memory_space<vmem_shared>> -> memref<64x72xf32, #tpu.memory_space<vmem_shared>>
      %dma_wait3A_447 = arith.constant 0 : i32
      %dma_wait3A_448 = tpu.memref_slice %arg12[%add3A_37, %dma_wait3A_447] : memref<10240x72xf32, #tpu.memory_space<vmem_shared>> -> memref<64x72xf32, #tpu.memory_space<vmem_shared>>
      %dma_wait3A_449 = arith.constant 0 : i32
      %dma_wait3A_450 = arith.constant 0 : i32
      %dma_wait3A_451 = tpu.memref_slice %arg7[%dma_wait3A_449, %dma_wait3A_450] : memref<128x72xf32, #tpu.memory_space<vmem>> -> memref<64x72xf32, #tpu.memory_space<vmem>>
      tpu.wait_dma2 semaphore(%run_scoped3A_431 : memref<!tpu.dma_semaphore, #tpu.memory_space<semaphore_mem>>) src(%dma_wait3A_451 : memref<64x72xf32, #tpu.memory_space<vmem>>) dst(%dma_wait3A_448 : memref<64x72xf32, #tpu.memory_space<vmem_shared>>)
      tpu.yield
    }) : () -> ()
    %mul3A_38 = arith.constant 640 : i32
    %mul3A_39 = arith.muli %arg1, %mul3A_38 : i32
    %add3A_40 = arith.constant 512 : i32
    %add3A_41 = arith.addi %mul3A_39, %add3A_40 : i32
    "tpu.region"() ({
      %run_scoped3A_431 = tpu.sem_alloc : memref<!tpu.dma_semaphore, #tpu.memory_space<semaphore_mem>>
      %dma_start3A_432 = arith.constant 0 : i32
      %dma_start3A_433 = arith.constant 0 : i32
      %dma_start3A_434 = tpu.memref_slice %arg7[%dma_start3A_432, %dma_start3A_433] : memref<128x72xf32, #tpu.memory_space<vmem>> -> memref<64x72xf32, #tpu.memory_space<vmem>>
      %dma_start3A_435 = arith.constant 0 : i32
      %dma_start3A_436 = tpu.memref_slice %arg12[%add3A_41, %dma_start3A_435] : memref<10240x72xf32, #tpu.memory_space<vmem_shared>> -> memref<64x72xf32, #tpu.memory_space<vmem_shared>>
      %dma_start3A_437 = arith.constant 0 : i32
      %dma_start3A_438 = tpu.memref_slice %arg12[%add3A_41, %dma_start3A_437] : memref<10240x72xf32, #tpu.memory_space<vmem_shared>> -> memref<64x72xf32, #tpu.memory_space<vmem_shared>>
      %dma_start3A_439 = arith.constant 0 : i32
      %dma_start3A_440 = arith.constant 0 : i32
      %dma_start3A_441 = tpu.memref_slice %arg7[%dma_start3A_439, %dma_start3A_440] : memref<128x72xf32, #tpu.memory_space<vmem>> -> memref<64x72xf32, #tpu.memory_space<vmem>>
      tpu.enqueue_dma source(%dma_start3A_441 : memref<64x72xf32, #tpu.memory_space<vmem>>) target(%dma_start3A_438 : memref<64x72xf32, #tpu.memory_space<vmem_shared>>) target_semaphore(%run_scoped3A_431 : memref<!tpu.dma_semaphore, #tpu.memory_space<semaphore_mem>>)
      %dma_wait3A_442 = arith.constant 0 : i32
      %dma_wait3A_443 = arith.constant 0 : i32
      %dma_wait3A_444 = tpu.memref_slice %arg7[%dma_wait3A_442, %dma_wait3A_443] : memref<128x72xf32, #tpu.memory_space<vmem>> -> memref<64x72xf32, #tpu.memory_space<vmem>>
      %dma_wait3A_445 = arith.constant 0 : i32
      %dma_wait3A_446 = tpu.memref_slice %arg12[%add3A_41, %dma_wait3A_445] : memref<10240x72xf32, #tpu.memory_space<vmem_shared>> -> memref<64x72xf32, #tpu.memory_space<vmem_shared>>
      %dma_wait3A_447 = arith.constant 0 : i32
      %dma_wait3A_448 = tpu.memref_slice %arg12[%add3A_41, %dma_wait3A_447] : memref<10240x72xf32, #tpu.memory_space<vmem_shared>> -> memref<64x72xf32, #tpu.memory_space<vmem_shared>>
      %dma_wait3A_449 = arith.constant 0 : i32
      %dma_wait3A_450 = arith.constant 0 : i32
      %dma_wait3A_451 = tpu.memref_slice %arg7[%dma_wait3A_449, %dma_wait3A_450] : memref<128x72xf32, #tpu.memory_space<vmem>> -> memref<64x72xf32, #tpu.memory_space<vmem>>
      tpu.wait_dma2 semaphore(%run_scoped3A_431 : memref<!tpu.dma_semaphore, #tpu.memory_space<semaphore_mem>>) src(%dma_wait3A_451 : memref<64x72xf32, #tpu.memory_space<vmem>>) dst(%dma_wait3A_448 : memref<64x72xf32, #tpu.memory_space<vmem_shared>>)
      tpu.yield
    }) : () -> ()
    %mul3A_42 = arith.constant 640 : i32
    %mul3A_43 = arith.muli %arg1, %mul3A_42 : i32
    %add3A_44 = arith.constant 576 : i32
    %add3A_45 = arith.addi %mul3A_43, %add3A_44 : i32
    "tpu.region"() ({
      %run_scoped3A_431 = tpu.sem_alloc : memref<!tpu.dma_semaphore, #tpu.memory_space<semaphore_mem>>
      %dma_start3A_432 = arith.constant 0 : i32
      %dma_start3A_433 = arith.constant 0 : i32
      %dma_start3A_434 = tpu.memref_slice %arg7[%dma_start3A_432, %dma_start3A_433] : memref<128x72xf32, #tpu.memory_space<vmem>> -> memref<64x72xf32, #tpu.memory_space<vmem>>
      %dma_start3A_435 = arith.constant 0 : i32
      %dma_start3A_436 = tpu.memref_slice %arg12[%add3A_45, %dma_start3A_435] : memref<10240x72xf32, #tpu.memory_space<vmem_shared>> -> memref<64x72xf32, #tpu.memory_space<vmem_shared>>
      %dma_start3A_437 = arith.constant 0 : i32
      %dma_start3A_438 = tpu.memref_slice %arg12[%add3A_45, %dma_start3A_437] : memref<10240x72xf32, #tpu.memory_space<vmem_shared>> -> memref<64x72xf32, #tpu.memory_space<vmem_shared>>
      %dma_start3A_439 = arith.constant 0 : i32
      %dma_start3A_440 = arith.constant 0 : i32
      %dma_start3A_441 = tpu.memref_slice %arg7[%dma_start3A_439, %dma_start3A_440] : memref<128x72xf32, #tpu.memory_space<vmem>> -> memref<64x72xf32, #tpu.memory_space<vmem>>
      tpu.enqueue_dma source(%dma_start3A_441 : memref<64x72xf32, #tpu.memory_space<vmem>>) target(%dma_start3A_438 : memref<64x72xf32, #tpu.memory_space<vmem_shared>>) target_semaphore(%run_scoped3A_431 : memref<!tpu.dma_semaphore, #tpu.memory_space<semaphore_mem>>)
      %dma_wait3A_442 = arith.constant 0 : i32
      %dma_wait3A_443 = arith.constant 0 : i32
      %dma_wait3A_444 = tpu.memref_slice %arg7[%dma_wait3A_442, %dma_wait3A_443] : memref<128x72xf32, #tpu.memory_space<vmem>> -> memref<64x72xf32, #tpu.memory_space<vmem>>
      %dma_wait3A_445 = arith.constant 0 : i32
      %dma_wait3A_446 = tpu.memref_slice %arg12[%add3A_45, %dma_wait3A_445] : memref<10240x72xf32, #tpu.memory_space<vmem_shared>> -> memref<64x72xf32, #tpu.memory_space<vmem_shared>>
      %dma_wait3A_447 = arith.constant 0 : i32
      %dma_wait3A_448 = tpu.memref_slice %arg12[%add3A_45, %dma_wait3A_447] : memref<10240x72xf32, #tpu.memory_space<vmem_shared>> -> memref<64x72xf32, #tpu.memory_space<vmem_shared>>
      %dma_wait3A_449 = arith.constant 0 : i32
      %dma_wait3A_450 = arith.constant 0 : i32
      %dma_wait3A_451 = tpu.memref_slice %arg7[%dma_wait3A_449, %dma_wait3A_450] : memref<128x72xf32, #tpu.memory_space<vmem>> -> memref<64x72xf32, #tpu.memory_space<vmem>>
      tpu.wait_dma2 semaphore(%run_scoped3A_431 : memref<!tpu.dma_semaphore, #tpu.memory_space<semaphore_mem>>) src(%dma_wait3A_451 : memref<64x72xf32, #tpu.memory_space<vmem>>) dst(%dma_wait3A_448 : memref<64x72xf32, #tpu.memory_space<vmem_shared>>)
      tpu.yield
    }) : () -> ()
    "tpu.region"() ({
      %run_scoped3A_431 = tpu.sem_alloc : memref<!tpu.dma_semaphore, #tpu.memory_space<semaphore_mem>>
      %dma_start3A_432 = arith.constant 0 : i32
      %dma_start3A_433 = arith.constant 0 : i32
      %dma_start3A_434 = tpu.memref_slice %arg3[%add3A_5, %arg1, %dma_start3A_432, %dma_start3A_433] : memref<4x16x40x128xi32, #tpu.memory_space<hbm>> -> memref<1x1x40x128xi32, #tpu.memory_space<hbm>>
      %dma_start3A_435 = tpu.memref_squeeze %dma_start3A_434 : memref<1x1x40x128xi32, #tpu.memory_space<hbm>> -> memref<40x128xi32, #tpu.memory_space<hbm>>
      %dma_start3A_436 = arith.constant 0 : i32
      %dma_start3A_437 = arith.constant 0 : i32
      %dma_start3A_438 = tpu.memref_slice %arg3[%add3A_5, %arg1, %dma_start3A_436, %dma_start3A_437] : memref<4x16x40x128xi32, #tpu.memory_space<hbm>> -> memref<1x1x40x128xi32, #tpu.memory_space<hbm>>
      %dma_start3A_439 = tpu.memref_squeeze %dma_start3A_438 : memref<1x1x40x128xi32, #tpu.memory_space<hbm>> -> memref<40x128xi32, #tpu.memory_space<hbm>>
      tpu.enqueue_dma source(%dma_start3A_439 : memref<40x128xi32, #tpu.memory_space<hbm>>) target(%arg9 : memref<40x128xi32, #tpu.memory_space<vmem>>) target_semaphore(%run_scoped3A_431 : memref<!tpu.dma_semaphore, #tpu.memory_space<semaphore_mem>>)
      %dma_wait3A_440 = arith.constant 0 : i32
      %dma_wait3A_441 = arith.constant 0 : i32
      %dma_wait3A_442 = tpu.memref_slice %arg3[%add3A_5, %arg1, %dma_wait3A_440, %dma_wait3A_441] : memref<4x16x40x128xi32, #tpu.memory_space<hbm>> -> memref<1x1x40x128xi32, #tpu.memory_space<hbm>>
      %dma_wait3A_443 = tpu.memref_squeeze %dma_wait3A_442 : memref<1x1x40x128xi32, #tpu.memory_space<hbm>> -> memref<40x128xi32, #tpu.memory_space<hbm>>
      %dma_wait3A_444 = arith.constant 0 : i32
      %dma_wait3A_445 = arith.constant 0 : i32
      %dma_wait3A_446 = tpu.memref_slice %arg3[%add3A_5, %arg1, %dma_wait3A_444, %dma_wait3A_445] : memref<4x16x40x128xi32, #tpu.memory_space<hbm>> -> memref<1x1x40x128xi32, #tpu.memory_space<hbm>>
      %dma_wait3A_447 = tpu.memref_squeeze %dma_wait3A_446 : memref<1x1x40x128xi32, #tpu.memory_space<hbm>> -> memref<40x128xi32, #tpu.memory_space<hbm>>
      tpu.wait_dma2 semaphore(%run_scoped3A_431 : memref<!tpu.dma_semaphore, #tpu.memory_space<semaphore_mem>>) src(%dma_wait3A_447 : memref<40x128xi32, #tpu.memory_space<hbm>>) dst(%arg9 : memref<40x128xi32, #tpu.memory_space<vmem>>)
      tpu.yield
    }) : () -> ()
    "tpu.region"() ({
      %run_scoped3A_431 = tpu.sem_alloc : memref<!tpu.dma_semaphore, #tpu.memory_space<semaphore_mem>>
      %dma_start3A_432 = arith.constant 0 : i32
      %dma_start3A_433 = arith.constant 0 : i32
      %dma_start3A_434 = tpu.memref_slice %arg4[%add3A_5, %arg1, %dma_start3A_432, %dma_start3A_433] : memref<4x16x40x128xi32, #tpu.memory_space<hbm>> -> memref<1x1x40x128xi32, #tpu.memory_space<hbm>>
      %dma_start3A_435 = tpu.memref_squeeze %dma_start3A_434 : memref<1x1x40x128xi32, #tpu.memory_space<hbm>> -> memref<40x128xi32, #tpu.memory_space<hbm>>
      %dma_start3A_436 = arith.constant 0 : i32
      %dma_start3A_437 = arith.constant 0 : i32
      %dma_start3A_438 = tpu.memref_slice %arg4[%add3A_5, %arg1, %dma_start3A_436, %dma_start3A_437] : memref<4x16x40x128xi32, #tpu.memory_space<hbm>> -> memref<1x1x40x128xi32, #tpu.memory_space<hbm>>
      %dma_start3A_439 = tpu.memref_squeeze %dma_start3A_438 : memref<1x1x40x128xi32, #tpu.memory_space<hbm>> -> memref<40x128xi32, #tpu.memory_space<hbm>>
      tpu.enqueue_dma source(%dma_start3A_439 : memref<40x128xi32, #tpu.memory_space<hbm>>) target(%arg10 : memref<40x128xi32, #tpu.memory_space<vmem>>) target_semaphore(%run_scoped3A_431 : memref<!tpu.dma_semaphore, #tpu.memory_space<semaphore_mem>>)
      %dma_wait3A_440 = arith.constant 0 : i32
      %dma_wait3A_441 = arith.constant 0 : i32
      %dma_wait3A_442 = tpu.memref_slice %arg4[%add3A_5, %arg1, %dma_wait3A_440, %dma_wait3A_441] : memref<4x16x40x128xi32, #tpu.memory_space<hbm>> -> memref<1x1x40x128xi32, #tpu.memory_space<hbm>>
      %dma_wait3A_443 = tpu.memref_squeeze %dma_wait3A_442 : memref<1x1x40x128xi32, #tpu.memory_space<hbm>> -> memref<40x128xi32, #tpu.memory_space<hbm>>
      %dma_wait3A_444 = arith.constant 0 : i32
      %dma_wait3A_445 = arith.constant 0 : i32
      %dma_wait3A_446 = tpu.memref_slice %arg4[%add3A_5, %arg1, %dma_wait3A_444, %dma_wait3A_445] : memref<4x16x40x128xi32, #tpu.memory_space<hbm>> -> memref<1x1x40x128xi32, #tpu.memory_space<hbm>>
      %dma_wait3A_447 = tpu.memref_squeeze %dma_wait3A_446 : memref<1x1x40x128xi32, #tpu.memory_space<hbm>> -> memref<40x128xi32, #tpu.memory_space<hbm>>
      tpu.wait_dma2 semaphore(%run_scoped3A_431 : memref<!tpu.dma_semaphore, #tpu.memory_space<semaphore_mem>>) src(%dma_wait3A_447 : memref<40x128xi32, #tpu.memory_space<hbm>>) dst(%arg10 : memref<40x128xi32, #tpu.memory_space<vmem>>)
      tpu.yield
    }) : () -> ()
    %barrier3A_46 = arith.constant 0 : index
    tpu.barrier barrier_id(%barrier3A_46)
    %dma_start3A = arith.constant 0 : i32
    %dma_start3A_47 = arith.constant 0 : i32
    %dma_start3A_48 = tpu.memref_slice %arg9[%dma_start3A, %dma_start3A_47] : memref<40x128xi32, #tpu.memory_space<vmem>> -> memref<1x128xi32, #tpu.memory_space<vmem>>
    %dma_start3A_49 = tpu.memref_squeeze %dma_start3A_48 : memref<1x128xi32, #tpu.memory_space<vmem>> -> memref<128xi32, #tpu.memory_space<vmem>>
    %dma_start3A_50 = arith.constant 0 : i32
    %dma_start3A_51 = arith.constant 0 : i32
    %dma_start3A_52 = tpu.memref_slice %arg11[%dma_start3A_50, %dma_start3A_51] : memref<10240x72xf32, #tpu.memory_space<vmem_shared>> -> memref<10240x72xf32, #tpu.memory_space<vmem_shared>>
    tpu.enqueue_indirect_dma source(%dma_start3A_52 : memref<10240x72xf32, #tpu.memory_space<vmem_shared>>) target(%arg7 : memref<128x72xf32, #tpu.memory_space<vmem>>) offsets(%dma_start3A_49 : memref<128xi32, #tpu.memory_space<vmem>>) semaphore(%arg13 : memref<!tpu.dma_semaphore, #tpu.memory_space<semaphore_mem>>)
    %dma_start3A_53 = arith.constant 1 : i32
    %dma_start3A_54 = arith.constant 0 : i32
    %dma_start3A_55 = tpu.memref_slice %arg9[%dma_start3A_53, %dma_start3A_54] : memref<40x128xi32, #tpu.memory_space<vmem>> -> memref<1x128xi32, #tpu.memory_space<vmem>>
    %dma_start3A_56 = tpu.memref_squeeze %dma_start3A_55 : memref<1x128xi32, #tpu.memory_space<vmem>> -> memref<128xi32, #tpu.memory_space<vmem>>
    %dma_start3A_57 = arith.constant 0 : i32
    %dma_start3A_58 = arith.constant 0 : i32
    %dma_start3A_59 = tpu.memref_slice %arg11[%dma_start3A_57, %dma_start3A_58] : memref<10240x72xf32, #tpu.memory_space<vmem_shared>> -> memref<10240x72xf32, #tpu.memory_space<vmem_shared>>
    tpu.enqueue_indirect_dma source(%dma_start3A_59 : memref<10240x72xf32, #tpu.memory_space<vmem_shared>>) target(%arg8 : memref<128x72xf32, #tpu.memory_space<vmem>>) offsets(%dma_start3A_56 : memref<128xi32, #tpu.memory_space<vmem>>) semaphore(%arg14 : memref<!tpu.dma_semaphore, #tpu.memory_space<semaphore_mem>>)
    %scan3A = arith.constant 0 : i32
    %scan3A_60 = arith.constant 0 : i32
    %scan3A_61 = arith.constant 19 : i32
    %scan3A_62 = arith.addi %scan3A_60, %scan3A_61 : i32
    %scan3A_63 = arith.constant 1 : i32
    scf.for %scan3A_431 = %scan3A_60 to %scan3A_62 step %scan3A_63  : i32 {
      %mul3A_432 = arith.constant 2 : i32
      %mul3A_433 = arith.muli %mul3A_432, %scan3A_431 : i32
      %add3A_434 = arith.constant 0 : i32
      %add3A_435 = arith.addi %mul3A_433, %add3A_434 : i32
      %dma_wait3A_436 = arith.constant 0 : i32
      %dma_wait3A_437 = arith.constant 0 : i32
      %dma_wait3A_438 = tpu.memref_slice %arg9[%dma_wait3A_436, %dma_wait3A_437] : memref<40x128xi32, #tpu.memory_space<vmem>> -> memref<1x128xi32, #tpu.memory_space<vmem>>
      %dma_wait3A_439 = tpu.memref_squeeze %dma_wait3A_438 : memref<1x128xi32, #tpu.memory_space<vmem>> -> memref<128xi32, #tpu.memory_space<vmem>>
      %dma_wait3A_440 = arith.constant 0 : i32
      %dma_wait3A_441 = arith.constant 0 : i32
      %dma_wait3A_442 = tpu.memref_slice %arg11[%dma_wait3A_440, %dma_wait3A_441] : memref<10240x72xf32, #tpu.memory_space<vmem_shared>> -> memref<10240x72xf32, #tpu.memory_space<vmem_shared>>
      tpu.wait_indirect_dma semaphore(%arg13 : memref<!tpu.dma_semaphore, #tpu.memory_space<semaphore_mem>>) src(%dma_wait3A_442 : memref<10240x72xf32, #tpu.memory_space<vmem_shared>>) dst(%arg7 : memref<128x72xf32, #tpu.memory_space<vmem>>)
      "tpu.region"() ({
        %run_scoped3A_470 = tpu.sem_alloc : memref<!tpu.dma_semaphore, #tpu.memory_space<semaphore_mem>>
        %dma_start3A_471 = arith.constant 0 : i32
        %dma_start3A_472 = tpu.memref_slice %arg10[%add3A_435, %dma_start3A_471] : memref<40x128xi32, #tpu.memory_space<vmem>> -> memref<1x128xi32, #tpu.memory_space<vmem>>
        %dma_start3A_473 = tpu.memref_squeeze %dma_start3A_472 : memref<1x128xi32, #tpu.memory_space<vmem>> -> memref<128xi32, #tpu.memory_space<vmem>>
        %dma_start3A_474 = arith.constant 0 : i32
        %dma_start3A_475 = arith.constant 0 : i32
        %dma_start3A_476 = tpu.memref_slice %arg12[%dma_start3A_474, %dma_start3A_475] : memref<10240x72xf32, #tpu.memory_space<vmem_shared>> -> memref<10240x72xf32, #tpu.memory_space<vmem_shared>>
        tpu.enqueue_indirect_dma source(%arg7 : memref<128x72xf32, #tpu.memory_space<vmem>>) target(%dma_start3A_476 : memref<10240x72xf32, #tpu.memory_space<vmem_shared>>) offsets(%dma_start3A_473 : memref<128xi32, #tpu.memory_space<vmem>>) semaphore(%run_scoped3A_470 : memref<!tpu.dma_semaphore, #tpu.memory_space<semaphore_mem>>) {add = true}
        %dma_wait3A_477 = arith.constant 0 : i32
        %dma_wait3A_478 = tpu.memref_slice %arg10[%add3A_435, %dma_wait3A_477] : memref<40x128xi32, #tpu.memory_space<vmem>> -> memref<1x128xi32, #tpu.memory_space<vmem>>
        %dma_wait3A_479 = tpu.memref_squeeze %dma_wait3A_478 : memref<1x128xi32, #tpu.memory_space<vmem>> -> memref<128xi32, #tpu.memory_space<vmem>>
        %dma_wait3A_480 = arith.constant 0 : i32
        %dma_wait3A_481 = arith.constant 0 : i32
        %dma_wait3A_482 = tpu.memref_slice %arg12[%dma_wait3A_480, %dma_wait3A_481] : memref<10240x72xf32, #tpu.memory_space<vmem_shared>> -> memref<10240x72xf32, #tpu.memory_space<vmem_shared>>
        tpu.wait_indirect_dma semaphore(%run_scoped3A_470 : memref<!tpu.dma_semaphore, #tpu.memory_space<semaphore_mem>>) src(%arg7 : memref<128x72xf32, #tpu.memory_space<vmem>>) dst(%dma_wait3A_482 : memref<10240x72xf32, #tpu.memory_space<vmem_shared>>)
        tpu.yield
      }) : () -> ()
      %add3A_443 = arith.constant 2 : i32
      %add3A_444 = arith.addi %add3A_435, %add3A_443 : i32
      %dma_start3A_445 = arith.constant 0 : i32
      %dma_start3A_446 = tpu.memref_slice %arg9[%add3A_444, %dma_start3A_445] : memref<40x128xi32, #tpu.memory_space<vmem>> -> memref<1x128xi32, #tpu.memory_space<vmem>>
      %dma_start3A_447 = tpu.memref_squeeze %dma_start3A_446 : memref<1x128xi32, #tpu.memory_space<vmem>> -> memref<128xi32, #tpu.memory_space<vmem>>
      %dma_start3A_448 = arith.constant 0 : i32
      %dma_start3A_449 = arith.constant 0 : i32
      %dma_start3A_450 = tpu.memref_slice %arg11[%dma_start3A_448, %dma_start3A_449] : memref<10240x72xf32, #tpu.memory_space<vmem_shared>> -> memref<10240x72xf32, #tpu.memory_space<vmem_shared>>
      tpu.enqueue_indirect_dma source(%dma_start3A_450 : memref<10240x72xf32, #tpu.memory_space<vmem_shared>>) target(%arg7 : memref<128x72xf32, #tpu.memory_space<vmem>>) offsets(%dma_start3A_447 : memref<128xi32, #tpu.memory_space<vmem>>) semaphore(%arg13 : memref<!tpu.dma_semaphore, #tpu.memory_space<semaphore_mem>>)
      %mul3A_451 = arith.constant 2 : i32
      %mul3A_452 = arith.muli %mul3A_451, %scan3A_431 : i32
      %add3A_453 = arith.constant 1 : i32
      %add3A_454 = arith.addi %mul3A_452, %add3A_453 : i32
      %dma_wait3A_455 = arith.constant 0 : i32
      %dma_wait3A_456 = arith.constant 0 : i32
      %dma_wait3A_457 = tpu.memref_slice %arg9[%dma_wait3A_455, %dma_wait3A_456] : memref<40x128xi32, #tpu.memory_space<vmem>> -> memref<1x128xi32, #tpu.memory_space<vmem>>
      %dma_wait3A_458 = tpu.memref_squeeze %dma_wait3A_457 : memref<1x128xi32, #tpu.memory_space<vmem>> -> memref<128xi32, #tpu.memory_space<vmem>>
      %dma_wait3A_459 = arith.constant 0 : i32
      %dma_wait3A_460 = arith.constant 0 : i32
      %dma_wait3A_461 = tpu.memref_slice %arg11[%dma_wait3A_459, %dma_wait3A_460] : memref<10240x72xf32, #tpu.memory_space<vmem_shared>> -> memref<10240x72xf32, #tpu.memory_space<vmem_shared>>
      tpu.wait_indirect_dma semaphore(%arg14 : memref<!tpu.dma_semaphore, #tpu.memory_space<semaphore_mem>>) src(%dma_wait3A_461 : memref<10240x72xf32, #tpu.memory_space<vmem_shared>>) dst(%arg8 : memref<128x72xf32, #tpu.memory_space<vmem>>)
      "tpu.region"() ({
        %run_scoped3A_470 = tpu.sem_alloc : memref<!tpu.dma_semaphore, #tpu.memory_space<semaphore_mem>>
        %dma_start3A_471 = arith.constant 0 : i32
        %dma_start3A_472 = tpu.memref_slice %arg10[%add3A_454, %dma_start3A_471] : memref<40x128xi32, #tpu.memory_space<vmem>> -> memref<1x128xi32, #tpu.memory_space<vmem>>
        %dma_start3A_473 = tpu.memref_squeeze %dma_start3A_472 : memref<1x128xi32, #tpu.memory_space<vmem>> -> memref<128xi32, #tpu.memory_space<vmem>>
        %dma_start3A_474 = arith.constant 0 : i32
        %dma_start3A_475 = arith.constant 0 : i32
        %dma_start3A_476 = tpu.memref_slice %arg12[%dma_start3A_474, %dma_start3A_475] : memref<10240x72xf32, #tpu.memory_space<vmem_shared>> -> memref<10240x72xf32, #tpu.memory_space<vmem_shared>>
        tpu.enqueue_indirect_dma source(%arg8 : memref<128x72xf32, #tpu.memory_space<vmem>>) target(%dma_start3A_476 : memref<10240x72xf32, #tpu.memory_space<vmem_shared>>) offsets(%dma_start3A_473 : memref<128xi32, #tpu.memory_space<vmem>>) semaphore(%run_scoped3A_470 : memref<!tpu.dma_semaphore, #tpu.memory_space<semaphore_mem>>) {add = true}
        %dma_wait3A_477 = arith.constant 0 : i32
        %dma_wait3A_478 = tpu.memref_slice %arg10[%add3A_454, %dma_wait3A_477] : memref<40x128xi32, #tpu.memory_space<vmem>> -> memref<1x128xi32, #tpu.memory_space<vmem>>
        %dma_wait3A_479 = tpu.memref_squeeze %dma_wait3A_478 : memref<1x128xi32, #tpu.memory_space<vmem>> -> memref<128xi32, #tpu.memory_space<vmem>>
        %dma_wait3A_480 = arith.constant 0 : i32
        %dma_wait3A_481 = arith.constant 0 : i32
        %dma_wait3A_482 = tpu.memref_slice %arg12[%dma_wait3A_480, %dma_wait3A_481] : memref<10240x72xf32, #tpu.memory_space<vmem_shared>> -> memref<10240x72xf32, #tpu.memory_space<vmem_shared>>
        tpu.wait_indirect_dma semaphore(%run_scoped3A_470 : memref<!tpu.dma_semaphore, #tpu.memory_space<semaphore_mem>>) src(%arg8 : memref<128x72xf32, #tpu.memory_space<vmem>>) dst(%dma_wait3A_482 : memref<10240x72xf32, #tpu.memory_space<vmem_shared>>)
        tpu.yield
      }) : () -> ()
      %add3A_462 = arith.constant 2 : i32
      %add3A_463 = arith.addi %add3A_454, %add3A_462 : i32
      %dma_start3A_464 = arith.constant 0 : i32
      %dma_start3A_465 = tpu.memref_slice %arg9[%add3A_463, %dma_start3A_464] : memref<40x128xi32, #tpu.memory_space<vmem>> -> memref<1x128xi32, #tpu.memory_space<vmem>>
      %dma_start3A_466 = tpu.memref_squeeze %dma_start3A_465 : memref<1x128xi32, #tpu.memory_space<vmem>> -> memref<128xi32, #tpu.memory_space<vmem>>
      %dma_start3A_467 = arith.constant 0 : i32
      %dma_start3A_468 = arith.constant 0 : i32
      %dma_start3A_469 = tpu.memref_slice %arg11[%dma_start3A_467, %dma_start3A_468] : memref<10240x72xf32, #tpu.memory_space<vmem_shared>> -> memref<10240x72xf32, #tpu.memory_space<vmem_shared>>
      tpu.enqueue_indirect_dma source(%dma_start3A_469 : memref<10240x72xf32, #tpu.memory_space<vmem_shared>>) target(%arg8 : memref<128x72xf32, #tpu.memory_space<vmem>>) offsets(%dma_start3A_466 : memref<128xi32, #tpu.memory_space<vmem>>) semaphore(%arg14 : memref<!tpu.dma_semaphore, #tpu.memory_space<semaphore_mem>>)
    }
    %scan3A_64 = arith.constant 19 : i32
    %dma_wait3A = arith.constant 0 : i32
    %dma_wait3A_65 = arith.constant 0 : i32
    %dma_wait3A_66 = tpu.memref_slice %arg9[%dma_wait3A, %dma_wait3A_65] : memref<40x128xi32, #tpu.memory_space<vmem>> -> memref<1x128xi32, #tpu.memory_space<vmem>>
    %dma_wait3A_67 = tpu.memref_squeeze %dma_wait3A_66 : memref<1x128xi32, #tpu.memory_space<vmem>> -> memref<128xi32, #tpu.memory_space<vmem>>
    %dma_wait3A_68 = arith.constant 0 : i32
    %dma_wait3A_69 = arith.constant 0 : i32
    %dma_wait3A_70 = tpu.memref_slice %arg11[%dma_wait3A_68, %dma_wait3A_69] : memref<10240x72xf32, #tpu.memory_space<vmem_shared>> -> memref<10240x72xf32, #tpu.memory_space<vmem_shared>>
    tpu.wait_indirect_dma semaphore(%arg13 : memref<!tpu.dma_semaphore, #tpu.memory_space<semaphore_mem>>) src(%dma_wait3A_70 : memref<10240x72xf32, #tpu.memory_space<vmem_shared>>) dst(%arg7 : memref<128x72xf32, #tpu.memory_space<vmem>>)
    %run_scoped3A = arith.constant 38 : i32
    "tpu.region"() ({
      %run_scoped3A_431 = tpu.sem_alloc : memref<!tpu.dma_semaphore, #tpu.memory_space<semaphore_mem>>
      %dma_start3A_432 = arith.constant 0 : i32
      %dma_start3A_433 = tpu.memref_slice %arg10[%run_scoped3A, %dma_start3A_432] : memref<40x128xi32, #tpu.memory_space<vmem>> -> memref<1x128xi32, #tpu.memory_space<vmem>>
      %dma_start3A_434 = tpu.memref_squeeze %dma_start3A_433 : memref<1x128xi32, #tpu.memory_space<vmem>> -> memref<128xi32, #tpu.memory_space<vmem>>
      %dma_start3A_435 = arith.constant 0 : i32
      %dma_start3A_436 = arith.constant 0 : i32
      %dma_start3A_437 = tpu.memref_slice %arg12[%dma_start3A_435, %dma_start3A_436] : memref<10240x72xf32, #tpu.memory_space<vmem_shared>> -> memref<10240x72xf32, #tpu.memory_space<vmem_shared>>
      tpu.enqueue_indirect_dma source(%arg7 : memref<128x72xf32, #tpu.memory_space<vmem>>) target(%dma_start3A_437 : memref<10240x72xf32, #tpu.memory_space<vmem_shared>>) offsets(%dma_start3A_434 : memref<128xi32, #tpu.memory_space<vmem>>) semaphore(%run_scoped3A_431 : memref<!tpu.dma_semaphore, #tpu.memory_space<semaphore_mem>>) {add = true}
      %dma_wait3A_438 = arith.constant 0 : i32
      %dma_wait3A_439 = tpu.memref_slice %arg10[%run_scoped3A, %dma_wait3A_438] : memref<40x128xi32, #tpu.memory_space<vmem>> -> memref<1x128xi32, #tpu.memory_space<vmem>>
      %dma_wait3A_440 = tpu.memref_squeeze %dma_wait3A_439 : memref<1x128xi32, #tpu.memory_space<vmem>> -> memref<128xi32, #tpu.memory_space<vmem>>
      %dma_wait3A_441 = arith.constant 0 : i32
      %dma_wait3A_442 = arith.constant 0 : i32
      %dma_wait3A_443 = tpu.memref_slice %arg12[%dma_wait3A_441, %dma_wait3A_442] : memref<10240x72xf32, #tpu.memory_space<vmem_shared>> -> memref<10240x72xf32, #tpu.memory_space<vmem_shared>>
      tpu.wait_indirect_dma semaphore(%run_scoped3A_431 : memref<!tpu.dma_semaphore, #tpu.memory_space<semaphore_mem>>) src(%arg7 : memref<128x72xf32, #tpu.memory_space<vmem>>) dst(%dma_wait3A_443 : memref<10240x72xf32, #tpu.memory_space<vmem_shared>>)
      tpu.yield
    }) : () -> ()
    %dma_wait3A_71 = arith.constant 0 : i32
    %dma_wait3A_72 = arith.constant 0 : i32
    %dma_wait3A_73 = tpu.memref_slice %arg9[%dma_wait3A_71, %dma_wait3A_72] : memref<40x128xi32, #tpu.memory_space<vmem>> -> memref<1x128xi32, #tpu.memory_space<vmem>>
    %dma_wait3A_74 = tpu.memref_squeeze %dma_wait3A_73 : memref<1x128xi32, #tpu.memory_space<vmem>> -> memref<128xi32, #tpu.memory_space<vmem>>
    %dma_wait3A_75 = arith.constant 0 : i32
    %dma_wait3A_76 = arith.constant 0 : i32
    %dma_wait3A_77 = tpu.memref_slice %arg11[%dma_wait3A_75, %dma_wait3A_76] : memref<10240x72xf32, #tpu.memory_space<vmem_shared>> -> memref<10240x72xf32, #tpu.memory_space<vmem_shared>>
    tpu.wait_indirect_dma semaphore(%arg14 : memref<!tpu.dma_semaphore, #tpu.memory_space<semaphore_mem>>) src(%dma_wait3A_77 : memref<10240x72xf32, #tpu.memory_space<vmem_shared>>) dst(%arg8 : memref<128x72xf32, #tpu.memory_space<vmem>>)
    %run_scoped3A_78 = arith.constant 39 : i32
    "tpu.region"() ({
      %run_scoped3A_431 = tpu.sem_alloc : memref<!tpu.dma_semaphore, #tpu.memory_space<semaphore_mem>>
      %dma_start3A_432 = arith.constant 0 : i32
      %dma_start3A_433 = tpu.memref_slice %arg10[%run_scoped3A_78, %dma_start3A_432] : memref<40x128xi32, #tpu.memory_space<vmem>> -> memref<1x128xi32, #tpu.memory_space<vmem>>
      %dma_start3A_434 = tpu.memref_squeeze %dma_start3A_433 : memref<1x128xi32, #tpu.memory_space<vmem>> -> memref<128xi32, #tpu.memory_space<vmem>>
      %dma_start3A_435 = arith.constant 0 : i32
      %dma_start3A_436 = arith.constant 0 : i32
      %dma_start3A_437 = tpu.memref_slice %arg12[%dma_start3A_435, %dma_start3A_436] : memref<10240x72xf32, #tpu.memory_space<vmem_shared>> -> memref<10240x72xf32, #tpu.memory_space<vmem_shared>>
      tpu.enqueue_indirect_dma source(%arg8 : memref<128x72xf32, #tpu.memory_space<vmem>>) target(%dma_start3A_437 : memref<10240x72xf32, #tpu.memory_space<vmem_shared>>) offsets(%dma_start3A_434 : memref<128xi32, #tpu.memory_space<vmem>>) semaphore(%run_scoped3A_431 : memref<!tpu.dma_semaphore, #tpu.memory_space<semaphore_mem>>) {add = true}
      %dma_wait3A_438 = arith.constant 0 : i32
      %dma_wait3A_439 = tpu.memref_slice %arg10[%run_scoped3A_78, %dma_wait3A_438] : memref<40x128xi32, #tpu.memory_space<vmem>> -> memref<1x128xi32, #tpu.memory_space<vmem>>
      %dma_wait3A_440 = tpu.memref_squeeze %dma_wait3A_439 : memref<1x128xi32, #tpu.memory_space<vmem>> -> memref<128xi32, #tpu.memory_space<vmem>>
      %dma_wait3A_441 = arith.constant 0 : i32
      %dma_wait3A_442 = arith.constant 0 : i32
      %dma_wait3A_443 = tpu.memref_slice %arg12[%dma_wait3A_441, %dma_wait3A_442] : memref<10240x72xf32, #tpu.memory_space<vmem_shared>> -> memref<10240x72xf32, #tpu.memory_space<vmem_shared>>
      tpu.wait_indirect_dma semaphore(%run_scoped3A_431 : memref<!tpu.dma_semaphore, #tpu.memory_space<semaphore_mem>>) src(%arg8 : memref<128x72xf32, #tpu.memory_space<vmem>>) dst(%dma_wait3A_443 : memref<10240x72xf32, #tpu.memory_space<vmem_shared>>)
      tpu.yield
    }) : () -> ()
    %barrier3A_79 = arith.constant 0 : index
    tpu.barrier barrier_id(%barrier3A_79)
    %mul3A_80 = arith.constant 640 : i32
    %mul3A_81 = arith.muli %arg1, %mul3A_80 : i32
    %add3A_82 = arith.constant 0 : i32
    %add3A_83 = arith.addi %mul3A_81, %add3A_82 : i32
    %run_scoped3A_84 = arith.constant 0 : i32
    "tpu.region"() ({
      %run_scoped3A_431 = tpu.sem_alloc : memref<!tpu.dma_semaphore, #tpu.memory_space<semaphore_mem>>
      %dma_start3A_432 = arith.constant 0 : i32
      %dma_start3A_433 = tpu.memref_slice %arg6[%run_scoped3A_84, %add3A_5, %add3A_83, %dma_start3A_432] : memref<2x4x10240x72xf32, #tpu.memory_space<hbm>> -> memref<1x1x128x72xf32, #tpu.memory_space<hbm>>
      %dma_start3A_434 = tpu.memref_squeeze %dma_start3A_433 : memref<1x1x128x72xf32, #tpu.memory_space<hbm>> -> memref<128x72xf32, #tpu.memory_space<hbm>>
      %dma_start3A_435 = arith.constant 0 : i32
      %dma_start3A_436 = tpu.memref_slice %arg12[%add3A_83, %dma_start3A_435] : memref<10240x72xf32, #tpu.memory_space<vmem_shared>> -> memref<128x72xf32, #tpu.memory_space<vmem_shared>>
      tpu.enqueue_dma source(%dma_start3A_436 : memref<128x72xf32, #tpu.memory_space<vmem_shared>>) target(%dma_start3A_434 : memref<128x72xf32, #tpu.memory_space<hbm>>) target_semaphore(%run_scoped3A_431 : memref<!tpu.dma_semaphore, #tpu.memory_space<semaphore_mem>>)
      %dma_wait3A_437 = arith.constant 0 : i32
      %dma_wait3A_438 = tpu.memref_slice %arg6[%run_scoped3A_84, %add3A_5, %add3A_83, %dma_wait3A_437] : memref<2x4x10240x72xf32, #tpu.memory_space<hbm>> -> memref<1x1x128x72xf32, #tpu.memory_space<hbm>>
      %dma_wait3A_439 = tpu.memref_squeeze %dma_wait3A_438 : memref<1x1x128x72xf32, #tpu.memory_space<hbm>> -> memref<128x72xf32, #tpu.memory_space<hbm>>
      %dma_wait3A_440 = arith.constant 0 : i32
      %dma_wait3A_441 = tpu.memref_slice %arg12[%add3A_83, %dma_wait3A_440] : memref<10240x72xf32, #tpu.memory_space<vmem_shared>> -> memref<128x72xf32, #tpu.memory_space<vmem_shared>>
      tpu.wait_dma2 semaphore(%run_scoped3A_431 : memref<!tpu.dma_semaphore, #tpu.memory_space<semaphore_mem>>) src(%dma_wait3A_441 : memref<128x72xf32, #tpu.memory_space<vmem_shared>>) dst(%dma_wait3A_439 : memref<128x72xf32, #tpu.memory_space<hbm>>)
      tpu.yield
    }) : () -> ()
    %mul3A_85 = arith.constant 640 : i32
    %mul3A_86 = arith.muli %arg1, %mul3A_85 : i32
    %add3A_87 = arith.constant 128 : i32
    %add3A_88 = arith.addi %mul3A_86, %add3A_87 : i32
    %run_scoped3A_89 = arith.constant 0 : i32
    "tpu.region"() ({
      %run_scoped3A_431 = tpu.sem_alloc : memref<!tpu.dma_semaphore, #tpu.memory_space<semaphore_mem>>
      %dma_start3A_432 = arith.constant 0 : i32
      %dma_start3A_433 = tpu.memref_slice %arg6[%run_scoped3A_89, %add3A_5, %add3A_88, %dma_start3A_432] : memref<2x4x10240x72xf32, #tpu.memory_space<hbm>> -> memref<1x1x128x72xf32, #tpu.memory_space<hbm>>
      %dma_start3A_434 = tpu.memref_squeeze %dma_start3A_433 : memref<1x1x128x72xf32, #tpu.memory_space<hbm>> -> memref<128x72xf32, #tpu.memory_space<hbm>>
      %dma_start3A_435 = arith.constant 0 : i32
      %dma_start3A_436 = tpu.memref_slice %arg12[%add3A_88, %dma_start3A_435] : memref<10240x72xf32, #tpu.memory_space<vmem_shared>> -> memref<128x72xf32, #tpu.memory_space<vmem_shared>>
      tpu.enqueue_dma source(%dma_start3A_436 : memref<128x72xf32, #tpu.memory_space<vmem_shared>>) target(%dma_start3A_434 : memref<128x72xf32, #tpu.memory_space<hbm>>) target_semaphore(%run_scoped3A_431 : memref<!tpu.dma_semaphore, #tpu.memory_space<semaphore_mem>>)
      %dma_wait3A_437 = arith.constant 0 : i32
      %dma_wait3A_438 = tpu.memref_slice %arg6[%run_scoped3A_89, %add3A_5, %add3A_88, %dma_wait3A_437] : memref<2x4x10240x72xf32, #tpu.memory_space<hbm>> -> memref<1x1x128x72xf32, #tpu.memory_space<hbm>>
      %dma_wait3A_439 = tpu.memref_squeeze %dma_wait3A_438 : memref<1x1x128x72xf32, #tpu.memory_space<hbm>> -> memref<128x72xf32, #tpu.memory_space<hbm>>
      %dma_wait3A_440 = arith.constant 0 : i32
      %dma_wait3A_441 = tpu.memref_slice %arg12[%add3A_88, %dma_wait3A_440] : memref<10240x72xf32, #tpu.memory_space<vmem_shared>> -> memref<128x72xf32, #tpu.memory_space<vmem_shared>>
      tpu.wait_dma2 semaphore(%run_scoped3A_431 : memref<!tpu.dma_semaphore, #tpu.memory_space<semaphore_mem>>) src(%dma_wait3A_441 : memref<128x72xf32, #tpu.memory_space<vmem_shared>>) dst(%dma_wait3A_439 : memref<128x72xf32, #tpu.memory_space<hbm>>)
      tpu.yield
    }) : () -> ()
    %mul3A_90 = arith.constant 640 : i32
    %mul3A_91 = arith.muli %arg1, %mul3A_90 : i32
    %add3A_92 = arith.constant 256 : i32
    %add3A_93 = arith.addi %mul3A_91, %add3A_92 : i32
    %run_scoped3A_94 = arith.constant 0 : i32
    "tpu.region"() ({
      %run_scoped3A_431 = tpu.sem_alloc : memref<!tpu.dma_semaphore, #tpu.memory_space<semaphore_mem>>
      %dma_start3A_432 = arith.constant 0 : i32
      %dma_start3A_433 = tpu.memref_slice %arg6[%run_scoped3A_94, %add3A_5, %add3A_93, %dma_start3A_432] : memref<2x4x10240x72xf32, #tpu.memory_space<hbm>> -> memref<1x1x128x72xf32, #tpu.memory_space<hbm>>
      %dma_start3A_434 = tpu.memref_squeeze %dma_start3A_433 : memref<1x1x128x72xf32, #tpu.memory_space<hbm>> -> memref<128x72xf32, #tpu.memory_space<hbm>>
      %dma_start3A_435 = arith.constant 0 : i32
      %dma_start3A_436 = tpu.memref_slice %arg12[%add3A_93, %dma_start3A_435] : memref<10240x72xf32, #tpu.memory_space<vmem_shared>> -> memref<128x72xf32, #tpu.memory_space<vmem_shared>>
      tpu.enqueue_dma source(%dma_start3A_436 : memref<128x72xf32, #tpu.memory_space<vmem_shared>>) target(%dma_start3A_434 : memref<128x72xf32, #tpu.memory_space<hbm>>) target_semaphore(%run_scoped3A_431 : memref<!tpu.dma_semaphore, #tpu.memory_space<semaphore_mem>>)
      %dma_wait3A_437 = arith.constant 0 : i32
      %dma_wait3A_438 = tpu.memref_slice %arg6[%run_scoped3A_94, %add3A_5, %add3A_93, %dma_wait3A_437] : memref<2x4x10240x72xf32, #tpu.memory_space<hbm>> -> memref<1x1x128x72xf32, #tpu.memory_space<hbm>>
      %dma_wait3A_439 = tpu.memref_squeeze %dma_wait3A_438 : memref<1x1x128x72xf32, #tpu.memory_space<hbm>> -> memref<128x72xf32, #tpu.memory_space<hbm>>
      %dma_wait3A_440 = arith.constant 0 : i32
      %dma_wait3A_441 = tpu.memref_slice %arg12[%add3A_93, %dma_wait3A_440] : memref<10240x72xf32, #tpu.memory_space<vmem_shared>> -> memref<128x72xf32, #tpu.memory_space<vmem_shared>>
      tpu.wait_dma2 semaphore(%run_scoped3A_431 : memref<!tpu.dma_semaphore, #tpu.memory_space<semaphore_mem>>) src(%dma_wait3A_441 : memref<128x72xf32, #tpu.memory_space<vmem_shared>>) dst(%dma_wait3A_439 : memref<128x72xf32, #tpu.memory_space<hbm>>)
      tpu.yield
    }) : () -> ()
    %mul3A_95 = arith.constant 640 : i32
    %mul3A_96 = arith.muli %arg1, %mul3A_95 : i32
    %add3A_97 = arith.constant 384 : i32
    %add3A_98 = arith.addi %mul3A_96, %add3A_97 : i32
    %run_scoped3A_99 = arith.constant 0 : i32
    "tpu.region"() ({
      %run_scoped3A_431 = tpu.sem_alloc : memref<!tpu.dma_semaphore, #tpu.memory_space<semaphore_mem>>
      %dma_start3A_432 = arith.constant 0 : i32
      %dma_start3A_433 = tpu.memref_slice %arg6[%run_scoped3A_99, %add3A_5, %add3A_98, %dma_start3A_432] : memref<2x4x10240x72xf32, #tpu.memory_space<hbm>> -> memref<1x1x128x72xf32, #tpu.memory_space<hbm>>
      %dma_start3A_434 = tpu.memref_squeeze %dma_start3A_433 : memref<1x1x128x72xf32, #tpu.memory_space<hbm>> -> memref<128x72xf32, #tpu.memory_space<hbm>>
      %dma_start3A_435 = arith.constant 0 : i32
      %dma_start3A_436 = tpu.memref_slice %arg12[%add3A_98, %dma_start3A_435] : memref<10240x72xf32, #tpu.memory_space<vmem_shared>> -> memref<128x72xf32, #tpu.memory_space<vmem_shared>>
      tpu.enqueue_dma source(%dma_start3A_436 : memref<128x72xf32, #tpu.memory_space<vmem_shared>>) target(%dma_start3A_434 : memref<128x72xf32, #tpu.memory_space<hbm>>) target_semaphore(%run_scoped3A_431 : memref<!tpu.dma_semaphore, #tpu.memory_space<semaphore_mem>>)
      %dma_wait3A_437 = arith.constant 0 : i32
      %dma_wait3A_438 = tpu.memref_slice %arg6[%run_scoped3A_99, %add3A_5, %add3A_98, %dma_wait3A_437] : memref<2x4x10240x72xf32, #tpu.memory_space<hbm>> -> memref<1x1x128x72xf32, #tpu.memory_space<hbm>>
      %dma_wait3A_439 = tpu.memref_squeeze %dma_wait3A_438 : memref<1x1x128x72xf32, #tpu.memory_space<hbm>> -> memref<128x72xf32, #tpu.memory_space<hbm>>
      %dma_wait3A_440 = arith.constant 0 : i32
      %dma_wait3A_441 = tpu.memref_slice %arg12[%add3A_98, %dma_wait3A_440] : memref<10240x72xf32, #tpu.memory_space<vmem_shared>> -> memref<128x72xf32, #tpu.memory_space<vmem_shared>>
      tpu.wait_dma2 semaphore(%run_scoped3A_431 : memref<!tpu.dma_semaphore, #tpu.memory_space<semaphore_mem>>) src(%dma_wait3A_441 : memref<128x72xf32, #tpu.memory_space<vmem_shared>>) dst(%dma_wait3A_439 : memref<128x72xf32, #tpu.memory_space<hbm>>)
      tpu.yield
    }) : () -> ()
    %mul3A_100 = arith.constant 640 : i32
    %mul3A_101 = arith.muli %arg1, %mul3A_100 : i32
    %add3A_102 = arith.constant 512 : i32
    %add3A_103 = arith.addi %mul3A_101, %add3A_102 : i32
    %run_scoped3A_104 = arith.constant 0 : i32
    "tpu.region"() ({
      %run_scoped3A_431 = tpu.sem_alloc : memref<!tpu.dma_semaphore, #tpu.memory_space<semaphore_mem>>
      %dma_start3A_432 = arith.constant 0 : i32
      %dma_start3A_433 = tpu.memref_slice %arg6[%run_scoped3A_104, %add3A_5, %add3A_103, %dma_start3A_432] : memref<2x4x10240x72xf32, #tpu.memory_space<hbm>> -> memref<1x1x128x72xf32, #tpu.memory_space<hbm>>
      %dma_start3A_434 = tpu.memref_squeeze %dma_start3A_433 : memref<1x1x128x72xf32, #tpu.memory_space<hbm>> -> memref<128x72xf32, #tpu.memory_space<hbm>>
      %dma_start3A_435 = arith.constant 0 : i32
      %dma_start3A_436 = tpu.memref_slice %arg12[%add3A_103, %dma_start3A_435] : memref<10240x72xf32, #tpu.memory_space<vmem_shared>> -> memref<128x72xf32, #tpu.memory_space<vmem_shared>>
      tpu.enqueue_dma source(%dma_start3A_436 : memref<128x72xf32, #tpu.memory_space<vmem_shared>>) target(%dma_start3A_434 : memref<128x72xf32, #tpu.memory_space<hbm>>) target_semaphore(%run_scoped3A_431 : memref<!tpu.dma_semaphore, #tpu.memory_space<semaphore_mem>>)
      %dma_wait3A_437 = arith.constant 0 : i32
      %dma_wait3A_438 = tpu.memref_slice %arg6[%run_scoped3A_104, %add3A_5, %add3A_103, %dma_wait3A_437] : memref<2x4x10240x72xf32, #tpu.memory_space<hbm>> -> memref<1x1x128x72xf32, #tpu.memory_space<hbm>>
      %dma_wait3A_439 = tpu.memref_squeeze %dma_wait3A_438 : memref<1x1x128x72xf32, #tpu.memory_space<hbm>> -> memref<128x72xf32, #tpu.memory_space<hbm>>
      %dma_wait3A_440 = arith.constant 0 : i32
      %dma_wait3A_441 = tpu.memref_slice %arg12[%add3A_103, %dma_wait3A_440] : memref<10240x72xf32, #tpu.memory_space<vmem_shared>> -> memref<128x72xf32, #tpu.memory_space<vmem_shared>>
      tpu.wait_dma2 semaphore(%run_scoped3A_431 : memref<!tpu.dma_semaphore, #tpu.memory_space<semaphore_mem>>) src(%dma_wait3A_441 : memref<128x72xf32, #tpu.memory_space<vmem_shared>>) dst(%dma_wait3A_439 : memref<128x72xf32, #tpu.memory_space<hbm>>)
      tpu.yield
    }) : () -> ()
    %mul3A_105 = arith.constant 2 : i32
    %mul3A_106 = arith.muli %arg0, %mul3A_105 : i32
    %add3A_107 = arith.constant 1 : i32
    %add3A_108 = arith.addi %mul3A_106, %add3A_107 : i32
    "tpu.region"() ({
      %run_scoped3A_431 = tpu.sem_alloc : memref<!tpu.dma_semaphore, #tpu.memory_space<semaphore_mem>>
      %dma_start3A_432 = arith.constant 0 : i32
      %dma_start3A_433 = arith.constant 0 : i32
      %dma_start3A_434 = tpu.memref_slice %arg7[%dma_start3A_432, %dma_start3A_433] : memref<128x72xf32, #tpu.memory_space<vmem>> -> memref<64x72xf32, #tpu.memory_space<vmem>>
      %dma_start3A_435 = arith.constant 0 : i32
      %dma_start3A_436 = arith.constant 0 : i32
      %dma_start3A_437 = tpu.memref_slice %arg7[%dma_start3A_435, %dma_start3A_436] : memref<128x72xf32, #tpu.memory_space<vmem>> -> memref<64x72xf32, #tpu.memory_space<vmem>>
      tpu.enqueue_dma source(%arg5 : memref<64x72xf32, #tpu.memory_space<hbm>>) target(%dma_start3A_437 : memref<64x72xf32, #tpu.memory_space<vmem>>) target_semaphore(%run_scoped3A_431 : memref<!tpu.dma_semaphore, #tpu.memory_space<semaphore_mem>>)
      %dma_wait3A_438 = arith.constant 0 : i32
      %dma_wait3A_439 = arith.constant 0 : i32
      %dma_wait3A_440 = tpu.memref_slice %arg7[%dma_wait3A_438, %dma_wait3A_439] : memref<128x72xf32, #tpu.memory_space<vmem>> -> memref<64x72xf32, #tpu.memory_space<vmem>>
      %dma_wait3A_441 = arith.constant 0 : i32
      %dma_wait3A_442 = arith.constant 0 : i32
      %dma_wait3A_443 = tpu.memref_slice %arg7[%dma_wait3A_441, %dma_wait3A_442] : memref<128x72xf32, #tpu.memory_space<vmem>> -> memref<64x72xf32, #tpu.memory_space<vmem>>
      tpu.wait_dma2 semaphore(%run_scoped3A_431 : memref<!tpu.dma_semaphore, #tpu.memory_space<semaphore_mem>>) src(%arg5 : memref<64x72xf32, #tpu.memory_space<hbm>>) dst(%dma_wait3A_443 : memref<64x72xf32, #tpu.memory_space<vmem>>)
      tpu.yield
    }) : () -> ()
    %mul3A_109 = arith.constant 640 : i32
    %mul3A_110 = arith.muli %arg1, %mul3A_109 : i32
    %add3A_111 = arith.constant 0 : i32
    %add3A_112 = arith.addi %mul3A_110, %add3A_111 : i32
    "tpu.region"() ({
      %run_scoped3A_431 = tpu.sem_alloc : memref<!tpu.dma_semaphore, #tpu.memory_space<semaphore_mem>>
      %dma_start3A_432 = arith.constant 0 : i32
      %dma_start3A_433 = arith.constant 0 : i32
      %dma_start3A_434 = tpu.memref_slice %arg7[%dma_start3A_432, %dma_start3A_433] : memref<128x72xf32, #tpu.memory_space<vmem>> -> memref<64x72xf32, #tpu.memory_space<vmem>>
      %dma_start3A_435 = arith.constant 0 : i32
      %dma_start3A_436 = tpu.memref_slice %arg12[%add3A_112, %dma_start3A_435] : memref<10240x72xf32, #tpu.memory_space<vmem_shared>> -> memref<64x72xf32, #tpu.memory_space<vmem_shared>>
      %dma_start3A_437 = arith.constant 0 : i32
      %dma_start3A_438 = tpu.memref_slice %arg12[%add3A_112, %dma_start3A_437] : memref<10240x72xf32, #tpu.memory_space<vmem_shared>> -> memref<64x72xf32, #tpu.memory_space<vmem_shared>>
      %dma_start3A_439 = arith.constant 0 : i32
      %dma_start3A_440 = arith.constant 0 : i32
      %dma_start3A_441 = tpu.memref_slice %arg7[%dma_start3A_439, %dma_start3A_440] : memref<128x72xf32, #tpu.memory_space<vmem>> -> memref<64x72xf32, #tpu.memory_space<vmem>>
      tpu.enqueue_dma source(%dma_start3A_441 : memref<64x72xf32, #tpu.memory_space<vmem>>) target(%dma_start3A_438 : memref<64x72xf32, #tpu.memory_space<vmem_shared>>) target_semaphore(%run_scoped3A_431 : memref<!tpu.dma_semaphore, #tpu.memory_space<semaphore_mem>>)
      %dma_wait3A_442 = arith.constant 0 : i32
      %dma_wait3A_443 = arith.constant 0 : i32
      %dma_wait3A_444 = tpu.memref_slice %arg7[%dma_wait3A_442, %dma_wait3A_443] : memref<128x72xf32, #tpu.memory_space<vmem>> -> memref<64x72xf32, #tpu.memory_space<vmem>>
      %dma_wait3A_445 = arith.constant 0 : i32
      %dma_wait3A_446 = tpu.memref_slice %arg12[%add3A_112, %dma_wait3A_445] : memref<10240x72xf32, #tpu.memory_space<vmem_shared>> -> memref<64x72xf32, #tpu.memory_space<vmem_shared>>
      %dma_wait3A_447 = arith.constant 0 : i32
      %dma_wait3A_448 = tpu.memref_slice %arg12[%add3A_112, %dma_wait3A_447] : memref<10240x72xf32, #tpu.memory_space<vmem_shared>> -> memref<64x72xf32, #tpu.memory_space<vmem_shared>>
      %dma_wait3A_449 = arith.constant 0 : i32
      %dma_wait3A_450 = arith.constant 0 : i32
      %dma_wait3A_451 = tpu.memref_slice %arg7[%dma_wait3A_449, %dma_wait3A_450] : memref<128x72xf32, #tpu.memory_space<vmem>> -> memref<64x72xf32, #tpu.memory_space<vmem>>
      tpu.wait_dma2 semaphore(%run_scoped3A_431 : memref<!tpu.dma_semaphore, #tpu.memory_space<semaphore_mem>>) src(%dma_wait3A_451 : memref<64x72xf32, #tpu.memory_space<vmem>>) dst(%dma_wait3A_448 : memref<64x72xf32, #tpu.memory_space<vmem_shared>>)
      tpu.yield
    }) : () -> ()
    %mul3A_113 = arith.constant 640 : i32
    %mul3A_114 = arith.muli %arg1, %mul3A_113 : i32
    %add3A_115 = arith.constant 64 : i32
    %add3A_116 = arith.addi %mul3A_114, %add3A_115 : i32
    "tpu.region"() ({
      %run_scoped3A_431 = tpu.sem_alloc : memref<!tpu.dma_semaphore, #tpu.memory_space<semaphore_mem>>
      %dma_start3A_432 = arith.constant 0 : i32
      %dma_start3A_433 = arith.constant 0 : i32
      %dma_start3A_434 = tpu.memref_slice %arg7[%dma_start3A_432, %dma_start3A_433] : memref<128x72xf32, #tpu.memory_space<vmem>> -> memref<64x72xf32, #tpu.memory_space<vmem>>
      %dma_start3A_435 = arith.constant 0 : i32
      %dma_start3A_436 = tpu.memref_slice %arg12[%add3A_116, %dma_start3A_435] : memref<10240x72xf32, #tpu.memory_space<vmem_shared>> -> memref<64x72xf32, #tpu.memory_space<vmem_shared>>
      %dma_start3A_437 = arith.constant 0 : i32
      %dma_start3A_438 = tpu.memref_slice %arg12[%add3A_116, %dma_start3A_437] : memref<10240x72xf32, #tpu.memory_space<vmem_shared>> -> memref<64x72xf32, #tpu.memory_space<vmem_shared>>
      %dma_start3A_439 = arith.constant 0 : i32
      %dma_start3A_440 = arith.constant 0 : i32
      %dma_start3A_441 = tpu.memref_slice %arg7[%dma_start3A_439, %dma_start3A_440] : memref<128x72xf32, #tpu.memory_space<vmem>> -> memref<64x72xf32, #tpu.memory_space<vmem>>
      tpu.enqueue_dma source(%dma_start3A_441 : memref<64x72xf32, #tpu.memory_space<vmem>>) target(%dma_start3A_438 : memref<64x72xf32, #tpu.memory_space<vmem_shared>>) target_semaphore(%run_scoped3A_431 : memref<!tpu.dma_semaphore, #tpu.memory_space<semaphore_mem>>)
      %dma_wait3A_442 = arith.constant 0 : i32
      %dma_wait3A_443 = arith.constant 0 : i32
      %dma_wait3A_444 = tpu.memref_slice %arg7[%dma_wait3A_442, %dma_wait3A_443] : memref<128x72xf32, #tpu.memory_space<vmem>> -> memref<64x72xf32, #tpu.memory_space<vmem>>
      %dma_wait3A_445 = arith.constant 0 : i32
      %dma_wait3A_446 = tpu.memref_slice %arg12[%add3A_116, %dma_wait3A_445] : memref<10240x72xf32, #tpu.memory_space<vmem_shared>> -> memref<64x72xf32, #tpu.memory_space<vmem_shared>>
      %dma_wait3A_447 = arith.constant 0 : i32
      %dma_wait3A_448 = tpu.memref_slice %arg12[%add3A_116, %dma_wait3A_447] : memref<10240x72xf32, #tpu.memory_space<vmem_shared>> -> memref<64x72xf32, #tpu.memory_space<vmem_shared>>
      %dma_wait3A_449 = arith.constant 0 : i32
      %dma_wait3A_450 = arith.constant 0 : i32
      %dma_wait3A_451 = tpu.memref_slice %arg7[%dma_wait3A_449, %dma_wait3A_450] : memref<128x72xf32, #tpu.memory_space<vmem>> -> memref<64x72xf32, #tpu.memory_space<vmem>>
      tpu.wait_dma2 semaphore(%run_scoped3A_431 : memref<!tpu.dma_semaphore, #tpu.memory_space<semaphore_mem>>) src(%dma_wait3A_451 : memref<64x72xf32, #tpu.memory_space<vmem>>) dst(%dma_wait3A_448 : memref<64x72xf32, #tpu.memory_space<vmem_shared>>)
      tpu.yield
    }) : () -> ()
    %mul3A_117 = arith.constant 640 : i32
    %mul3A_118 = arith.muli %arg1, %mul3A_117 : i32
    %add3A_119 = arith.constant 128 : i32
    %add3A_120 = arith.addi %mul3A_118, %add3A_119 : i32
    "tpu.region"() ({
      %run_scoped3A_431 = tpu.sem_alloc : memref<!tpu.dma_semaphore, #tpu.memory_space<semaphore_mem>>
      %dma_start3A_432 = arith.constant 0 : i32
      %dma_start3A_433 = arith.constant 0 : i32
      %dma_start3A_434 = tpu.memref_slice %arg7[%dma_start3A_432, %dma_start3A_433] : memref<128x72xf32, #tpu.memory_space<vmem>> -> memref<64x72xf32, #tpu.memory_space<vmem>>
      %dma_start3A_435 = arith.constant 0 : i32
      %dma_start3A_436 = tpu.memref_slice %arg12[%add3A_120, %dma_start3A_435] : memref<10240x72xf32, #tpu.memory_space<vmem_shared>> -> memref<64x72xf32, #tpu.memory_space<vmem_shared>>
      %dma_start3A_437 = arith.constant 0 : i32
      %dma_start3A_438 = tpu.memref_slice %arg12[%add3A_120, %dma_start3A_437] : memref<10240x72xf32, #tpu.memory_space<vmem_shared>> -> memref<64x72xf32, #tpu.memory_space<vmem_shared>>
      %dma_start3A_439 = arith.constant 0 : i32
      %dma_start3A_440 = arith.constant 0 : i32
      %dma_start3A_441 = tpu.memref_slice %arg7[%dma_start3A_439, %dma_start3A_440] : memref<128x72xf32, #tpu.memory_space<vmem>> -> memref<64x72xf32, #tpu.memory_space<vmem>>
      tpu.enqueue_dma source(%dma_start3A_441 : memref<64x72xf32, #tpu.memory_space<vmem>>) target(%dma_start3A_438 : memref<64x72xf32, #tpu.memory_space<vmem_shared>>) target_semaphore(%run_scoped3A_431 : memref<!tpu.dma_semaphore, #tpu.memory_space<semaphore_mem>>)
      %dma_wait3A_442 = arith.constant 0 : i32
      %dma_wait3A_443 = arith.constant 0 : i32
      %dma_wait3A_444 = tpu.memref_slice %arg7[%dma_wait3A_442, %dma_wait3A_443] : memref<128x72xf32, #tpu.memory_space<vmem>> -> memref<64x72xf32, #tpu.memory_space<vmem>>
      %dma_wait3A_445 = arith.constant 0 : i32
      %dma_wait3A_446 = tpu.memref_slice %arg12[%add3A_120, %dma_wait3A_445] : memref<10240x72xf32, #tpu.memory_space<vmem_shared>> -> memref<64x72xf32, #tpu.memory_space<vmem_shared>>
      %dma_wait3A_447 = arith.constant 0 : i32
      %dma_wait3A_448 = tpu.memref_slice %arg12[%add3A_120, %dma_wait3A_447] : memref<10240x72xf32, #tpu.memory_space<vmem_shared>> -> memref<64x72xf32, #tpu.memory_space<vmem_shared>>
      %dma_wait3A_449 = arith.constant 0 : i32
      %dma_wait3A_450 = arith.constant 0 : i32
      %dma_wait3A_451 = tpu.memref_slice %arg7[%dma_wait3A_449, %dma_wait3A_450] : memref<128x72xf32, #tpu.memory_space<vmem>> -> memref<64x72xf32, #tpu.memory_space<vmem>>
      tpu.wait_dma2 semaphore(%run_scoped3A_431 : memref<!tpu.dma_semaphore, #tpu.memory_space<semaphore_mem>>) src(%dma_wait3A_451 : memref<64x72xf32, #tpu.memory_space<vmem>>) dst(%dma_wait3A_448 : memref<64x72xf32, #tpu.memory_space<vmem_shared>>)
      tpu.yield
    }) : () -> ()
    %mul3A_121 = arith.constant 640 : i32
    %mul3A_122 = arith.muli %arg1, %mul3A_121 : i32
    %add3A_123 = arith.constant 192 : i32
    %add3A_124 = arith.addi %mul3A_122, %add3A_123 : i32
    "tpu.region"() ({
      %run_scoped3A_431 = tpu.sem_alloc : memref<!tpu.dma_semaphore, #tpu.memory_space<semaphore_mem>>
      %dma_start3A_432 = arith.constant 0 : i32
      %dma_start3A_433 = arith.constant 0 : i32
      %dma_start3A_434 = tpu.memref_slice %arg7[%dma_start3A_432, %dma_start3A_433] : memref<128x72xf32, #tpu.memory_space<vmem>> -> memref<64x72xf32, #tpu.memory_space<vmem>>
      %dma_start3A_435 = arith.constant 0 : i32
      %dma_start3A_436 = tpu.memref_slice %arg12[%add3A_124, %dma_start3A_435] : memref<10240x72xf32, #tpu.memory_space<vmem_shared>> -> memref<64x72xf32, #tpu.memory_space<vmem_shared>>
      %dma_start3A_437 = arith.constant 0 : i32
      %dma_start3A_438 = tpu.memref_slice %arg12[%add3A_124, %dma_start3A_437] : memref<10240x72xf32, #tpu.memory_space<vmem_shared>> -> memref<64x72xf32, #tpu.memory_space<vmem_shared>>
      %dma_start3A_439 = arith.constant 0 : i32
      %dma_start3A_440 = arith.constant 0 : i32
      %dma_start3A_441 = tpu.memref_slice %arg7[%dma_start3A_439, %dma_start3A_440] : memref<128x72xf32, #tpu.memory_space<vmem>> -> memref<64x72xf32, #tpu.memory_space<vmem>>
      tpu.enqueue_dma source(%dma_start3A_441 : memref<64x72xf32, #tpu.memory_space<vmem>>) target(%dma_start3A_438 : memref<64x72xf32, #tpu.memory_space<vmem_shared>>) target_semaphore(%run_scoped3A_431 : memref<!tpu.dma_semaphore, #tpu.memory_space<semaphore_mem>>)
      %dma_wait3A_442 = arith.constant 0 : i32
      %dma_wait3A_443 = arith.constant 0 : i32
      %dma_wait3A_444 = tpu.memref_slice %arg7[%dma_wait3A_442, %dma_wait3A_443] : memref<128x72xf32, #tpu.memory_space<vmem>> -> memref<64x72xf32, #tpu.memory_space<vmem>>
      %dma_wait3A_445 = arith.constant 0 : i32
      %dma_wait3A_446 = tpu.memref_slice %arg12[%add3A_124, %dma_wait3A_445] : memref<10240x72xf32, #tpu.memory_space<vmem_shared>> -> memref<64x72xf32, #tpu.memory_space<vmem_shared>>
      %dma_wait3A_447 = arith.constant 0 : i32
      %dma_wait3A_448 = tpu.memref_slice %arg12[%add3A_124, %dma_wait3A_447] : memref<10240x72xf32, #tpu.memory_space<vmem_shared>> -> memref<64x72xf32, #tpu.memory_space<vmem_shared>>
      %dma_wait3A_449 = arith.constant 0 : i32
      %dma_wait3A_450 = arith.constant 0 : i32
      %dma_wait3A_451 = tpu.memref_slice %arg7[%dma_wait3A_449, %dma_wait3A_450] : memref<128x72xf32, #tpu.memory_space<vmem>> -> memref<64x72xf32, #tpu.memory_space<vmem>>
      tpu.wait_dma2 semaphore(%run_scoped3A_431 : memref<!tpu.dma_semaphore, #tpu.memory_space<semaphore_mem>>) src(%dma_wait3A_451 : memref<64x72xf32, #tpu.memory_space<vmem>>) dst(%dma_wait3A_448 : memref<64x72xf32, #tpu.memory_space<vmem_shared>>)
      tpu.yield
    }) : () -> ()
    %mul3A_125 = arith.constant 640 : i32
    %mul3A_126 = arith.muli %arg1, %mul3A_125 : i32
    %add3A_127 = arith.constant 256 : i32
    %add3A_128 = arith.addi %mul3A_126, %add3A_127 : i32
    "tpu.region"() ({
      %run_scoped3A_431 = tpu.sem_alloc : memref<!tpu.dma_semaphore, #tpu.memory_space<semaphore_mem>>
      %dma_start3A_432 = arith.constant 0 : i32
      %dma_start3A_433 = arith.constant 0 : i32
      %dma_start3A_434 = tpu.memref_slice %arg7[%dma_start3A_432, %dma_start3A_433] : memref<128x72xf32, #tpu.memory_space<vmem>> -> memref<64x72xf32, #tpu.memory_space<vmem>>
      %dma_start3A_435 = arith.constant 0 : i32
      %dma_start3A_436 = tpu.memref_slice %arg12[%add3A_128, %dma_start3A_435] : memref<10240x72xf32, #tpu.memory_space<vmem_shared>> -> memref<64x72xf32, #tpu.memory_space<vmem_shared>>
      %dma_start3A_437 = arith.constant 0 : i32
      %dma_start3A_438 = tpu.memref_slice %arg12[%add3A_128, %dma_start3A_437] : memref<10240x72xf32, #tpu.memory_space<vmem_shared>> -> memref<64x72xf32, #tpu.memory_space<vmem_shared>>
      %dma_start3A_439 = arith.constant 0 : i32
      %dma_start3A_440 = arith.constant 0 : i32
      %dma_start3A_441 = tpu.memref_slice %arg7[%dma_start3A_439, %dma_start3A_440] : memref<128x72xf32, #tpu.memory_space<vmem>> -> memref<64x72xf32, #tpu.memory_space<vmem>>
      tpu.enqueue_dma source(%dma_start3A_441 : memref<64x72xf32, #tpu.memory_space<vmem>>) target(%dma_start3A_438 : memref<64x72xf32, #tpu.memory_space<vmem_shared>>) target_semaphore(%run_scoped3A_431 : memref<!tpu.dma_semaphore, #tpu.memory_space<semaphore_mem>>)
      %dma_wait3A_442 = arith.constant 0 : i32
      %dma_wait3A_443 = arith.constant 0 : i32
      %dma_wait3A_444 = tpu.memref_slice %arg7[%dma_wait3A_442, %dma_wait3A_443] : memref<128x72xf32, #tpu.memory_space<vmem>> -> memref<64x72xf32, #tpu.memory_space<vmem>>
      %dma_wait3A_445 = arith.constant 0 : i32
      %dma_wait3A_446 = tpu.memref_slice %arg12[%add3A_128, %dma_wait3A_445] : memref<10240x72xf32, #tpu.memory_space<vmem_shared>> -> memref<64x72xf32, #tpu.memory_space<vmem_shared>>
      %dma_wait3A_447 = arith.constant 0 : i32
      %dma_wait3A_448 = tpu.memref_slice %arg12[%add3A_128, %dma_wait3A_447] : memref<10240x72xf32, #tpu.memory_space<vmem_shared>> -> memref<64x72xf32, #tpu.memory_space<vmem_shared>>
      %dma_wait3A_449 = arith.constant 0 : i32
      %dma_wait3A_450 = arith.constant 0 : i32
      %dma_wait3A_451 = tpu.memref_slice %arg7[%dma_wait3A_449, %dma_wait3A_450] : memref<128x72xf32, #tpu.memory_space<vmem>> -> memref<64x72xf32, #tpu.memory_space<vmem>>
      tpu.wait_dma2 semaphore(%run_scoped3A_431 : memref<!tpu.dma_semaphore, #tpu.memory_space<semaphore_mem>>) src(%dma_wait3A_451 : memref<64x72xf32, #tpu.memory_space<vmem>>) dst(%dma_wait3A_448 : memref<64x72xf32, #tpu.memory_space<vmem_shared>>)
      tpu.yield
    }) : () -> ()
    %mul3A_129 = arith.constant 640 : i32
    %mul3A_130 = arith.muli %arg1, %mul3A_129 : i32
    %add3A_131 = arith.constant 320 : i32
    %add3A_132 = arith.addi %mul3A_130, %add3A_131 : i32
    "tpu.region"() ({
      %run_scoped3A_431 = tpu.sem_alloc : memref<!tpu.dma_semaphore, #tpu.memory_space<semaphore_mem>>
      %dma_start3A_432 = arith.constant 0 : i32
      %dma_start3A_433 = arith.constant 0 : i32
      %dma_start3A_434 = tpu.memref_slice %arg7[%dma_start3A_432, %dma_start3A_433] : memref<128x72xf32, #tpu.memory_space<vmem>> -> memref<64x72xf32, #tpu.memory_space<vmem>>
      %dma_start3A_435 = arith.constant 0 : i32
      %dma_start3A_436 = tpu.memref_slice %arg12[%add3A_132, %dma_start3A_435] : memref<10240x72xf32, #tpu.memory_space<vmem_shared>> -> memref<64x72xf32, #tpu.memory_space<vmem_shared>>
      %dma_start3A_437 = arith.constant 0 : i32
      %dma_start3A_438 = tpu.memref_slice %arg12[%add3A_132, %dma_start3A_437] : memref<10240x72xf32, #tpu.memory_space<vmem_shared>> -> memref<64x72xf32, #tpu.memory_space<vmem_shared>>
      %dma_start3A_439 = arith.constant 0 : i32
      %dma_start3A_440 = arith.constant 0 : i32
      %dma_start3A_441 = tpu.memref_slice %arg7[%dma_start3A_439, %dma_start3A_440] : memref<128x72xf32, #tpu.memory_space<vmem>> -> memref<64x72xf32, #tpu.memory_space<vmem>>
      tpu.enqueue_dma source(%dma_start3A_441 : memref<64x72xf32, #tpu.memory_space<vmem>>) target(%dma_start3A_438 : memref<64x72xf32, #tpu.memory_space<vmem_shared>>) target_semaphore(%run_scoped3A_431 : memref<!tpu.dma_semaphore, #tpu.memory_space<semaphore_mem>>)
      %dma_wait3A_442 = arith.constant 0 : i32
      %dma_wait3A_443 = arith.constant 0 : i32
      %dma_wait3A_444 = tpu.memref_slice %arg7[%dma_wait3A_442, %dma_wait3A_443] : memref<128x72xf32, #tpu.memory_space<vmem>> -> memref<64x72xf32, #tpu.memory_space<vmem>>
      %dma_wait3A_445 = arith.constant 0 : i32
      %dma_wait3A_446 = tpu.memref_slice %arg12[%add3A_132, %dma_wait3A_445] : memref<10240x72xf32, #tpu.memory_space<vmem_shared>> -> memref<64x72xf32, #tpu.memory_space<vmem_shared>>
      %dma_wait3A_447 = arith.constant 0 : i32
      %dma_wait3A_448 = tpu.memref_slice %arg12[%add3A_132, %dma_wait3A_447] : memref<10240x72xf32, #tpu.memory_space<vmem_shared>> -> memref<64x72xf32, #tpu.memory_space<vmem_shared>>
      %dma_wait3A_449 = arith.constant 0 : i32
      %dma_wait3A_450 = arith.constant 0 : i32
      %dma_wait3A_451 = tpu.memref_slice %arg7[%dma_wait3A_449, %dma_wait3A_450] : memref<128x72xf32, #tpu.memory_space<vmem>> -> memref<64x72xf32, #tpu.memory_space<vmem>>
      tpu.wait_dma2 semaphore(%run_scoped3A_431 : memref<!tpu.dma_semaphore, #tpu.memory_space<semaphore_mem>>) src(%dma_wait3A_451 : memref<64x72xf32, #tpu.memory_space<vmem>>) dst(%dma_wait3A_448 : memref<64x72xf32, #tpu.memory_space<vmem_shared>>)
      tpu.yield
    }) : () -> ()
    %mul3A_133 = arith.constant 640 : i32
    %mul3A_134 = arith.muli %arg1, %mul3A_133 : i32
    %add3A_135 = arith.constant 384 : i32
    %add3A_136 = arith.addi %mul3A_134, %add3A_135 : i32
    "tpu.region"() ({
      %run_scoped3A_431 = tpu.sem_alloc : memref<!tpu.dma_semaphore, #tpu.memory_space<semaphore_mem>>
      %dma_start3A_432 = arith.constant 0 : i32
      %dma_start3A_433 = arith.constant 0 : i32
      %dma_start3A_434 = tpu.memref_slice %arg7[%dma_start3A_432, %dma_start3A_433] : memref<128x72xf32, #tpu.memory_space<vmem>> -> memref<64x72xf32, #tpu.memory_space<vmem>>
      %dma_start3A_435 = arith.constant 0 : i32
      %dma_start3A_436 = tpu.memref_slice %arg12[%add3A_136, %dma_start3A_435] : memref<10240x72xf32, #tpu.memory_space<vmem_shared>> -> memref<64x72xf32, #tpu.memory_space<vmem_shared>>
      %dma_start3A_437 = arith.constant 0 : i32
      %dma_start3A_438 = tpu.memref_slice %arg12[%add3A_136, %dma_start3A_437] : memref<10240x72xf32, #tpu.memory_space<vmem_shared>> -> memref<64x72xf32, #tpu.memory_space<vmem_shared>>
      %dma_start3A_439 = arith.constant 0 : i32
      %dma_start3A_440 = arith.constant 0 : i32
      %dma_start3A_441 = tpu.memref_slice %arg7[%dma_start3A_439, %dma_start3A_440] : memref<128x72xf32, #tpu.memory_space<vmem>> -> memref<64x72xf32, #tpu.memory_space<vmem>>
      tpu.enqueue_dma source(%dma_start3A_441 : memref<64x72xf32, #tpu.memory_space<vmem>>) target(%dma_start3A_438 : memref<64x72xf32, #tpu.memory_space<vmem_shared>>) target_semaphore(%run_scoped3A_431 : memref<!tpu.dma_semaphore, #tpu.memory_space<semaphore_mem>>)
      %dma_wait3A_442 = arith.constant 0 : i32
      %dma_wait3A_443 = arith.constant 0 : i32
      %dma_wait3A_444 = tpu.memref_slice %arg7[%dma_wait3A_442, %dma_wait3A_443] : memref<128x72xf32, #tpu.memory_space<vmem>> -> memref<64x72xf32, #tpu.memory_space<vmem>>
      %dma_wait3A_445 = arith.constant 0 : i32
      %dma_wait3A_446 = tpu.memref_slice %arg12[%add3A_136, %dma_wait3A_445] : memref<10240x72xf32, #tpu.memory_space<vmem_shared>> -> memref<64x72xf32, #tpu.memory_space<vmem_shared>>
      %dma_wait3A_447 = arith.constant 0 : i32
      %dma_wait3A_448 = tpu.memref_slice %arg12[%add3A_136, %dma_wait3A_447] : memref<10240x72xf32, #tpu.memory_space<vmem_shared>> -> memref<64x72xf32, #tpu.memory_space<vmem_shared>>
      %dma_wait3A_449 = arith.constant 0 : i32
      %dma_wait3A_450 = arith.constant 0 : i32
      %dma_wait3A_451 = tpu.memref_slice %arg7[%dma_wait3A_449, %dma_wait3A_450] : memref<128x72xf32, #tpu.memory_space<vmem>> -> memref<64x72xf32, #tpu.memory_space<vmem>>
      tpu.wait_dma2 semaphore(%run_scoped3A_431 : memref<!tpu.dma_semaphore, #tpu.memory_space<semaphore_mem>>) src(%dma_wait3A_451 : memref<64x72xf32, #tpu.memory_space<vmem>>) dst(%dma_wait3A_448 : memref<64x72xf32, #tpu.memory_space<vmem_shared>>)
      tpu.yield
    }) : () -> ()
    %mul3A_137 = arith.constant 640 : i32
    %mul3A_138 = arith.muli %arg1, %mul3A_137 : i32
    %add3A_139 = arith.constant 448 : i32
    %add3A_140 = arith.addi %mul3A_138, %add3A_139 : i32
    "tpu.region"() ({
      %run_scoped3A_431 = tpu.sem_alloc : memref<!tpu.dma_semaphore, #tpu.memory_space<semaphore_mem>>
      %dma_start3A_432 = arith.constant 0 : i32
      %dma_start3A_433 = arith.constant 0 : i32
      %dma_start3A_434 = tpu.memref_slice %arg7[%dma_start3A_432, %dma_start3A_433] : memref<128x72xf32, #tpu.memory_space<vmem>> -> memref<64x72xf32, #tpu.memory_space<vmem>>
      %dma_start3A_435 = arith.constant 0 : i32
      %dma_start3A_436 = tpu.memref_slice %arg12[%add3A_140, %dma_start3A_435] : memref<10240x72xf32, #tpu.memory_space<vmem_shared>> -> memref<64x72xf32, #tpu.memory_space<vmem_shared>>
      %dma_start3A_437 = arith.constant 0 : i32
      %dma_start3A_438 = tpu.memref_slice %arg12[%add3A_140, %dma_start3A_437] : memref<10240x72xf32, #tpu.memory_space<vmem_shared>> -> memref<64x72xf32, #tpu.memory_space<vmem_shared>>
      %dma_start3A_439 = arith.constant 0 : i32
      %dma_start3A_440 = arith.constant 0 : i32
      %dma_start3A_441 = tpu.memref_slice %arg7[%dma_start3A_439, %dma_start3A_440] : memref<128x72xf32, #tpu.memory_space<vmem>> -> memref<64x72xf32, #tpu.memory_space<vmem>>
      tpu.enqueue_dma source(%dma_start3A_441 : memref<64x72xf32, #tpu.memory_space<vmem>>) target(%dma_start3A_438 : memref<64x72xf32, #tpu.memory_space<vmem_shared>>) target_semaphore(%run_scoped3A_431 : memref<!tpu.dma_semaphore, #tpu.memory_space<semaphore_mem>>)
      %dma_wait3A_442 = arith.constant 0 : i32
      %dma_wait3A_443 = arith.constant 0 : i32
      %dma_wait3A_444 = tpu.memref_slice %arg7[%dma_wait3A_442, %dma_wait3A_443] : memref<128x72xf32, #tpu.memory_space<vmem>> -> memref<64x72xf32, #tpu.memory_space<vmem>>
      %dma_wait3A_445 = arith.constant 0 : i32
      %dma_wait3A_446 = tpu.memref_slice %arg12[%add3A_140, %dma_wait3A_445] : memref<10240x72xf32, #tpu.memory_space<vmem_shared>> -> memref<64x72xf32, #tpu.memory_space<vmem_shared>>
      %dma_wait3A_447 = arith.constant 0 : i32
      %dma_wait3A_448 = tpu.memref_slice %arg12[%add3A_140, %dma_wait3A_447] : memref<10240x72xf32, #tpu.memory_space<vmem_shared>> -> memref<64x72xf32, #tpu.memory_space<vmem_shared>>
      %dma_wait3A_449 = arith.constant 0 : i32
      %dma_wait3A_450 = arith.constant 0 : i32
      %dma_wait3A_451 = tpu.memref_slice %arg7[%dma_wait3A_449, %dma_wait3A_450] : memref<128x72xf32, #tpu.memory_space<vmem>> -> memref<64x72xf32, #tpu.memory_space<vmem>>
      tpu.wait_dma2 semaphore(%run_scoped3A_431 : memref<!tpu.dma_semaphore, #tpu.memory_space<semaphore_mem>>) src(%dma_wait3A_451 : memref<64x72xf32, #tpu.memory_space<vmem>>) dst(%dma_wait3A_448 : memref<64x72xf32, #tpu.memory_space<vmem_shared>>)
      tpu.yield
    }) : () -> ()
    %mul3A_141 = arith.constant 640 : i32
    %mul3A_142 = arith.muli %arg1, %mul3A_141 : i32
    %add3A_143 = arith.constant 512 : i32
    %add3A_144 = arith.addi %mul3A_142, %add3A_143 : i32
    "tpu.region"() ({
      %run_scoped3A_431 = tpu.sem_alloc : memref<!tpu.dma_semaphore, #tpu.memory_space<semaphore_mem>>
      %dma_start3A_432 = arith.constant 0 : i32
      %dma_start3A_433 = arith.constant 0 : i32
      %dma_start3A_434 = tpu.memref_slice %arg7[%dma_start3A_432, %dma_start3A_433] : memref<128x72xf32, #tpu.memory_space<vmem>> -> memref<64x72xf32, #tpu.memory_space<vmem>>
      %dma_start3A_435 = arith.constant 0 : i32
      %dma_start3A_436 = tpu.memref_slice %arg12[%add3A_144, %dma_start3A_435] : memref<10240x72xf32, #tpu.memory_space<vmem_shared>> -> memref<64x72xf32, #tpu.memory_space<vmem_shared>>
      %dma_start3A_437 = arith.constant 0 : i32
      %dma_start3A_438 = tpu.memref_slice %arg12[%add3A_144, %dma_start3A_437] : memref<10240x72xf32, #tpu.memory_space<vmem_shared>> -> memref<64x72xf32, #tpu.memory_space<vmem_shared>>
      %dma_start3A_439 = arith.constant 0 : i32
      %dma_start3A_440 = arith.constant 0 : i32
      %dma_start3A_441 = tpu.memref_slice %arg7[%dma_start3A_439, %dma_start3A_440] : memref<128x72xf32, #tpu.memory_space<vmem>> -> memref<64x72xf32, #tpu.memory_space<vmem>>
      tpu.enqueue_dma source(%dma_start3A_441 : memref<64x72xf32, #tpu.memory_space<vmem>>) target(%dma_start3A_438 : memref<64x72xf32, #tpu.memory_space<vmem_shared>>) target_semaphore(%run_scoped3A_431 : memref<!tpu.dma_semaphore, #tpu.memory_space<semaphore_mem>>)
      %dma_wait3A_442 = arith.constant 0 : i32
      %dma_wait3A_443 = arith.constant 0 : i32
      %dma_wait3A_444 = tpu.memref_slice %arg7[%dma_wait3A_442, %dma_wait3A_443] : memref<128x72xf32, #tpu.memory_space<vmem>> -> memref<64x72xf32, #tpu.memory_space<vmem>>
      %dma_wait3A_445 = arith.constant 0 : i32
      %dma_wait3A_446 = tpu.memref_slice %arg12[%add3A_144, %dma_wait3A_445] : memref<10240x72xf32, #tpu.memory_space<vmem_shared>> -> memref<64x72xf32, #tpu.memory_space<vmem_shared>>
      %dma_wait3A_447 = arith.constant 0 : i32
      %dma_wait3A_448 = tpu.memref_slice %arg12[%add3A_144, %dma_wait3A_447] : memref<10240x72xf32, #tpu.memory_space<vmem_shared>> -> memref<64x72xf32, #tpu.memory_space<vmem_shared>>
      %dma_wait3A_449 = arith.constant 0 : i32
      %dma_wait3A_450 = arith.constant 0 : i32
      %dma_wait3A_451 = tpu.memref_slice %arg7[%dma_wait3A_449, %dma_wait3A_450] : memref<128x72xf32, #tpu.memory_space<vmem>> -> memref<64x72xf32, #tpu.memory_space<vmem>>
      tpu.wait_dma2 semaphore(%run_scoped3A_431 : memref<!tpu.dma_semaphore, #tpu.memory_space<semaphore_mem>>) src(%dma_wait3A_451 : memref<64x72xf32, #tpu.memory_space<vmem>>) dst(%dma_wait3A_448 : memref<64x72xf32, #tpu.memory_space<vmem_shared>>)
      tpu.yield
    }) : () -> ()
    %mul3A_145 = arith.constant 640 : i32
    %mul3A_146 = arith.muli %arg1, %mul3A_145 : i32
    %add3A_147 = arith.constant 576 : i32
    %add3A_148 = arith.addi %mul3A_146, %add3A_147 : i32
    "tpu.region"() ({
      %run_scoped3A_431 = tpu.sem_alloc : memref<!tpu.dma_semaphore, #tpu.memory_space<semaphore_mem>>
      %dma_start3A_432 = arith.constant 0 : i32
      %dma_start3A_433 = arith.constant 0 : i32
      %dma_start3A_434 = tpu.memref_slice %arg7[%dma_start3A_432, %dma_start3A_433] : memref<128x72xf32, #tpu.memory_space<vmem>> -> memref<64x72xf32, #tpu.memory_space<vmem>>
      %dma_start3A_435 = arith.constant 0 : i32
      %dma_start3A_436 = tpu.memref_slice %arg12[%add3A_148, %dma_start3A_435] : memref<10240x72xf32, #tpu.memory_space<vmem_shared>> -> memref<64x72xf32, #tpu.memory_space<vmem_shared>>
      %dma_start3A_437 = arith.constant 0 : i32
      %dma_start3A_438 = tpu.memref_slice %arg12[%add3A_148, %dma_start3A_437] : memref<10240x72xf32, #tpu.memory_space<vmem_shared>> -> memref<64x72xf32, #tpu.memory_space<vmem_shared>>
      %dma_start3A_439 = arith.constant 0 : i32
      %dma_start3A_440 = arith.constant 0 : i32
      %dma_start3A_441 = tpu.memref_slice %arg7[%dma_start3A_439, %dma_start3A_440] : memref<128x72xf32, #tpu.memory_space<vmem>> -> memref<64x72xf32, #tpu.memory_space<vmem>>
      tpu.enqueue_dma source(%dma_start3A_441 : memref<64x72xf32, #tpu.memory_space<vmem>>) target(%dma_start3A_438 : memref<64x72xf32, #tpu.memory_space<vmem_shared>>) target_semaphore(%run_scoped3A_431 : memref<!tpu.dma_semaphore, #tpu.memory_space<semaphore_mem>>)
      %dma_wait3A_442 = arith.constant 0 : i32
      %dma_wait3A_443 = arith.constant 0 : i32
      %dma_wait3A_444 = tpu.memref_slice %arg7[%dma_wait3A_442, %dma_wait3A_443] : memref<128x72xf32, #tpu.memory_space<vmem>> -> memref<64x72xf32, #tpu.memory_space<vmem>>
      %dma_wait3A_445 = arith.constant 0 : i32
      %dma_wait3A_446 = tpu.memref_slice %arg12[%add3A_148, %dma_wait3A_445] : memref<10240x72xf32, #tpu.memory_space<vmem_shared>> -> memref<64x72xf32, #tpu.memory_space<vmem_shared>>
      %dma_wait3A_447 = arith.constant 0 : i32
      %dma_wait3A_448 = tpu.memref_slice %arg12[%add3A_148, %dma_wait3A_447] : memref<10240x72xf32, #tpu.memory_space<vmem_shared>> -> memref<64x72xf32, #tpu.memory_space<vmem_shared>>
      %dma_wait3A_449 = arith.constant 0 : i32
      %dma_wait3A_450 = arith.constant 0 : i32
      %dma_wait3A_451 = tpu.memref_slice %arg7[%dma_wait3A_449, %dma_wait3A_450] : memref<128x72xf32, #tpu.memory_space<vmem>> -> memref<64x72xf32, #tpu.memory_space<vmem>>
      tpu.wait_dma2 semaphore(%run_scoped3A_431 : memref<!tpu.dma_semaphore, #tpu.memory_space<semaphore_mem>>) src(%dma_wait3A_451 : memref<64x72xf32, #tpu.memory_space<vmem>>) dst(%dma_wait3A_448 : memref<64x72xf32, #tpu.memory_space<vmem_shared>>)
      tpu.yield
    }) : () -> ()
    "tpu.region"() ({
      %run_scoped3A_431 = tpu.sem_alloc : memref<!tpu.dma_semaphore, #tpu.memory_space<semaphore_mem>>
      %dma_start3A_432 = arith.constant 0 : i32
      %dma_start3A_433 = arith.constant 0 : i32
      %dma_start3A_434 = tpu.memref_slice %arg3[%add3A_108, %arg1, %dma_start3A_432, %dma_start3A_433] : memref<4x16x40x128xi32, #tpu.memory_space<hbm>> -> memref<1x1x40x128xi32, #tpu.memory_space<hbm>>
      %dma_start3A_435 = tpu.memref_squeeze %dma_start3A_434 : memref<1x1x40x128xi32, #tpu.memory_space<hbm>> -> memref<40x128xi32, #tpu.memory_space<hbm>>
      %dma_start3A_436 = arith.constant 0 : i32
      %dma_start3A_437 = arith.constant 0 : i32
      %dma_start3A_438 = tpu.memref_slice %arg3[%add3A_108, %arg1, %dma_start3A_436, %dma_start3A_437] : memref<4x16x40x128xi32, #tpu.memory_space<hbm>> -> memref<1x1x40x128xi32, #tpu.memory_space<hbm>>
      %dma_start3A_439 = tpu.memref_squeeze %dma_start3A_438 : memref<1x1x40x128xi32, #tpu.memory_space<hbm>> -> memref<40x128xi32, #tpu.memory_space<hbm>>
      tpu.enqueue_dma source(%dma_start3A_439 : memref<40x128xi32, #tpu.memory_space<hbm>>) target(%arg9 : memref<40x128xi32, #tpu.memory_space<vmem>>) target_semaphore(%run_scoped3A_431 : memref<!tpu.dma_semaphore, #tpu.memory_space<semaphore_mem>>)
      %dma_wait3A_440 = arith.constant 0 : i32
      %dma_wait3A_441 = arith.constant 0 : i32
      %dma_wait3A_442 = tpu.memref_slice %arg3[%add3A_108, %arg1, %dma_wait3A_440, %dma_wait3A_441] : memref<4x16x40x128xi32, #tpu.memory_space<hbm>> -> memref<1x1x40x128xi32, #tpu.memory_space<hbm>>
      %dma_wait3A_443 = tpu.memref_squeeze %dma_wait3A_442 : memref<1x1x40x128xi32, #tpu.memory_space<hbm>> -> memref<40x128xi32, #tpu.memory_space<hbm>>
      %dma_wait3A_444 = arith.constant 0 : i32
      %dma_wait3A_445 = arith.constant 0 : i32
      %dma_wait3A_446 = tpu.memref_slice %arg3[%add3A_108, %arg1, %dma_wait3A_444, %dma_wait3A_445] : memref<4x16x40x128xi32, #tpu.memory_space<hbm>> -> memref<1x1x40x128xi32, #tpu.memory_space<hbm>>
      %dma_wait3A_447 = tpu.memref_squeeze %dma_wait3A_446 : memref<1x1x40x128xi32, #tpu.memory_space<hbm>> -> memref<40x128xi32, #tpu.memory_space<hbm>>
      tpu.wait_dma2 semaphore(%run_scoped3A_431 : memref<!tpu.dma_semaphore, #tpu.memory_space<semaphore_mem>>) src(%dma_wait3A_447 : memref<40x128xi32, #tpu.memory_space<hbm>>) dst(%arg9 : memref<40x128xi32, #tpu.memory_space<vmem>>)
      tpu.yield
    }) : () -> ()
    "tpu.region"() ({
      %run_scoped3A_431 = tpu.sem_alloc : memref<!tpu.dma_semaphore, #tpu.memory_space<semaphore_mem>>
      %dma_start3A_432 = arith.constant 0 : i32
      %dma_start3A_433 = arith.constant 0 : i32
      %dma_start3A_434 = tpu.memref_slice %arg4[%add3A_108, %arg1, %dma_start3A_432, %dma_start3A_433] : memref<4x16x40x128xi32, #tpu.memory_space<hbm>> -> memref<1x1x40x128xi32, #tpu.memory_space<hbm>>
      %dma_start3A_435 = tpu.memref_squeeze %dma_start3A_434 : memref<1x1x40x128xi32, #tpu.memory_space<hbm>> -> memref<40x128xi32, #tpu.memory_space<hbm>>
      %dma_start3A_436 = arith.constant 0 : i32
      %dma_start3A_437 = arith.constant 0 : i32
      %dma_start3A_438 = tpu.memref_slice %arg4[%add3A_108, %arg1, %dma_start3A_436, %dma_start3A_437] : memref<4x16x40x128xi32, #tpu.memory_space<hbm>> -> memref<1x1x40x128xi32, #tpu.memory_space<hbm>>
      %dma_start3A_439 = tpu.memref_squeeze %dma_start3A_438 : memref<1x1x40x128xi32, #tpu.memory_space<hbm>> -> memref<40x128xi32, #tpu.memory_space<hbm>>
      tpu.enqueue_dma source(%dma_start3A_439 : memref<40x128xi32, #tpu.memory_space<hbm>>) target(%arg10 : memref<40x128xi32, #tpu.memory_space<vmem>>) target_semaphore(%run_scoped3A_431 : memref<!tpu.dma_semaphore, #tpu.memory_space<semaphore_mem>>)
      %dma_wait3A_440 = arith.constant 0 : i32
      %dma_wait3A_441 = arith.constant 0 : i32
      %dma_wait3A_442 = tpu.memref_slice %arg4[%add3A_108, %arg1, %dma_wait3A_440, %dma_wait3A_441] : memref<4x16x40x128xi32, #tpu.memory_space<hbm>> -> memref<1x1x40x128xi32, #tpu.memory_space<hbm>>
      %dma_wait3A_443 = tpu.memref_squeeze %dma_wait3A_442 : memref<1x1x40x128xi32, #tpu.memory_space<hbm>> -> memref<40x128xi32, #tpu.memory_space<hbm>>
      %dma_wait3A_444 = arith.constant 0 : i32
      %dma_wait3A_445 = arith.constant 0 : i32
      %dma_wait3A_446 = tpu.memref_slice %arg4[%add3A_108, %arg1, %dma_wait3A_444, %dma_wait3A_445] : memref<4x16x40x128xi32, #tpu.memory_space<hbm>> -> memref<1x1x40x128xi32, #tpu.memory_space<hbm>>
      %dma_wait3A_447 = tpu.memref_squeeze %dma_wait3A_446 : memref<1x1x40x128xi32, #tpu.memory_space<hbm>> -> memref<40x128xi32, #tpu.memory_space<hbm>>
      tpu.wait_dma2 semaphore(%run_scoped3A_431 : memref<!tpu.dma_semaphore, #tpu.memory_space<semaphore_mem>>) src(%dma_wait3A_447 : memref<40x128xi32, #tpu.memory_space<hbm>>) dst(%arg10 : memref<40x128xi32, #tpu.memory_space<vmem>>)
      tpu.yield
    }) : () -> ()
    %barrier3A_149 = arith.constant 0 : index
    tpu.barrier barrier_id(%barrier3A_149)
    %dma_start3A_150 = arith.constant 0 : i32
    %dma_start3A_151 = arith.constant 0 : i32
    %dma_start3A_152 = tpu.memref_slice %arg9[%dma_start3A_150, %dma_start3A_151] : memref<40x128xi32, #tpu.memory_space<vmem>> -> memref<1x128xi32, #tpu.memory_space<vmem>>
    %dma_start3A_153 = tpu.memref_squeeze %dma_start3A_152 : memref<1x128xi32, #tpu.memory_space<vmem>> -> memref<128xi32, #tpu.memory_space<vmem>>
    %dma_start3A_154 = arith.constant 0 : i32
    %dma_start3A_155 = arith.constant 0 : i32
    %dma_start3A_156 = tpu.memref_slice %arg11[%dma_start3A_154, %dma_start3A_155] : memref<10240x72xf32, #tpu.memory_space<vmem_shared>> -> memref<10240x72xf32, #tpu.memory_space<vmem_shared>>
    tpu.enqueue_indirect_dma source(%dma_start3A_156 : memref<10240x72xf32, #tpu.memory_space<vmem_shared>>) target(%arg7 : memref<128x72xf32, #tpu.memory_space<vmem>>) offsets(%dma_start3A_153 : memref<128xi32, #tpu.memory_space<vmem>>) semaphore(%arg13 : memref<!tpu.dma_semaphore, #tpu.memory_space<semaphore_mem>>)
    %dma_start3A_157 = arith.constant 1 : i32
    %dma_start3A_158 = arith.constant 0 : i32
    %dma_start3A_159 = tpu.memref_slice %arg9[%dma_start3A_157, %dma_start3A_158] : memref<40x128xi32, #tpu.memory_space<vmem>> -> memref<1x128xi32, #tpu.memory_space<vmem>>
    %dma_start3A_160 = tpu.memref_squeeze %dma_start3A_159 : memref<1x128xi32, #tpu.memory_space<vmem>> -> memref<128xi32, #tpu.memory_space<vmem>>
    %dma_start3A_161 = arith.constant 0 : i32
    %dma_start3A_162 = arith.constant 0 : i32
    %dma_start3A_163 = tpu.memref_slice %arg11[%dma_start3A_161, %dma_start3A_162] : memref<10240x72xf32, #tpu.memory_space<vmem_shared>> -> memref<10240x72xf32, #tpu.memory_space<vmem_shared>>
    tpu.enqueue_indirect_dma source(%dma_start3A_163 : memref<10240x72xf32, #tpu.memory_space<vmem_shared>>) target(%arg8 : memref<128x72xf32, #tpu.memory_space<vmem>>) offsets(%dma_start3A_160 : memref<128xi32, #tpu.memory_space<vmem>>) semaphore(%arg14 : memref<!tpu.dma_semaphore, #tpu.memory_space<semaphore_mem>>)
    %scan3A_164 = arith.constant 0 : i32
    %scan3A_165 = arith.constant 0 : i32
    %scan3A_166 = arith.constant 19 : i32
    %scan3A_167 = arith.addi %scan3A_165, %scan3A_166 : i32
    %scan3A_168 = arith.constant 1 : i32
    scf.for %scan3A_431 = %scan3A_165 to %scan3A_167 step %scan3A_168  : i32 {
      %mul3A_432 = arith.constant 2 : i32
      %mul3A_433 = arith.muli %mul3A_432, %scan3A_431 : i32
      %add3A_434 = arith.constant 0 : i32
      %add3A_435 = arith.addi %mul3A_433, %add3A_434 : i32
      %dma_wait3A_436 = arith.constant 0 : i32
      %dma_wait3A_437 = arith.constant 0 : i32
      %dma_wait3A_438 = tpu.memref_slice %arg9[%dma_wait3A_436, %dma_wait3A_437] : memref<40x128xi32, #tpu.memory_space<vmem>> -> memref<1x128xi32, #tpu.memory_space<vmem>>
      %dma_wait3A_439 = tpu.memref_squeeze %dma_wait3A_438 : memref<1x128xi32, #tpu.memory_space<vmem>> -> memref<128xi32, #tpu.memory_space<vmem>>
      %dma_wait3A_440 = arith.constant 0 : i32
      %dma_wait3A_441 = arith.constant 0 : i32
      %dma_wait3A_442 = tpu.memref_slice %arg11[%dma_wait3A_440, %dma_wait3A_441] : memref<10240x72xf32, #tpu.memory_space<vmem_shared>> -> memref<10240x72xf32, #tpu.memory_space<vmem_shared>>
      tpu.wait_indirect_dma semaphore(%arg13 : memref<!tpu.dma_semaphore, #tpu.memory_space<semaphore_mem>>) src(%dma_wait3A_442 : memref<10240x72xf32, #tpu.memory_space<vmem_shared>>) dst(%arg7 : memref<128x72xf32, #tpu.memory_space<vmem>>)
      "tpu.region"() ({
        %run_scoped3A_470 = tpu.sem_alloc : memref<!tpu.dma_semaphore, #tpu.memory_space<semaphore_mem>>
        %dma_start3A_471 = arith.constant 0 : i32
        %dma_start3A_472 = tpu.memref_slice %arg10[%add3A_435, %dma_start3A_471] : memref<40x128xi32, #tpu.memory_space<vmem>> -> memref<1x128xi32, #tpu.memory_space<vmem>>
        %dma_start3A_473 = tpu.memref_squeeze %dma_start3A_472 : memref<1x128xi32, #tpu.memory_space<vmem>> -> memref<128xi32, #tpu.memory_space<vmem>>
        %dma_start3A_474 = arith.constant 0 : i32
        %dma_start3A_475 = arith.constant 0 : i32
        %dma_start3A_476 = tpu.memref_slice %arg12[%dma_start3A_474, %dma_start3A_475] : memref<10240x72xf32, #tpu.memory_space<vmem_shared>> -> memref<10240x72xf32, #tpu.memory_space<vmem_shared>>
        tpu.enqueue_indirect_dma source(%arg7 : memref<128x72xf32, #tpu.memory_space<vmem>>) target(%dma_start3A_476 : memref<10240x72xf32, #tpu.memory_space<vmem_shared>>) offsets(%dma_start3A_473 : memref<128xi32, #tpu.memory_space<vmem>>) semaphore(%run_scoped3A_470 : memref<!tpu.dma_semaphore, #tpu.memory_space<semaphore_mem>>) {add = true}
        %dma_wait3A_477 = arith.constant 0 : i32
        %dma_wait3A_478 = tpu.memref_slice %arg10[%add3A_435, %dma_wait3A_477] : memref<40x128xi32, #tpu.memory_space<vmem>> -> memref<1x128xi32, #tpu.memory_space<vmem>>
        %dma_wait3A_479 = tpu.memref_squeeze %dma_wait3A_478 : memref<1x128xi32, #tpu.memory_space<vmem>> -> memref<128xi32, #tpu.memory_space<vmem>>
        %dma_wait3A_480 = arith.constant 0 : i32
        %dma_wait3A_481 = arith.constant 0 : i32
        %dma_wait3A_482 = tpu.memref_slice %arg12[%dma_wait3A_480, %dma_wait3A_481] : memref<10240x72xf32, #tpu.memory_space<vmem_shared>> -> memref<10240x72xf32, #tpu.memory_space<vmem_shared>>
        tpu.wait_indirect_dma semaphore(%run_scoped3A_470 : memref<!tpu.dma_semaphore, #tpu.memory_space<semaphore_mem>>) src(%arg7 : memref<128x72xf32, #tpu.memory_space<vmem>>) dst(%dma_wait3A_482 : memref<10240x72xf32, #tpu.memory_space<vmem_shared>>)
        tpu.yield
      }) : () -> ()
      %add3A_443 = arith.constant 2 : i32
      %add3A_444 = arith.addi %add3A_435, %add3A_443 : i32
      %dma_start3A_445 = arith.constant 0 : i32
      %dma_start3A_446 = tpu.memref_slice %arg9[%add3A_444, %dma_start3A_445] : memref<40x128xi32, #tpu.memory_space<vmem>> -> memref<1x128xi32, #tpu.memory_space<vmem>>
      %dma_start3A_447 = tpu.memref_squeeze %dma_start3A_446 : memref<1x128xi32, #tpu.memory_space<vmem>> -> memref<128xi32, #tpu.memory_space<vmem>>
      %dma_start3A_448 = arith.constant 0 : i32
      %dma_start3A_449 = arith.constant 0 : i32
      %dma_start3A_450 = tpu.memref_slice %arg11[%dma_start3A_448, %dma_start3A_449] : memref<10240x72xf32, #tpu.memory_space<vmem_shared>> -> memref<10240x72xf32, #tpu.memory_space<vmem_shared>>
      tpu.enqueue_indirect_dma source(%dma_start3A_450 : memref<10240x72xf32, #tpu.memory_space<vmem_shared>>) target(%arg7 : memref<128x72xf32, #tpu.memory_space<vmem>>) offsets(%dma_start3A_447 : memref<128xi32, #tpu.memory_space<vmem>>) semaphore(%arg13 : memref<!tpu.dma_semaphore, #tpu.memory_space<semaphore_mem>>)
      %mul3A_451 = arith.constant 2 : i32
      %mul3A_452 = arith.muli %mul3A_451, %scan3A_431 : i32
      %add3A_453 = arith.constant 1 : i32
      %add3A_454 = arith.addi %mul3A_452, %add3A_453 : i32
      %dma_wait3A_455 = arith.constant 0 : i32
      %dma_wait3A_456 = arith.constant 0 : i32
      %dma_wait3A_457 = tpu.memref_slice %arg9[%dma_wait3A_455, %dma_wait3A_456] : memref<40x128xi32, #tpu.memory_space<vmem>> -> memref<1x128xi32, #tpu.memory_space<vmem>>
      %dma_wait3A_458 = tpu.memref_squeeze %dma_wait3A_457 : memref<1x128xi32, #tpu.memory_space<vmem>> -> memref<128xi32, #tpu.memory_space<vmem>>
      %dma_wait3A_459 = arith.constant 0 : i32
      %dma_wait3A_460 = arith.constant 0 : i32
      %dma_wait3A_461 = tpu.memref_slice %arg11[%dma_wait3A_459, %dma_wait3A_460] : memref<10240x72xf32, #tpu.memory_space<vmem_shared>> -> memref<10240x72xf32, #tpu.memory_space<vmem_shared>>
      tpu.wait_indirect_dma semaphore(%arg14 : memref<!tpu.dma_semaphore, #tpu.memory_space<semaphore_mem>>) src(%dma_wait3A_461 : memref<10240x72xf32, #tpu.memory_space<vmem_shared>>) dst(%arg8 : memref<128x72xf32, #tpu.memory_space<vmem>>)
      "tpu.region"() ({
        %run_scoped3A_470 = tpu.sem_alloc : memref<!tpu.dma_semaphore, #tpu.memory_space<semaphore_mem>>
        %dma_start3A_471 = arith.constant 0 : i32
        %dma_start3A_472 = tpu.memref_slice %arg10[%add3A_454, %dma_start3A_471] : memref<40x128xi32, #tpu.memory_space<vmem>> -> memref<1x128xi32, #tpu.memory_space<vmem>>
        %dma_start3A_473 = tpu.memref_squeeze %dma_start3A_472 : memref<1x128xi32, #tpu.memory_space<vmem>> -> memref<128xi32, #tpu.memory_space<vmem>>
        %dma_start3A_474 = arith.constant 0 : i32
        %dma_start3A_475 = arith.constant 0 : i32
        %dma_start3A_476 = tpu.memref_slice %arg12[%dma_start3A_474, %dma_start3A_475] : memref<10240x72xf32, #tpu.memory_space<vmem_shared>> -> memref<10240x72xf32, #tpu.memory_space<vmem_shared>>
        tpu.enqueue_indirect_dma source(%arg8 : memref<128x72xf32, #tpu.memory_space<vmem>>) target(%dma_start3A_476 : memref<10240x72xf32, #tpu.memory_space<vmem_shared>>) offsets(%dma_start3A_473 : memref<128xi32, #tpu.memory_space<vmem>>) semaphore(%run_scoped3A_470 : memref<!tpu.dma_semaphore, #tpu.memory_space<semaphore_mem>>) {add = true}
        %dma_wait3A_477 = arith.constant 0 : i32
        %dma_wait3A_478 = tpu.memref_slice %arg10[%add3A_454, %dma_wait3A_477] : memref<40x128xi32, #tpu.memory_space<vmem>> -> memref<1x128xi32, #tpu.memory_space<vmem>>
        %dma_wait3A_479 = tpu.memref_squeeze %dma_wait3A_478 : memref<1x128xi32, #tpu.memory_space<vmem>> -> memref<128xi32, #tpu.memory_space<vmem>>
        %dma_wait3A_480 = arith.constant 0 : i32
        %dma_wait3A_481 = arith.constant 0 : i32
        %dma_wait3A_482 = tpu.memref_slice %arg12[%dma_wait3A_480, %dma_wait3A_481] : memref<10240x72xf32, #tpu.memory_space<vmem_shared>> -> memref<10240x72xf32, #tpu.memory_space<vmem_shared>>
        tpu.wait_indirect_dma semaphore(%run_scoped3A_470 : memref<!tpu.dma_semaphore, #tpu.memory_space<semaphore_mem>>) src(%arg8 : memref<128x72xf32, #tpu.memory_space<vmem>>) dst(%dma_wait3A_482 : memref<10240x72xf32, #tpu.memory_space<vmem_shared>>)
        tpu.yield
      }) : () -> ()
      %add3A_462 = arith.constant 2 : i32
      %add3A_463 = arith.addi %add3A_454, %add3A_462 : i32
      %dma_start3A_464 = arith.constant 0 : i32
      %dma_start3A_465 = tpu.memref_slice %arg9[%add3A_463, %dma_start3A_464] : memref<40x128xi32, #tpu.memory_space<vmem>> -> memref<1x128xi32, #tpu.memory_space<vmem>>
      %dma_start3A_466 = tpu.memref_squeeze %dma_start3A_465 : memref<1x128xi32, #tpu.memory_space<vmem>> -> memref<128xi32, #tpu.memory_space<vmem>>
      %dma_start3A_467 = arith.constant 0 : i32
      %dma_start3A_468 = arith.constant 0 : i32
      %dma_start3A_469 = tpu.memref_slice %arg11[%dma_start3A_467, %dma_start3A_468] : memref<10240x72xf32, #tpu.memory_space<vmem_shared>> -> memref<10240x72xf32, #tpu.memory_space<vmem_shared>>
      tpu.enqueue_indirect_dma source(%dma_start3A_469 : memref<10240x72xf32, #tpu.memory_space<vmem_shared>>) target(%arg8 : memref<128x72xf32, #tpu.memory_space<vmem>>) offsets(%dma_start3A_466 : memref<128xi32, #tpu.memory_space<vmem>>) semaphore(%arg14 : memref<!tpu.dma_semaphore, #tpu.memory_space<semaphore_mem>>)
    }
    %scan3A_169 = arith.constant 19 : i32
    %dma_wait3A_170 = arith.constant 0 : i32
    %dma_wait3A_171 = arith.constant 0 : i32
    %dma_wait3A_172 = tpu.memref_slice %arg9[%dma_wait3A_170, %dma_wait3A_171] : memref<40x128xi32, #tpu.memory_space<vmem>> -> memref<1x128xi32, #tpu.memory_space<vmem>>
    %dma_wait3A_173 = tpu.memref_squeeze %dma_wait3A_172 : memref<1x128xi32, #tpu.memory_space<vmem>> -> memref<128xi32, #tpu.memory_space<vmem>>
    %dma_wait3A_174 = arith.constant 0 : i32
    %dma_wait3A_175 = arith.constant 0 : i32
    %dma_wait3A_176 = tpu.memref_slice %arg11[%dma_wait3A_174, %dma_wait3A_175] : memref<10240x72xf32, #tpu.memory_space<vmem_shared>> -> memref<10240x72xf32, #tpu.memory_space<vmem_shared>>
    tpu.wait_indirect_dma semaphore(%arg13 : memref<!tpu.dma_semaphore, #tpu.memory_space<semaphore_mem>>) src(%dma_wait3A_176 : memref<10240x72xf32, #tpu.memory_space<vmem_shared>>) dst(%arg7 : memref<128x72xf32, #tpu.memory_space<vmem>>)
    %run_scoped3A_177 = arith.constant 38 : i32
    "tpu.region"() ({
      %run_scoped3A_431 = tpu.sem_alloc : memref<!tpu.dma_semaphore, #tpu.memory_space<semaphore_mem>>
      %dma_start3A_432 = arith.constant 0 : i32
      %dma_start3A_433 = tpu.memref_slice %arg10[%run_scoped3A_177, %dma_start3A_432] : memref<40x128xi32, #tpu.memory_space<vmem>> -> memref<1x128xi32, #tpu.memory_space<vmem>>
      %dma_start3A_434 = tpu.memref_squeeze %dma_start3A_433 : memref<1x128xi32, #tpu.memory_space<vmem>> -> memref<128xi32, #tpu.memory_space<vmem>>
      %dma_start3A_435 = arith.constant 0 : i32
      %dma_start3A_436 = arith.constant 0 : i32
      %dma_start3A_437 = tpu.memref_slice %arg12[%dma_start3A_435, %dma_start3A_436] : memref<10240x72xf32, #tpu.memory_space<vmem_shared>> -> memref<10240x72xf32, #tpu.memory_space<vmem_shared>>
      tpu.enqueue_indirect_dma source(%arg7 : memref<128x72xf32, #tpu.memory_space<vmem>>) target(%dma_start3A_437 : memref<10240x72xf32, #tpu.memory_space<vmem_shared>>) offsets(%dma_start3A_434 : memref<128xi32, #tpu.memory_space<vmem>>) semaphore(%run_scoped3A_431 : memref<!tpu.dma_semaphore, #tpu.memory_space<semaphore_mem>>) {add = true}
      %dma_wait3A_438 = arith.constant 0 : i32
      %dma_wait3A_439 = tpu.memref_slice %arg10[%run_scoped3A_177, %dma_wait3A_438] : memref<40x128xi32, #tpu.memory_space<vmem>> -> memref<1x128xi32, #tpu.memory_space<vmem>>
      %dma_wait3A_440 = tpu.memref_squeeze %dma_wait3A_439 : memref<1x128xi32, #tpu.memory_space<vmem>> -> memref<128xi32, #tpu.memory_space<vmem>>
      %dma_wait3A_441 = arith.constant 0 : i32
      %dma_wait3A_442 = arith.constant 0 : i32
      %dma_wait3A_443 = tpu.memref_slice %arg12[%dma_wait3A_441, %dma_wait3A_442] : memref<10240x72xf32, #tpu.memory_space<vmem_shared>> -> memref<10240x72xf32, #tpu.memory_space<vmem_shared>>
      tpu.wait_indirect_dma semaphore(%run_scoped3A_431 : memref<!tpu.dma_semaphore, #tpu.memory_space<semaphore_mem>>) src(%arg7 : memref<128x72xf32, #tpu.memory_space<vmem>>) dst(%dma_wait3A_443 : memref<10240x72xf32, #tpu.memory_space<vmem_shared>>)
      tpu.yield
    }) : () -> ()
    %dma_wait3A_178 = arith.constant 0 : i32
    %dma_wait3A_179 = arith.constant 0 : i32
    %dma_wait3A_180 = tpu.memref_slice %arg9[%dma_wait3A_178, %dma_wait3A_179] : memref<40x128xi32, #tpu.memory_space<vmem>> -> memref<1x128xi32, #tpu.memory_space<vmem>>
    %dma_wait3A_181 = tpu.memref_squeeze %dma_wait3A_180 : memref<1x128xi32, #tpu.memory_space<vmem>> -> memref<128xi32, #tpu.memory_space<vmem>>
    %dma_wait3A_182 = arith.constant 0 : i32
    %dma_wait3A_183 = arith.constant 0 : i32
    %dma_wait3A_184 = tpu.memref_slice %arg11[%dma_wait3A_182, %dma_wait3A_183] : memref<10240x72xf32, #tpu.memory_space<vmem_shared>> -> memref<10240x72xf32, #tpu.memory_space<vmem_shared>>
    tpu.wait_indirect_dma semaphore(%arg14 : memref<!tpu.dma_semaphore, #tpu.memory_space<semaphore_mem>>) src(%dma_wait3A_184 : memref<10240x72xf32, #tpu.memory_space<vmem_shared>>) dst(%arg8 : memref<128x72xf32, #tpu.memory_space<vmem>>)
    %run_scoped3A_185 = arith.constant 39 : i32
    "tpu.region"() ({
      %run_scoped3A_431 = tpu.sem_alloc : memref<!tpu.dma_semaphore, #tpu.memory_space<semaphore_mem>>
      %dma_start3A_432 = arith.constant 0 : i32
      %dma_start3A_433 = tpu.memref_slice %arg10[%run_scoped3A_185, %dma_start3A_432] : memref<40x128xi32, #tpu.memory_space<vmem>> -> memref<1x128xi32, #tpu.memory_space<vmem>>
      %dma_start3A_434 = tpu.memref_squeeze %dma_start3A_433 : memref<1x128xi32, #tpu.memory_space<vmem>> -> memref<128xi32, #tpu.memory_space<vmem>>
      %dma_start3A_435 = arith.constant 0 : i32
      %dma_start3A_436 = arith.constant 0 : i32
      %dma_start3A_437 = tpu.memref_slice %arg12[%dma_start3A_435, %dma_start3A_436] : memref<10240x72xf32, #tpu.memory_space<vmem_shared>> -> memref<10240x72xf32, #tpu.memory_space<vmem_shared>>
      tpu.enqueue_indirect_dma source(%arg8 : memref<128x72xf32, #tpu.memory_space<vmem>>) target(%dma_start3A_437 : memref<10240x72xf32, #tpu.memory_space<vmem_shared>>) offsets(%dma_start3A_434 : memref<128xi32, #tpu.memory_space<vmem>>) semaphore(%run_scoped3A_431 : memref<!tpu.dma_semaphore, #tpu.memory_space<semaphore_mem>>) {add = true}
      %dma_wait3A_438 = arith.constant 0 : i32
      %dma_wait3A_439 = tpu.memref_slice %arg10[%run_scoped3A_185, %dma_wait3A_438] : memref<40x128xi32, #tpu.memory_space<vmem>> -> memref<1x128xi32, #tpu.memory_space<vmem>>
      %dma_wait3A_440 = tpu.memref_squeeze %dma_wait3A_439 : memref<1x128xi32, #tpu.memory_space<vmem>> -> memref<128xi32, #tpu.memory_space<vmem>>
      %dma_wait3A_441 = arith.constant 0 : i32
      %dma_wait3A_442 = arith.constant 0 : i32
      %dma_wait3A_443 = tpu.memref_slice %arg12[%dma_wait3A_441, %dma_wait3A_442] : memref<10240x72xf32, #tpu.memory_space<vmem_shared>> -> memref<10240x72xf32, #tpu.memory_space<vmem_shared>>
      tpu.wait_indirect_dma semaphore(%run_scoped3A_431 : memref<!tpu.dma_semaphore, #tpu.memory_space<semaphore_mem>>) src(%arg8 : memref<128x72xf32, #tpu.memory_space<vmem>>) dst(%dma_wait3A_443 : memref<10240x72xf32, #tpu.memory_space<vmem_shared>>)
      tpu.yield
    }) : () -> ()
    %barrier3A_186 = arith.constant 0 : index
    tpu.barrier barrier_id(%barrier3A_186)
    %mul3A_187 = arith.constant 640 : i32
    %mul3A_188 = arith.muli %arg1, %mul3A_187 : i32
    %add3A_189 = arith.constant 0 : i32
    %add3A_190 = arith.addi %mul3A_188, %add3A_189 : i32
    %run_scoped3A_191 = arith.constant 0 : i32
    "tpu.region"() ({
      %run_scoped3A_431 = tpu.sem_alloc : memref<!tpu.dma_semaphore, #tpu.memory_space<semaphore_mem>>
      %dma_start3A_432 = arith.constant 0 : i32
      %dma_start3A_433 = tpu.memref_slice %arg6[%run_scoped3A_191, %add3A_108, %add3A_190, %dma_start3A_432] : memref<2x4x10240x72xf32, #tpu.memory_space<hbm>> -> memref<1x1x128x72xf32, #tpu.memory_space<hbm>>
      %dma_start3A_434 = tpu.memref_squeeze %dma_start3A_433 : memref<1x1x128x72xf32, #tpu.memory_space<hbm>> -> memref<128x72xf32, #tpu.memory_space<hbm>>
      %dma_start3A_435 = arith.constant 0 : i32
      %dma_start3A_436 = tpu.memref_slice %arg12[%add3A_190, %dma_start3A_435] : memref<10240x72xf32, #tpu.memory_space<vmem_shared>> -> memref<128x72xf32, #tpu.memory_space<vmem_shared>>
      tpu.enqueue_dma source(%dma_start3A_436 : memref<128x72xf32, #tpu.memory_space<vmem_shared>>) target(%dma_start3A_434 : memref<128x72xf32, #tpu.memory_space<hbm>>) target_semaphore(%run_scoped3A_431 : memref<!tpu.dma_semaphore, #tpu.memory_space<semaphore_mem>>)
      %dma_wait3A_437 = arith.constant 0 : i32
      %dma_wait3A_438 = tpu.memref_slice %arg6[%run_scoped3A_191, %add3A_108, %add3A_190, %dma_wait3A_437] : memref<2x4x10240x72xf32, #tpu.memory_space<hbm>> -> memref<1x1x128x72xf32, #tpu.memory_space<hbm>>
      %dma_wait3A_439 = tpu.memref_squeeze %dma_wait3A_438 : memref<1x1x128x72xf32, #tpu.memory_space<hbm>> -> memref<128x72xf32, #tpu.memory_space<hbm>>
      %dma_wait3A_440 = arith.constant 0 : i32
      %dma_wait3A_441 = tpu.memref_slice %arg12[%add3A_190, %dma_wait3A_440] : memref<10240x72xf32, #tpu.memory_space<vmem_shared>> -> memref<128x72xf32, #tpu.memory_space<vmem_shared>>
      tpu.wait_dma2 semaphore(%run_scoped3A_431 : memref<!tpu.dma_semaphore, #tpu.memory_space<semaphore_mem>>) src(%dma_wait3A_441 : memref<128x72xf32, #tpu.memory_space<vmem_shared>>) dst(%dma_wait3A_439 : memref<128x72xf32, #tpu.memory_space<hbm>>)
      tpu.yield
    }) : () -> ()
    %mul3A_192 = arith.constant 640 : i32
    %mul3A_193 = arith.muli %arg1, %mul3A_192 : i32
    %add3A_194 = arith.constant 128 : i32
    %add3A_195 = arith.addi %mul3A_193, %add3A_194 : i32
    %run_scoped3A_196 = arith.constant 0 : i32
    "tpu.region"() ({
      %run_scoped3A_431 = tpu.sem_alloc : memref<!tpu.dma_semaphore, #tpu.memory_space<semaphore_mem>>
      %dma_start3A_432 = arith.constant 0 : i32
      %dma_start3A_433 = tpu.memref_slice %arg6[%run_scoped3A_196, %add3A_108, %add3A_195, %dma_start3A_432] : memref<2x4x10240x72xf32, #tpu.memory_space<hbm>> -> memref<1x1x128x72xf32, #tpu.memory_space<hbm>>
      %dma_start3A_434 = tpu.memref_squeeze %dma_start3A_433 : memref<1x1x128x72xf32, #tpu.memory_space<hbm>> -> memref<128x72xf32, #tpu.memory_space<hbm>>
      %dma_start3A_435 = arith.constant 0 : i32
      %dma_start3A_436 = tpu.memref_slice %arg12[%add3A_195, %dma_start3A_435] : memref<10240x72xf32, #tpu.memory_space<vmem_shared>> -> memref<128x72xf32, #tpu.memory_space<vmem_shared>>
      tpu.enqueue_dma source(%dma_start3A_436 : memref<128x72xf32, #tpu.memory_space<vmem_shared>>) target(%dma_start3A_434 : memref<128x72xf32, #tpu.memory_space<hbm>>) target_semaphore(%run_scoped3A_431 : memref<!tpu.dma_semaphore, #tpu.memory_space<semaphore_mem>>)
      %dma_wait3A_437 = arith.constant 0 : i32
      %dma_wait3A_438 = tpu.memref_slice %arg6[%run_scoped3A_196, %add3A_108, %add3A_195, %dma_wait3A_437] : memref<2x4x10240x72xf32, #tpu.memory_space<hbm>> -> memref<1x1x128x72xf32, #tpu.memory_space<hbm>>
      %dma_wait3A_439 = tpu.memref_squeeze %dma_wait3A_438 : memref<1x1x128x72xf32, #tpu.memory_space<hbm>> -> memref<128x72xf32, #tpu.memory_space<hbm>>
      %dma_wait3A_440 = arith.constant 0 : i32
      %dma_wait3A_441 = tpu.memref_slice %arg12[%add3A_195, %dma_wait3A_440] : memref<10240x72xf32, #tpu.memory_space<vmem_shared>> -> memref<128x72xf32, #tpu.memory_space<vmem_shared>>
      tpu.wait_dma2 semaphore(%run_scoped3A_431 : memref<!tpu.dma_semaphore, #tpu.memory_space<semaphore_mem>>) src(%dma_wait3A_441 : memref<128x72xf32, #tpu.memory_space<vmem_shared>>) dst(%dma_wait3A_439 : memref<128x72xf32, #tpu.memory_space<hbm>>)
      tpu.yield
    }) : () -> ()
    %mul3A_197 = arith.constant 640 : i32
    %mul3A_198 = arith.muli %arg1, %mul3A_197 : i32
    %add3A_199 = arith.constant 256 : i32
    %add3A_200 = arith.addi %mul3A_198, %add3A_199 : i32
    %run_scoped3A_201 = arith.constant 0 : i32
    "tpu.region"() ({
      %run_scoped3A_431 = tpu.sem_alloc : memref<!tpu.dma_semaphore, #tpu.memory_space<semaphore_mem>>
      %dma_start3A_432 = arith.constant 0 : i32
      %dma_start3A_433 = tpu.memref_slice %arg6[%run_scoped3A_201, %add3A_108, %add3A_200, %dma_start3A_432] : memref<2x4x10240x72xf32, #tpu.memory_space<hbm>> -> memref<1x1x128x72xf32, #tpu.memory_space<hbm>>
      %dma_start3A_434 = tpu.memref_squeeze %dma_start3A_433 : memref<1x1x128x72xf32, #tpu.memory_space<hbm>> -> memref<128x72xf32, #tpu.memory_space<hbm>>
      %dma_start3A_435 = arith.constant 0 : i32
      %dma_start3A_436 = tpu.memref_slice %arg12[%add3A_200, %dma_start3A_435] : memref<10240x72xf32, #tpu.memory_space<vmem_shared>> -> memref<128x72xf32, #tpu.memory_space<vmem_shared>>
      tpu.enqueue_dma source(%dma_start3A_436 : memref<128x72xf32, #tpu.memory_space<vmem_shared>>) target(%dma_start3A_434 : memref<128x72xf32, #tpu.memory_space<hbm>>) target_semaphore(%run_scoped3A_431 : memref<!tpu.dma_semaphore, #tpu.memory_space<semaphore_mem>>)
      %dma_wait3A_437 = arith.constant 0 : i32
      %dma_wait3A_438 = tpu.memref_slice %arg6[%run_scoped3A_201, %add3A_108, %add3A_200, %dma_wait3A_437] : memref<2x4x10240x72xf32, #tpu.memory_space<hbm>> -> memref<1x1x128x72xf32, #tpu.memory_space<hbm>>
      %dma_wait3A_439 = tpu.memref_squeeze %dma_wait3A_438 : memref<1x1x128x72xf32, #tpu.memory_space<hbm>> -> memref<128x72xf32, #tpu.memory_space<hbm>>
      %dma_wait3A_440 = arith.constant 0 : i32
      %dma_wait3A_441 = tpu.memref_slice %arg12[%add3A_200, %dma_wait3A_440] : memref<10240x72xf32, #tpu.memory_space<vmem_shared>> -> memref<128x72xf32, #tpu.memory_space<vmem_shared>>
      tpu.wait_dma2 semaphore(%run_scoped3A_431 : memref<!tpu.dma_semaphore, #tpu.memory_space<semaphore_mem>>) src(%dma_wait3A_441 : memref<128x72xf32, #tpu.memory_space<vmem_shared>>) dst(%dma_wait3A_439 : memref<128x72xf32, #tpu.memory_space<hbm>>)
      tpu.yield
    }) : () -> ()
    %mul3A_202 = arith.constant 640 : i32
    %mul3A_203 = arith.muli %arg1, %mul3A_202 : i32
    %add3A_204 = arith.constant 384 : i32
    %add3A_205 = arith.addi %mul3A_203, %add3A_204 : i32
    %run_scoped3A_206 = arith.constant 0 : i32
    "tpu.region"() ({
      %run_scoped3A_431 = tpu.sem_alloc : memref<!tpu.dma_semaphore, #tpu.memory_space<semaphore_mem>>
      %dma_start3A_432 = arith.constant 0 : i32
      %dma_start3A_433 = tpu.memref_slice %arg6[%run_scoped3A_206, %add3A_108, %add3A_205, %dma_start3A_432] : memref<2x4x10240x72xf32, #tpu.memory_space<hbm>> -> memref<1x1x128x72xf32, #tpu.memory_space<hbm>>
      %dma_start3A_434 = tpu.memref_squeeze %dma_start3A_433 : memref<1x1x128x72xf32, #tpu.memory_space<hbm>> -> memref<128x72xf32, #tpu.memory_space<hbm>>
      %dma_start3A_435 = arith.constant 0 : i32
      %dma_start3A_436 = tpu.memref_slice %arg12[%add3A_205, %dma_start3A_435] : memref<10240x72xf32, #tpu.memory_space<vmem_shared>> -> memref<128x72xf32, #tpu.memory_space<vmem_shared>>
      tpu.enqueue_dma source(%dma_start3A_436 : memref<128x72xf32, #tpu.memory_space<vmem_shared>>) target(%dma_start3A_434 : memref<128x72xf32, #tpu.memory_space<hbm>>) target_semaphore(%run_scoped3A_431 : memref<!tpu.dma_semaphore, #tpu.memory_space<semaphore_mem>>)
      %dma_wait3A_437 = arith.constant 0 : i32
      %dma_wait3A_438 = tpu.memref_slice %arg6[%run_scoped3A_206, %add3A_108, %add3A_205, %dma_wait3A_437] : memref<2x4x10240x72xf32, #tpu.memory_space<hbm>> -> memref<1x1x128x72xf32, #tpu.memory_space<hbm>>
      %dma_wait3A_439 = tpu.memref_squeeze %dma_wait3A_438 : memref<1x1x128x72xf32, #tpu.memory_space<hbm>> -> memref<128x72xf32, #tpu.memory_space<hbm>>
      %dma_wait3A_440 = arith.constant 0 : i32
      %dma_wait3A_441 = tpu.memref_slice %arg12[%add3A_205, %dma_wait3A_440] : memref<10240x72xf32, #tpu.memory_space<vmem_shared>> -> memref<128x72xf32, #tpu.memory_space<vmem_shared>>
      tpu.wait_dma2 semaphore(%run_scoped3A_431 : memref<!tpu.dma_semaphore, #tpu.memory_space<semaphore_mem>>) src(%dma_wait3A_441 : memref<128x72xf32, #tpu.memory_space<vmem_shared>>) dst(%dma_wait3A_439 : memref<128x72xf32, #tpu.memory_space<hbm>>)
      tpu.yield
    }) : () -> ()
    %mul3A_207 = arith.constant 640 : i32
    %mul3A_208 = arith.muli %arg1, %mul3A_207 : i32
    %add3A_209 = arith.constant 512 : i32
    %add3A_210 = arith.addi %mul3A_208, %add3A_209 : i32
    %run_scoped3A_211 = arith.constant 0 : i32
    "tpu.region"() ({
      %run_scoped3A_431 = tpu.sem_alloc : memref<!tpu.dma_semaphore, #tpu.memory_space<semaphore_mem>>
      %dma_start3A_432 = arith.constant 0 : i32
      %dma_start3A_433 = tpu.memref_slice %arg6[%run_scoped3A_211, %add3A_108, %add3A_210, %dma_start3A_432] : memref<2x4x10240x72xf32, #tpu.memory_space<hbm>> -> memref<1x1x128x72xf32, #tpu.memory_space<hbm>>
      %dma_start3A_434 = tpu.memref_squeeze %dma_start3A_433 : memref<1x1x128x72xf32, #tpu.memory_space<hbm>> -> memref<128x72xf32, #tpu.memory_space<hbm>>
      %dma_start3A_435 = arith.constant 0 : i32
      %dma_start3A_436 = tpu.memref_slice %arg12[%add3A_210, %dma_start3A_435] : memref<10240x72xf32, #tpu.memory_space<vmem_shared>> -> memref<128x72xf32, #tpu.memory_space<vmem_shared>>
      tpu.enqueue_dma source(%dma_start3A_436 : memref<128x72xf32, #tpu.memory_space<vmem_shared>>) target(%dma_start3A_434 : memref<128x72xf32, #tpu.memory_space<hbm>>) target_semaphore(%run_scoped3A_431 : memref<!tpu.dma_semaphore, #tpu.memory_space<semaphore_mem>>)
      %dma_wait3A_437 = arith.constant 0 : i32
      %dma_wait3A_438 = tpu.memref_slice %arg6[%run_scoped3A_211, %add3A_108, %add3A_210, %dma_wait3A_437] : memref<2x4x10240x72xf32, #tpu.memory_space<hbm>> -> memref<1x1x128x72xf32, #tpu.memory_space<hbm>>
      %dma_wait3A_439 = tpu.memref_squeeze %dma_wait3A_438 : memref<1x1x128x72xf32, #tpu.memory_space<hbm>> -> memref<128x72xf32, #tpu.memory_space<hbm>>
      %dma_wait3A_440 = arith.constant 0 : i32
      %dma_wait3A_441 = tpu.memref_slice %arg12[%add3A_210, %dma_wait3A_440] : memref<10240x72xf32, #tpu.memory_space<vmem_shared>> -> memref<128x72xf32, #tpu.memory_space<vmem_shared>>
      tpu.wait_dma2 semaphore(%run_scoped3A_431 : memref<!tpu.dma_semaphore, #tpu.memory_space<semaphore_mem>>) src(%dma_wait3A_441 : memref<128x72xf32, #tpu.memory_space<vmem_shared>>) dst(%dma_wait3A_439 : memref<128x72xf32, #tpu.memory_space<hbm>>)
      tpu.yield
    }) : () -> ()
    %mul3A_212 = arith.constant 640 : i32
    %mul3A_213 = arith.muli %arg1, %mul3A_212 : i32
    %mul3A_214 = arith.constant 640 : i32
    %mul3A_215 = arith.muli %arg1, %mul3A_214 : i32
    "tpu.region"() ({
      %run_scoped3A_431 = tpu.sem_alloc : memref<!tpu.dma_semaphore, #tpu.memory_space<semaphore_mem>>
      %dma_start3A_432 = arith.constant 0 : i32
      %dma_start3A_433 = tpu.memref_slice %arg11[%mul3A_215, %dma_start3A_432] : memref<10240x72xf32, #tpu.memory_space<vmem_shared>> -> memref<640x72xf32, #tpu.memory_space<vmem_shared>>
      %dma_start3A_434 = arith.constant 72 : i32
      %dma_start3A_435 = tpu.memref_slice %arg2[%mul3A_213, %dma_start3A_434] : memref<10240x144xf32, #tpu.memory_space<hbm>> -> memref<640x72xf32, #tpu.memory_space<hbm>>
      tpu.enqueue_dma source(%dma_start3A_435 : memref<640x72xf32, #tpu.memory_space<hbm>>) target(%dma_start3A_433 : memref<640x72xf32, #tpu.memory_space<vmem_shared>>) target_semaphore(%run_scoped3A_431 : memref<!tpu.dma_semaphore, #tpu.memory_space<semaphore_mem>>)
      %dma_wait3A_436 = arith.constant 0 : i32
      %dma_wait3A_437 = tpu.memref_slice %arg11[%mul3A_215, %dma_wait3A_436] : memref<10240x72xf32, #tpu.memory_space<vmem_shared>> -> memref<640x72xf32, #tpu.memory_space<vmem_shared>>
      %dma_wait3A_438 = arith.constant 72 : i32
      %dma_wait3A_439 = tpu.memref_slice %arg2[%mul3A_213, %dma_wait3A_438] : memref<10240x144xf32, #tpu.memory_space<hbm>> -> memref<640x72xf32, #tpu.memory_space<hbm>>
      tpu.wait_dma2 semaphore(%run_scoped3A_431 : memref<!tpu.dma_semaphore, #tpu.memory_space<semaphore_mem>>) src(%dma_wait3A_439 : memref<640x72xf32, #tpu.memory_space<hbm>>) dst(%dma_wait3A_437 : memref<640x72xf32, #tpu.memory_space<vmem_shared>>)
      tpu.yield
    }) : () -> ()
    %barrier3A_216 = arith.constant 0 : index
    tpu.barrier barrier_id(%barrier3A_216)
    %mul3A_217 = arith.constant 2 : i32
    %mul3A_218 = arith.muli %arg0, %mul3A_217 : i32
    %add3A_219 = arith.constant 0 : i32
    %add3A_220 = arith.addi %mul3A_218, %add3A_219 : i32
    "tpu.region"() ({
      %run_scoped3A_431 = tpu.sem_alloc : memref<!tpu.dma_semaphore, #tpu.memory_space<semaphore_mem>>
      %dma_start3A_432 = arith.constant 0 : i32
      %dma_start3A_433 = arith.constant 0 : i32
      %dma_start3A_434 = tpu.memref_slice %arg7[%dma_start3A_432, %dma_start3A_433] : memref<128x72xf32, #tpu.memory_space<vmem>> -> memref<64x72xf32, #tpu.memory_space<vmem>>
      %dma_start3A_435 = arith.constant 0 : i32
      %dma_start3A_436 = arith.constant 0 : i32
      %dma_start3A_437 = tpu.memref_slice %arg7[%dma_start3A_435, %dma_start3A_436] : memref<128x72xf32, #tpu.memory_space<vmem>> -> memref<64x72xf32, #tpu.memory_space<vmem>>
      tpu.enqueue_dma source(%arg5 : memref<64x72xf32, #tpu.memory_space<hbm>>) target(%dma_start3A_437 : memref<64x72xf32, #tpu.memory_space<vmem>>) target_semaphore(%run_scoped3A_431 : memref<!tpu.dma_semaphore, #tpu.memory_space<semaphore_mem>>)
      %dma_wait3A_438 = arith.constant 0 : i32
      %dma_wait3A_439 = arith.constant 0 : i32
      %dma_wait3A_440 = tpu.memref_slice %arg7[%dma_wait3A_438, %dma_wait3A_439] : memref<128x72xf32, #tpu.memory_space<vmem>> -> memref<64x72xf32, #tpu.memory_space<vmem>>
      %dma_wait3A_441 = arith.constant 0 : i32
      %dma_wait3A_442 = arith.constant 0 : i32
      %dma_wait3A_443 = tpu.memref_slice %arg7[%dma_wait3A_441, %dma_wait3A_442] : memref<128x72xf32, #tpu.memory_space<vmem>> -> memref<64x72xf32, #tpu.memory_space<vmem>>
      tpu.wait_dma2 semaphore(%run_scoped3A_431 : memref<!tpu.dma_semaphore, #tpu.memory_space<semaphore_mem>>) src(%arg5 : memref<64x72xf32, #tpu.memory_space<hbm>>) dst(%dma_wait3A_443 : memref<64x72xf32, #tpu.memory_space<vmem>>)
      tpu.yield
    }) : () -> ()
    %mul3A_221 = arith.constant 640 : i32
    %mul3A_222 = arith.muli %arg1, %mul3A_221 : i32
    %add3A_223 = arith.constant 0 : i32
    %add3A_224 = arith.addi %mul3A_222, %add3A_223 : i32
    "tpu.region"() ({
      %run_scoped3A_431 = tpu.sem_alloc : memref<!tpu.dma_semaphore, #tpu.memory_space<semaphore_mem>>
      %dma_start3A_432 = arith.constant 0 : i32
      %dma_start3A_433 = arith.constant 0 : i32
      %dma_start3A_434 = tpu.memref_slice %arg7[%dma_start3A_432, %dma_start3A_433] : memref<128x72xf32, #tpu.memory_space<vmem>> -> memref<64x72xf32, #tpu.memory_space<vmem>>
      %dma_start3A_435 = arith.constant 0 : i32
      %dma_start3A_436 = tpu.memref_slice %arg12[%add3A_224, %dma_start3A_435] : memref<10240x72xf32, #tpu.memory_space<vmem_shared>> -> memref<64x72xf32, #tpu.memory_space<vmem_shared>>
      %dma_start3A_437 = arith.constant 0 : i32
      %dma_start3A_438 = tpu.memref_slice %arg12[%add3A_224, %dma_start3A_437] : memref<10240x72xf32, #tpu.memory_space<vmem_shared>> -> memref<64x72xf32, #tpu.memory_space<vmem_shared>>
      %dma_start3A_439 = arith.constant 0 : i32
      %dma_start3A_440 = arith.constant 0 : i32
      %dma_start3A_441 = tpu.memref_slice %arg7[%dma_start3A_439, %dma_start3A_440] : memref<128x72xf32, #tpu.memory_space<vmem>> -> memref<64x72xf32, #tpu.memory_space<vmem>>
      tpu.enqueue_dma source(%dma_start3A_441 : memref<64x72xf32, #tpu.memory_space<vmem>>) target(%dma_start3A_438 : memref<64x72xf32, #tpu.memory_space<vmem_shared>>) target_semaphore(%run_scoped3A_431 : memref<!tpu.dma_semaphore, #tpu.memory_space<semaphore_mem>>)
      %dma_wait3A_442 = arith.constant 0 : i32
      %dma_wait3A_443 = arith.constant 0 : i32
      %dma_wait3A_444 = tpu.memref_slice %arg7[%dma_wait3A_442, %dma_wait3A_443] : memref<128x72xf32, #tpu.memory_space<vmem>> -> memref<64x72xf32, #tpu.memory_space<vmem>>
      %dma_wait3A_445 = arith.constant 0 : i32
      %dma_wait3A_446 = tpu.memref_slice %arg12[%add3A_224, %dma_wait3A_445] : memref<10240x72xf32, #tpu.memory_space<vmem_shared>> -> memref<64x72xf32, #tpu.memory_space<vmem_shared>>
      %dma_wait3A_447 = arith.constant 0 : i32
      %dma_wait3A_448 = tpu.memref_slice %arg12[%add3A_224, %dma_wait3A_447] : memref<10240x72xf32, #tpu.memory_space<vmem_shared>> -> memref<64x72xf32, #tpu.memory_space<vmem_shared>>
      %dma_wait3A_449 = arith.constant 0 : i32
      %dma_wait3A_450 = arith.constant 0 : i32
      %dma_wait3A_451 = tpu.memref_slice %arg7[%dma_wait3A_449, %dma_wait3A_450] : memref<128x72xf32, #tpu.memory_space<vmem>> -> memref<64x72xf32, #tpu.memory_space<vmem>>
      tpu.wait_dma2 semaphore(%run_scoped3A_431 : memref<!tpu.dma_semaphore, #tpu.memory_space<semaphore_mem>>) src(%dma_wait3A_451 : memref<64x72xf32, #tpu.memory_space<vmem>>) dst(%dma_wait3A_448 : memref<64x72xf32, #tpu.memory_space<vmem_shared>>)
      tpu.yield
    }) : () -> ()
    %mul3A_225 = arith.constant 640 : i32
    %mul3A_226 = arith.muli %arg1, %mul3A_225 : i32
    %add3A_227 = arith.constant 64 : i32
    %add3A_228 = arith.addi %mul3A_226, %add3A_227 : i32
    "tpu.region"() ({
      %run_scoped3A_431 = tpu.sem_alloc : memref<!tpu.dma_semaphore, #tpu.memory_space<semaphore_mem>>
      %dma_start3A_432 = arith.constant 0 : i32
      %dma_start3A_433 = arith.constant 0 : i32
      %dma_start3A_434 = tpu.memref_slice %arg7[%dma_start3A_432, %dma_start3A_433] : memref<128x72xf32, #tpu.memory_space<vmem>> -> memref<64x72xf32, #tpu.memory_space<vmem>>
      %dma_start3A_435 = arith.constant 0 : i32
      %dma_start3A_436 = tpu.memref_slice %arg12[%add3A_228, %dma_start3A_435] : memref<10240x72xf32, #tpu.memory_space<vmem_shared>> -> memref<64x72xf32, #tpu.memory_space<vmem_shared>>
      %dma_start3A_437 = arith.constant 0 : i32
      %dma_start3A_438 = tpu.memref_slice %arg12[%add3A_228, %dma_start3A_437] : memref<10240x72xf32, #tpu.memory_space<vmem_shared>> -> memref<64x72xf32, #tpu.memory_space<vmem_shared>>
      %dma_start3A_439 = arith.constant 0 : i32
      %dma_start3A_440 = arith.constant 0 : i32
      %dma_start3A_441 = tpu.memref_slice %arg7[%dma_start3A_439, %dma_start3A_440] : memref<128x72xf32, #tpu.memory_space<vmem>> -> memref<64x72xf32, #tpu.memory_space<vmem>>
      tpu.enqueue_dma source(%dma_start3A_441 : memref<64x72xf32, #tpu.memory_space<vmem>>) target(%dma_start3A_438 : memref<64x72xf32, #tpu.memory_space<vmem_shared>>) target_semaphore(%run_scoped3A_431 : memref<!tpu.dma_semaphore, #tpu.memory_space<semaphore_mem>>)
      %dma_wait3A_442 = arith.constant 0 : i32
      %dma_wait3A_443 = arith.constant 0 : i32
      %dma_wait3A_444 = tpu.memref_slice %arg7[%dma_wait3A_442, %dma_wait3A_443] : memref<128x72xf32, #tpu.memory_space<vmem>> -> memref<64x72xf32, #tpu.memory_space<vmem>>
      %dma_wait3A_445 = arith.constant 0 : i32
      %dma_wait3A_446 = tpu.memref_slice %arg12[%add3A_228, %dma_wait3A_445] : memref<10240x72xf32, #tpu.memory_space<vmem_shared>> -> memref<64x72xf32, #tpu.memory_space<vmem_shared>>
      %dma_wait3A_447 = arith.constant 0 : i32
      %dma_wait3A_448 = tpu.memref_slice %arg12[%add3A_228, %dma_wait3A_447] : memref<10240x72xf32, #tpu.memory_space<vmem_shared>> -> memref<64x72xf32, #tpu.memory_space<vmem_shared>>
      %dma_wait3A_449 = arith.constant 0 : i32
      %dma_wait3A_450 = arith.constant 0 : i32
      %dma_wait3A_451 = tpu.memref_slice %arg7[%dma_wait3A_449, %dma_wait3A_450] : memref<128x72xf32, #tpu.memory_space<vmem>> -> memref<64x72xf32, #tpu.memory_space<vmem>>
      tpu.wait_dma2 semaphore(%run_scoped3A_431 : memref<!tpu.dma_semaphore, #tpu.memory_space<semaphore_mem>>) src(%dma_wait3A_451 : memref<64x72xf32, #tpu.memory_space<vmem>>) dst(%dma_wait3A_448 : memref<64x72xf32, #tpu.memory_space<vmem_shared>>)
      tpu.yield
    }) : () -> ()
    %mul3A_229 = arith.constant 640 : i32
    %mul3A_230 = arith.muli %arg1, %mul3A_229 : i32
    %add3A_231 = arith.constant 128 : i32
    %add3A_232 = arith.addi %mul3A_230, %add3A_231 : i32
    "tpu.region"() ({
      %run_scoped3A_431 = tpu.sem_alloc : memref<!tpu.dma_semaphore, #tpu.memory_space<semaphore_mem>>
      %dma_start3A_432 = arith.constant 0 : i32
      %dma_start3A_433 = arith.constant 0 : i32
      %dma_start3A_434 = tpu.memref_slice %arg7[%dma_start3A_432, %dma_start3A_433] : memref<128x72xf32, #tpu.memory_space<vmem>> -> memref<64x72xf32, #tpu.memory_space<vmem>>
      %dma_start3A_435 = arith.constant 0 : i32
      %dma_start3A_436 = tpu.memref_slice %arg12[%add3A_232, %dma_start3A_435] : memref<10240x72xf32, #tpu.memory_space<vmem_shared>> -> memref<64x72xf32, #tpu.memory_space<vmem_shared>>
      %dma_start3A_437 = arith.constant 0 : i32
      %dma_start3A_438 = tpu.memref_slice %arg12[%add3A_232, %dma_start3A_437] : memref<10240x72xf32, #tpu.memory_space<vmem_shared>> -> memref<64x72xf32, #tpu.memory_space<vmem_shared>>
      %dma_start3A_439 = arith.constant 0 : i32
      %dma_start3A_440 = arith.constant 0 : i32
      %dma_start3A_441 = tpu.memref_slice %arg7[%dma_start3A_439, %dma_start3A_440] : memref<128x72xf32, #tpu.memory_space<vmem>> -> memref<64x72xf32, #tpu.memory_space<vmem>>
      tpu.enqueue_dma source(%dma_start3A_441 : memref<64x72xf32, #tpu.memory_space<vmem>>) target(%dma_start3A_438 : memref<64x72xf32, #tpu.memory_space<vmem_shared>>) target_semaphore(%run_scoped3A_431 : memref<!tpu.dma_semaphore, #tpu.memory_space<semaphore_mem>>)
      %dma_wait3A_442 = arith.constant 0 : i32
      %dma_wait3A_443 = arith.constant 0 : i32
      %dma_wait3A_444 = tpu.memref_slice %arg7[%dma_wait3A_442, %dma_wait3A_443] : memref<128x72xf32, #tpu.memory_space<vmem>> -> memref<64x72xf32, #tpu.memory_space<vmem>>
      %dma_wait3A_445 = arith.constant 0 : i32
      %dma_wait3A_446 = tpu.memref_slice %arg12[%add3A_232, %dma_wait3A_445] : memref<10240x72xf32, #tpu.memory_space<vmem_shared>> -> memref<64x72xf32, #tpu.memory_space<vmem_shared>>
      %dma_wait3A_447 = arith.constant 0 : i32
      %dma_wait3A_448 = tpu.memref_slice %arg12[%add3A_232, %dma_wait3A_447] : memref<10240x72xf32, #tpu.memory_space<vmem_shared>> -> memref<64x72xf32, #tpu.memory_space<vmem_shared>>
      %dma_wait3A_449 = arith.constant 0 : i32
      %dma_wait3A_450 = arith.constant 0 : i32
      %dma_wait3A_451 = tpu.memref_slice %arg7[%dma_wait3A_449, %dma_wait3A_450] : memref<128x72xf32, #tpu.memory_space<vmem>> -> memref<64x72xf32, #tpu.memory_space<vmem>>
      tpu.wait_dma2 semaphore(%run_scoped3A_431 : memref<!tpu.dma_semaphore, #tpu.memory_space<semaphore_mem>>) src(%dma_wait3A_451 : memref<64x72xf32, #tpu.memory_space<vmem>>) dst(%dma_wait3A_448 : memref<64x72xf32, #tpu.memory_space<vmem_shared>>)
      tpu.yield
    }) : () -> ()
    %mul3A_233 = arith.constant 640 : i32
    %mul3A_234 = arith.muli %arg1, %mul3A_233 : i32
    %add3A_235 = arith.constant 192 : i32
    %add3A_236 = arith.addi %mul3A_234, %add3A_235 : i32
    "tpu.region"() ({
      %run_scoped3A_431 = tpu.sem_alloc : memref<!tpu.dma_semaphore, #tpu.memory_space<semaphore_mem>>
      %dma_start3A_432 = arith.constant 0 : i32
      %dma_start3A_433 = arith.constant 0 : i32
      %dma_start3A_434 = tpu.memref_slice %arg7[%dma_start3A_432, %dma_start3A_433] : memref<128x72xf32, #tpu.memory_space<vmem>> -> memref<64x72xf32, #tpu.memory_space<vmem>>
      %dma_start3A_435 = arith.constant 0 : i32
      %dma_start3A_436 = tpu.memref_slice %arg12[%add3A_236, %dma_start3A_435] : memref<10240x72xf32, #tpu.memory_space<vmem_shared>> -> memref<64x72xf32, #tpu.memory_space<vmem_shared>>
      %dma_start3A_437 = arith.constant 0 : i32
      %dma_start3A_438 = tpu.memref_slice %arg12[%add3A_236, %dma_start3A_437] : memref<10240x72xf32, #tpu.memory_space<vmem_shared>> -> memref<64x72xf32, #tpu.memory_space<vmem_shared>>
      %dma_start3A_439 = arith.constant 0 : i32
      %dma_start3A_440 = arith.constant 0 : i32
      %dma_start3A_441 = tpu.memref_slice %arg7[%dma_start3A_439, %dma_start3A_440] : memref<128x72xf32, #tpu.memory_space<vmem>> -> memref<64x72xf32, #tpu.memory_space<vmem>>
      tpu.enqueue_dma source(%dma_start3A_441 : memref<64x72xf32, #tpu.memory_space<vmem>>) target(%dma_start3A_438 : memref<64x72xf32, #tpu.memory_space<vmem_shared>>) target_semaphore(%run_scoped3A_431 : memref<!tpu.dma_semaphore, #tpu.memory_space<semaphore_mem>>)
      %dma_wait3A_442 = arith.constant 0 : i32
      %dma_wait3A_443 = arith.constant 0 : i32
      %dma_wait3A_444 = tpu.memref_slice %arg7[%dma_wait3A_442, %dma_wait3A_443] : memref<128x72xf32, #tpu.memory_space<vmem>> -> memref<64x72xf32, #tpu.memory_space<vmem>>
      %dma_wait3A_445 = arith.constant 0 : i32
      %dma_wait3A_446 = tpu.memref_slice %arg12[%add3A_236, %dma_wait3A_445] : memref<10240x72xf32, #tpu.memory_space<vmem_shared>> -> memref<64x72xf32, #tpu.memory_space<vmem_shared>>
      %dma_wait3A_447 = arith.constant 0 : i32
      %dma_wait3A_448 = tpu.memref_slice %arg12[%add3A_236, %dma_wait3A_447] : memref<10240x72xf32, #tpu.memory_space<vmem_shared>> -> memref<64x72xf32, #tpu.memory_space<vmem_shared>>
      %dma_wait3A_449 = arith.constant 0 : i32
      %dma_wait3A_450 = arith.constant 0 : i32
      %dma_wait3A_451 = tpu.memref_slice %arg7[%dma_wait3A_449, %dma_wait3A_450] : memref<128x72xf32, #tpu.memory_space<vmem>> -> memref<64x72xf32, #tpu.memory_space<vmem>>
      tpu.wait_dma2 semaphore(%run_scoped3A_431 : memref<!tpu.dma_semaphore, #tpu.memory_space<semaphore_mem>>) src(%dma_wait3A_451 : memref<64x72xf32, #tpu.memory_space<vmem>>) dst(%dma_wait3A_448 : memref<64x72xf32, #tpu.memory_space<vmem_shared>>)
      tpu.yield
    }) : () -> ()
    %mul3A_237 = arith.constant 640 : i32
    %mul3A_238 = arith.muli %arg1, %mul3A_237 : i32
    %add3A_239 = arith.constant 256 : i32
    %add3A_240 = arith.addi %mul3A_238, %add3A_239 : i32
    "tpu.region"() ({
      %run_scoped3A_431 = tpu.sem_alloc : memref<!tpu.dma_semaphore, #tpu.memory_space<semaphore_mem>>
      %dma_start3A_432 = arith.constant 0 : i32
      %dma_start3A_433 = arith.constant 0 : i32
      %dma_start3A_434 = tpu.memref_slice %arg7[%dma_start3A_432, %dma_start3A_433] : memref<128x72xf32, #tpu.memory_space<vmem>> -> memref<64x72xf32, #tpu.memory_space<vmem>>
      %dma_start3A_435 = arith.constant 0 : i32
      %dma_start3A_436 = tpu.memref_slice %arg12[%add3A_240, %dma_start3A_435] : memref<10240x72xf32, #tpu.memory_space<vmem_shared>> -> memref<64x72xf32, #tpu.memory_space<vmem_shared>>
      %dma_start3A_437 = arith.constant 0 : i32
      %dma_start3A_438 = tpu.memref_slice %arg12[%add3A_240, %dma_start3A_437] : memref<10240x72xf32, #tpu.memory_space<vmem_shared>> -> memref<64x72xf32, #tpu.memory_space<vmem_shared>>
      %dma_start3A_439 = arith.constant 0 : i32
      %dma_start3A_440 = arith.constant 0 : i32
      %dma_start3A_441 = tpu.memref_slice %arg7[%dma_start3A_439, %dma_start3A_440] : memref<128x72xf32, #tpu.memory_space<vmem>> -> memref<64x72xf32, #tpu.memory_space<vmem>>
      tpu.enqueue_dma source(%dma_start3A_441 : memref<64x72xf32, #tpu.memory_space<vmem>>) target(%dma_start3A_438 : memref<64x72xf32, #tpu.memory_space<vmem_shared>>) target_semaphore(%run_scoped3A_431 : memref<!tpu.dma_semaphore, #tpu.memory_space<semaphore_mem>>)
      %dma_wait3A_442 = arith.constant 0 : i32
      %dma_wait3A_443 = arith.constant 0 : i32
      %dma_wait3A_444 = tpu.memref_slice %arg7[%dma_wait3A_442, %dma_wait3A_443] : memref<128x72xf32, #tpu.memory_space<vmem>> -> memref<64x72xf32, #tpu.memory_space<vmem>>
      %dma_wait3A_445 = arith.constant 0 : i32
      %dma_wait3A_446 = tpu.memref_slice %arg12[%add3A_240, %dma_wait3A_445] : memref<10240x72xf32, #tpu.memory_space<vmem_shared>> -> memref<64x72xf32, #tpu.memory_space<vmem_shared>>
      %dma_wait3A_447 = arith.constant 0 : i32
      %dma_wait3A_448 = tpu.memref_slice %arg12[%add3A_240, %dma_wait3A_447] : memref<10240x72xf32, #tpu.memory_space<vmem_shared>> -> memref<64x72xf32, #tpu.memory_space<vmem_shared>>
      %dma_wait3A_449 = arith.constant 0 : i32
      %dma_wait3A_450 = arith.constant 0 : i32
      %dma_wait3A_451 = tpu.memref_slice %arg7[%dma_wait3A_449, %dma_wait3A_450] : memref<128x72xf32, #tpu.memory_space<vmem>> -> memref<64x72xf32, #tpu.memory_space<vmem>>
      tpu.wait_dma2 semaphore(%run_scoped3A_431 : memref<!tpu.dma_semaphore, #tpu.memory_space<semaphore_mem>>) src(%dma_wait3A_451 : memref<64x72xf32, #tpu.memory_space<vmem>>) dst(%dma_wait3A_448 : memref<64x72xf32, #tpu.memory_space<vmem_shared>>)
      tpu.yield
    }) : () -> ()
    %mul3A_241 = arith.constant 640 : i32
    %mul3A_242 = arith.muli %arg1, %mul3A_241 : i32
    %add3A_243 = arith.constant 320 : i32
    %add3A_244 = arith.addi %mul3A_242, %add3A_243 : i32
    "tpu.region"() ({
      %run_scoped3A_431 = tpu.sem_alloc : memref<!tpu.dma_semaphore, #tpu.memory_space<semaphore_mem>>
      %dma_start3A_432 = arith.constant 0 : i32
      %dma_start3A_433 = arith.constant 0 : i32
      %dma_start3A_434 = tpu.memref_slice %arg7[%dma_start3A_432, %dma_start3A_433] : memref<128x72xf32, #tpu.memory_space<vmem>> -> memref<64x72xf32, #tpu.memory_space<vmem>>
      %dma_start3A_435 = arith.constant 0 : i32
      %dma_start3A_436 = tpu.memref_slice %arg12[%add3A_244, %dma_start3A_435] : memref<10240x72xf32, #tpu.memory_space<vmem_shared>> -> memref<64x72xf32, #tpu.memory_space<vmem_shared>>
      %dma_start3A_437 = arith.constant 0 : i32
      %dma_start3A_438 = tpu.memref_slice %arg12[%add3A_244, %dma_start3A_437] : memref<10240x72xf32, #tpu.memory_space<vmem_shared>> -> memref<64x72xf32, #tpu.memory_space<vmem_shared>>
      %dma_start3A_439 = arith.constant 0 : i32
      %dma_start3A_440 = arith.constant 0 : i32
      %dma_start3A_441 = tpu.memref_slice %arg7[%dma_start3A_439, %dma_start3A_440] : memref<128x72xf32, #tpu.memory_space<vmem>> -> memref<64x72xf32, #tpu.memory_space<vmem>>
      tpu.enqueue_dma source(%dma_start3A_441 : memref<64x72xf32, #tpu.memory_space<vmem>>) target(%dma_start3A_438 : memref<64x72xf32, #tpu.memory_space<vmem_shared>>) target_semaphore(%run_scoped3A_431 : memref<!tpu.dma_semaphore, #tpu.memory_space<semaphore_mem>>)
      %dma_wait3A_442 = arith.constant 0 : i32
      %dma_wait3A_443 = arith.constant 0 : i32
      %dma_wait3A_444 = tpu.memref_slice %arg7[%dma_wait3A_442, %dma_wait3A_443] : memref<128x72xf32, #tpu.memory_space<vmem>> -> memref<64x72xf32, #tpu.memory_space<vmem>>
      %dma_wait3A_445 = arith.constant 0 : i32
      %dma_wait3A_446 = tpu.memref_slice %arg12[%add3A_244, %dma_wait3A_445] : memref<10240x72xf32, #tpu.memory_space<vmem_shared>> -> memref<64x72xf32, #tpu.memory_space<vmem_shared>>
      %dma_wait3A_447 = arith.constant 0 : i32
      %dma_wait3A_448 = tpu.memref_slice %arg12[%add3A_244, %dma_wait3A_447] : memref<10240x72xf32, #tpu.memory_space<vmem_shared>> -> memref<64x72xf32, #tpu.memory_space<vmem_shared>>
      %dma_wait3A_449 = arith.constant 0 : i32
      %dma_wait3A_450 = arith.constant 0 : i32
      %dma_wait3A_451 = tpu.memref_slice %arg7[%dma_wait3A_449, %dma_wait3A_450] : memref<128x72xf32, #tpu.memory_space<vmem>> -> memref<64x72xf32, #tpu.memory_space<vmem>>
      tpu.wait_dma2 semaphore(%run_scoped3A_431 : memref<!tpu.dma_semaphore, #tpu.memory_space<semaphore_mem>>) src(%dma_wait3A_451 : memref<64x72xf32, #tpu.memory_space<vmem>>) dst(%dma_wait3A_448 : memref<64x72xf32, #tpu.memory_space<vmem_shared>>)
      tpu.yield
    }) : () -> ()
    %mul3A_245 = arith.constant 640 : i32
    %mul3A_246 = arith.muli %arg1, %mul3A_245 : i32
    %add3A_247 = arith.constant 384 : i32
    %add3A_248 = arith.addi %mul3A_246, %add3A_247 : i32
    "tpu.region"() ({
      %run_scoped3A_431 = tpu.sem_alloc : memref<!tpu.dma_semaphore, #tpu.memory_space<semaphore_mem>>
      %dma_start3A_432 = arith.constant 0 : i32
      %dma_start3A_433 = arith.constant 0 : i32
      %dma_start3A_434 = tpu.memref_slice %arg7[%dma_start3A_432, %dma_start3A_433] : memref<128x72xf32, #tpu.memory_space<vmem>> -> memref<64x72xf32, #tpu.memory_space<vmem>>
      %dma_start3A_435 = arith.constant 0 : i32
      %dma_start3A_436 = tpu.memref_slice %arg12[%add3A_248, %dma_start3A_435] : memref<10240x72xf32, #tpu.memory_space<vmem_shared>> -> memref<64x72xf32, #tpu.memory_space<vmem_shared>>
      %dma_start3A_437 = arith.constant 0 : i32
      %dma_start3A_438 = tpu.memref_slice %arg12[%add3A_248, %dma_start3A_437] : memref<10240x72xf32, #tpu.memory_space<vmem_shared>> -> memref<64x72xf32, #tpu.memory_space<vmem_shared>>
      %dma_start3A_439 = arith.constant 0 : i32
      %dma_start3A_440 = arith.constant 0 : i32
      %dma_start3A_441 = tpu.memref_slice %arg7[%dma_start3A_439, %dma_start3A_440] : memref<128x72xf32, #tpu.memory_space<vmem>> -> memref<64x72xf32, #tpu.memory_space<vmem>>
      tpu.enqueue_dma source(%dma_start3A_441 : memref<64x72xf32, #tpu.memory_space<vmem>>) target(%dma_start3A_438 : memref<64x72xf32, #tpu.memory_space<vmem_shared>>) target_semaphore(%run_scoped3A_431 : memref<!tpu.dma_semaphore, #tpu.memory_space<semaphore_mem>>)
      %dma_wait3A_442 = arith.constant 0 : i32
      %dma_wait3A_443 = arith.constant 0 : i32
      %dma_wait3A_444 = tpu.memref_slice %arg7[%dma_wait3A_442, %dma_wait3A_443] : memref<128x72xf32, #tpu.memory_space<vmem>> -> memref<64x72xf32, #tpu.memory_space<vmem>>
      %dma_wait3A_445 = arith.constant 0 : i32
      %dma_wait3A_446 = tpu.memref_slice %arg12[%add3A_248, %dma_wait3A_445] : memref<10240x72xf32, #tpu.memory_space<vmem_shared>> -> memref<64x72xf32, #tpu.memory_space<vmem_shared>>
      %dma_wait3A_447 = arith.constant 0 : i32
      %dma_wait3A_448 = tpu.memref_slice %arg12[%add3A_248, %dma_wait3A_447] : memref<10240x72xf32, #tpu.memory_space<vmem_shared>> -> memref<64x72xf32, #tpu.memory_space<vmem_shared>>
      %dma_wait3A_449 = arith.constant 0 : i32
      %dma_wait3A_450 = arith.constant 0 : i32
      %dma_wait3A_451 = tpu.memref_slice %arg7[%dma_wait3A_449, %dma_wait3A_450] : memref<128x72xf32, #tpu.memory_space<vmem>> -> memref<64x72xf32, #tpu.memory_space<vmem>>
      tpu.wait_dma2 semaphore(%run_scoped3A_431 : memref<!tpu.dma_semaphore, #tpu.memory_space<semaphore_mem>>) src(%dma_wait3A_451 : memref<64x72xf32, #tpu.memory_space<vmem>>) dst(%dma_wait3A_448 : memref<64x72xf32, #tpu.memory_space<vmem_shared>>)
      tpu.yield
    }) : () -> ()
    %mul3A_249 = arith.constant 640 : i32
    %mul3A_250 = arith.muli %arg1, %mul3A_249 : i32
    %add3A_251 = arith.constant 448 : i32
    %add3A_252 = arith.addi %mul3A_250, %add3A_251 : i32
    "tpu.region"() ({
      %run_scoped3A_431 = tpu.sem_alloc : memref<!tpu.dma_semaphore, #tpu.memory_space<semaphore_mem>>
      %dma_start3A_432 = arith.constant 0 : i32
      %dma_start3A_433 = arith.constant 0 : i32
      %dma_start3A_434 = tpu.memref_slice %arg7[%dma_start3A_432, %dma_start3A_433] : memref<128x72xf32, #tpu.memory_space<vmem>> -> memref<64x72xf32, #tpu.memory_space<vmem>>
      %dma_start3A_435 = arith.constant 0 : i32
      %dma_start3A_436 = tpu.memref_slice %arg12[%add3A_252, %dma_start3A_435] : memref<10240x72xf32, #tpu.memory_space<vmem_shared>> -> memref<64x72xf32, #tpu.memory_space<vmem_shared>>
      %dma_start3A_437 = arith.constant 0 : i32
      %dma_start3A_438 = tpu.memref_slice %arg12[%add3A_252, %dma_start3A_437] : memref<10240x72xf32, #tpu.memory_space<vmem_shared>> -> memref<64x72xf32, #tpu.memory_space<vmem_shared>>
      %dma_start3A_439 = arith.constant 0 : i32
      %dma_start3A_440 = arith.constant 0 : i32
      %dma_start3A_441 = tpu.memref_slice %arg7[%dma_start3A_439, %dma_start3A_440] : memref<128x72xf32, #tpu.memory_space<vmem>> -> memref<64x72xf32, #tpu.memory_space<vmem>>
      tpu.enqueue_dma source(%dma_start3A_441 : memref<64x72xf32, #tpu.memory_space<vmem>>) target(%dma_start3A_438 : memref<64x72xf32, #tpu.memory_space<vmem_shared>>) target_semaphore(%run_scoped3A_431 : memref<!tpu.dma_semaphore, #tpu.memory_space<semaphore_mem>>)
      %dma_wait3A_442 = arith.constant 0 : i32
      %dma_wait3A_443 = arith.constant 0 : i32
      %dma_wait3A_444 = tpu.memref_slice %arg7[%dma_wait3A_442, %dma_wait3A_443] : memref<128x72xf32, #tpu.memory_space<vmem>> -> memref<64x72xf32, #tpu.memory_space<vmem>>
      %dma_wait3A_445 = arith.constant 0 : i32
      %dma_wait3A_446 = tpu.memref_slice %arg12[%add3A_252, %dma_wait3A_445] : memref<10240x72xf32, #tpu.memory_space<vmem_shared>> -> memref<64x72xf32, #tpu.memory_space<vmem_shared>>
      %dma_wait3A_447 = arith.constant 0 : i32
      %dma_wait3A_448 = tpu.memref_slice %arg12[%add3A_252, %dma_wait3A_447] : memref<10240x72xf32, #tpu.memory_space<vmem_shared>> -> memref<64x72xf32, #tpu.memory_space<vmem_shared>>
      %dma_wait3A_449 = arith.constant 0 : i32
      %dma_wait3A_450 = arith.constant 0 : i32
      %dma_wait3A_451 = tpu.memref_slice %arg7[%dma_wait3A_449, %dma_wait3A_450] : memref<128x72xf32, #tpu.memory_space<vmem>> -> memref<64x72xf32, #tpu.memory_space<vmem>>
      tpu.wait_dma2 semaphore(%run_scoped3A_431 : memref<!tpu.dma_semaphore, #tpu.memory_space<semaphore_mem>>) src(%dma_wait3A_451 : memref<64x72xf32, #tpu.memory_space<vmem>>) dst(%dma_wait3A_448 : memref<64x72xf32, #tpu.memory_space<vmem_shared>>)
      tpu.yield
    }) : () -> ()
    %mul3A_253 = arith.constant 640 : i32
    %mul3A_254 = arith.muli %arg1, %mul3A_253 : i32
    %add3A_255 = arith.constant 512 : i32
    %add3A_256 = arith.addi %mul3A_254, %add3A_255 : i32
    "tpu.region"() ({
      %run_scoped3A_431 = tpu.sem_alloc : memref<!tpu.dma_semaphore, #tpu.memory_space<semaphore_mem>>
      %dma_start3A_432 = arith.constant 0 : i32
      %dma_start3A_433 = arith.constant 0 : i32
      %dma_start3A_434 = tpu.memref_slice %arg7[%dma_start3A_432, %dma_start3A_433] : memref<128x72xf32, #tpu.memory_space<vmem>> -> memref<64x72xf32, #tpu.memory_space<vmem>>
      %dma_start3A_435 = arith.constant 0 : i32
      %dma_start3A_436 = tpu.memref_slice %arg12[%add3A_256, %dma_start3A_435] : memref<10240x72xf32, #tpu.memory_space<vmem_shared>> -> memref<64x72xf32, #tpu.memory_space<vmem_shared>>
      %dma_start3A_437 = arith.constant 0 : i32
      %dma_start3A_438 = tpu.memref_slice %arg12[%add3A_256, %dma_start3A_437] : memref<10240x72xf32, #tpu.memory_space<vmem_shared>> -> memref<64x72xf32, #tpu.memory_space<vmem_shared>>
      %dma_start3A_439 = arith.constant 0 : i32
      %dma_start3A_440 = arith.constant 0 : i32
      %dma_start3A_441 = tpu.memref_slice %arg7[%dma_start3A_439, %dma_start3A_440] : memref<128x72xf32, #tpu.memory_space<vmem>> -> memref<64x72xf32, #tpu.memory_space<vmem>>
      tpu.enqueue_dma source(%dma_start3A_441 : memref<64x72xf32, #tpu.memory_space<vmem>>) target(%dma_start3A_438 : memref<64x72xf32, #tpu.memory_space<vmem_shared>>) target_semaphore(%run_scoped3A_431 : memref<!tpu.dma_semaphore, #tpu.memory_space<semaphore_mem>>)
      %dma_wait3A_442 = arith.constant 0 : i32
      %dma_wait3A_443 = arith.constant 0 : i32
      %dma_wait3A_444 = tpu.memref_slice %arg7[%dma_wait3A_442, %dma_wait3A_443] : memref<128x72xf32, #tpu.memory_space<vmem>> -> memref<64x72xf32, #tpu.memory_space<vmem>>
      %dma_wait3A_445 = arith.constant 0 : i32
      %dma_wait3A_446 = tpu.memref_slice %arg12[%add3A_256, %dma_wait3A_445] : memref<10240x72xf32, #tpu.memory_space<vmem_shared>> -> memref<64x72xf32, #tpu.memory_space<vmem_shared>>
      %dma_wait3A_447 = arith.constant 0 : i32
      %dma_wait3A_448 = tpu.memref_slice %arg12[%add3A_256, %dma_wait3A_447] : memref<10240x72xf32, #tpu.memory_space<vmem_shared>> -> memref<64x72xf32, #tpu.memory_space<vmem_shared>>
      %dma_wait3A_449 = arith.constant 0 : i32
      %dma_wait3A_450 = arith.constant 0 : i32
      %dma_wait3A_451 = tpu.memref_slice %arg7[%dma_wait3A_449, %dma_wait3A_450] : memref<128x72xf32, #tpu.memory_space<vmem>> -> memref<64x72xf32, #tpu.memory_space<vmem>>
      tpu.wait_dma2 semaphore(%run_scoped3A_431 : memref<!tpu.dma_semaphore, #tpu.memory_space<semaphore_mem>>) src(%dma_wait3A_451 : memref<64x72xf32, #tpu.memory_space<vmem>>) dst(%dma_wait3A_448 : memref<64x72xf32, #tpu.memory_space<vmem_shared>>)
      tpu.yield
    }) : () -> ()
    %mul3A_257 = arith.constant 640 : i32
    %mul3A_258 = arith.muli %arg1, %mul3A_257 : i32
    %add3A_259 = arith.constant 576 : i32
    %add3A_260 = arith.addi %mul3A_258, %add3A_259 : i32
    "tpu.region"() ({
      %run_scoped3A_431 = tpu.sem_alloc : memref<!tpu.dma_semaphore, #tpu.memory_space<semaphore_mem>>
      %dma_start3A_432 = arith.constant 0 : i32
      %dma_start3A_433 = arith.constant 0 : i32
      %dma_start3A_434 = tpu.memref_slice %arg7[%dma_start3A_432, %dma_start3A_433] : memref<128x72xf32, #tpu.memory_space<vmem>> -> memref<64x72xf32, #tpu.memory_space<vmem>>
      %dma_start3A_435 = arith.constant 0 : i32
      %dma_start3A_436 = tpu.memref_slice %arg12[%add3A_260, %dma_start3A_435] : memref<10240x72xf32, #tpu.memory_space<vmem_shared>> -> memref<64x72xf32, #tpu.memory_space<vmem_shared>>
      %dma_start3A_437 = arith.constant 0 : i32
      %dma_start3A_438 = tpu.memref_slice %arg12[%add3A_260, %dma_start3A_437] : memref<10240x72xf32, #tpu.memory_space<vmem_shared>> -> memref<64x72xf32, #tpu.memory_space<vmem_shared>>
      %dma_start3A_439 = arith.constant 0 : i32
      %dma_start3A_440 = arith.constant 0 : i32
      %dma_start3A_441 = tpu.memref_slice %arg7[%dma_start3A_439, %dma_start3A_440] : memref<128x72xf32, #tpu.memory_space<vmem>> -> memref<64x72xf32, #tpu.memory_space<vmem>>
      tpu.enqueue_dma source(%dma_start3A_441 : memref<64x72xf32, #tpu.memory_space<vmem>>) target(%dma_start3A_438 : memref<64x72xf32, #tpu.memory_space<vmem_shared>>) target_semaphore(%run_scoped3A_431 : memref<!tpu.dma_semaphore, #tpu.memory_space<semaphore_mem>>)
      %dma_wait3A_442 = arith.constant 0 : i32
      %dma_wait3A_443 = arith.constant 0 : i32
      %dma_wait3A_444 = tpu.memref_slice %arg7[%dma_wait3A_442, %dma_wait3A_443] : memref<128x72xf32, #tpu.memory_space<vmem>> -> memref<64x72xf32, #tpu.memory_space<vmem>>
      %dma_wait3A_445 = arith.constant 0 : i32
      %dma_wait3A_446 = tpu.memref_slice %arg12[%add3A_260, %dma_wait3A_445] : memref<10240x72xf32, #tpu.memory_space<vmem_shared>> -> memref<64x72xf32, #tpu.memory_space<vmem_shared>>
      %dma_wait3A_447 = arith.constant 0 : i32
      %dma_wait3A_448 = tpu.memref_slice %arg12[%add3A_260, %dma_wait3A_447] : memref<10240x72xf32, #tpu.memory_space<vmem_shared>> -> memref<64x72xf32, #tpu.memory_space<vmem_shared>>
      %dma_wait3A_449 = arith.constant 0 : i32
      %dma_wait3A_450 = arith.constant 0 : i32
      %dma_wait3A_451 = tpu.memref_slice %arg7[%dma_wait3A_449, %dma_wait3A_450] : memref<128x72xf32, #tpu.memory_space<vmem>> -> memref<64x72xf32, #tpu.memory_space<vmem>>
      tpu.wait_dma2 semaphore(%run_scoped3A_431 : memref<!tpu.dma_semaphore, #tpu.memory_space<semaphore_mem>>) src(%dma_wait3A_451 : memref<64x72xf32, #tpu.memory_space<vmem>>) dst(%dma_wait3A_448 : memref<64x72xf32, #tpu.memory_space<vmem_shared>>)
      tpu.yield
    }) : () -> ()
    "tpu.region"() ({
      %run_scoped3A_431 = tpu.sem_alloc : memref<!tpu.dma_semaphore, #tpu.memory_space<semaphore_mem>>
      %dma_start3A_432 = arith.constant 0 : i32
      %dma_start3A_433 = arith.constant 0 : i32
      %dma_start3A_434 = tpu.memref_slice %arg3[%add3A_220, %arg1, %dma_start3A_432, %dma_start3A_433] : memref<4x16x40x128xi32, #tpu.memory_space<hbm>> -> memref<1x1x40x128xi32, #tpu.memory_space<hbm>>
      %dma_start3A_435 = tpu.memref_squeeze %dma_start3A_434 : memref<1x1x40x128xi32, #tpu.memory_space<hbm>> -> memref<40x128xi32, #tpu.memory_space<hbm>>
      %dma_start3A_436 = arith.constant 0 : i32
      %dma_start3A_437 = arith.constant 0 : i32
      %dma_start3A_438 = tpu.memref_slice %arg3[%add3A_220, %arg1, %dma_start3A_436, %dma_start3A_437] : memref<4x16x40x128xi32, #tpu.memory_space<hbm>> -> memref<1x1x40x128xi32, #tpu.memory_space<hbm>>
      %dma_start3A_439 = tpu.memref_squeeze %dma_start3A_438 : memref<1x1x40x128xi32, #tpu.memory_space<hbm>> -> memref<40x128xi32, #tpu.memory_space<hbm>>
      tpu.enqueue_dma source(%dma_start3A_439 : memref<40x128xi32, #tpu.memory_space<hbm>>) target(%arg9 : memref<40x128xi32, #tpu.memory_space<vmem>>) target_semaphore(%run_scoped3A_431 : memref<!tpu.dma_semaphore, #tpu.memory_space<semaphore_mem>>)
      %dma_wait3A_440 = arith.constant 0 : i32
      %dma_wait3A_441 = arith.constant 0 : i32
      %dma_wait3A_442 = tpu.memref_slice %arg3[%add3A_220, %arg1, %dma_wait3A_440, %dma_wait3A_441] : memref<4x16x40x128xi32, #tpu.memory_space<hbm>> -> memref<1x1x40x128xi32, #tpu.memory_space<hbm>>
      %dma_wait3A_443 = tpu.memref_squeeze %dma_wait3A_442 : memref<1x1x40x128xi32, #tpu.memory_space<hbm>> -> memref<40x128xi32, #tpu.memory_space<hbm>>
      %dma_wait3A_444 = arith.constant 0 : i32
      %dma_wait3A_445 = arith.constant 0 : i32
      %dma_wait3A_446 = tpu.memref_slice %arg3[%add3A_220, %arg1, %dma_wait3A_444, %dma_wait3A_445] : memref<4x16x40x128xi32, #tpu.memory_space<hbm>> -> memref<1x1x40x128xi32, #tpu.memory_space<hbm>>
      %dma_wait3A_447 = tpu.memref_squeeze %dma_wait3A_446 : memref<1x1x40x128xi32, #tpu.memory_space<hbm>> -> memref<40x128xi32, #tpu.memory_space<hbm>>
      tpu.wait_dma2 semaphore(%run_scoped3A_431 : memref<!tpu.dma_semaphore, #tpu.memory_space<semaphore_mem>>) src(%dma_wait3A_447 : memref<40x128xi32, #tpu.memory_space<hbm>>) dst(%arg9 : memref<40x128xi32, #tpu.memory_space<vmem>>)
      tpu.yield
    }) : () -> ()
    "tpu.region"() ({
      %run_scoped3A_431 = tpu.sem_alloc : memref<!tpu.dma_semaphore, #tpu.memory_space<semaphore_mem>>
      %dma_start3A_432 = arith.constant 0 : i32
      %dma_start3A_433 = arith.constant 0 : i32
      %dma_start3A_434 = tpu.memref_slice %arg4[%add3A_220, %arg1, %dma_start3A_432, %dma_start3A_433] : memref<4x16x40x128xi32, #tpu.memory_space<hbm>> -> memref<1x1x40x128xi32, #tpu.memory_space<hbm>>
      %dma_start3A_435 = tpu.memref_squeeze %dma_start3A_434 : memref<1x1x40x128xi32, #tpu.memory_space<hbm>> -> memref<40x128xi32, #tpu.memory_space<hbm>>
      %dma_start3A_436 = arith.constant 0 : i32
      %dma_start3A_437 = arith.constant 0 : i32
      %dma_start3A_438 = tpu.memref_slice %arg4[%add3A_220, %arg1, %dma_start3A_436, %dma_start3A_437] : memref<4x16x40x128xi32, #tpu.memory_space<hbm>> -> memref<1x1x40x128xi32, #tpu.memory_space<hbm>>
      %dma_start3A_439 = tpu.memref_squeeze %dma_start3A_438 : memref<1x1x40x128xi32, #tpu.memory_space<hbm>> -> memref<40x128xi32, #tpu.memory_space<hbm>>
      tpu.enqueue_dma source(%dma_start3A_439 : memref<40x128xi32, #tpu.memory_space<hbm>>) target(%arg10 : memref<40x128xi32, #tpu.memory_space<vmem>>) target_semaphore(%run_scoped3A_431 : memref<!tpu.dma_semaphore, #tpu.memory_space<semaphore_mem>>)
      %dma_wait3A_440 = arith.constant 0 : i32
      %dma_wait3A_441 = arith.constant 0 : i32
      %dma_wait3A_442 = tpu.memref_slice %arg4[%add3A_220, %arg1, %dma_wait3A_440, %dma_wait3A_441] : memref<4x16x40x128xi32, #tpu.memory_space<hbm>> -> memref<1x1x40x128xi32, #tpu.memory_space<hbm>>
      %dma_wait3A_443 = tpu.memref_squeeze %dma_wait3A_442 : memref<1x1x40x128xi32, #tpu.memory_space<hbm>> -> memref<40x128xi32, #tpu.memory_space<hbm>>
      %dma_wait3A_444 = arith.constant 0 : i32
      %dma_wait3A_445 = arith.constant 0 : i32
      %dma_wait3A_446 = tpu.memref_slice %arg4[%add3A_220, %arg1, %dma_wait3A_444, %dma_wait3A_445] : memref<4x16x40x128xi32, #tpu.memory_space<hbm>> -> memref<1x1x40x128xi32, #tpu.memory_space<hbm>>
      %dma_wait3A_447 = tpu.memref_squeeze %dma_wait3A_446 : memref<1x1x40x128xi32, #tpu.memory_space<hbm>> -> memref<40x128xi32, #tpu.memory_space<hbm>>
      tpu.wait_dma2 semaphore(%run_scoped3A_431 : memref<!tpu.dma_semaphore, #tpu.memory_space<semaphore_mem>>) src(%dma_wait3A_447 : memref<40x128xi32, #tpu.memory_space<hbm>>) dst(%arg10 : memref<40x128xi32, #tpu.memory_space<vmem>>)
      tpu.yield
    }) : () -> ()
    %barrier3A_261 = arith.constant 0 : index
    tpu.barrier barrier_id(%barrier3A_261)
    %dma_start3A_262 = arith.constant 0 : i32
    %dma_start3A_263 = arith.constant 0 : i32
    %dma_start3A_264 = tpu.memref_slice %arg9[%dma_start3A_262, %dma_start3A_263] : memref<40x128xi32, #tpu.memory_space<vmem>> -> memref<1x128xi32, #tpu.memory_space<vmem>>
    %dma_start3A_265 = tpu.memref_squeeze %dma_start3A_264 : memref<1x128xi32, #tpu.memory_space<vmem>> -> memref<128xi32, #tpu.memory_space<vmem>>
    %dma_start3A_266 = arith.constant 0 : i32
    %dma_start3A_267 = arith.constant 0 : i32
    %dma_start3A_268 = tpu.memref_slice %arg11[%dma_start3A_266, %dma_start3A_267] : memref<10240x72xf32, #tpu.memory_space<vmem_shared>> -> memref<10240x72xf32, #tpu.memory_space<vmem_shared>>
    tpu.enqueue_indirect_dma source(%dma_start3A_268 : memref<10240x72xf32, #tpu.memory_space<vmem_shared>>) target(%arg7 : memref<128x72xf32, #tpu.memory_space<vmem>>) offsets(%dma_start3A_265 : memref<128xi32, #tpu.memory_space<vmem>>) semaphore(%arg13 : memref<!tpu.dma_semaphore, #tpu.memory_space<semaphore_mem>>)
    %dma_start3A_269 = arith.constant 1 : i32
    %dma_start3A_270 = arith.constant 0 : i32
    %dma_start3A_271 = tpu.memref_slice %arg9[%dma_start3A_269, %dma_start3A_270] : memref<40x128xi32, #tpu.memory_space<vmem>> -> memref<1x128xi32, #tpu.memory_space<vmem>>
    %dma_start3A_272 = tpu.memref_squeeze %dma_start3A_271 : memref<1x128xi32, #tpu.memory_space<vmem>> -> memref<128xi32, #tpu.memory_space<vmem>>
    %dma_start3A_273 = arith.constant 0 : i32
    %dma_start3A_274 = arith.constant 0 : i32
    %dma_start3A_275 = tpu.memref_slice %arg11[%dma_start3A_273, %dma_start3A_274] : memref<10240x72xf32, #tpu.memory_space<vmem_shared>> -> memref<10240x72xf32, #tpu.memory_space<vmem_shared>>
    tpu.enqueue_indirect_dma source(%dma_start3A_275 : memref<10240x72xf32, #tpu.memory_space<vmem_shared>>) target(%arg8 : memref<128x72xf32, #tpu.memory_space<vmem>>) offsets(%dma_start3A_272 : memref<128xi32, #tpu.memory_space<vmem>>) semaphore(%arg14 : memref<!tpu.dma_semaphore, #tpu.memory_space<semaphore_mem>>)
    %scan3A_276 = arith.constant 0 : i32
    %scan3A_277 = arith.constant 0 : i32
    %scan3A_278 = arith.constant 19 : i32
    %scan3A_279 = arith.addi %scan3A_277, %scan3A_278 : i32
    %scan3A_280 = arith.constant 1 : i32
    scf.for %scan3A_431 = %scan3A_277 to %scan3A_279 step %scan3A_280  : i32 {
      %mul3A_432 = arith.constant 2 : i32
      %mul3A_433 = arith.muli %mul3A_432, %scan3A_431 : i32
      %add3A_434 = arith.constant 0 : i32
      %add3A_435 = arith.addi %mul3A_433, %add3A_434 : i32
      %dma_wait3A_436 = arith.constant 0 : i32
      %dma_wait3A_437 = arith.constant 0 : i32
      %dma_wait3A_438 = tpu.memref_slice %arg9[%dma_wait3A_436, %dma_wait3A_437] : memref<40x128xi32, #tpu.memory_space<vmem>> -> memref<1x128xi32, #tpu.memory_space<vmem>>
      %dma_wait3A_439 = tpu.memref_squeeze %dma_wait3A_438 : memref<1x128xi32, #tpu.memory_space<vmem>> -> memref<128xi32, #tpu.memory_space<vmem>>
      %dma_wait3A_440 = arith.constant 0 : i32
      %dma_wait3A_441 = arith.constant 0 : i32
      %dma_wait3A_442 = tpu.memref_slice %arg11[%dma_wait3A_440, %dma_wait3A_441] : memref<10240x72xf32, #tpu.memory_space<vmem_shared>> -> memref<10240x72xf32, #tpu.memory_space<vmem_shared>>
      tpu.wait_indirect_dma semaphore(%arg13 : memref<!tpu.dma_semaphore, #tpu.memory_space<semaphore_mem>>) src(%dma_wait3A_442 : memref<10240x72xf32, #tpu.memory_space<vmem_shared>>) dst(%arg7 : memref<128x72xf32, #tpu.memory_space<vmem>>)
      "tpu.region"() ({
        %run_scoped3A_470 = tpu.sem_alloc : memref<!tpu.dma_semaphore, #tpu.memory_space<semaphore_mem>>
        %dma_start3A_471 = arith.constant 0 : i32
        %dma_start3A_472 = tpu.memref_slice %arg10[%add3A_435, %dma_start3A_471] : memref<40x128xi32, #tpu.memory_space<vmem>> -> memref<1x128xi32, #tpu.memory_space<vmem>>
        %dma_start3A_473 = tpu.memref_squeeze %dma_start3A_472 : memref<1x128xi32, #tpu.memory_space<vmem>> -> memref<128xi32, #tpu.memory_space<vmem>>
        %dma_start3A_474 = arith.constant 0 : i32
        %dma_start3A_475 = arith.constant 0 : i32
        %dma_start3A_476 = tpu.memref_slice %arg12[%dma_start3A_474, %dma_start3A_475] : memref<10240x72xf32, #tpu.memory_space<vmem_shared>> -> memref<10240x72xf32, #tpu.memory_space<vmem_shared>>
        tpu.enqueue_indirect_dma source(%arg7 : memref<128x72xf32, #tpu.memory_space<vmem>>) target(%dma_start3A_476 : memref<10240x72xf32, #tpu.memory_space<vmem_shared>>) offsets(%dma_start3A_473 : memref<128xi32, #tpu.memory_space<vmem>>) semaphore(%run_scoped3A_470 : memref<!tpu.dma_semaphore, #tpu.memory_space<semaphore_mem>>) {add = true}
        %dma_wait3A_477 = arith.constant 0 : i32
        %dma_wait3A_478 = tpu.memref_slice %arg10[%add3A_435, %dma_wait3A_477] : memref<40x128xi32, #tpu.memory_space<vmem>> -> memref<1x128xi32, #tpu.memory_space<vmem>>
        %dma_wait3A_479 = tpu.memref_squeeze %dma_wait3A_478 : memref<1x128xi32, #tpu.memory_space<vmem>> -> memref<128xi32, #tpu.memory_space<vmem>>
        %dma_wait3A_480 = arith.constant 0 : i32
        %dma_wait3A_481 = arith.constant 0 : i32
        %dma_wait3A_482 = tpu.memref_slice %arg12[%dma_wait3A_480, %dma_wait3A_481] : memref<10240x72xf32, #tpu.memory_space<vmem_shared>> -> memref<10240x72xf32, #tpu.memory_space<vmem_shared>>
        tpu.wait_indirect_dma semaphore(%run_scoped3A_470 : memref<!tpu.dma_semaphore, #tpu.memory_space<semaphore_mem>>) src(%arg7 : memref<128x72xf32, #tpu.memory_space<vmem>>) dst(%dma_wait3A_482 : memref<10240x72xf32, #tpu.memory_space<vmem_shared>>)
        tpu.yield
      }) : () -> ()
      %add3A_443 = arith.constant 2 : i32
      %add3A_444 = arith.addi %add3A_435, %add3A_443 : i32
      %dma_start3A_445 = arith.constant 0 : i32
      %dma_start3A_446 = tpu.memref_slice %arg9[%add3A_444, %dma_start3A_445] : memref<40x128xi32, #tpu.memory_space<vmem>> -> memref<1x128xi32, #tpu.memory_space<vmem>>
      %dma_start3A_447 = tpu.memref_squeeze %dma_start3A_446 : memref<1x128xi32, #tpu.memory_space<vmem>> -> memref<128xi32, #tpu.memory_space<vmem>>
      %dma_start3A_448 = arith.constant 0 : i32
      %dma_start3A_449 = arith.constant 0 : i32
      %dma_start3A_450 = tpu.memref_slice %arg11[%dma_start3A_448, %dma_start3A_449] : memref<10240x72xf32, #tpu.memory_space<vmem_shared>> -> memref<10240x72xf32, #tpu.memory_space<vmem_shared>>
      tpu.enqueue_indirect_dma source(%dma_start3A_450 : memref<10240x72xf32, #tpu.memory_space<vmem_shared>>) target(%arg7 : memref<128x72xf32, #tpu.memory_space<vmem>>) offsets(%dma_start3A_447 : memref<128xi32, #tpu.memory_space<vmem>>) semaphore(%arg13 : memref<!tpu.dma_semaphore, #tpu.memory_space<semaphore_mem>>)
      %mul3A_451 = arith.constant 2 : i32
      %mul3A_452 = arith.muli %mul3A_451, %scan3A_431 : i32
      %add3A_453 = arith.constant 1 : i32
      %add3A_454 = arith.addi %mul3A_452, %add3A_453 : i32
      %dma_wait3A_455 = arith.constant 0 : i32
      %dma_wait3A_456 = arith.constant 0 : i32
      %dma_wait3A_457 = tpu.memref_slice %arg9[%dma_wait3A_455, %dma_wait3A_456] : memref<40x128xi32, #tpu.memory_space<vmem>> -> memref<1x128xi32, #tpu.memory_space<vmem>>
      %dma_wait3A_458 = tpu.memref_squeeze %dma_wait3A_457 : memref<1x128xi32, #tpu.memory_space<vmem>> -> memref<128xi32, #tpu.memory_space<vmem>>
      %dma_wait3A_459 = arith.constant 0 : i32
      %dma_wait3A_460 = arith.constant 0 : i32
      %dma_wait3A_461 = tpu.memref_slice %arg11[%dma_wait3A_459, %dma_wait3A_460] : memref<10240x72xf32, #tpu.memory_space<vmem_shared>> -> memref<10240x72xf32, #tpu.memory_space<vmem_shared>>
      tpu.wait_indirect_dma semaphore(%arg14 : memref<!tpu.dma_semaphore, #tpu.memory_space<semaphore_mem>>) src(%dma_wait3A_461 : memref<10240x72xf32, #tpu.memory_space<vmem_shared>>) dst(%arg8 : memref<128x72xf32, #tpu.memory_space<vmem>>)
      "tpu.region"() ({
        %run_scoped3A_470 = tpu.sem_alloc : memref<!tpu.dma_semaphore, #tpu.memory_space<semaphore_mem>>
        %dma_start3A_471 = arith.constant 0 : i32
        %dma_start3A_472 = tpu.memref_slice %arg10[%add3A_454, %dma_start3A_471] : memref<40x128xi32, #tpu.memory_space<vmem>> -> memref<1x128xi32, #tpu.memory_space<vmem>>
        %dma_start3A_473 = tpu.memref_squeeze %dma_start3A_472 : memref<1x128xi32, #tpu.memory_space<vmem>> -> memref<128xi32, #tpu.memory_space<vmem>>
        %dma_start3A_474 = arith.constant 0 : i32
        %dma_start3A_475 = arith.constant 0 : i32
        %dma_start3A_476 = tpu.memref_slice %arg12[%dma_start3A_474, %dma_start3A_475] : memref<10240x72xf32, #tpu.memory_space<vmem_shared>> -> memref<10240x72xf32, #tpu.memory_space<vmem_shared>>
        tpu.enqueue_indirect_dma source(%arg8 : memref<128x72xf32, #tpu.memory_space<vmem>>) target(%dma_start3A_476 : memref<10240x72xf32, #tpu.memory_space<vmem_shared>>) offsets(%dma_start3A_473 : memref<128xi32, #tpu.memory_space<vmem>>) semaphore(%run_scoped3A_470 : memref<!tpu.dma_semaphore, #tpu.memory_space<semaphore_mem>>) {add = true}
        %dma_wait3A_477 = arith.constant 0 : i32
        %dma_wait3A_478 = tpu.memref_slice %arg10[%add3A_454, %dma_wait3A_477] : memref<40x128xi32, #tpu.memory_space<vmem>> -> memref<1x128xi32, #tpu.memory_space<vmem>>
        %dma_wait3A_479 = tpu.memref_squeeze %dma_wait3A_478 : memref<1x128xi32, #tpu.memory_space<vmem>> -> memref<128xi32, #tpu.memory_space<vmem>>
        %dma_wait3A_480 = arith.constant 0 : i32
        %dma_wait3A_481 = arith.constant 0 : i32
        %dma_wait3A_482 = tpu.memref_slice %arg12[%dma_wait3A_480, %dma_wait3A_481] : memref<10240x72xf32, #tpu.memory_space<vmem_shared>> -> memref<10240x72xf32, #tpu.memory_space<vmem_shared>>
        tpu.wait_indirect_dma semaphore(%run_scoped3A_470 : memref<!tpu.dma_semaphore, #tpu.memory_space<semaphore_mem>>) src(%arg8 : memref<128x72xf32, #tpu.memory_space<vmem>>) dst(%dma_wait3A_482 : memref<10240x72xf32, #tpu.memory_space<vmem_shared>>)
        tpu.yield
      }) : () -> ()
      %add3A_462 = arith.constant 2 : i32
      %add3A_463 = arith.addi %add3A_454, %add3A_462 : i32
      %dma_start3A_464 = arith.constant 0 : i32
      %dma_start3A_465 = tpu.memref_slice %arg9[%add3A_463, %dma_start3A_464] : memref<40x128xi32, #tpu.memory_space<vmem>> -> memref<1x128xi32, #tpu.memory_space<vmem>>
      %dma_start3A_466 = tpu.memref_squeeze %dma_start3A_465 : memref<1x128xi32, #tpu.memory_space<vmem>> -> memref<128xi32, #tpu.memory_space<vmem>>
      %dma_start3A_467 = arith.constant 0 : i32
      %dma_start3A_468 = arith.constant 0 : i32
      %dma_start3A_469 = tpu.memref_slice %arg11[%dma_start3A_467, %dma_start3A_468] : memref<10240x72xf32, #tpu.memory_space<vmem_shared>> -> memref<10240x72xf32, #tpu.memory_space<vmem_shared>>
      tpu.enqueue_indirect_dma source(%dma_start3A_469 : memref<10240x72xf32, #tpu.memory_space<vmem_shared>>) target(%arg8 : memref<128x72xf32, #tpu.memory_space<vmem>>) offsets(%dma_start3A_466 : memref<128xi32, #tpu.memory_space<vmem>>) semaphore(%arg14 : memref<!tpu.dma_semaphore, #tpu.memory_space<semaphore_mem>>)
    }
    %scan3A_281 = arith.constant 19 : i32
    %dma_wait3A_282 = arith.constant 0 : i32
    %dma_wait3A_283 = arith.constant 0 : i32
    %dma_wait3A_284 = tpu.memref_slice %arg9[%dma_wait3A_282, %dma_wait3A_283] : memref<40x128xi32, #tpu.memory_space<vmem>> -> memref<1x128xi32, #tpu.memory_space<vmem>>
    %dma_wait3A_285 = tpu.memref_squeeze %dma_wait3A_284 : memref<1x128xi32, #tpu.memory_space<vmem>> -> memref<128xi32, #tpu.memory_space<vmem>>
    %dma_wait3A_286 = arith.constant 0 : i32
    %dma_wait3A_287 = arith.constant 0 : i32
    %dma_wait3A_288 = tpu.memref_slice %arg11[%dma_wait3A_286, %dma_wait3A_287] : memref<10240x72xf32, #tpu.memory_space<vmem_shared>> -> memref<10240x72xf32, #tpu.memory_space<vmem_shared>>
    tpu.wait_indirect_dma semaphore(%arg13 : memref<!tpu.dma_semaphore, #tpu.memory_space<semaphore_mem>>) src(%dma_wait3A_288 : memref<10240x72xf32, #tpu.memory_space<vmem_shared>>) dst(%arg7 : memref<128x72xf32, #tpu.memory_space<vmem>>)
    %run_scoped3A_289 = arith.constant 38 : i32
    "tpu.region"() ({
      %run_scoped3A_431 = tpu.sem_alloc : memref<!tpu.dma_semaphore, #tpu.memory_space<semaphore_mem>>
      %dma_start3A_432 = arith.constant 0 : i32
      %dma_start3A_433 = tpu.memref_slice %arg10[%run_scoped3A_289, %dma_start3A_432] : memref<40x128xi32, #tpu.memory_space<vmem>> -> memref<1x128xi32, #tpu.memory_space<vmem>>
      %dma_start3A_434 = tpu.memref_squeeze %dma_start3A_433 : memref<1x128xi32, #tpu.memory_space<vmem>> -> memref<128xi32, #tpu.memory_space<vmem>>
      %dma_start3A_435 = arith.constant 0 : i32
      %dma_start3A_436 = arith.constant 0 : i32
      %dma_start3A_437 = tpu.memref_slice %arg12[%dma_start3A_435, %dma_start3A_436] : memref<10240x72xf32, #tpu.memory_space<vmem_shared>> -> memref<10240x72xf32, #tpu.memory_space<vmem_shared>>
      tpu.enqueue_indirect_dma source(%arg7 : memref<128x72xf32, #tpu.memory_space<vmem>>) target(%dma_start3A_437 : memref<10240x72xf32, #tpu.memory_space<vmem_shared>>) offsets(%dma_start3A_434 : memref<128xi32, #tpu.memory_space<vmem>>) semaphore(%run_scoped3A_431 : memref<!tpu.dma_semaphore, #tpu.memory_space<semaphore_mem>>) {add = true}
      %dma_wait3A_438 = arith.constant 0 : i32
      %dma_wait3A_439 = tpu.memref_slice %arg10[%run_scoped3A_289, %dma_wait3A_438] : memref<40x128xi32, #tpu.memory_space<vmem>> -> memref<1x128xi32, #tpu.memory_space<vmem>>
      %dma_wait3A_440 = tpu.memref_squeeze %dma_wait3A_439 : memref<1x128xi32, #tpu.memory_space<vmem>> -> memref<128xi32, #tpu.memory_space<vmem>>
      %dma_wait3A_441 = arith.constant 0 : i32
      %dma_wait3A_442 = arith.constant 0 : i32
      %dma_wait3A_443 = tpu.memref_slice %arg12[%dma_wait3A_441, %dma_wait3A_442] : memref<10240x72xf32, #tpu.memory_space<vmem_shared>> -> memref<10240x72xf32, #tpu.memory_space<vmem_shared>>
      tpu.wait_indirect_dma semaphore(%run_scoped3A_431 : memref<!tpu.dma_semaphore, #tpu.memory_space<semaphore_mem>>) src(%arg7 : memref<128x72xf32, #tpu.memory_space<vmem>>) dst(%dma_wait3A_443 : memref<10240x72xf32, #tpu.memory_space<vmem_shared>>)
      tpu.yield
    }) : () -> ()
    %dma_wait3A_290 = arith.constant 0 : i32
    %dma_wait3A_291 = arith.constant 0 : i32
    %dma_wait3A_292 = tpu.memref_slice %arg9[%dma_wait3A_290, %dma_wait3A_291] : memref<40x128xi32, #tpu.memory_space<vmem>> -> memref<1x128xi32, #tpu.memory_space<vmem>>
    %dma_wait3A_293 = tpu.memref_squeeze %dma_wait3A_292 : memref<1x128xi32, #tpu.memory_space<vmem>> -> memref<128xi32, #tpu.memory_space<vmem>>
    %dma_wait3A_294 = arith.constant 0 : i32
    %dma_wait3A_295 = arith.constant 0 : i32
    %dma_wait3A_296 = tpu.memref_slice %arg11[%dma_wait3A_294, %dma_wait3A_295] : memref<10240x72xf32, #tpu.memory_space<vmem_shared>> -> memref<10240x72xf32, #tpu.memory_space<vmem_shared>>
    tpu.wait_indirect_dma semaphore(%arg14 : memref<!tpu.dma_semaphore, #tpu.memory_space<semaphore_mem>>) src(%dma_wait3A_296 : memref<10240x72xf32, #tpu.memory_space<vmem_shared>>) dst(%arg8 : memref<128x72xf32, #tpu.memory_space<vmem>>)
    %run_scoped3A_297 = arith.constant 39 : i32
    "tpu.region"() ({
      %run_scoped3A_431 = tpu.sem_alloc : memref<!tpu.dma_semaphore, #tpu.memory_space<semaphore_mem>>
      %dma_start3A_432 = arith.constant 0 : i32
      %dma_start3A_433 = tpu.memref_slice %arg10[%run_scoped3A_297, %dma_start3A_432] : memref<40x128xi32, #tpu.memory_space<vmem>> -> memref<1x128xi32, #tpu.memory_space<vmem>>
      %dma_start3A_434 = tpu.memref_squeeze %dma_start3A_433 : memref<1x128xi32, #tpu.memory_space<vmem>> -> memref<128xi32, #tpu.memory_space<vmem>>
      %dma_start3A_435 = arith.constant 0 : i32
      %dma_start3A_436 = arith.constant 0 : i32
      %dma_start3A_437 = tpu.memref_slice %arg12[%dma_start3A_435, %dma_start3A_436] : memref<10240x72xf32, #tpu.memory_space<vmem_shared>> -> memref<10240x72xf32, #tpu.memory_space<vmem_shared>>
      tpu.enqueue_indirect_dma source(%arg8 : memref<128x72xf32, #tpu.memory_space<vmem>>) target(%dma_start3A_437 : memref<10240x72xf32, #tpu.memory_space<vmem_shared>>) offsets(%dma_start3A_434 : memref<128xi32, #tpu.memory_space<vmem>>) semaphore(%run_scoped3A_431 : memref<!tpu.dma_semaphore, #tpu.memory_space<semaphore_mem>>) {add = true}
      %dma_wait3A_438 = arith.constant 0 : i32
      %dma_wait3A_439 = tpu.memref_slice %arg10[%run_scoped3A_297, %dma_wait3A_438] : memref<40x128xi32, #tpu.memory_space<vmem>> -> memref<1x128xi32, #tpu.memory_space<vmem>>
      %dma_wait3A_440 = tpu.memref_squeeze %dma_wait3A_439 : memref<1x128xi32, #tpu.memory_space<vmem>> -> memref<128xi32, #tpu.memory_space<vmem>>
      %dma_wait3A_441 = arith.constant 0 : i32
      %dma_wait3A_442 = arith.constant 0 : i32
      %dma_wait3A_443 = tpu.memref_slice %arg12[%dma_wait3A_441, %dma_wait3A_442] : memref<10240x72xf32, #tpu.memory_space<vmem_shared>> -> memref<10240x72xf32, #tpu.memory_space<vmem_shared>>
      tpu.wait_indirect_dma semaphore(%run_scoped3A_431 : memref<!tpu.dma_semaphore, #tpu.memory_space<semaphore_mem>>) src(%arg8 : memref<128x72xf32, #tpu.memory_space<vmem>>) dst(%dma_wait3A_443 : memref<10240x72xf32, #tpu.memory_space<vmem_shared>>)
      tpu.yield
    }) : () -> ()
    %barrier3A_298 = arith.constant 0 : index
    tpu.barrier barrier_id(%barrier3A_298)
    %mul3A_299 = arith.constant 640 : i32
    %mul3A_300 = arith.muli %arg1, %mul3A_299 : i32
    %add3A_301 = arith.constant 0 : i32
    %add3A_302 = arith.addi %mul3A_300, %add3A_301 : i32
    %run_scoped3A_303 = arith.constant 1 : i32
    "tpu.region"() ({
      %run_scoped3A_431 = tpu.sem_alloc : memref<!tpu.dma_semaphore, #tpu.memory_space<semaphore_mem>>
      %dma_start3A_432 = arith.constant 0 : i32
      %dma_start3A_433 = tpu.memref_slice %arg6[%run_scoped3A_303, %add3A_220, %add3A_302, %dma_start3A_432] : memref<2x4x10240x72xf32, #tpu.memory_space<hbm>> -> memref<1x1x128x72xf32, #tpu.memory_space<hbm>>
      %dma_start3A_434 = tpu.memref_squeeze %dma_start3A_433 : memref<1x1x128x72xf32, #tpu.memory_space<hbm>> -> memref<128x72xf32, #tpu.memory_space<hbm>>
      %dma_start3A_435 = arith.constant 0 : i32
      %dma_start3A_436 = tpu.memref_slice %arg12[%add3A_302, %dma_start3A_435] : memref<10240x72xf32, #tpu.memory_space<vmem_shared>> -> memref<128x72xf32, #tpu.memory_space<vmem_shared>>
      tpu.enqueue_dma source(%dma_start3A_436 : memref<128x72xf32, #tpu.memory_space<vmem_shared>>) target(%dma_start3A_434 : memref<128x72xf32, #tpu.memory_space<hbm>>) target_semaphore(%run_scoped3A_431 : memref<!tpu.dma_semaphore, #tpu.memory_space<semaphore_mem>>)
      %dma_wait3A_437 = arith.constant 0 : i32
      %dma_wait3A_438 = tpu.memref_slice %arg6[%run_scoped3A_303, %add3A_220, %add3A_302, %dma_wait3A_437] : memref<2x4x10240x72xf32, #tpu.memory_space<hbm>> -> memref<1x1x128x72xf32, #tpu.memory_space<hbm>>
      %dma_wait3A_439 = tpu.memref_squeeze %dma_wait3A_438 : memref<1x1x128x72xf32, #tpu.memory_space<hbm>> -> memref<128x72xf32, #tpu.memory_space<hbm>>
      %dma_wait3A_440 = arith.constant 0 : i32
      %dma_wait3A_441 = tpu.memref_slice %arg12[%add3A_302, %dma_wait3A_440] : memref<10240x72xf32, #tpu.memory_space<vmem_shared>> -> memref<128x72xf32, #tpu.memory_space<vmem_shared>>
      tpu.wait_dma2 semaphore(%run_scoped3A_431 : memref<!tpu.dma_semaphore, #tpu.memory_space<semaphore_mem>>) src(%dma_wait3A_441 : memref<128x72xf32, #tpu.memory_space<vmem_shared>>) dst(%dma_wait3A_439 : memref<128x72xf32, #tpu.memory_space<hbm>>)
      tpu.yield
    }) : () -> ()
    %mul3A_304 = arith.constant 640 : i32
    %mul3A_305 = arith.muli %arg1, %mul3A_304 : i32
    %add3A_306 = arith.constant 128 : i32
    %add3A_307 = arith.addi %mul3A_305, %add3A_306 : i32
    %run_scoped3A_308 = arith.constant 1 : i32
    "tpu.region"() ({
      %run_scoped3A_431 = tpu.sem_alloc : memref<!tpu.dma_semaphore, #tpu.memory_space<semaphore_mem>>
      %dma_start3A_432 = arith.constant 0 : i32
      %dma_start3A_433 = tpu.memref_slice %arg6[%run_scoped3A_308, %add3A_220, %add3A_307, %dma_start3A_432] : memref<2x4x10240x72xf32, #tpu.memory_space<hbm>> -> memref<1x1x128x72xf32, #tpu.memory_space<hbm>>
      %dma_start3A_434 = tpu.memref_squeeze %dma_start3A_433 : memref<1x1x128x72xf32, #tpu.memory_space<hbm>> -> memref<128x72xf32, #tpu.memory_space<hbm>>
      %dma_start3A_435 = arith.constant 0 : i32
      %dma_start3A_436 = tpu.memref_slice %arg12[%add3A_307, %dma_start3A_435] : memref<10240x72xf32, #tpu.memory_space<vmem_shared>> -> memref<128x72xf32, #tpu.memory_space<vmem_shared>>
      tpu.enqueue_dma source(%dma_start3A_436 : memref<128x72xf32, #tpu.memory_space<vmem_shared>>) target(%dma_start3A_434 : memref<128x72xf32, #tpu.memory_space<hbm>>) target_semaphore(%run_scoped3A_431 : memref<!tpu.dma_semaphore, #tpu.memory_space<semaphore_mem>>)
      %dma_wait3A_437 = arith.constant 0 : i32
      %dma_wait3A_438 = tpu.memref_slice %arg6[%run_scoped3A_308, %add3A_220, %add3A_307, %dma_wait3A_437] : memref<2x4x10240x72xf32, #tpu.memory_space<hbm>> -> memref<1x1x128x72xf32, #tpu.memory_space<hbm>>
      %dma_wait3A_439 = tpu.memref_squeeze %dma_wait3A_438 : memref<1x1x128x72xf32, #tpu.memory_space<hbm>> -> memref<128x72xf32, #tpu.memory_space<hbm>>
      %dma_wait3A_440 = arith.constant 0 : i32
      %dma_wait3A_441 = tpu.memref_slice %arg12[%add3A_307, %dma_wait3A_440] : memref<10240x72xf32, #tpu.memory_space<vmem_shared>> -> memref<128x72xf32, #tpu.memory_space<vmem_shared>>
      tpu.wait_dma2 semaphore(%run_scoped3A_431 : memref<!tpu.dma_semaphore, #tpu.memory_space<semaphore_mem>>) src(%dma_wait3A_441 : memref<128x72xf32, #tpu.memory_space<vmem_shared>>) dst(%dma_wait3A_439 : memref<128x72xf32, #tpu.memory_space<hbm>>)
      tpu.yield
    }) : () -> ()
    %mul3A_309 = arith.constant 640 : i32
    %mul3A_310 = arith.muli %arg1, %mul3A_309 : i32
    %add3A_311 = arith.constant 256 : i32
    %add3A_312 = arith.addi %mul3A_310, %add3A_311 : i32
    %run_scoped3A_313 = arith.constant 1 : i32
    "tpu.region"() ({
      %run_scoped3A_431 = tpu.sem_alloc : memref<!tpu.dma_semaphore, #tpu.memory_space<semaphore_mem>>
      %dma_start3A_432 = arith.constant 0 : i32
      %dma_start3A_433 = tpu.memref_slice %arg6[%run_scoped3A_313, %add3A_220, %add3A_312, %dma_start3A_432] : memref<2x4x10240x72xf32, #tpu.memory_space<hbm>> -> memref<1x1x128x72xf32, #tpu.memory_space<hbm>>
      %dma_start3A_434 = tpu.memref_squeeze %dma_start3A_433 : memref<1x1x128x72xf32, #tpu.memory_space<hbm>> -> memref<128x72xf32, #tpu.memory_space<hbm>>
      %dma_start3A_435 = arith.constant 0 : i32
      %dma_start3A_436 = tpu.memref_slice %arg12[%add3A_312, %dma_start3A_435] : memref<10240x72xf32, #tpu.memory_space<vmem_shared>> -> memref<128x72xf32, #tpu.memory_space<vmem_shared>>
      tpu.enqueue_dma source(%dma_start3A_436 : memref<128x72xf32, #tpu.memory_space<vmem_shared>>) target(%dma_start3A_434 : memref<128x72xf32, #tpu.memory_space<hbm>>) target_semaphore(%run_scoped3A_431 : memref<!tpu.dma_semaphore, #tpu.memory_space<semaphore_mem>>)
      %dma_wait3A_437 = arith.constant 0 : i32
      %dma_wait3A_438 = tpu.memref_slice %arg6[%run_scoped3A_313, %add3A_220, %add3A_312, %dma_wait3A_437] : memref<2x4x10240x72xf32, #tpu.memory_space<hbm>> -> memref<1x1x128x72xf32, #tpu.memory_space<hbm>>
      %dma_wait3A_439 = tpu.memref_squeeze %dma_wait3A_438 : memref<1x1x128x72xf32, #tpu.memory_space<hbm>> -> memref<128x72xf32, #tpu.memory_space<hbm>>
      %dma_wait3A_440 = arith.constant 0 : i32
      %dma_wait3A_441 = tpu.memref_slice %arg12[%add3A_312, %dma_wait3A_440] : memref<10240x72xf32, #tpu.memory_space<vmem_shared>> -> memref<128x72xf32, #tpu.memory_space<vmem_shared>>
      tpu.wait_dma2 semaphore(%run_scoped3A_431 : memref<!tpu.dma_semaphore, #tpu.memory_space<semaphore_mem>>) src(%dma_wait3A_441 : memref<128x72xf32, #tpu.memory_space<vmem_shared>>) dst(%dma_wait3A_439 : memref<128x72xf32, #tpu.memory_space<hbm>>)
      tpu.yield
    }) : () -> ()
    %mul3A_314 = arith.constant 640 : i32
    %mul3A_315 = arith.muli %arg1, %mul3A_314 : i32
    %add3A_316 = arith.constant 384 : i32
    %add3A_317 = arith.addi %mul3A_315, %add3A_316 : i32
    %run_scoped3A_318 = arith.constant 1 : i32
    "tpu.region"() ({
      %run_scoped3A_431 = tpu.sem_alloc : memref<!tpu.dma_semaphore, #tpu.memory_space<semaphore_mem>>
      %dma_start3A_432 = arith.constant 0 : i32
      %dma_start3A_433 = tpu.memref_slice %arg6[%run_scoped3A_318, %add3A_220, %add3A_317, %dma_start3A_432] : memref<2x4x10240x72xf32, #tpu.memory_space<hbm>> -> memref<1x1x128x72xf32, #tpu.memory_space<hbm>>
      %dma_start3A_434 = tpu.memref_squeeze %dma_start3A_433 : memref<1x1x128x72xf32, #tpu.memory_space<hbm>> -> memref<128x72xf32, #tpu.memory_space<hbm>>
      %dma_start3A_435 = arith.constant 0 : i32
      %dma_start3A_436 = tpu.memref_slice %arg12[%add3A_317, %dma_start3A_435] : memref<10240x72xf32, #tpu.memory_space<vmem_shared>> -> memref<128x72xf32, #tpu.memory_space<vmem_shared>>
      tpu.enqueue_dma source(%dma_start3A_436 : memref<128x72xf32, #tpu.memory_space<vmem_shared>>) target(%dma_start3A_434 : memref<128x72xf32, #tpu.memory_space<hbm>>) target_semaphore(%run_scoped3A_431 : memref<!tpu.dma_semaphore, #tpu.memory_space<semaphore_mem>>)
      %dma_wait3A_437 = arith.constant 0 : i32
      %dma_wait3A_438 = tpu.memref_slice %arg6[%run_scoped3A_318, %add3A_220, %add3A_317, %dma_wait3A_437] : memref<2x4x10240x72xf32, #tpu.memory_space<hbm>> -> memref<1x1x128x72xf32, #tpu.memory_space<hbm>>
      %dma_wait3A_439 = tpu.memref_squeeze %dma_wait3A_438 : memref<1x1x128x72xf32, #tpu.memory_space<hbm>> -> memref<128x72xf32, #tpu.memory_space<hbm>>
      %dma_wait3A_440 = arith.constant 0 : i32
      %dma_wait3A_441 = tpu.memref_slice %arg12[%add3A_317, %dma_wait3A_440] : memref<10240x72xf32, #tpu.memory_space<vmem_shared>> -> memref<128x72xf32, #tpu.memory_space<vmem_shared>>
      tpu.wait_dma2 semaphore(%run_scoped3A_431 : memref<!tpu.dma_semaphore, #tpu.memory_space<semaphore_mem>>) src(%dma_wait3A_441 : memref<128x72xf32, #tpu.memory_space<vmem_shared>>) dst(%dma_wait3A_439 : memref<128x72xf32, #tpu.memory_space<hbm>>)
      tpu.yield
    }) : () -> ()
    %mul3A_319 = arith.constant 640 : i32
    %mul3A_320 = arith.muli %arg1, %mul3A_319 : i32
    %add3A_321 = arith.constant 512 : i32
    %add3A_322 = arith.addi %mul3A_320, %add3A_321 : i32
    %run_scoped3A_323 = arith.constant 1 : i32
    "tpu.region"() ({
      %run_scoped3A_431 = tpu.sem_alloc : memref<!tpu.dma_semaphore, #tpu.memory_space<semaphore_mem>>
      %dma_start3A_432 = arith.constant 0 : i32
      %dma_start3A_433 = tpu.memref_slice %arg6[%run_scoped3A_323, %add3A_220, %add3A_322, %dma_start3A_432] : memref<2x4x10240x72xf32, #tpu.memory_space<hbm>> -> memref<1x1x128x72xf32, #tpu.memory_space<hbm>>
      %dma_start3A_434 = tpu.memref_squeeze %dma_start3A_433 : memref<1x1x128x72xf32, #tpu.memory_space<hbm>> -> memref<128x72xf32, #tpu.memory_space<hbm>>
      %dma_start3A_435 = arith.constant 0 : i32
      %dma_start3A_436 = tpu.memref_slice %arg12[%add3A_322, %dma_start3A_435] : memref<10240x72xf32, #tpu.memory_space<vmem_shared>> -> memref<128x72xf32, #tpu.memory_space<vmem_shared>>
      tpu.enqueue_dma source(%dma_start3A_436 : memref<128x72xf32, #tpu.memory_space<vmem_shared>>) target(%dma_start3A_434 : memref<128x72xf32, #tpu.memory_space<hbm>>) target_semaphore(%run_scoped3A_431 : memref<!tpu.dma_semaphore, #tpu.memory_space<semaphore_mem>>)
      %dma_wait3A_437 = arith.constant 0 : i32
      %dma_wait3A_438 = tpu.memref_slice %arg6[%run_scoped3A_323, %add3A_220, %add3A_322, %dma_wait3A_437] : memref<2x4x10240x72xf32, #tpu.memory_space<hbm>> -> memref<1x1x128x72xf32, #tpu.memory_space<hbm>>
      %dma_wait3A_439 = tpu.memref_squeeze %dma_wait3A_438 : memref<1x1x128x72xf32, #tpu.memory_space<hbm>> -> memref<128x72xf32, #tpu.memory_space<hbm>>
      %dma_wait3A_440 = arith.constant 0 : i32
      %dma_wait3A_441 = tpu.memref_slice %arg12[%add3A_322, %dma_wait3A_440] : memref<10240x72xf32, #tpu.memory_space<vmem_shared>> -> memref<128x72xf32, #tpu.memory_space<vmem_shared>>
      tpu.wait_dma2 semaphore(%run_scoped3A_431 : memref<!tpu.dma_semaphore, #tpu.memory_space<semaphore_mem>>) src(%dma_wait3A_441 : memref<128x72xf32, #tpu.memory_space<vmem_shared>>) dst(%dma_wait3A_439 : memref<128x72xf32, #tpu.memory_space<hbm>>)
      tpu.yield
    }) : () -> ()
    %mul3A_324 = arith.constant 2 : i32
    %mul3A_325 = arith.muli %arg0, %mul3A_324 : i32
    %add3A_326 = arith.constant 1 : i32
    %add3A_327 = arith.addi %mul3A_325, %add3A_326 : i32
    "tpu.region"() ({
      %run_scoped3A_431 = tpu.sem_alloc : memref<!tpu.dma_semaphore, #tpu.memory_space<semaphore_mem>>
      %dma_start3A_432 = arith.constant 0 : i32
      %dma_start3A_433 = arith.constant 0 : i32
      %dma_start3A_434 = tpu.memref_slice %arg7[%dma_start3A_432, %dma_start3A_433] : memref<128x72xf32, #tpu.memory_space<vmem>> -> memref<64x72xf32, #tpu.memory_space<vmem>>
      %dma_start3A_435 = arith.constant 0 : i32
      %dma_start3A_436 = arith.constant 0 : i32
      %dma_start3A_437 = tpu.memref_slice %arg7[%dma_start3A_435, %dma_start3A_436] : memref<128x72xf32, #tpu.memory_space<vmem>> -> memref<64x72xf32, #tpu.memory_space<vmem>>
      tpu.enqueue_dma source(%arg5 : memref<64x72xf32, #tpu.memory_space<hbm>>) target(%dma_start3A_437 : memref<64x72xf32, #tpu.memory_space<vmem>>) target_semaphore(%run_scoped3A_431 : memref<!tpu.dma_semaphore, #tpu.memory_space<semaphore_mem>>)
      %dma_wait3A_438 = arith.constant 0 : i32
      %dma_wait3A_439 = arith.constant 0 : i32
      %dma_wait3A_440 = tpu.memref_slice %arg7[%dma_wait3A_438, %dma_wait3A_439] : memref<128x72xf32, #tpu.memory_space<vmem>> -> memref<64x72xf32, #tpu.memory_space<vmem>>
      %dma_wait3A_441 = arith.constant 0 : i32
      %dma_wait3A_442 = arith.constant 0 : i32
      %dma_wait3A_443 = tpu.memref_slice %arg7[%dma_wait3A_441, %dma_wait3A_442] : memref<128x72xf32, #tpu.memory_space<vmem>> -> memref<64x72xf32, #tpu.memory_space<vmem>>
      tpu.wait_dma2 semaphore(%run_scoped3A_431 : memref<!tpu.dma_semaphore, #tpu.memory_space<semaphore_mem>>) src(%arg5 : memref<64x72xf32, #tpu.memory_space<hbm>>) dst(%dma_wait3A_443 : memref<64x72xf32, #tpu.memory_space<vmem>>)
      tpu.yield
    }) : () -> ()
    %mul3A_328 = arith.constant 640 : i32
    %mul3A_329 = arith.muli %arg1, %mul3A_328 : i32
    %add3A_330 = arith.constant 0 : i32
    %add3A_331 = arith.addi %mul3A_329, %add3A_330 : i32
    "tpu.region"() ({
      %run_scoped3A_431 = tpu.sem_alloc : memref<!tpu.dma_semaphore, #tpu.memory_space<semaphore_mem>>
      %dma_start3A_432 = arith.constant 0 : i32
      %dma_start3A_433 = arith.constant 0 : i32
      %dma_start3A_434 = tpu.memref_slice %arg7[%dma_start3A_432, %dma_start3A_433] : memref<128x72xf32, #tpu.memory_space<vmem>> -> memref<64x72xf32, #tpu.memory_space<vmem>>
      %dma_start3A_435 = arith.constant 0 : i32
      %dma_start3A_436 = tpu.memref_slice %arg12[%add3A_331, %dma_start3A_435] : memref<10240x72xf32, #tpu.memory_space<vmem_shared>> -> memref<64x72xf32, #tpu.memory_space<vmem_shared>>
      %dma_start3A_437 = arith.constant 0 : i32
      %dma_start3A_438 = tpu.memref_slice %arg12[%add3A_331, %dma_start3A_437] : memref<10240x72xf32, #tpu.memory_space<vmem_shared>> -> memref<64x72xf32, #tpu.memory_space<vmem_shared>>
      %dma_start3A_439 = arith.constant 0 : i32
      %dma_start3A_440 = arith.constant 0 : i32
      %dma_start3A_441 = tpu.memref_slice %arg7[%dma_start3A_439, %dma_start3A_440] : memref<128x72xf32, #tpu.memory_space<vmem>> -> memref<64x72xf32, #tpu.memory_space<vmem>>
      tpu.enqueue_dma source(%dma_start3A_441 : memref<64x72xf32, #tpu.memory_space<vmem>>) target(%dma_start3A_438 : memref<64x72xf32, #tpu.memory_space<vmem_shared>>) target_semaphore(%run_scoped3A_431 : memref<!tpu.dma_semaphore, #tpu.memory_space<semaphore_mem>>)
      %dma_wait3A_442 = arith.constant 0 : i32
      %dma_wait3A_443 = arith.constant 0 : i32
      %dma_wait3A_444 = tpu.memref_slice %arg7[%dma_wait3A_442, %dma_wait3A_443] : memref<128x72xf32, #tpu.memory_space<vmem>> -> memref<64x72xf32, #tpu.memory_space<vmem>>
      %dma_wait3A_445 = arith.constant 0 : i32
      %dma_wait3A_446 = tpu.memref_slice %arg12[%add3A_331, %dma_wait3A_445] : memref<10240x72xf32, #tpu.memory_space<vmem_shared>> -> memref<64x72xf32, #tpu.memory_space<vmem_shared>>
      %dma_wait3A_447 = arith.constant 0 : i32
      %dma_wait3A_448 = tpu.memref_slice %arg12[%add3A_331, %dma_wait3A_447] : memref<10240x72xf32, #tpu.memory_space<vmem_shared>> -> memref<64x72xf32, #tpu.memory_space<vmem_shared>>
      %dma_wait3A_449 = arith.constant 0 : i32
      %dma_wait3A_450 = arith.constant 0 : i32
      %dma_wait3A_451 = tpu.memref_slice %arg7[%dma_wait3A_449, %dma_wait3A_450] : memref<128x72xf32, #tpu.memory_space<vmem>> -> memref<64x72xf32, #tpu.memory_space<vmem>>
      tpu.wait_dma2 semaphore(%run_scoped3A_431 : memref<!tpu.dma_semaphore, #tpu.memory_space<semaphore_mem>>) src(%dma_wait3A_451 : memref<64x72xf32, #tpu.memory_space<vmem>>) dst(%dma_wait3A_448 : memref<64x72xf32, #tpu.memory_space<vmem_shared>>)
      tpu.yield
    }) : () -> ()
    %mul3A_332 = arith.constant 640 : i32
    %mul3A_333 = arith.muli %arg1, %mul3A_332 : i32
    %add3A_334 = arith.constant 64 : i32
    %add3A_335 = arith.addi %mul3A_333, %add3A_334 : i32
    "tpu.region"() ({
      %run_scoped3A_431 = tpu.sem_alloc : memref<!tpu.dma_semaphore, #tpu.memory_space<semaphore_mem>>
      %dma_start3A_432 = arith.constant 0 : i32
      %dma_start3A_433 = arith.constant 0 : i32
      %dma_start3A_434 = tpu.memref_slice %arg7[%dma_start3A_432, %dma_start3A_433] : memref<128x72xf32, #tpu.memory_space<vmem>> -> memref<64x72xf32, #tpu.memory_space<vmem>>
      %dma_start3A_435 = arith.constant 0 : i32
      %dma_start3A_436 = tpu.memref_slice %arg12[%add3A_335, %dma_start3A_435] : memref<10240x72xf32, #tpu.memory_space<vmem_shared>> -> memref<64x72xf32, #tpu.memory_space<vmem_shared>>
      %dma_start3A_437 = arith.constant 0 : i32
      %dma_start3A_438 = tpu.memref_slice %arg12[%add3A_335, %dma_start3A_437] : memref<10240x72xf32, #tpu.memory_space<vmem_shared>> -> memref<64x72xf32, #tpu.memory_space<vmem_shared>>
      %dma_start3A_439 = arith.constant 0 : i32
      %dma_start3A_440 = arith.constant 0 : i32
      %dma_start3A_441 = tpu.memref_slice %arg7[%dma_start3A_439, %dma_start3A_440] : memref<128x72xf32, #tpu.memory_space<vmem>> -> memref<64x72xf32, #tpu.memory_space<vmem>>
      tpu.enqueue_dma source(%dma_start3A_441 : memref<64x72xf32, #tpu.memory_space<vmem>>) target(%dma_start3A_438 : memref<64x72xf32, #tpu.memory_space<vmem_shared>>) target_semaphore(%run_scoped3A_431 : memref<!tpu.dma_semaphore, #tpu.memory_space<semaphore_mem>>)
      %dma_wait3A_442 = arith.constant 0 : i32
      %dma_wait3A_443 = arith.constant 0 : i32
      %dma_wait3A_444 = tpu.memref_slice %arg7[%dma_wait3A_442, %dma_wait3A_443] : memref<128x72xf32, #tpu.memory_space<vmem>> -> memref<64x72xf32, #tpu.memory_space<vmem>>
      %dma_wait3A_445 = arith.constant 0 : i32
      %dma_wait3A_446 = tpu.memref_slice %arg12[%add3A_335, %dma_wait3A_445] : memref<10240x72xf32, #tpu.memory_space<vmem_shared>> -> memref<64x72xf32, #tpu.memory_space<vmem_shared>>
      %dma_wait3A_447 = arith.constant 0 : i32
      %dma_wait3A_448 = tpu.memref_slice %arg12[%add3A_335, %dma_wait3A_447] : memref<10240x72xf32, #tpu.memory_space<vmem_shared>> -> memref<64x72xf32, #tpu.memory_space<vmem_shared>>
      %dma_wait3A_449 = arith.constant 0 : i32
      %dma_wait3A_450 = arith.constant 0 : i32
      %dma_wait3A_451 = tpu.memref_slice %arg7[%dma_wait3A_449, %dma_wait3A_450] : memref<128x72xf32, #tpu.memory_space<vmem>> -> memref<64x72xf32, #tpu.memory_space<vmem>>
      tpu.wait_dma2 semaphore(%run_scoped3A_431 : memref<!tpu.dma_semaphore, #tpu.memory_space<semaphore_mem>>) src(%dma_wait3A_451 : memref<64x72xf32, #tpu.memory_space<vmem>>) dst(%dma_wait3A_448 : memref<64x72xf32, #tpu.memory_space<vmem_shared>>)
      tpu.yield
    }) : () -> ()
    %mul3A_336 = arith.constant 640 : i32
    %mul3A_337 = arith.muli %arg1, %mul3A_336 : i32
    %add3A_338 = arith.constant 128 : i32
    %add3A_339 = arith.addi %mul3A_337, %add3A_338 : i32
    "tpu.region"() ({
      %run_scoped3A_431 = tpu.sem_alloc : memref<!tpu.dma_semaphore, #tpu.memory_space<semaphore_mem>>
      %dma_start3A_432 = arith.constant 0 : i32
      %dma_start3A_433 = arith.constant 0 : i32
      %dma_start3A_434 = tpu.memref_slice %arg7[%dma_start3A_432, %dma_start3A_433] : memref<128x72xf32, #tpu.memory_space<vmem>> -> memref<64x72xf32, #tpu.memory_space<vmem>>
      %dma_start3A_435 = arith.constant 0 : i32
      %dma_start3A_436 = tpu.memref_slice %arg12[%add3A_339, %dma_start3A_435] : memref<10240x72xf32, #tpu.memory_space<vmem_shared>> -> memref<64x72xf32, #tpu.memory_space<vmem_shared>>
      %dma_start3A_437 = arith.constant 0 : i32
      %dma_start3A_438 = tpu.memref_slice %arg12[%add3A_339, %dma_start3A_437] : memref<10240x72xf32, #tpu.memory_space<vmem_shared>> -> memref<64x72xf32, #tpu.memory_space<vmem_shared>>
      %dma_start3A_439 = arith.constant 0 : i32
      %dma_start3A_440 = arith.constant 0 : i32
      %dma_start3A_441 = tpu.memref_slice %arg7[%dma_start3A_439, %dma_start3A_440] : memref<128x72xf32, #tpu.memory_space<vmem>> -> memref<64x72xf32, #tpu.memory_space<vmem>>
      tpu.enqueue_dma source(%dma_start3A_441 : memref<64x72xf32, #tpu.memory_space<vmem>>) target(%dma_start3A_438 : memref<64x72xf32, #tpu.memory_space<vmem_shared>>) target_semaphore(%run_scoped3A_431 : memref<!tpu.dma_semaphore, #tpu.memory_space<semaphore_mem>>)
      %dma_wait3A_442 = arith.constant 0 : i32
      %dma_wait3A_443 = arith.constant 0 : i32
      %dma_wait3A_444 = tpu.memref_slice %arg7[%dma_wait3A_442, %dma_wait3A_443] : memref<128x72xf32, #tpu.memory_space<vmem>> -> memref<64x72xf32, #tpu.memory_space<vmem>>
      %dma_wait3A_445 = arith.constant 0 : i32
      %dma_wait3A_446 = tpu.memref_slice %arg12[%add3A_339, %dma_wait3A_445] : memref<10240x72xf32, #tpu.memory_space<vmem_shared>> -> memref<64x72xf32, #tpu.memory_space<vmem_shared>>
      %dma_wait3A_447 = arith.constant 0 : i32
      %dma_wait3A_448 = tpu.memref_slice %arg12[%add3A_339, %dma_wait3A_447] : memref<10240x72xf32, #tpu.memory_space<vmem_shared>> -> memref<64x72xf32, #tpu.memory_space<vmem_shared>>
      %dma_wait3A_449 = arith.constant 0 : i32
      %dma_wait3A_450 = arith.constant 0 : i32
      %dma_wait3A_451 = tpu.memref_slice %arg7[%dma_wait3A_449, %dma_wait3A_450] : memref<128x72xf32, #tpu.memory_space<vmem>> -> memref<64x72xf32, #tpu.memory_space<vmem>>
      tpu.wait_dma2 semaphore(%run_scoped3A_431 : memref<!tpu.dma_semaphore, #tpu.memory_space<semaphore_mem>>) src(%dma_wait3A_451 : memref<64x72xf32, #tpu.memory_space<vmem>>) dst(%dma_wait3A_448 : memref<64x72xf32, #tpu.memory_space<vmem_shared>>)
      tpu.yield
    }) : () -> ()
    %mul3A_340 = arith.constant 640 : i32
    %mul3A_341 = arith.muli %arg1, %mul3A_340 : i32
    %add3A_342 = arith.constant 192 : i32
    %add3A_343 = arith.addi %mul3A_341, %add3A_342 : i32
    "tpu.region"() ({
      %run_scoped3A_431 = tpu.sem_alloc : memref<!tpu.dma_semaphore, #tpu.memory_space<semaphore_mem>>
      %dma_start3A_432 = arith.constant 0 : i32
      %dma_start3A_433 = arith.constant 0 : i32
      %dma_start3A_434 = tpu.memref_slice %arg7[%dma_start3A_432, %dma_start3A_433] : memref<128x72xf32, #tpu.memory_space<vmem>> -> memref<64x72xf32, #tpu.memory_space<vmem>>
      %dma_start3A_435 = arith.constant 0 : i32
      %dma_start3A_436 = tpu.memref_slice %arg12[%add3A_343, %dma_start3A_435] : memref<10240x72xf32, #tpu.memory_space<vmem_shared>> -> memref<64x72xf32, #tpu.memory_space<vmem_shared>>
      %dma_start3A_437 = arith.constant 0 : i32
      %dma_start3A_438 = tpu.memref_slice %arg12[%add3A_343, %dma_start3A_437] : memref<10240x72xf32, #tpu.memory_space<vmem_shared>> -> memref<64x72xf32, #tpu.memory_space<vmem_shared>>
      %dma_start3A_439 = arith.constant 0 : i32
      %dma_start3A_440 = arith.constant 0 : i32
      %dma_start3A_441 = tpu.memref_slice %arg7[%dma_start3A_439, %dma_start3A_440] : memref<128x72xf32, #tpu.memory_space<vmem>> -> memref<64x72xf32, #tpu.memory_space<vmem>>
      tpu.enqueue_dma source(%dma_start3A_441 : memref<64x72xf32, #tpu.memory_space<vmem>>) target(%dma_start3A_438 : memref<64x72xf32, #tpu.memory_space<vmem_shared>>) target_semaphore(%run_scoped3A_431 : memref<!tpu.dma_semaphore, #tpu.memory_space<semaphore_mem>>)
      %dma_wait3A_442 = arith.constant 0 : i32
      %dma_wait3A_443 = arith.constant 0 : i32
      %dma_wait3A_444 = tpu.memref_slice %arg7[%dma_wait3A_442, %dma_wait3A_443] : memref<128x72xf32, #tpu.memory_space<vmem>> -> memref<64x72xf32, #tpu.memory_space<vmem>>
      %dma_wait3A_445 = arith.constant 0 : i32
      %dma_wait3A_446 = tpu.memref_slice %arg12[%add3A_343, %dma_wait3A_445] : memref<10240x72xf32, #tpu.memory_space<vmem_shared>> -> memref<64x72xf32, #tpu.memory_space<vmem_shared>>
      %dma_wait3A_447 = arith.constant 0 : i32
      %dma_wait3A_448 = tpu.memref_slice %arg12[%add3A_343, %dma_wait3A_447] : memref<10240x72xf32, #tpu.memory_space<vmem_shared>> -> memref<64x72xf32, #tpu.memory_space<vmem_shared>>
      %dma_wait3A_449 = arith.constant 0 : i32
      %dma_wait3A_450 = arith.constant 0 : i32
      %dma_wait3A_451 = tpu.memref_slice %arg7[%dma_wait3A_449, %dma_wait3A_450] : memref<128x72xf32, #tpu.memory_space<vmem>> -> memref<64x72xf32, #tpu.memory_space<vmem>>
      tpu.wait_dma2 semaphore(%run_scoped3A_431 : memref<!tpu.dma_semaphore, #tpu.memory_space<semaphore_mem>>) src(%dma_wait3A_451 : memref<64x72xf32, #tpu.memory_space<vmem>>) dst(%dma_wait3A_448 : memref<64x72xf32, #tpu.memory_space<vmem_shared>>)
      tpu.yield
    }) : () -> ()
    %mul3A_344 = arith.constant 640 : i32
    %mul3A_345 = arith.muli %arg1, %mul3A_344 : i32
    %add3A_346 = arith.constant 256 : i32
    %add3A_347 = arith.addi %mul3A_345, %add3A_346 : i32
    "tpu.region"() ({
      %run_scoped3A_431 = tpu.sem_alloc : memref<!tpu.dma_semaphore, #tpu.memory_space<semaphore_mem>>
      %dma_start3A_432 = arith.constant 0 : i32
      %dma_start3A_433 = arith.constant 0 : i32
      %dma_start3A_434 = tpu.memref_slice %arg7[%dma_start3A_432, %dma_start3A_433] : memref<128x72xf32, #tpu.memory_space<vmem>> -> memref<64x72xf32, #tpu.memory_space<vmem>>
      %dma_start3A_435 = arith.constant 0 : i32
      %dma_start3A_436 = tpu.memref_slice %arg12[%add3A_347, %dma_start3A_435] : memref<10240x72xf32, #tpu.memory_space<vmem_shared>> -> memref<64x72xf32, #tpu.memory_space<vmem_shared>>
      %dma_start3A_437 = arith.constant 0 : i32
      %dma_start3A_438 = tpu.memref_slice %arg12[%add3A_347, %dma_start3A_437] : memref<10240x72xf32, #tpu.memory_space<vmem_shared>> -> memref<64x72xf32, #tpu.memory_space<vmem_shared>>
      %dma_start3A_439 = arith.constant 0 : i32
      %dma_start3A_440 = arith.constant 0 : i32
      %dma_start3A_441 = tpu.memref_slice %arg7[%dma_start3A_439, %dma_start3A_440] : memref<128x72xf32, #tpu.memory_space<vmem>> -> memref<64x72xf32, #tpu.memory_space<vmem>>
      tpu.enqueue_dma source(%dma_start3A_441 : memref<64x72xf32, #tpu.memory_space<vmem>>) target(%dma_start3A_438 : memref<64x72xf32, #tpu.memory_space<vmem_shared>>) target_semaphore(%run_scoped3A_431 : memref<!tpu.dma_semaphore, #tpu.memory_space<semaphore_mem>>)
      %dma_wait3A_442 = arith.constant 0 : i32
      %dma_wait3A_443 = arith.constant 0 : i32
      %dma_wait3A_444 = tpu.memref_slice %arg7[%dma_wait3A_442, %dma_wait3A_443] : memref<128x72xf32, #tpu.memory_space<vmem>> -> memref<64x72xf32, #tpu.memory_space<vmem>>
      %dma_wait3A_445 = arith.constant 0 : i32
      %dma_wait3A_446 = tpu.memref_slice %arg12[%add3A_347, %dma_wait3A_445] : memref<10240x72xf32, #tpu.memory_space<vmem_shared>> -> memref<64x72xf32, #tpu.memory_space<vmem_shared>>
      %dma_wait3A_447 = arith.constant 0 : i32
      %dma_wait3A_448 = tpu.memref_slice %arg12[%add3A_347, %dma_wait3A_447] : memref<10240x72xf32, #tpu.memory_space<vmem_shared>> -> memref<64x72xf32, #tpu.memory_space<vmem_shared>>
      %dma_wait3A_449 = arith.constant 0 : i32
      %dma_wait3A_450 = arith.constant 0 : i32
      %dma_wait3A_451 = tpu.memref_slice %arg7[%dma_wait3A_449, %dma_wait3A_450] : memref<128x72xf32, #tpu.memory_space<vmem>> -> memref<64x72xf32, #tpu.memory_space<vmem>>
      tpu.wait_dma2 semaphore(%run_scoped3A_431 : memref<!tpu.dma_semaphore, #tpu.memory_space<semaphore_mem>>) src(%dma_wait3A_451 : memref<64x72xf32, #tpu.memory_space<vmem>>) dst(%dma_wait3A_448 : memref<64x72xf32, #tpu.memory_space<vmem_shared>>)
      tpu.yield
    }) : () -> ()
    %mul3A_348 = arith.constant 640 : i32
    %mul3A_349 = arith.muli %arg1, %mul3A_348 : i32
    %add3A_350 = arith.constant 320 : i32
    %add3A_351 = arith.addi %mul3A_349, %add3A_350 : i32
    "tpu.region"() ({
      %run_scoped3A_431 = tpu.sem_alloc : memref<!tpu.dma_semaphore, #tpu.memory_space<semaphore_mem>>
      %dma_start3A_432 = arith.constant 0 : i32
      %dma_start3A_433 = arith.constant 0 : i32
      %dma_start3A_434 = tpu.memref_slice %arg7[%dma_start3A_432, %dma_start3A_433] : memref<128x72xf32, #tpu.memory_space<vmem>> -> memref<64x72xf32, #tpu.memory_space<vmem>>
      %dma_start3A_435 = arith.constant 0 : i32
      %dma_start3A_436 = tpu.memref_slice %arg12[%add3A_351, %dma_start3A_435] : memref<10240x72xf32, #tpu.memory_space<vmem_shared>> -> memref<64x72xf32, #tpu.memory_space<vmem_shared>>
      %dma_start3A_437 = arith.constant 0 : i32
      %dma_start3A_438 = tpu.memref_slice %arg12[%add3A_351, %dma_start3A_437] : memref<10240x72xf32, #tpu.memory_space<vmem_shared>> -> memref<64x72xf32, #tpu.memory_space<vmem_shared>>
      %dma_start3A_439 = arith.constant 0 : i32
      %dma_start3A_440 = arith.constant 0 : i32
      %dma_start3A_441 = tpu.memref_slice %arg7[%dma_start3A_439, %dma_start3A_440] : memref<128x72xf32, #tpu.memory_space<vmem>> -> memref<64x72xf32, #tpu.memory_space<vmem>>
      tpu.enqueue_dma source(%dma_start3A_441 : memref<64x72xf32, #tpu.memory_space<vmem>>) target(%dma_start3A_438 : memref<64x72xf32, #tpu.memory_space<vmem_shared>>) target_semaphore(%run_scoped3A_431 : memref<!tpu.dma_semaphore, #tpu.memory_space<semaphore_mem>>)
      %dma_wait3A_442 = arith.constant 0 : i32
      %dma_wait3A_443 = arith.constant 0 : i32
      %dma_wait3A_444 = tpu.memref_slice %arg7[%dma_wait3A_442, %dma_wait3A_443] : memref<128x72xf32, #tpu.memory_space<vmem>> -> memref<64x72xf32, #tpu.memory_space<vmem>>
      %dma_wait3A_445 = arith.constant 0 : i32
      %dma_wait3A_446 = tpu.memref_slice %arg12[%add3A_351, %dma_wait3A_445] : memref<10240x72xf32, #tpu.memory_space<vmem_shared>> -> memref<64x72xf32, #tpu.memory_space<vmem_shared>>
      %dma_wait3A_447 = arith.constant 0 : i32
      %dma_wait3A_448 = tpu.memref_slice %arg12[%add3A_351, %dma_wait3A_447] : memref<10240x72xf32, #tpu.memory_space<vmem_shared>> -> memref<64x72xf32, #tpu.memory_space<vmem_shared>>
      %dma_wait3A_449 = arith.constant 0 : i32
      %dma_wait3A_450 = arith.constant 0 : i32
      %dma_wait3A_451 = tpu.memref_slice %arg7[%dma_wait3A_449, %dma_wait3A_450] : memref<128x72xf32, #tpu.memory_space<vmem>> -> memref<64x72xf32, #tpu.memory_space<vmem>>
      tpu.wait_dma2 semaphore(%run_scoped3A_431 : memref<!tpu.dma_semaphore, #tpu.memory_space<semaphore_mem>>) src(%dma_wait3A_451 : memref<64x72xf32, #tpu.memory_space<vmem>>) dst(%dma_wait3A_448 : memref<64x72xf32, #tpu.memory_space<vmem_shared>>)
      tpu.yield
    }) : () -> ()
    %mul3A_352 = arith.constant 640 : i32
    %mul3A_353 = arith.muli %arg1, %mul3A_352 : i32
    %add3A_354 = arith.constant 384 : i32
    %add3A_355 = arith.addi %mul3A_353, %add3A_354 : i32
    "tpu.region"() ({
      %run_scoped3A_431 = tpu.sem_alloc : memref<!tpu.dma_semaphore, #tpu.memory_space<semaphore_mem>>
      %dma_start3A_432 = arith.constant 0 : i32
      %dma_start3A_433 = arith.constant 0 : i32
      %dma_start3A_434 = tpu.memref_slice %arg7[%dma_start3A_432, %dma_start3A_433] : memref<128x72xf32, #tpu.memory_space<vmem>> -> memref<64x72xf32, #tpu.memory_space<vmem>>
      %dma_start3A_435 = arith.constant 0 : i32
      %dma_start3A_436 = tpu.memref_slice %arg12[%add3A_355, %dma_start3A_435] : memref<10240x72xf32, #tpu.memory_space<vmem_shared>> -> memref<64x72xf32, #tpu.memory_space<vmem_shared>>
      %dma_start3A_437 = arith.constant 0 : i32
      %dma_start3A_438 = tpu.memref_slice %arg12[%add3A_355, %dma_start3A_437] : memref<10240x72xf32, #tpu.memory_space<vmem_shared>> -> memref<64x72xf32, #tpu.memory_space<vmem_shared>>
      %dma_start3A_439 = arith.constant 0 : i32
      %dma_start3A_440 = arith.constant 0 : i32
      %dma_start3A_441 = tpu.memref_slice %arg7[%dma_start3A_439, %dma_start3A_440] : memref<128x72xf32, #tpu.memory_space<vmem>> -> memref<64x72xf32, #tpu.memory_space<vmem>>
      tpu.enqueue_dma source(%dma_start3A_441 : memref<64x72xf32, #tpu.memory_space<vmem>>) target(%dma_start3A_438 : memref<64x72xf32, #tpu.memory_space<vmem_shared>>) target_semaphore(%run_scoped3A_431 : memref<!tpu.dma_semaphore, #tpu.memory_space<semaphore_mem>>)
      %dma_wait3A_442 = arith.constant 0 : i32
      %dma_wait3A_443 = arith.constant 0 : i32
      %dma_wait3A_444 = tpu.memref_slice %arg7[%dma_wait3A_442, %dma_wait3A_443] : memref<128x72xf32, #tpu.memory_space<vmem>> -> memref<64x72xf32, #tpu.memory_space<vmem>>
      %dma_wait3A_445 = arith.constant 0 : i32
      %dma_wait3A_446 = tpu.memref_slice %arg12[%add3A_355, %dma_wait3A_445] : memref<10240x72xf32, #tpu.memory_space<vmem_shared>> -> memref<64x72xf32, #tpu.memory_space<vmem_shared>>
      %dma_wait3A_447 = arith.constant 0 : i32
      %dma_wait3A_448 = tpu.memref_slice %arg12[%add3A_355, %dma_wait3A_447] : memref<10240x72xf32, #tpu.memory_space<vmem_shared>> -> memref<64x72xf32, #tpu.memory_space<vmem_shared>>
      %dma_wait3A_449 = arith.constant 0 : i32
      %dma_wait3A_450 = arith.constant 0 : i32
      %dma_wait3A_451 = tpu.memref_slice %arg7[%dma_wait3A_449, %dma_wait3A_450] : memref<128x72xf32, #tpu.memory_space<vmem>> -> memref<64x72xf32, #tpu.memory_space<vmem>>
      tpu.wait_dma2 semaphore(%run_scoped3A_431 : memref<!tpu.dma_semaphore, #tpu.memory_space<semaphore_mem>>) src(%dma_wait3A_451 : memref<64x72xf32, #tpu.memory_space<vmem>>) dst(%dma_wait3A_448 : memref<64x72xf32, #tpu.memory_space<vmem_shared>>)
      tpu.yield
    }) : () -> ()
    %mul3A_356 = arith.constant 640 : i32
    %mul3A_357 = arith.muli %arg1, %mul3A_356 : i32
    %add3A_358 = arith.constant 448 : i32
    %add3A_359 = arith.addi %mul3A_357, %add3A_358 : i32
    "tpu.region"() ({
      %run_scoped3A_431 = tpu.sem_alloc : memref<!tpu.dma_semaphore, #tpu.memory_space<semaphore_mem>>
      %dma_start3A_432 = arith.constant 0 : i32
      %dma_start3A_433 = arith.constant 0 : i32
      %dma_start3A_434 = tpu.memref_slice %arg7[%dma_start3A_432, %dma_start3A_433] : memref<128x72xf32, #tpu.memory_space<vmem>> -> memref<64x72xf32, #tpu.memory_space<vmem>>
      %dma_start3A_435 = arith.constant 0 : i32
      %dma_start3A_436 = tpu.memref_slice %arg12[%add3A_359, %dma_start3A_435] : memref<10240x72xf32, #tpu.memory_space<vmem_shared>> -> memref<64x72xf32, #tpu.memory_space<vmem_shared>>
      %dma_start3A_437 = arith.constant 0 : i32
      %dma_start3A_438 = tpu.memref_slice %arg12[%add3A_359, %dma_start3A_437] : memref<10240x72xf32, #tpu.memory_space<vmem_shared>> -> memref<64x72xf32, #tpu.memory_space<vmem_shared>>
      %dma_start3A_439 = arith.constant 0 : i32
      %dma_start3A_440 = arith.constant 0 : i32
      %dma_start3A_441 = tpu.memref_slice %arg7[%dma_start3A_439, %dma_start3A_440] : memref<128x72xf32, #tpu.memory_space<vmem>> -> memref<64x72xf32, #tpu.memory_space<vmem>>
      tpu.enqueue_dma source(%dma_start3A_441 : memref<64x72xf32, #tpu.memory_space<vmem>>) target(%dma_start3A_438 : memref<64x72xf32, #tpu.memory_space<vmem_shared>>) target_semaphore(%run_scoped3A_431 : memref<!tpu.dma_semaphore, #tpu.memory_space<semaphore_mem>>)
      %dma_wait3A_442 = arith.constant 0 : i32
      %dma_wait3A_443 = arith.constant 0 : i32
      %dma_wait3A_444 = tpu.memref_slice %arg7[%dma_wait3A_442, %dma_wait3A_443] : memref<128x72xf32, #tpu.memory_space<vmem>> -> memref<64x72xf32, #tpu.memory_space<vmem>>
      %dma_wait3A_445 = arith.constant 0 : i32
      %dma_wait3A_446 = tpu.memref_slice %arg12[%add3A_359, %dma_wait3A_445] : memref<10240x72xf32, #tpu.memory_space<vmem_shared>> -> memref<64x72xf32, #tpu.memory_space<vmem_shared>>
      %dma_wait3A_447 = arith.constant 0 : i32
      %dma_wait3A_448 = tpu.memref_slice %arg12[%add3A_359, %dma_wait3A_447] : memref<10240x72xf32, #tpu.memory_space<vmem_shared>> -> memref<64x72xf32, #tpu.memory_space<vmem_shared>>
      %dma_wait3A_449 = arith.constant 0 : i32
      %dma_wait3A_450 = arith.constant 0 : i32
      %dma_wait3A_451 = tpu.memref_slice %arg7[%dma_wait3A_449, %dma_wait3A_450] : memref<128x72xf32, #tpu.memory_space<vmem>> -> memref<64x72xf32, #tpu.memory_space<vmem>>
      tpu.wait_dma2 semaphore(%run_scoped3A_431 : memref<!tpu.dma_semaphore, #tpu.memory_space<semaphore_mem>>) src(%dma_wait3A_451 : memref<64x72xf32, #tpu.memory_space<vmem>>) dst(%dma_wait3A_448 : memref<64x72xf32, #tpu.memory_space<vmem_shared>>)
      tpu.yield
    }) : () -> ()
    %mul3A_360 = arith.constant 640 : i32
    %mul3A_361 = arith.muli %arg1, %mul3A_360 : i32
    %add3A_362 = arith.constant 512 : i32
    %add3A_363 = arith.addi %mul3A_361, %add3A_362 : i32
    "tpu.region"() ({
      %run_scoped3A_431 = tpu.sem_alloc : memref<!tpu.dma_semaphore, #tpu.memory_space<semaphore_mem>>
      %dma_start3A_432 = arith.constant 0 : i32
      %dma_start3A_433 = arith.constant 0 : i32
      %dma_start3A_434 = tpu.memref_slice %arg7[%dma_start3A_432, %dma_start3A_433] : memref<128x72xf32, #tpu.memory_space<vmem>> -> memref<64x72xf32, #tpu.memory_space<vmem>>
      %dma_start3A_435 = arith.constant 0 : i32
      %dma_start3A_436 = tpu.memref_slice %arg12[%add3A_363, %dma_start3A_435] : memref<10240x72xf32, #tpu.memory_space<vmem_shared>> -> memref<64x72xf32, #tpu.memory_space<vmem_shared>>
      %dma_start3A_437 = arith.constant 0 : i32
      %dma_start3A_438 = tpu.memref_slice %arg12[%add3A_363, %dma_start3A_437] : memref<10240x72xf32, #tpu.memory_space<vmem_shared>> -> memref<64x72xf32, #tpu.memory_space<vmem_shared>>
      %dma_start3A_439 = arith.constant 0 : i32
      %dma_start3A_440 = arith.constant 0 : i32
      %dma_start3A_441 = tpu.memref_slice %arg7[%dma_start3A_439, %dma_start3A_440] : memref<128x72xf32, #tpu.memory_space<vmem>> -> memref<64x72xf32, #tpu.memory_space<vmem>>
      tpu.enqueue_dma source(%dma_start3A_441 : memref<64x72xf32, #tpu.memory_space<vmem>>) target(%dma_start3A_438 : memref<64x72xf32, #tpu.memory_space<vmem_shared>>) target_semaphore(%run_scoped3A_431 : memref<!tpu.dma_semaphore, #tpu.memory_space<semaphore_mem>>)
      %dma_wait3A_442 = arith.constant 0 : i32
      %dma_wait3A_443 = arith.constant 0 : i32
      %dma_wait3A_444 = tpu.memref_slice %arg7[%dma_wait3A_442, %dma_wait3A_443] : memref<128x72xf32, #tpu.memory_space<vmem>> -> memref<64x72xf32, #tpu.memory_space<vmem>>
      %dma_wait3A_445 = arith.constant 0 : i32
      %dma_wait3A_446 = tpu.memref_slice %arg12[%add3A_363, %dma_wait3A_445] : memref<10240x72xf32, #tpu.memory_space<vmem_shared>> -> memref<64x72xf32, #tpu.memory_space<vmem_shared>>
      %dma_wait3A_447 = arith.constant 0 : i32
      %dma_wait3A_448 = tpu.memref_slice %arg12[%add3A_363, %dma_wait3A_447] : memref<10240x72xf32, #tpu.memory_space<vmem_shared>> -> memref<64x72xf32, #tpu.memory_space<vmem_shared>>
      %dma_wait3A_449 = arith.constant 0 : i32
      %dma_wait3A_450 = arith.constant 0 : i32
      %dma_wait3A_451 = tpu.memref_slice %arg7[%dma_wait3A_449, %dma_wait3A_450] : memref<128x72xf32, #tpu.memory_space<vmem>> -> memref<64x72xf32, #tpu.memory_space<vmem>>
      tpu.wait_dma2 semaphore(%run_scoped3A_431 : memref<!tpu.dma_semaphore, #tpu.memory_space<semaphore_mem>>) src(%dma_wait3A_451 : memref<64x72xf32, #tpu.memory_space<vmem>>) dst(%dma_wait3A_448 : memref<64x72xf32, #tpu.memory_space<vmem_shared>>)
      tpu.yield
    }) : () -> ()
    %mul3A_364 = arith.constant 640 : i32
    %mul3A_365 = arith.muli %arg1, %mul3A_364 : i32
    %add3A_366 = arith.constant 576 : i32
    %add3A_367 = arith.addi %mul3A_365, %add3A_366 : i32
    "tpu.region"() ({
      %run_scoped3A_431 = tpu.sem_alloc : memref<!tpu.dma_semaphore, #tpu.memory_space<semaphore_mem>>
      %dma_start3A_432 = arith.constant 0 : i32
      %dma_start3A_433 = arith.constant 0 : i32
      %dma_start3A_434 = tpu.memref_slice %arg7[%dma_start3A_432, %dma_start3A_433] : memref<128x72xf32, #tpu.memory_space<vmem>> -> memref<64x72xf32, #tpu.memory_space<vmem>>
      %dma_start3A_435 = arith.constant 0 : i32
      %dma_start3A_436 = tpu.memref_slice %arg12[%add3A_367, %dma_start3A_435] : memref<10240x72xf32, #tpu.memory_space<vmem_shared>> -> memref<64x72xf32, #tpu.memory_space<vmem_shared>>
      %dma_start3A_437 = arith.constant 0 : i32
      %dma_start3A_438 = tpu.memref_slice %arg12[%add3A_367, %dma_start3A_437] : memref<10240x72xf32, #tpu.memory_space<vmem_shared>> -> memref<64x72xf32, #tpu.memory_space<vmem_shared>>
      %dma_start3A_439 = arith.constant 0 : i32
      %dma_start3A_440 = arith.constant 0 : i32
      %dma_start3A_441 = tpu.memref_slice %arg7[%dma_start3A_439, %dma_start3A_440] : memref<128x72xf32, #tpu.memory_space<vmem>> -> memref<64x72xf32, #tpu.memory_space<vmem>>
      tpu.enqueue_dma source(%dma_start3A_441 : memref<64x72xf32, #tpu.memory_space<vmem>>) target(%dma_start3A_438 : memref<64x72xf32, #tpu.memory_space<vmem_shared>>) target_semaphore(%run_scoped3A_431 : memref<!tpu.dma_semaphore, #tpu.memory_space<semaphore_mem>>)
      %dma_wait3A_442 = arith.constant 0 : i32
      %dma_wait3A_443 = arith.constant 0 : i32
      %dma_wait3A_444 = tpu.memref_slice %arg7[%dma_wait3A_442, %dma_wait3A_443] : memref<128x72xf32, #tpu.memory_space<vmem>> -> memref<64x72xf32, #tpu.memory_space<vmem>>
      %dma_wait3A_445 = arith.constant 0 : i32
      %dma_wait3A_446 = tpu.memref_slice %arg12[%add3A_367, %dma_wait3A_445] : memref<10240x72xf32, #tpu.memory_space<vmem_shared>> -> memref<64x72xf32, #tpu.memory_space<vmem_shared>>
      %dma_wait3A_447 = arith.constant 0 : i32
      %dma_wait3A_448 = tpu.memref_slice %arg12[%add3A_367, %dma_wait3A_447] : memref<10240x72xf32, #tpu.memory_space<vmem_shared>> -> memref<64x72xf32, #tpu.memory_space<vmem_shared>>
      %dma_wait3A_449 = arith.constant 0 : i32
      %dma_wait3A_450 = arith.constant 0 : i32
      %dma_wait3A_451 = tpu.memref_slice %arg7[%dma_wait3A_449, %dma_wait3A_450] : memref<128x72xf32, #tpu.memory_space<vmem>> -> memref<64x72xf32, #tpu.memory_space<vmem>>
      tpu.wait_dma2 semaphore(%run_scoped3A_431 : memref<!tpu.dma_semaphore, #tpu.memory_space<semaphore_mem>>) src(%dma_wait3A_451 : memref<64x72xf32, #tpu.memory_space<vmem>>) dst(%dma_wait3A_448 : memref<64x72xf32, #tpu.memory_space<vmem_shared>>)
      tpu.yield
    }) : () -> ()
    "tpu.region"() ({
      %run_scoped3A_431 = tpu.sem_alloc : memref<!tpu.dma_semaphore, #tpu.memory_space<semaphore_mem>>
      %dma_start3A_432 = arith.constant 0 : i32
      %dma_start3A_433 = arith.constant 0 : i32
      %dma_start3A_434 = tpu.memref_slice %arg3[%add3A_327, %arg1, %dma_start3A_432, %dma_start3A_433] : memref<4x16x40x128xi32, #tpu.memory_space<hbm>> -> memref<1x1x40x128xi32, #tpu.memory_space<hbm>>
      %dma_start3A_435 = tpu.memref_squeeze %dma_start3A_434 : memref<1x1x40x128xi32, #tpu.memory_space<hbm>> -> memref<40x128xi32, #tpu.memory_space<hbm>>
      %dma_start3A_436 = arith.constant 0 : i32
      %dma_start3A_437 = arith.constant 0 : i32
      %dma_start3A_438 = tpu.memref_slice %arg3[%add3A_327, %arg1, %dma_start3A_436, %dma_start3A_437] : memref<4x16x40x128xi32, #tpu.memory_space<hbm>> -> memref<1x1x40x128xi32, #tpu.memory_space<hbm>>
      %dma_start3A_439 = tpu.memref_squeeze %dma_start3A_438 : memref<1x1x40x128xi32, #tpu.memory_space<hbm>> -> memref<40x128xi32, #tpu.memory_space<hbm>>
      tpu.enqueue_dma source(%dma_start3A_439 : memref<40x128xi32, #tpu.memory_space<hbm>>) target(%arg9 : memref<40x128xi32, #tpu.memory_space<vmem>>) target_semaphore(%run_scoped3A_431 : memref<!tpu.dma_semaphore, #tpu.memory_space<semaphore_mem>>)
      %dma_wait3A_440 = arith.constant 0 : i32
      %dma_wait3A_441 = arith.constant 0 : i32
      %dma_wait3A_442 = tpu.memref_slice %arg3[%add3A_327, %arg1, %dma_wait3A_440, %dma_wait3A_441] : memref<4x16x40x128xi32, #tpu.memory_space<hbm>> -> memref<1x1x40x128xi32, #tpu.memory_space<hbm>>
      %dma_wait3A_443 = tpu.memref_squeeze %dma_wait3A_442 : memref<1x1x40x128xi32, #tpu.memory_space<hbm>> -> memref<40x128xi32, #tpu.memory_space<hbm>>
      %dma_wait3A_444 = arith.constant 0 : i32
      %dma_wait3A_445 = arith.constant 0 : i32
      %dma_wait3A_446 = tpu.memref_slice %arg3[%add3A_327, %arg1, %dma_wait3A_444, %dma_wait3A_445] : memref<4x16x40x128xi32, #tpu.memory_space<hbm>> -> memref<1x1x40x128xi32, #tpu.memory_space<hbm>>
      %dma_wait3A_447 = tpu.memref_squeeze %dma_wait3A_446 : memref<1x1x40x128xi32, #tpu.memory_space<hbm>> -> memref<40x128xi32, #tpu.memory_space<hbm>>
      tpu.wait_dma2 semaphore(%run_scoped3A_431 : memref<!tpu.dma_semaphore, #tpu.memory_space<semaphore_mem>>) src(%dma_wait3A_447 : memref<40x128xi32, #tpu.memory_space<hbm>>) dst(%arg9 : memref<40x128xi32, #tpu.memory_space<vmem>>)
      tpu.yield
    }) : () -> ()
    "tpu.region"() ({
      %run_scoped3A_431 = tpu.sem_alloc : memref<!tpu.dma_semaphore, #tpu.memory_space<semaphore_mem>>
      %dma_start3A_432 = arith.constant 0 : i32
      %dma_start3A_433 = arith.constant 0 : i32
      %dma_start3A_434 = tpu.memref_slice %arg4[%add3A_327, %arg1, %dma_start3A_432, %dma_start3A_433] : memref<4x16x40x128xi32, #tpu.memory_space<hbm>> -> memref<1x1x40x128xi32, #tpu.memory_space<hbm>>
      %dma_start3A_435 = tpu.memref_squeeze %dma_start3A_434 : memref<1x1x40x128xi32, #tpu.memory_space<hbm>> -> memref<40x128xi32, #tpu.memory_space<hbm>>
      %dma_start3A_436 = arith.constant 0 : i32
      %dma_start3A_437 = arith.constant 0 : i32
      %dma_start3A_438 = tpu.memref_slice %arg4[%add3A_327, %arg1, %dma_start3A_436, %dma_start3A_437] : memref<4x16x40x128xi32, #tpu.memory_space<hbm>> -> memref<1x1x40x128xi32, #tpu.memory_space<hbm>>
      %dma_start3A_439 = tpu.memref_squeeze %dma_start3A_438 : memref<1x1x40x128xi32, #tpu.memory_space<hbm>> -> memref<40x128xi32, #tpu.memory_space<hbm>>
      tpu.enqueue_dma source(%dma_start3A_439 : memref<40x128xi32, #tpu.memory_space<hbm>>) target(%arg10 : memref<40x128xi32, #tpu.memory_space<vmem>>) target_semaphore(%run_scoped3A_431 : memref<!tpu.dma_semaphore, #tpu.memory_space<semaphore_mem>>)
      %dma_wait3A_440 = arith.constant 0 : i32
      %dma_wait3A_441 = arith.constant 0 : i32
      %dma_wait3A_442 = tpu.memref_slice %arg4[%add3A_327, %arg1, %dma_wait3A_440, %dma_wait3A_441] : memref<4x16x40x128xi32, #tpu.memory_space<hbm>> -> memref<1x1x40x128xi32, #tpu.memory_space<hbm>>
      %dma_wait3A_443 = tpu.memref_squeeze %dma_wait3A_442 : memref<1x1x40x128xi32, #tpu.memory_space<hbm>> -> memref<40x128xi32, #tpu.memory_space<hbm>>
      %dma_wait3A_444 = arith.constant 0 : i32
      %dma_wait3A_445 = arith.constant 0 : i32
      %dma_wait3A_446 = tpu.memref_slice %arg4[%add3A_327, %arg1, %dma_wait3A_444, %dma_wait3A_445] : memref<4x16x40x128xi32, #tpu.memory_space<hbm>> -> memref<1x1x40x128xi32, #tpu.memory_space<hbm>>
      %dma_wait3A_447 = tpu.memref_squeeze %dma_wait3A_446 : memref<1x1x40x128xi32, #tpu.memory_space<hbm>> -> memref<40x128xi32, #tpu.memory_space<hbm>>
      tpu.wait_dma2 semaphore(%run_scoped3A_431 : memref<!tpu.dma_semaphore, #tpu.memory_space<semaphore_mem>>) src(%dma_wait3A_447 : memref<40x128xi32, #tpu.memory_space<hbm>>) dst(%arg10 : memref<40x128xi32, #tpu.memory_space<vmem>>)
      tpu.yield
    }) : () -> ()
    %barrier3A_368 = arith.constant 0 : index
    tpu.barrier barrier_id(%barrier3A_368)
    %dma_start3A_369 = arith.constant 0 : i32
    %dma_start3A_370 = arith.constant 0 : i32
    %dma_start3A_371 = tpu.memref_slice %arg9[%dma_start3A_369, %dma_start3A_370] : memref<40x128xi32, #tpu.memory_space<vmem>> -> memref<1x128xi32, #tpu.memory_space<vmem>>
    %dma_start3A_372 = tpu.memref_squeeze %dma_start3A_371 : memref<1x128xi32, #tpu.memory_space<vmem>> -> memref<128xi32, #tpu.memory_space<vmem>>
    %dma_start3A_373 = arith.constant 0 : i32
    %dma_start3A_374 = arith.constant 0 : i32
    %dma_start3A_375 = tpu.memref_slice %arg11[%dma_start3A_373, %dma_start3A_374] : memref<10240x72xf32, #tpu.memory_space<vmem_shared>> -> memref<10240x72xf32, #tpu.memory_space<vmem_shared>>
    tpu.enqueue_indirect_dma source(%dma_start3A_375 : memref<10240x72xf32, #tpu.memory_space<vmem_shared>>) target(%arg7 : memref<128x72xf32, #tpu.memory_space<vmem>>) offsets(%dma_start3A_372 : memref<128xi32, #tpu.memory_space<vmem>>) semaphore(%arg13 : memref<!tpu.dma_semaphore, #tpu.memory_space<semaphore_mem>>)
    %dma_start3A_376 = arith.constant 1 : i32
    %dma_start3A_377 = arith.constant 0 : i32
    %dma_start3A_378 = tpu.memref_slice %arg9[%dma_start3A_376, %dma_start3A_377] : memref<40x128xi32, #tpu.memory_space<vmem>> -> memref<1x128xi32, #tpu.memory_space<vmem>>
    %dma_start3A_379 = tpu.memref_squeeze %dma_start3A_378 : memref<1x128xi32, #tpu.memory_space<vmem>> -> memref<128xi32, #tpu.memory_space<vmem>>
    %dma_start3A_380 = arith.constant 0 : i32
    %dma_start3A_381 = arith.constant 0 : i32
    %dma_start3A_382 = tpu.memref_slice %arg11[%dma_start3A_380, %dma_start3A_381] : memref<10240x72xf32, #tpu.memory_space<vmem_shared>> -> memref<10240x72xf32, #tpu.memory_space<vmem_shared>>
    tpu.enqueue_indirect_dma source(%dma_start3A_382 : memref<10240x72xf32, #tpu.memory_space<vmem_shared>>) target(%arg8 : memref<128x72xf32, #tpu.memory_space<vmem>>) offsets(%dma_start3A_379 : memref<128xi32, #tpu.memory_space<vmem>>) semaphore(%arg14 : memref<!tpu.dma_semaphore, #tpu.memory_space<semaphore_mem>>)
    %scan3A_383 = arith.constant 0 : i32
    %scan3A_384 = arith.constant 0 : i32
    %scan3A_385 = arith.constant 19 : i32
    %scan3A_386 = arith.addi %scan3A_384, %scan3A_385 : i32
    %scan3A_387 = arith.constant 1 : i32
    scf.for %scan3A_431 = %scan3A_384 to %scan3A_386 step %scan3A_387  : i32 {
      %mul3A_432 = arith.constant 2 : i32
      %mul3A_433 = arith.muli %mul3A_432, %scan3A_431 : i32
      %add3A_434 = arith.constant 0 : i32
      %add3A_435 = arith.addi %mul3A_433, %add3A_434 : i32
      %dma_wait3A_436 = arith.constant 0 : i32
      %dma_wait3A_437 = arith.constant 0 : i32
      %dma_wait3A_438 = tpu.memref_slice %arg9[%dma_wait3A_436, %dma_wait3A_437] : memref<40x128xi32, #tpu.memory_space<vmem>> -> memref<1x128xi32, #tpu.memory_space<vmem>>
      %dma_wait3A_439 = tpu.memref_squeeze %dma_wait3A_438 : memref<1x128xi32, #tpu.memory_space<vmem>> -> memref<128xi32, #tpu.memory_space<vmem>>
      %dma_wait3A_440 = arith.constant 0 : i32
      %dma_wait3A_441 = arith.constant 0 : i32
      %dma_wait3A_442 = tpu.memref_slice %arg11[%dma_wait3A_440, %dma_wait3A_441] : memref<10240x72xf32, #tpu.memory_space<vmem_shared>> -> memref<10240x72xf32, #tpu.memory_space<vmem_shared>>
      tpu.wait_indirect_dma semaphore(%arg13 : memref<!tpu.dma_semaphore, #tpu.memory_space<semaphore_mem>>) src(%dma_wait3A_442 : memref<10240x72xf32, #tpu.memory_space<vmem_shared>>) dst(%arg7 : memref<128x72xf32, #tpu.memory_space<vmem>>)
      "tpu.region"() ({
        %run_scoped3A_470 = tpu.sem_alloc : memref<!tpu.dma_semaphore, #tpu.memory_space<semaphore_mem>>
        %dma_start3A_471 = arith.constant 0 : i32
        %dma_start3A_472 = tpu.memref_slice %arg10[%add3A_435, %dma_start3A_471] : memref<40x128xi32, #tpu.memory_space<vmem>> -> memref<1x128xi32, #tpu.memory_space<vmem>>
        %dma_start3A_473 = tpu.memref_squeeze %dma_start3A_472 : memref<1x128xi32, #tpu.memory_space<vmem>> -> memref<128xi32, #tpu.memory_space<vmem>>
        %dma_start3A_474 = arith.constant 0 : i32
        %dma_start3A_475 = arith.constant 0 : i32
        %dma_start3A_476 = tpu.memref_slice %arg12[%dma_start3A_474, %dma_start3A_475] : memref<10240x72xf32, #tpu.memory_space<vmem_shared>> -> memref<10240x72xf32, #tpu.memory_space<vmem_shared>>
        tpu.enqueue_indirect_dma source(%arg7 : memref<128x72xf32, #tpu.memory_space<vmem>>) target(%dma_start3A_476 : memref<10240x72xf32, #tpu.memory_space<vmem_shared>>) offsets(%dma_start3A_473 : memref<128xi32, #tpu.memory_space<vmem>>) semaphore(%run_scoped3A_470 : memref<!tpu.dma_semaphore, #tpu.memory_space<semaphore_mem>>) {add = true}
        %dma_wait3A_477 = arith.constant 0 : i32
        %dma_wait3A_478 = tpu.memref_slice %arg10[%add3A_435, %dma_wait3A_477] : memref<40x128xi32, #tpu.memory_space<vmem>> -> memref<1x128xi32, #tpu.memory_space<vmem>>
        %dma_wait3A_479 = tpu.memref_squeeze %dma_wait3A_478 : memref<1x128xi32, #tpu.memory_space<vmem>> -> memref<128xi32, #tpu.memory_space<vmem>>
        %dma_wait3A_480 = arith.constant 0 : i32
        %dma_wait3A_481 = arith.constant 0 : i32
        %dma_wait3A_482 = tpu.memref_slice %arg12[%dma_wait3A_480, %dma_wait3A_481] : memref<10240x72xf32, #tpu.memory_space<vmem_shared>> -> memref<10240x72xf32, #tpu.memory_space<vmem_shared>>
        tpu.wait_indirect_dma semaphore(%run_scoped3A_470 : memref<!tpu.dma_semaphore, #tpu.memory_space<semaphore_mem>>) src(%arg7 : memref<128x72xf32, #tpu.memory_space<vmem>>) dst(%dma_wait3A_482 : memref<10240x72xf32, #tpu.memory_space<vmem_shared>>)
        tpu.yield
      }) : () -> ()
      %add3A_443 = arith.constant 2 : i32
      %add3A_444 = arith.addi %add3A_435, %add3A_443 : i32
      %dma_start3A_445 = arith.constant 0 : i32
      %dma_start3A_446 = tpu.memref_slice %arg9[%add3A_444, %dma_start3A_445] : memref<40x128xi32, #tpu.memory_space<vmem>> -> memref<1x128xi32, #tpu.memory_space<vmem>>
      %dma_start3A_447 = tpu.memref_squeeze %dma_start3A_446 : memref<1x128xi32, #tpu.memory_space<vmem>> -> memref<128xi32, #tpu.memory_space<vmem>>
      %dma_start3A_448 = arith.constant 0 : i32
      %dma_start3A_449 = arith.constant 0 : i32
      %dma_start3A_450 = tpu.memref_slice %arg11[%dma_start3A_448, %dma_start3A_449] : memref<10240x72xf32, #tpu.memory_space<vmem_shared>> -> memref<10240x72xf32, #tpu.memory_space<vmem_shared>>
      tpu.enqueue_indirect_dma source(%dma_start3A_450 : memref<10240x72xf32, #tpu.memory_space<vmem_shared>>) target(%arg7 : memref<128x72xf32, #tpu.memory_space<vmem>>) offsets(%dma_start3A_447 : memref<128xi32, #tpu.memory_space<vmem>>) semaphore(%arg13 : memref<!tpu.dma_semaphore, #tpu.memory_space<semaphore_mem>>)
      %mul3A_451 = arith.constant 2 : i32
      %mul3A_452 = arith.muli %mul3A_451, %scan3A_431 : i32
      %add3A_453 = arith.constant 1 : i32
      %add3A_454 = arith.addi %mul3A_452, %add3A_453 : i32
      %dma_wait3A_455 = arith.constant 0 : i32
      %dma_wait3A_456 = arith.constant 0 : i32
      %dma_wait3A_457 = tpu.memref_slice %arg9[%dma_wait3A_455, %dma_wait3A_456] : memref<40x128xi32, #tpu.memory_space<vmem>> -> memref<1x128xi32, #tpu.memory_space<vmem>>
      %dma_wait3A_458 = tpu.memref_squeeze %dma_wait3A_457 : memref<1x128xi32, #tpu.memory_space<vmem>> -> memref<128xi32, #tpu.memory_space<vmem>>
      %dma_wait3A_459 = arith.constant 0 : i32
      %dma_wait3A_460 = arith.constant 0 : i32
      %dma_wait3A_461 = tpu.memref_slice %arg11[%dma_wait3A_459, %dma_wait3A_460] : memref<10240x72xf32, #tpu.memory_space<vmem_shared>> -> memref<10240x72xf32, #tpu.memory_space<vmem_shared>>
      tpu.wait_indirect_dma semaphore(%arg14 : memref<!tpu.dma_semaphore, #tpu.memory_space<semaphore_mem>>) src(%dma_wait3A_461 : memref<10240x72xf32, #tpu.memory_space<vmem_shared>>) dst(%arg8 : memref<128x72xf32, #tpu.memory_space<vmem>>)
      "tpu.region"() ({
        %run_scoped3A_470 = tpu.sem_alloc : memref<!tpu.dma_semaphore, #tpu.memory_space<semaphore_mem>>
        %dma_start3A_471 = arith.constant 0 : i32
        %dma_start3A_472 = tpu.memref_slice %arg10[%add3A_454, %dma_start3A_471] : memref<40x128xi32, #tpu.memory_space<vmem>> -> memref<1x128xi32, #tpu.memory_space<vmem>>
        %dma_start3A_473 = tpu.memref_squeeze %dma_start3A_472 : memref<1x128xi32, #tpu.memory_space<vmem>> -> memref<128xi32, #tpu.memory_space<vmem>>
        %dma_start3A_474 = arith.constant 0 : i32
        %dma_start3A_475 = arith.constant 0 : i32
        %dma_start3A_476 = tpu.memref_slice %arg12[%dma_start3A_474, %dma_start3A_475] : memref<10240x72xf32, #tpu.memory_space<vmem_shared>> -> memref<10240x72xf32, #tpu.memory_space<vmem_shared>>
        tpu.enqueue_indirect_dma source(%arg8 : memref<128x72xf32, #tpu.memory_space<vmem>>) target(%dma_start3A_476 : memref<10240x72xf32, #tpu.memory_space<vmem_shared>>) offsets(%dma_start3A_473 : memref<128xi32, #tpu.memory_space<vmem>>) semaphore(%run_scoped3A_470 : memref<!tpu.dma_semaphore, #tpu.memory_space<semaphore_mem>>) {add = true}
        %dma_wait3A_477 = arith.constant 0 : i32
        %dma_wait3A_478 = tpu.memref_slice %arg10[%add3A_454, %dma_wait3A_477] : memref<40x128xi32, #tpu.memory_space<vmem>> -> memref<1x128xi32, #tpu.memory_space<vmem>>
        %dma_wait3A_479 = tpu.memref_squeeze %dma_wait3A_478 : memref<1x128xi32, #tpu.memory_space<vmem>> -> memref<128xi32, #tpu.memory_space<vmem>>
        %dma_wait3A_480 = arith.constant 0 : i32
        %dma_wait3A_481 = arith.constant 0 : i32
        %dma_wait3A_482 = tpu.memref_slice %arg12[%dma_wait3A_480, %dma_wait3A_481] : memref<10240x72xf32, #tpu.memory_space<vmem_shared>> -> memref<10240x72xf32, #tpu.memory_space<vmem_shared>>
        tpu.wait_indirect_dma semaphore(%run_scoped3A_470 : memref<!tpu.dma_semaphore, #tpu.memory_space<semaphore_mem>>) src(%arg8 : memref<128x72xf32, #tpu.memory_space<vmem>>) dst(%dma_wait3A_482 : memref<10240x72xf32, #tpu.memory_space<vmem_shared>>)
        tpu.yield
      }) : () -> ()
      %add3A_462 = arith.constant 2 : i32
      %add3A_463 = arith.addi %add3A_454, %add3A_462 : i32
      %dma_start3A_464 = arith.constant 0 : i32
      %dma_start3A_465 = tpu.memref_slice %arg9[%add3A_463, %dma_start3A_464] : memref<40x128xi32, #tpu.memory_space<vmem>> -> memref<1x128xi32, #tpu.memory_space<vmem>>
      %dma_start3A_466 = tpu.memref_squeeze %dma_start3A_465 : memref<1x128xi32, #tpu.memory_space<vmem>> -> memref<128xi32, #tpu.memory_space<vmem>>
      %dma_start3A_467 = arith.constant 0 : i32
      %dma_start3A_468 = arith.constant 0 : i32
      %dma_start3A_469 = tpu.memref_slice %arg11[%dma_start3A_467, %dma_start3A_468] : memref<10240x72xf32, #tpu.memory_space<vmem_shared>> -> memref<10240x72xf32, #tpu.memory_space<vmem_shared>>
      tpu.enqueue_indirect_dma source(%dma_start3A_469 : memref<10240x72xf32, #tpu.memory_space<vmem_shared>>) target(%arg8 : memref<128x72xf32, #tpu.memory_space<vmem>>) offsets(%dma_start3A_466 : memref<128xi32, #tpu.memory_space<vmem>>) semaphore(%arg14 : memref<!tpu.dma_semaphore, #tpu.memory_space<semaphore_mem>>)
    }
    %scan3A_388 = arith.constant 19 : i32
    %dma_wait3A_389 = arith.constant 0 : i32
    %dma_wait3A_390 = arith.constant 0 : i32
    %dma_wait3A_391 = tpu.memref_slice %arg9[%dma_wait3A_389, %dma_wait3A_390] : memref<40x128xi32, #tpu.memory_space<vmem>> -> memref<1x128xi32, #tpu.memory_space<vmem>>
    %dma_wait3A_392 = tpu.memref_squeeze %dma_wait3A_391 : memref<1x128xi32, #tpu.memory_space<vmem>> -> memref<128xi32, #tpu.memory_space<vmem>>
    %dma_wait3A_393 = arith.constant 0 : i32
    %dma_wait3A_394 = arith.constant 0 : i32
    %dma_wait3A_395 = tpu.memref_slice %arg11[%dma_wait3A_393, %dma_wait3A_394] : memref<10240x72xf32, #tpu.memory_space<vmem_shared>> -> memref<10240x72xf32, #tpu.memory_space<vmem_shared>>
    tpu.wait_indirect_dma semaphore(%arg13 : memref<!tpu.dma_semaphore, #tpu.memory_space<semaphore_mem>>) src(%dma_wait3A_395 : memref<10240x72xf32, #tpu.memory_space<vmem_shared>>) dst(%arg7 : memref<128x72xf32, #tpu.memory_space<vmem>>)
    %run_scoped3A_396 = arith.constant 38 : i32
    "tpu.region"() ({
      %run_scoped3A_431 = tpu.sem_alloc : memref<!tpu.dma_semaphore, #tpu.memory_space<semaphore_mem>>
      %dma_start3A_432 = arith.constant 0 : i32
      %dma_start3A_433 = tpu.memref_slice %arg10[%run_scoped3A_396, %dma_start3A_432] : memref<40x128xi32, #tpu.memory_space<vmem>> -> memref<1x128xi32, #tpu.memory_space<vmem>>
      %dma_start3A_434 = tpu.memref_squeeze %dma_start3A_433 : memref<1x128xi32, #tpu.memory_space<vmem>> -> memref<128xi32, #tpu.memory_space<vmem>>
      %dma_start3A_435 = arith.constant 0 : i32
      %dma_start3A_436 = arith.constant 0 : i32
      %dma_start3A_437 = tpu.memref_slice %arg12[%dma_start3A_435, %dma_start3A_436] : memref<10240x72xf32, #tpu.memory_space<vmem_shared>> -> memref<10240x72xf32, #tpu.memory_space<vmem_shared>>
      tpu.enqueue_indirect_dma source(%arg7 : memref<128x72xf32, #tpu.memory_space<vmem>>) target(%dma_start3A_437 : memref<10240x72xf32, #tpu.memory_space<vmem_shared>>) offsets(%dma_start3A_434 : memref<128xi32, #tpu.memory_space<vmem>>) semaphore(%run_scoped3A_431 : memref<!tpu.dma_semaphore, #tpu.memory_space<semaphore_mem>>) {add = true}
      %dma_wait3A_438 = arith.constant 0 : i32
      %dma_wait3A_439 = tpu.memref_slice %arg10[%run_scoped3A_396, %dma_wait3A_438] : memref<40x128xi32, #tpu.memory_space<vmem>> -> memref<1x128xi32, #tpu.memory_space<vmem>>
      %dma_wait3A_440 = tpu.memref_squeeze %dma_wait3A_439 : memref<1x128xi32, #tpu.memory_space<vmem>> -> memref<128xi32, #tpu.memory_space<vmem>>
      %dma_wait3A_441 = arith.constant 0 : i32
      %dma_wait3A_442 = arith.constant 0 : i32
      %dma_wait3A_443 = tpu.memref_slice %arg12[%dma_wait3A_441, %dma_wait3A_442] : memref<10240x72xf32, #tpu.memory_space<vmem_shared>> -> memref<10240x72xf32, #tpu.memory_space<vmem_shared>>
      tpu.wait_indirect_dma semaphore(%run_scoped3A_431 : memref<!tpu.dma_semaphore, #tpu.memory_space<semaphore_mem>>) src(%arg7 : memref<128x72xf32, #tpu.memory_space<vmem>>) dst(%dma_wait3A_443 : memref<10240x72xf32, #tpu.memory_space<vmem_shared>>)
      tpu.yield
    }) : () -> ()
    %dma_wait3A_397 = arith.constant 0 : i32
    %dma_wait3A_398 = arith.constant 0 : i32
    %dma_wait3A_399 = tpu.memref_slice %arg9[%dma_wait3A_397, %dma_wait3A_398] : memref<40x128xi32, #tpu.memory_space<vmem>> -> memref<1x128xi32, #tpu.memory_space<vmem>>
    %dma_wait3A_400 = tpu.memref_squeeze %dma_wait3A_399 : memref<1x128xi32, #tpu.memory_space<vmem>> -> memref<128xi32, #tpu.memory_space<vmem>>
    %dma_wait3A_401 = arith.constant 0 : i32
    %dma_wait3A_402 = arith.constant 0 : i32
    %dma_wait3A_403 = tpu.memref_slice %arg11[%dma_wait3A_401, %dma_wait3A_402] : memref<10240x72xf32, #tpu.memory_space<vmem_shared>> -> memref<10240x72xf32, #tpu.memory_space<vmem_shared>>
    tpu.wait_indirect_dma semaphore(%arg14 : memref<!tpu.dma_semaphore, #tpu.memory_space<semaphore_mem>>) src(%dma_wait3A_403 : memref<10240x72xf32, #tpu.memory_space<vmem_shared>>) dst(%arg8 : memref<128x72xf32, #tpu.memory_space<vmem>>)
    %run_scoped3A_404 = arith.constant 39 : i32
    "tpu.region"() ({
      %run_scoped3A_431 = tpu.sem_alloc : memref<!tpu.dma_semaphore, #tpu.memory_space<semaphore_mem>>
      %dma_start3A_432 = arith.constant 0 : i32
      %dma_start3A_433 = tpu.memref_slice %arg10[%run_scoped3A_404, %dma_start3A_432] : memref<40x128xi32, #tpu.memory_space<vmem>> -> memref<1x128xi32, #tpu.memory_space<vmem>>
      %dma_start3A_434 = tpu.memref_squeeze %dma_start3A_433 : memref<1x128xi32, #tpu.memory_space<vmem>> -> memref<128xi32, #tpu.memory_space<vmem>>
      %dma_start3A_435 = arith.constant 0 : i32
      %dma_start3A_436 = arith.constant 0 : i32
      %dma_start3A_437 = tpu.memref_slice %arg12[%dma_start3A_435, %dma_start3A_436] : memref<10240x72xf32, #tpu.memory_space<vmem_shared>> -> memref<10240x72xf32, #tpu.memory_space<vmem_shared>>
      tpu.enqueue_indirect_dma source(%arg8 : memref<128x72xf32, #tpu.memory_space<vmem>>) target(%dma_start3A_437 : memref<10240x72xf32, #tpu.memory_space<vmem_shared>>) offsets(%dma_start3A_434 : memref<128xi32, #tpu.memory_space<vmem>>) semaphore(%run_scoped3A_431 : memref<!tpu.dma_semaphore, #tpu.memory_space<semaphore_mem>>) {add = true}
      %dma_wait3A_438 = arith.constant 0 : i32
      %dma_wait3A_439 = tpu.memref_slice %arg10[%run_scoped3A_404, %dma_wait3A_438] : memref<40x128xi32, #tpu.memory_space<vmem>> -> memref<1x128xi32, #tpu.memory_space<vmem>>
      %dma_wait3A_440 = tpu.memref_squeeze %dma_wait3A_439 : memref<1x128xi32, #tpu.memory_space<vmem>> -> memref<128xi32, #tpu.memory_space<vmem>>
      %dma_wait3A_441 = arith.constant 0 : i32
      %dma_wait3A_442 = arith.constant 0 : i32
      %dma_wait3A_443 = tpu.memref_slice %arg12[%dma_wait3A_441, %dma_wait3A_442] : memref<10240x72xf32, #tpu.memory_space<vmem_shared>> -> memref<10240x72xf32, #tpu.memory_space<vmem_shared>>
      tpu.wait_indirect_dma semaphore(%run_scoped3A_431 : memref<!tpu.dma_semaphore, #tpu.memory_space<semaphore_mem>>) src(%arg8 : memref<128x72xf32, #tpu.memory_space<vmem>>) dst(%dma_wait3A_443 : memref<10240x72xf32, #tpu.memory_space<vmem_shared>>)
      tpu.yield
    }) : () -> ()
    %barrier3A_405 = arith.constant 0 : index
    tpu.barrier barrier_id(%barrier3A_405)
    %mul3A_406 = arith.constant 640 : i32
    %mul3A_407 = arith.muli %arg1, %mul3A_406 : i32
    %add3A_408 = arith.constant 0 : i32
    %add3A_409 = arith.addi %mul3A_407, %add3A_408 : i32
    %run_scoped3A_410 = arith.constant 1 : i32
    "tpu.region"() ({
      %run_scoped3A_431 = tpu.sem_alloc : memref<!tpu.dma_semaphore, #tpu.memory_space<semaphore_mem>>
      %dma_start3A_432 = arith.constant 0 : i32
      %dma_start3A_433 = tpu.memref_slice %arg6[%run_scoped3A_410, %add3A_327, %add3A_409, %dma_start3A_432] : memref<2x4x10240x72xf32, #tpu.memory_space<hbm>> -> memref<1x1x128x72xf32, #tpu.memory_space<hbm>>
      %dma_start3A_434 = tpu.memref_squeeze %dma_start3A_433 : memref<1x1x128x72xf32, #tpu.memory_space<hbm>> -> memref<128x72xf32, #tpu.memory_space<hbm>>
      %dma_start3A_435 = arith.constant 0 : i32
      %dma_start3A_436 = tpu.memref_slice %arg12[%add3A_409, %dma_start3A_435] : memref<10240x72xf32, #tpu.memory_space<vmem_shared>> -> memref<128x72xf32, #tpu.memory_space<vmem_shared>>
      tpu.enqueue_dma source(%dma_start3A_436 : memref<128x72xf32, #tpu.memory_space<vmem_shared>>) target(%dma_start3A_434 : memref<128x72xf32, #tpu.memory_space<hbm>>) target_semaphore(%run_scoped3A_431 : memref<!tpu.dma_semaphore, #tpu.memory_space<semaphore_mem>>)
      %dma_wait3A_437 = arith.constant 0 : i32
      %dma_wait3A_438 = tpu.memref_slice %arg6[%run_scoped3A_410, %add3A_327, %add3A_409, %dma_wait3A_437] : memref<2x4x10240x72xf32, #tpu.memory_space<hbm>> -> memref<1x1x128x72xf32, #tpu.memory_space<hbm>>
      %dma_wait3A_439 = tpu.memref_squeeze %dma_wait3A_438 : memref<1x1x128x72xf32, #tpu.memory_space<hbm>> -> memref<128x72xf32, #tpu.memory_space<hbm>>
      %dma_wait3A_440 = arith.constant 0 : i32
      %dma_wait3A_441 = tpu.memref_slice %arg12[%add3A_409, %dma_wait3A_440] : memref<10240x72xf32, #tpu.memory_space<vmem_shared>> -> memref<128x72xf32, #tpu.memory_space<vmem_shared>>
      tpu.wait_dma2 semaphore(%run_scoped3A_431 : memref<!tpu.dma_semaphore, #tpu.memory_space<semaphore_mem>>) src(%dma_wait3A_441 : memref<128x72xf32, #tpu.memory_space<vmem_shared>>) dst(%dma_wait3A_439 : memref<128x72xf32, #tpu.memory_space<hbm>>)
      tpu.yield
    }) : () -> ()
    %mul3A_411 = arith.constant 640 : i32
    %mul3A_412 = arith.muli %arg1, %mul3A_411 : i32
    %add3A_413 = arith.constant 128 : i32
    %add3A_414 = arith.addi %mul3A_412, %add3A_413 : i32
    %run_scoped3A_415 = arith.constant 1 : i32
    "tpu.region"() ({
      %run_scoped3A_431 = tpu.sem_alloc : memref<!tpu.dma_semaphore, #tpu.memory_space<semaphore_mem>>
      %dma_start3A_432 = arith.constant 0 : i32
      %dma_start3A_433 = tpu.memref_slice %arg6[%run_scoped3A_415, %add3A_327, %add3A_414, %dma_start3A_432] : memref<2x4x10240x72xf32, #tpu.memory_space<hbm>> -> memref<1x1x128x72xf32, #tpu.memory_space<hbm>>
      %dma_start3A_434 = tpu.memref_squeeze %dma_start3A_433 : memref<1x1x128x72xf32, #tpu.memory_space<hbm>> -> memref<128x72xf32, #tpu.memory_space<hbm>>
      %dma_start3A_435 = arith.constant 0 : i32
      %dma_start3A_436 = tpu.memref_slice %arg12[%add3A_414, %dma_start3A_435] : memref<10240x72xf32, #tpu.memory_space<vmem_shared>> -> memref<128x72xf32, #tpu.memory_space<vmem_shared>>
      tpu.enqueue_dma source(%dma_start3A_436 : memref<128x72xf32, #tpu.memory_space<vmem_shared>>) target(%dma_start3A_434 : memref<128x72xf32, #tpu.memory_space<hbm>>) target_semaphore(%run_scoped3A_431 : memref<!tpu.dma_semaphore, #tpu.memory_space<semaphore_mem>>)
      %dma_wait3A_437 = arith.constant 0 : i32
      %dma_wait3A_438 = tpu.memref_slice %arg6[%run_scoped3A_415, %add3A_327, %add3A_414, %dma_wait3A_437] : memref<2x4x10240x72xf32, #tpu.memory_space<hbm>> -> memref<1x1x128x72xf32, #tpu.memory_space<hbm>>
      %dma_wait3A_439 = tpu.memref_squeeze %dma_wait3A_438 : memref<1x1x128x72xf32, #tpu.memory_space<hbm>> -> memref<128x72xf32, #tpu.memory_space<hbm>>
      %dma_wait3A_440 = arith.constant 0 : i32
      %dma_wait3A_441 = tpu.memref_slice %arg12[%add3A_414, %dma_wait3A_440] : memref<10240x72xf32, #tpu.memory_space<vmem_shared>> -> memref<128x72xf32, #tpu.memory_space<vmem_shared>>
      tpu.wait_dma2 semaphore(%run_scoped3A_431 : memref<!tpu.dma_semaphore, #tpu.memory_space<semaphore_mem>>) src(%dma_wait3A_441 : memref<128x72xf32, #tpu.memory_space<vmem_shared>>) dst(%dma_wait3A_439 : memref<128x72xf32, #tpu.memory_space<hbm>>)
      tpu.yield
    }) : () -> ()
    %mul3A_416 = arith.constant 640 : i32
    %mul3A_417 = arith.muli %arg1, %mul3A_416 : i32
    %add3A_418 = arith.constant 256 : i32
    %add3A_419 = arith.addi %mul3A_417, %add3A_418 : i32
    %run_scoped3A_420 = arith.constant 1 : i32
    "tpu.region"() ({
      %run_scoped3A_431 = tpu.sem_alloc : memref<!tpu.dma_semaphore, #tpu.memory_space<semaphore_mem>>
      %dma_start3A_432 = arith.constant 0 : i32
      %dma_start3A_433 = tpu.memref_slice %arg6[%run_scoped3A_420, %add3A_327, %add3A_419, %dma_start3A_432] : memref<2x4x10240x72xf32, #tpu.memory_space<hbm>> -> memref<1x1x128x72xf32, #tpu.memory_space<hbm>>
      %dma_start3A_434 = tpu.memref_squeeze %dma_start3A_433 : memref<1x1x128x72xf32, #tpu.memory_space<hbm>> -> memref<128x72xf32, #tpu.memory_space<hbm>>
      %dma_start3A_435 = arith.constant 0 : i32
      %dma_start3A_436 = tpu.memref_slice %arg12[%add3A_419, %dma_start3A_435] : memref<10240x72xf32, #tpu.memory_space<vmem_shared>> -> memref<128x72xf32, #tpu.memory_space<vmem_shared>>
      tpu.enqueue_dma source(%dma_start3A_436 : memref<128x72xf32, #tpu.memory_space<vmem_shared>>) target(%dma_start3A_434 : memref<128x72xf32, #tpu.memory_space<hbm>>) target_semaphore(%run_scoped3A_431 : memref<!tpu.dma_semaphore, #tpu.memory_space<semaphore_mem>>)
      %dma_wait3A_437 = arith.constant 0 : i32
      %dma_wait3A_438 = tpu.memref_slice %arg6[%run_scoped3A_420, %add3A_327, %add3A_419, %dma_wait3A_437] : memref<2x4x10240x72xf32, #tpu.memory_space<hbm>> -> memref<1x1x128x72xf32, #tpu.memory_space<hbm>>
      %dma_wait3A_439 = tpu.memref_squeeze %dma_wait3A_438 : memref<1x1x128x72xf32, #tpu.memory_space<hbm>> -> memref<128x72xf32, #tpu.memory_space<hbm>>
      %dma_wait3A_440 = arith.constant 0 : i32
      %dma_wait3A_441 = tpu.memref_slice %arg12[%add3A_419, %dma_wait3A_440] : memref<10240x72xf32, #tpu.memory_space<vmem_shared>> -> memref<128x72xf32, #tpu.memory_space<vmem_shared>>
      tpu.wait_dma2 semaphore(%run_scoped3A_431 : memref<!tpu.dma_semaphore, #tpu.memory_space<semaphore_mem>>) src(%dma_wait3A_441 : memref<128x72xf32, #tpu.memory_space<vmem_shared>>) dst(%dma_wait3A_439 : memref<128x72xf32, #tpu.memory_space<hbm>>)
      tpu.yield
    }) : () -> ()
    %mul3A_421 = arith.constant 640 : i32
    %mul3A_422 = arith.muli %arg1, %mul3A_421 : i32
    %add3A_423 = arith.constant 384 : i32
    %add3A_424 = arith.addi %mul3A_422, %add3A_423 : i32
    %run_scoped3A_425 = arith.constant 1 : i32
    "tpu.region"() ({
      %run_scoped3A_431 = tpu.sem_alloc : memref<!tpu.dma_semaphore, #tpu.memory_space<semaphore_mem>>
      %dma_start3A_432 = arith.constant 0 : i32
      %dma_start3A_433 = tpu.memref_slice %arg6[%run_scoped3A_425, %add3A_327, %add3A_424, %dma_start3A_432] : memref<2x4x10240x72xf32, #tpu.memory_space<hbm>> -> memref<1x1x128x72xf32, #tpu.memory_space<hbm>>
      %dma_start3A_434 = tpu.memref_squeeze %dma_start3A_433 : memref<1x1x128x72xf32, #tpu.memory_space<hbm>> -> memref<128x72xf32, #tpu.memory_space<hbm>>
      %dma_start3A_435 = arith.constant 0 : i32
      %dma_start3A_436 = tpu.memref_slice %arg12[%add3A_424, %dma_start3A_435] : memref<10240x72xf32, #tpu.memory_space<vmem_shared>> -> memref<128x72xf32, #tpu.memory_space<vmem_shared>>
      tpu.enqueue_dma source(%dma_start3A_436 : memref<128x72xf32, #tpu.memory_space<vmem_shared>>) target(%dma_start3A_434 : memref<128x72xf32, #tpu.memory_space<hbm>>) target_semaphore(%run_scoped3A_431 : memref<!tpu.dma_semaphore, #tpu.memory_space<semaphore_mem>>)
      %dma_wait3A_437 = arith.constant 0 : i32
      %dma_wait3A_438 = tpu.memref_slice %arg6[%run_scoped3A_425, %add3A_327, %add3A_424, %dma_wait3A_437] : memref<2x4x10240x72xf32, #tpu.memory_space<hbm>> -> memref<1x1x128x72xf32, #tpu.memory_space<hbm>>
      %dma_wait3A_439 = tpu.memref_squeeze %dma_wait3A_438 : memref<1x1x128x72xf32, #tpu.memory_space<hbm>> -> memref<128x72xf32, #tpu.memory_space<hbm>>
      %dma_wait3A_440 = arith.constant 0 : i32
      %dma_wait3A_441 = tpu.memref_slice %arg12[%add3A_424, %dma_wait3A_440] : memref<10240x72xf32, #tpu.memory_space<vmem_shared>> -> memref<128x72xf32, #tpu.memory_space<vmem_shared>>
      tpu.wait_dma2 semaphore(%run_scoped3A_431 : memref<!tpu.dma_semaphore, #tpu.memory_space<semaphore_mem>>) src(%dma_wait3A_441 : memref<128x72xf32, #tpu.memory_space<vmem_shared>>) dst(%dma_wait3A_439 : memref<128x72xf32, #tpu.memory_space<hbm>>)
      tpu.yield
    }) : () -> ()
    %mul3A_426 = arith.constant 640 : i32
    %mul3A_427 = arith.muli %arg1, %mul3A_426 : i32
    %add3A_428 = arith.constant 512 : i32
    %add3A_429 = arith.addi %mul3A_427, %add3A_428 : i32
    %run_scoped3A_430 = arith.constant 1 : i32
    "tpu.region"() ({
      %run_scoped3A_431 = tpu.sem_alloc : memref<!tpu.dma_semaphore, #tpu.memory_space<semaphore_mem>>
      %dma_start3A_432 = arith.constant 0 : i32
      %dma_start3A_433 = tpu.memref_slice %arg6[%run_scoped3A_430, %add3A_327, %add3A_429, %dma_start3A_432] : memref<2x4x10240x72xf32, #tpu.memory_space<hbm>> -> memref<1x1x128x72xf32, #tpu.memory_space<hbm>>
      %dma_start3A_434 = tpu.memref_squeeze %dma_start3A_433 : memref<1x1x128x72xf32, #tpu.memory_space<hbm>> -> memref<128x72xf32, #tpu.memory_space<hbm>>
      %dma_start3A_435 = arith.constant 0 : i32
      %dma_start3A_436 = tpu.memref_slice %arg12[%add3A_429, %dma_start3A_435] : memref<10240x72xf32, #tpu.memory_space<vmem_shared>> -> memref<128x72xf32, #tpu.memory_space<vmem_shared>>
      tpu.enqueue_dma source(%dma_start3A_436 : memref<128x72xf32, #tpu.memory_space<vmem_shared>>) target(%dma_start3A_434 : memref<128x72xf32, #tpu.memory_space<hbm>>) target_semaphore(%run_scoped3A_431 : memref<!tpu.dma_semaphore, #tpu.memory_space<semaphore_mem>>)
      %dma_wait3A_437 = arith.constant 0 : i32
      %dma_wait3A_438 = tpu.memref_slice %arg6[%run_scoped3A_430, %add3A_327, %add3A_429, %dma_wait3A_437] : memref<2x4x10240x72xf32, #tpu.memory_space<hbm>> -> memref<1x1x128x72xf32, #tpu.memory_space<hbm>>
      %dma_wait3A_439 = tpu.memref_squeeze %dma_wait3A_438 : memref<1x1x128x72xf32, #tpu.memory_space<hbm>> -> memref<128x72xf32, #tpu.memory_space<hbm>>
      %dma_wait3A_440 = arith.constant 0 : i32
      %dma_wait3A_441 = tpu.memref_slice %arg12[%add3A_429, %dma_wait3A_440] : memref<10240x72xf32, #tpu.memory_space<vmem_shared>> -> memref<128x72xf32, #tpu.memory_space<vmem_shared>>
      tpu.wait_dma2 semaphore(%run_scoped3A_431 : memref<!tpu.dma_semaphore, #tpu.memory_space<semaphore_mem>>) src(%dma_wait3A_441 : memref<128x72xf32, #tpu.memory_space<vmem_shared>>) dst(%dma_wait3A_439 : memref<128x72xf32, #tpu.memory_space<hbm>>)
      tpu.yield
    }) : () -> ()
    return
  }
}

module attributes {stable_mosaic.version = 14 : i64} {
  func.func @_haug_body(%arg0: i32, %arg1: memref<400x128xf32, #tpu.memory_space<vmem>>, %arg2: memref<128x128xf32, #tpu.memory_space<vmem>>, %arg3: memref<400x144xf32, #tpu.memory_space<vmem>>) attributes {dimension_semantics = [#tpu.dimension_semantics<arbitrary>], iteration_bounds = array<i64: 25>, scalar_prefetch = 0 : i64, scratch_operands = 0 : i64, tpu.core_type = #tpu.core_type<tc>, window_params = [{transform_indices = @transform_0, window_bounds = array<i64: 400, 128>}, {pipeline_mode = #tpu.pipeline_mode<synchronous>, transform_indices = @transform_1, window_bounds = array<i64: 128, 128>}, {transform_indices = @transform_2, window_bounds = array<i64: 400, 144>}]} {
    %get3A = arith.constant 0 : index
    %get3A_0 = arith.constant 0 : index
    %get3A_1 = vector.load %arg1[%get3A, %get3A_0] : memref<400x128xf32, #tpu.memory_space<vmem>>, vector<400x128xf32>
    %get3A_2 = arith.constant 0 : index
    %get3A_3 = arith.constant 0 : index
    %get3A_4 = vector.load %arg2[%get3A_2, %get3A_3] : memref<128x128xf32, #tpu.memory_space<vmem>>, vector<128x128xf32>
    %dot_general3A = arith.constant dense<0.000000e+00> : vector<400x128xf32>
    %dot_general3A_5 = tpu.matmul %get3A_1, %get3A_4, %dot_general3A {dimension_numbers = #tpu.dot_dimension_numbers<[1], [1], [0], [0], [0, 0, 1, 0], [], []>, transpose_lhs_hint = false} : vector<400x128xf32>, vector<128x128xf32>, vector<400x128xf32> -> vector<400x128xf32>
    %tanh3A = math.tanh %dot_general3A_5 : vector<400x128xf32>
    %broadcast_in_dim3A = arith.constant 1.000000e+00 : f32
    %broadcast_in_dim3A_6 = vector.broadcast %broadcast_in_dim3A : f32 to vector<400x1xf32>
    %broadcast_in_dim3A_7 = arith.constant 0.000000e+00 : f32
    %broadcast_in_dim3A_8 = vector.broadcast %broadcast_in_dim3A_7 : f32 to vector<400x15xf32>
    %concatenate3A = tpu.concatenate %tanh3A, %broadcast_in_dim3A_6, %broadcast_in_dim3A_8 in 1 : vector<400x128xf32>, vector<400x1xf32>, vector<400x15xf32> -> vector<400x144xf32>
    %swap3A = arith.constant 0 : index
    %swap3A_9 = arith.constant 0 : index
    %swap3A_10 = vector.load %arg3[%swap3A, %swap3A_9] : memref<400x144xf32, #tpu.memory_space<vmem>>, vector<400x144xf32>
    tpu.vector_store %arg3[%swap3A, %swap3A_9], %concatenate3A {strides = array<i32>} : memref<400x144xf32, #tpu.memory_space<vmem>>, vector<400x144xf32>,
    return
  }
  func.func @transform_0(%arg0: i32) -> (i32, i32) {
    %c0_i32 = arith.constant 0 : i32
    %c0_i32_0 = arith.constant 0 : i32
    return %arg0, %c0_i32 : i32, i32
  }
  func.func @transform_1(%arg0: i32) -> (i32, i32) {
    %c0_i32 = arith.constant 0 : i32
    %c0_i32_0 = arith.constant 0 : i32
    %c0_i32_1 = arith.constant 0 : i32
    return %c0_i32, %c0_i32_0 : i32, i32
  }
  func.func @transform_2(%arg0: i32) -> (i32, i32) {
    %c0_i32 = arith.constant 0 : i32
    %c0_i32_0 = arith.constant 0 : i32
    return %arg0, %c0_i32 : i32, i32
  }
}

module attributes {stable_mosaic.version = 14 : i64} {
  func.func @_final_body(%arg0: i32, %arg1: memref<2x4x400x72xf32, #tpu.memory_space<vmem>>, %arg2: memref<400x144xf32, #tpu.memory_space<vmem>>, %arg3: memref<4x128x128xf32, #tpu.memory_space<vmem>>, %arg4: memref<64x128xf32, #tpu.memory_space<vmem>>, %arg5: memref<1x64xf32, #tpu.memory_space<vmem>>, %arg6: memref<1x64xf32, #tpu.memory_space<vmem>>, %arg7: memref<128x256xf32, #tpu.memory_space<vmem>>, %arg8: memref<400x128xf32, #tpu.memory_space<vmem>>, %arg9: memref<400x4xf32, #tpu.memory_space<vmem>>) attributes {dimension_semantics = [#tpu.dimension_semantics<arbitrary>], iteration_bounds = array<i64: 25>, scalar_prefetch = 0 : i64, scratch_operands = 0 : i64, tpu.core_type = #tpu.core_type<tc>, window_params = [{transform_indices = @transform_0, window_bounds = array<i64: 2, 4, 400, 72>}, {transform_indices = @transform_1, window_bounds = array<i64: 400, 144>}, {pipeline_mode = #tpu.pipeline_mode<synchronous>, transform_indices = @transform_2, window_bounds = array<i64: 4, 128, 128>}, {pipeline_mode = #tpu.pipeline_mode<synchronous>, transform_indices = @transform_3, window_bounds = array<i64: 64, 128>}, {pipeline_mode = #tpu.pipeline_mode<synchronous>, transform_indices = @transform_4, window_bounds = array<i64: 1, 64>}, {pipeline_mode = #tpu.pipeline_mode<synchronous>, transform_indices = @transform_5, window_bounds = array<i64: 1, 64>}, {pipeline_mode = #tpu.pipeline_mode<synchronous>, transform_indices = @transform_6, window_bounds = array<i64: 128, 256>}, {transform_indices = @transform_7, window_bounds = array<i64: 400, 128>}, {transform_indices = @transform_8, window_bounds = array<i64: 400, 4>}]} {
    %get3A = arith.constant 0 : index
    %get3A_0 = arith.constant 0 : index
    %get3A_1 = arith.constant 0 : index
    %get3A_2 = arith.constant 0 : index
    %get3A_3 = vector.load %arg1[%get3A, %get3A_0, %get3A_1, %get3A_2] : memref<2x4x400x72xf32, #tpu.memory_space<vmem>>, vector<1x1x400x72xf32>
    %get3A_4 = vector.shape_cast %get3A_3 : vector<1x1x400x72xf32> to vector<400x72xf32>
    %get3A_5 = arith.constant 1 : index
    %get3A_6 = arith.constant 0 : index
    %get3A_7 = arith.constant 0 : index
    %get3A_8 = arith.constant 0 : index
    %get3A_9 = vector.load %arg1[%get3A_5, %get3A_6, %get3A_7, %get3A_8] : memref<2x4x400x72xf32, #tpu.memory_space<vmem>>, vector<1x1x400x72xf32>
    %get3A_10 = vector.shape_cast %get3A_9 : vector<1x1x400x72xf32> to vector<400x72xf32>
    %slice3A = vector.extract_strided_slice %get3A_10 {offsets = [0, 56], sizes = [400, 1], strides = [1, 1]} : vector<400x72xf32> to vector<400x1xf32>
    %max3A = arith.constant 1.000000e+00 : f32
    %max3A_11 = vector.broadcast %max3A : f32 to vector<400x1xf32>
    %max3A_12 = arith.maximumf %slice3A, %max3A_11 : vector<400x1xf32>
    %div3A = arith.constant 1.000000e+00 : f32
    %div3A_13 = vector.broadcast %div3A : f32 to vector<400x1xf32>
    %div3A_14 = arith.divf %div3A_13, %max3A_12 : vector<400x1xf32>
    %get3A_15 = arith.constant 0 : index
    %get3A_16 = arith.constant 0 : index
    %get3A_17 = arith.constant 0 : index
    %get3A_18 = vector.load %arg3[%get3A_15, %get3A_16, %get3A_17] : memref<4x128x128xf32, #tpu.memory_space<vmem>>, vector<1x128x128xf32>
    %get3A_19 = vector.shape_cast %get3A_18 : vector<1x128x128xf32> to vector<128x128xf32>
    %slice3A_20 = vector.extract_strided_slice %get3A_19 {offsets = [0, 0], sizes = [128, 72], strides = [1, 1]} : vector<128x128xf32> to vector<128x72xf32>
    %dot_general3A = arith.constant dense<0.000000e+00> : vector<400x128xf32>
    %dot_general3A_21 = tpu.matmul %get3A_4, %slice3A_20, %dot_general3A {dimension_numbers = #tpu.dot_dimension_numbers<[1], [1], [0], [0], [0, 0, 1, 0], [], []>, transpose_lhs_hint = false} : vector<400x72xf32>, vector<128x72xf32>, vector<400x128xf32> -> vector<400x128xf32>
    %slice3A_22 = vector.extract_strided_slice %get3A_10 {offsets = [0, 0], sizes = [400, 56], strides = [1, 1]} : vector<400x72xf32> to vector<400x56xf32>
    %slice3A_23 = vector.extract_strided_slice %get3A_19 {offsets = [0, 72], sizes = [128, 56], strides = [1, 1]} : vector<128x128xf32> to vector<128x56xf32>
    %dot_general3A_24 = arith.constant dense<0.000000e+00> : vector<400x128xf32>
    %dot_general3A_25 = tpu.matmul %slice3A_22, %slice3A_23, %dot_general3A_24 {dimension_numbers = #tpu.dot_dimension_numbers<[1], [1], [0], [0], [0, 0, 1, 0], [], []>, transpose_lhs_hint = false} : vector<400x56xf32>, vector<128x56xf32>, vector<400x128xf32> -> vector<400x128xf32>
    %add3A = arith.addf %dot_general3A_21, %dot_general3A_25 : vector<400x128xf32>
    %mul3A = vector.broadcast %div3A_14 : vector<400x1xf32> to vector<400x128xf32>
    %mul3A_26 = arith.mulf %add3A, %mul3A : vector<400x128xf32>
    %get3A_27 = arith.constant 0 : index
    %get3A_28 = arith.constant 0 : index
    %get3A_29 = vector.load %arg4[%get3A_27, %get3A_28] : memref<64x128xf32, #tpu.memory_space<vmem>>, vector<64x128xf32>
    %dot_general3A_30 = arith.constant dense<0.000000e+00> : vector<400x64xf32>
    %dot_general3A_31 = tpu.matmul %mul3A_26, %get3A_29, %dot_general3A_30 {dimension_numbers = #tpu.dot_dimension_numbers<[1], [1], [0], [0], [0, 0, 1, 0], [], []>, transpose_lhs_hint = false} : vector<400x128xf32>, vector<64x128xf32>, vector<400x64xf32> -> vector<400x64xf32>
    %get3A_32 = arith.constant 0 : index
    %get3A_33 = arith.constant 0 : index
    %get3A_34 = vector.load %arg5[%get3A_32, %get3A_33] : memref<1x64xf32, #tpu.memory_space<vmem>>, vector<1x64xf32>
    %add3A_35 = vector.broadcast %get3A_34 : vector<1x64xf32> to vector<400x64xf32>
    %add3A_36 = arith.addf %dot_general3A_31, %add3A_35 : vector<400x64xf32>
    %tanh3A = math.tanh %add3A_36 : vector<400x64xf32>
    %get3A_37 = arith.constant 0 : index
    %get3A_38 = arith.constant 0 : index
    %get3A_39 = vector.load %arg6[%get3A_37, %get3A_38] : memref<1x64xf32, #tpu.memory_space<vmem>>, vector<1x64xf32>
    %mul3A_40 = vector.broadcast %get3A_39 : vector<1x64xf32> to vector<400x64xf32>
    %mul3A_41 = arith.mulf %tanh3A, %mul3A_40 : vector<400x64xf32>
    %reduce_sum3A = arith.constant dense<0.000000e+00> : vector<400xf32>
    %reduce_sum3A_42 = vector.multi_reduction <add>, %mul3A_41, %reduce_sum3A [1] : vector<400x64xf32> to vector<400xf32>
    %broadcast_in_dim3A = vector.shape_cast %reduce_sum3A_42 : vector<400xf32> to vector<400x1xf32>
    %get3A_43 = arith.constant 0 : index
    %get3A_44 = arith.constant 1 : index
    %get3A_45 = arith.constant 0 : index
    %get3A_46 = arith.constant 0 : index
    %get3A_47 = vector.load %arg1[%get3A_43, %get3A_44, %get3A_45, %get3A_46] : memref<2x4x400x72xf32, #tpu.memory_space<vmem>>, vector<1x1x400x72xf32>
    %get3A_48 = vector.shape_cast %get3A_47 : vector<1x1x400x72xf32> to vector<400x72xf32>
    %get3A_49 = arith.constant 1 : index
    %get3A_50 = arith.constant 1 : index
    %get3A_51 = arith.constant 0 : index
    %get3A_52 = arith.constant 0 : index
    %get3A_53 = vector.load %arg1[%get3A_49, %get3A_50, %get3A_51, %get3A_52] : memref<2x4x400x72xf32, #tpu.memory_space<vmem>>, vector<1x1x400x72xf32>
    %get3A_54 = vector.shape_cast %get3A_53 : vector<1x1x400x72xf32> to vector<400x72xf32>
    %slice3A_55 = vector.extract_strided_slice %get3A_54 {offsets = [0, 56], sizes = [400, 1], strides = [1, 1]} : vector<400x72xf32> to vector<400x1xf32>
    %max3A_56 = arith.constant 1.000000e+00 : f32
    %max3A_57 = vector.broadcast %max3A_56 : f32 to vector<400x1xf32>
    %max3A_58 = arith.maximumf %slice3A_55, %max3A_57 : vector<400x1xf32>
    %div3A_59 = arith.constant 1.000000e+00 : f32
    %div3A_60 = vector.broadcast %div3A_59 : f32 to vector<400x1xf32>
    %div3A_61 = arith.divf %div3A_60, %max3A_58 : vector<400x1xf32>
    %get3A_62 = arith.constant 1 : index
    %get3A_63 = arith.constant 0 : index
    %get3A_64 = arith.constant 0 : index
    %get3A_65 = vector.load %arg3[%get3A_62, %get3A_63, %get3A_64] : memref<4x128x128xf32, #tpu.memory_space<vmem>>, vector<1x128x128xf32>
    %get3A_66 = vector.shape_cast %get3A_65 : vector<1x128x128xf32> to vector<128x128xf32>
    %slice3A_67 = vector.extract_strided_slice %get3A_66 {offsets = [0, 0], sizes = [128, 72], strides = [1, 1]} : vector<128x128xf32> to vector<128x72xf32>
    %dot_general3A_68 = arith.constant dense<0.000000e+00> : vector<400x128xf32>
    %dot_general3A_69 = tpu.matmul %get3A_48, %slice3A_67, %dot_general3A_68 {dimension_numbers = #tpu.dot_dimension_numbers<[1], [1], [0], [0], [0, 0, 1, 0], [], []>, transpose_lhs_hint = false} : vector<400x72xf32>, vector<128x72xf32>, vector<400x128xf32> -> vector<400x128xf32>
    %slice3A_70 = vector.extract_strided_slice %get3A_54 {offsets = [0, 0], sizes = [400, 56], strides = [1, 1]} : vector<400x72xf32> to vector<400x56xf32>
    %slice3A_71 = vector.extract_strided_slice %get3A_66 {offsets = [0, 72], sizes = [128, 56], strides = [1, 1]} : vector<128x128xf32> to vector<128x56xf32>
    %dot_general3A_72 = arith.constant dense<0.000000e+00> : vector<400x128xf32>
    %dot_general3A_73 = tpu.matmul %slice3A_70, %slice3A_71, %dot_general3A_72 {dimension_numbers = #tpu.dot_dimension_numbers<[1], [1], [0], [0], [0, 0, 1, 0], [], []>, transpose_lhs_hint = false} : vector<400x56xf32>, vector<128x56xf32>, vector<400x128xf32> -> vector<400x128xf32>
    %add3A_74 = arith.addf %dot_general3A_69, %dot_general3A_73 : vector<400x128xf32>
    %mul3A_75 = vector.broadcast %div3A_61 : vector<400x1xf32> to vector<400x128xf32>
    %mul3A_76 = arith.mulf %add3A_74, %mul3A_75 : vector<400x128xf32>
    %get3A_77 = arith.constant 0 : index
    %get3A_78 = arith.constant 0 : index
    %get3A_79 = vector.load %arg4[%get3A_77, %get3A_78] : memref<64x128xf32, #tpu.memory_space<vmem>>, vector<64x128xf32>
    %dot_general3A_80 = arith.constant dense<0.000000e+00> : vector<400x64xf32>
    %dot_general3A_81 = tpu.matmul %mul3A_76, %get3A_79, %dot_general3A_80 {dimension_numbers = #tpu.dot_dimension_numbers<[1], [1], [0], [0], [0, 0, 1, 0], [], []>, transpose_lhs_hint = false} : vector<400x128xf32>, vector<64x128xf32>, vector<400x64xf32> -> vector<400x64xf32>
    %get3A_82 = arith.constant 0 : index
    %get3A_83 = arith.constant 0 : index
    %get3A_84 = vector.load %arg5[%get3A_82, %get3A_83] : memref<1x64xf32, #tpu.memory_space<vmem>>, vector<1x64xf32>
    %add3A_85 = vector.broadcast %get3A_84 : vector<1x64xf32> to vector<400x64xf32>
    %add3A_86 = arith.addf %dot_general3A_81, %add3A_85 : vector<400x64xf32>
    %tanh3A_87 = math.tanh %add3A_86 : vector<400x64xf32>
    %get3A_88 = arith.constant 0 : index
    %get3A_89 = arith.constant 0 : index
    %get3A_90 = vector.load %arg6[%get3A_88, %get3A_89] : memref<1x64xf32, #tpu.memory_space<vmem>>, vector<1x64xf32>
    %mul3A_91 = vector.broadcast %get3A_90 : vector<1x64xf32> to vector<400x64xf32>
    %mul3A_92 = arith.mulf %tanh3A_87, %mul3A_91 : vector<400x64xf32>
    %reduce_sum3A_93 = arith.constant dense<0.000000e+00> : vector<400xf32>
    %reduce_sum3A_94 = vector.multi_reduction <add>, %mul3A_92, %reduce_sum3A_93 [1] : vector<400x64xf32> to vector<400xf32>
    %broadcast_in_dim3A_95 = vector.shape_cast %reduce_sum3A_94 : vector<400xf32> to vector<400x1xf32>
    %get3A_96 = arith.constant 0 : index
    %get3A_97 = arith.constant 2 : index
    %get3A_98 = arith.constant 0 : index
    %get3A_99 = arith.constant 0 : index
    %get3A_100 = vector.load %arg1[%get3A_96, %get3A_97, %get3A_98, %get3A_99] : memref<2x4x400x72xf32, #tpu.memory_space<vmem>>, vector<1x1x400x72xf32>
    %get3A_101 = vector.shape_cast %get3A_100 : vector<1x1x400x72xf32> to vector<400x72xf32>
    %get3A_102 = arith.constant 1 : index
    %get3A_103 = arith.constant 2 : index
    %get3A_104 = arith.constant 0 : index
    %get3A_105 = arith.constant 0 : index
    %get3A_106 = vector.load %arg1[%get3A_102, %get3A_103, %get3A_104, %get3A_105] : memref<2x4x400x72xf32, #tpu.memory_space<vmem>>, vector<1x1x400x72xf32>
    %get3A_107 = vector.shape_cast %get3A_106 : vector<1x1x400x72xf32> to vector<400x72xf32>
    %slice3A_108 = vector.extract_strided_slice %get3A_107 {offsets = [0, 56], sizes = [400, 1], strides = [1, 1]} : vector<400x72xf32> to vector<400x1xf32>
    %max3A_109 = arith.constant 1.000000e+00 : f32
    %max3A_110 = vector.broadcast %max3A_109 : f32 to vector<400x1xf32>
    %max3A_111 = arith.maximumf %slice3A_108, %max3A_110 : vector<400x1xf32>
    %div3A_112 = arith.constant 1.000000e+00 : f32
    %div3A_113 = vector.broadcast %div3A_112 : f32 to vector<400x1xf32>
    %div3A_114 = arith.divf %div3A_113, %max3A_111 : vector<400x1xf32>
    %get3A_115 = arith.constant 2 : index
    %get3A_116 = arith.constant 0 : index
    %get3A_117 = arith.constant 0 : index
    %get3A_118 = vector.load %arg3[%get3A_115, %get3A_116, %get3A_117] : memref<4x128x128xf32, #tpu.memory_space<vmem>>, vector<1x128x128xf32>
    %get3A_119 = vector.shape_cast %get3A_118 : vector<1x128x128xf32> to vector<128x128xf32>
    %slice3A_120 = vector.extract_strided_slice %get3A_119 {offsets = [0, 0], sizes = [128, 72], strides = [1, 1]} : vector<128x128xf32> to vector<128x72xf32>
    %dot_general3A_121 = arith.constant dense<0.000000e+00> : vector<400x128xf32>
    %dot_general3A_122 = tpu.matmul %get3A_101, %slice3A_120, %dot_general3A_121 {dimension_numbers = #tpu.dot_dimension_numbers<[1], [1], [0], [0], [0, 0, 1, 0], [], []>, transpose_lhs_hint = false} : vector<400x72xf32>, vector<128x72xf32>, vector<400x128xf32> -> vector<400x128xf32>
    %slice3A_123 = vector.extract_strided_slice %get3A_107 {offsets = [0, 0], sizes = [400, 56], strides = [1, 1]} : vector<400x72xf32> to vector<400x56xf32>
    %slice3A_124 = vector.extract_strided_slice %get3A_119 {offsets = [0, 72], sizes = [128, 56], strides = [1, 1]} : vector<128x128xf32> to vector<128x56xf32>
    %dot_general3A_125 = arith.constant dense<0.000000e+00> : vector<400x128xf32>
    %dot_general3A_126 = tpu.matmul %slice3A_123, %slice3A_124, %dot_general3A_125 {dimension_numbers = #tpu.dot_dimension_numbers<[1], [1], [0], [0], [0, 0, 1, 0], [], []>, transpose_lhs_hint = false} : vector<400x56xf32>, vector<128x56xf32>, vector<400x128xf32> -> vector<400x128xf32>
    %add3A_127 = arith.addf %dot_general3A_122, %dot_general3A_126 : vector<400x128xf32>
    %mul3A_128 = vector.broadcast %div3A_114 : vector<400x1xf32> to vector<400x128xf32>
    %mul3A_129 = arith.mulf %add3A_127, %mul3A_128 : vector<400x128xf32>
    %get3A_130 = arith.constant 0 : index
    %get3A_131 = arith.constant 0 : index
    %get3A_132 = vector.load %arg4[%get3A_130, %get3A_131] : memref<64x128xf32, #tpu.memory_space<vmem>>, vector<64x128xf32>
    %dot_general3A_133 = arith.constant dense<0.000000e+00> : vector<400x64xf32>
    %dot_general3A_134 = tpu.matmul %mul3A_129, %get3A_132, %dot_general3A_133 {dimension_numbers = #tpu.dot_dimension_numbers<[1], [1], [0], [0], [0, 0, 1, 0], [], []>, transpose_lhs_hint = false} : vector<400x128xf32>, vector<64x128xf32>, vector<400x64xf32> -> vector<400x64xf32>
    %get3A_135 = arith.constant 0 : index
    %get3A_136 = arith.constant 0 : index
    %get3A_137 = vector.load %arg5[%get3A_135, %get3A_136] : memref<1x64xf32, #tpu.memory_space<vmem>>, vector<1x64xf32>
    %add3A_138 = vector.broadcast %get3A_137 : vector<1x64xf32> to vector<400x64xf32>
    %add3A_139 = arith.addf %dot_general3A_134, %add3A_138 : vector<400x64xf32>
    %tanh3A_140 = math.tanh %add3A_139 : vector<400x64xf32>
    %get3A_141 = arith.constant 0 : index
    %get3A_142 = arith.constant 0 : index
    %get3A_143 = vector.load %arg6[%get3A_141, %get3A_142] : memref<1x64xf32, #tpu.memory_space<vmem>>, vector<1x64xf32>
    %mul3A_144 = vector.broadcast %get3A_143 : vector<1x64xf32> to vector<400x64xf32>
    %mul3A_145 = arith.mulf %tanh3A_140, %mul3A_144 : vector<400x64xf32>
    %reduce_sum3A_146 = arith.constant dense<0.000000e+00> : vector<400xf32>
    %reduce_sum3A_147 = vector.multi_reduction <add>, %mul3A_145, %reduce_sum3A_146 [1] : vector<400x64xf32> to vector<400xf32>
    %broadcast_in_dim3A_148 = vector.shape_cast %reduce_sum3A_147 : vector<400xf32> to vector<400x1xf32>
    %get3A_149 = arith.constant 0 : index
    %get3A_150 = arith.constant 3 : index
    %get3A_151 = arith.constant 0 : index
    %get3A_152 = arith.constant 0 : index
    %get3A_153 = vector.load %arg1[%get3A_149, %get3A_150, %get3A_151, %get3A_152] : memref<2x4x400x72xf32, #tpu.memory_space<vmem>>, vector<1x1x400x72xf32>
    %get3A_154 = vector.shape_cast %get3A_153 : vector<1x1x400x72xf32> to vector<400x72xf32>
    %get3A_155 = arith.constant 1 : index
    %get3A_156 = arith.constant 3 : index
    %get3A_157 = arith.constant 0 : index
    %get3A_158 = arith.constant 0 : index
    %get3A_159 = vector.load %arg1[%get3A_155, %get3A_156, %get3A_157, %get3A_158] : memref<2x4x400x72xf32, #tpu.memory_space<vmem>>, vector<1x1x400x72xf32>
    %get3A_160 = vector.shape_cast %get3A_159 : vector<1x1x400x72xf32> to vector<400x72xf32>
    %slice3A_161 = vector.extract_strided_slice %get3A_160 {offsets = [0, 56], sizes = [400, 1], strides = [1, 1]} : vector<400x72xf32> to vector<400x1xf32>
    %max3A_162 = arith.constant 1.000000e+00 : f32
    %max3A_163 = vector.broadcast %max3A_162 : f32 to vector<400x1xf32>
    %max3A_164 = arith.maximumf %slice3A_161, %max3A_163 : vector<400x1xf32>
    %div3A_165 = arith.constant 1.000000e+00 : f32
    %div3A_166 = vector.broadcast %div3A_165 : f32 to vector<400x1xf32>
    %div3A_167 = arith.divf %div3A_166, %max3A_164 : vector<400x1xf32>
    %get3A_168 = arith.constant 3 : index
    %get3A_169 = arith.constant 0 : index
    %get3A_170 = arith.constant 0 : index
    %get3A_171 = vector.load %arg3[%get3A_168, %get3A_169, %get3A_170] : memref<4x128x128xf32, #tpu.memory_space<vmem>>, vector<1x128x128xf32>
    %get3A_172 = vector.shape_cast %get3A_171 : vector<1x128x128xf32> to vector<128x128xf32>
    %slice3A_173 = vector.extract_strided_slice %get3A_172 {offsets = [0, 0], sizes = [128, 72], strides = [1, 1]} : vector<128x128xf32> to vector<128x72xf32>
    %dot_general3A_174 = arith.constant dense<0.000000e+00> : vector<400x128xf32>
    %dot_general3A_175 = tpu.matmul %get3A_154, %slice3A_173, %dot_general3A_174 {dimension_numbers = #tpu.dot_dimension_numbers<[1], [1], [0], [0], [0, 0, 1, 0], [], []>, transpose_lhs_hint = false} : vector<400x72xf32>, vector<128x72xf32>, vector<400x128xf32> -> vector<400x128xf32>
    %slice3A_176 = vector.extract_strided_slice %get3A_160 {offsets = [0, 0], sizes = [400, 56], strides = [1, 1]} : vector<400x72xf32> to vector<400x56xf32>
    %slice3A_177 = vector.extract_strided_slice %get3A_172 {offsets = [0, 72], sizes = [128, 56], strides = [1, 1]} : vector<128x128xf32> to vector<128x56xf32>
    %dot_general3A_178 = arith.constant dense<0.000000e+00> : vector<400x128xf32>
    %dot_general3A_179 = tpu.matmul %slice3A_176, %slice3A_177, %dot_general3A_178 {dimension_numbers = #tpu.dot_dimension_numbers<[1], [1], [0], [0], [0, 0, 1, 0], [], []>, transpose_lhs_hint = false} : vector<400x56xf32>, vector<128x56xf32>, vector<400x128xf32> -> vector<400x128xf32>
    %add3A_180 = arith.addf %dot_general3A_175, %dot_general3A_179 : vector<400x128xf32>
    %mul3A_181 = vector.broadcast %div3A_167 : vector<400x1xf32> to vector<400x128xf32>
    %mul3A_182 = arith.mulf %add3A_180, %mul3A_181 : vector<400x128xf32>
    %get3A_183 = arith.constant 0 : index
    %get3A_184 = arith.constant 0 : index
    %get3A_185 = vector.load %arg4[%get3A_183, %get3A_184] : memref<64x128xf32, #tpu.memory_space<vmem>>, vector<64x128xf32>
    %dot_general3A_186 = arith.constant dense<0.000000e+00> : vector<400x64xf32>
    %dot_general3A_187 = tpu.matmul %mul3A_182, %get3A_185, %dot_general3A_186 {dimension_numbers = #tpu.dot_dimension_numbers<[1], [1], [0], [0], [0, 0, 1, 0], [], []>, transpose_lhs_hint = false} : vector<400x128xf32>, vector<64x128xf32>, vector<400x64xf32> -> vector<400x64xf32>
    %get3A_188 = arith.constant 0 : index
    %get3A_189 = arith.constant 0 : index
    %get3A_190 = vector.load %arg5[%get3A_188, %get3A_189] : memref<1x64xf32, #tpu.memory_space<vmem>>, vector<1x64xf32>
    %add3A_191 = vector.broadcast %get3A_190 : vector<1x64xf32> to vector<400x64xf32>
    %add3A_192 = arith.addf %dot_general3A_187, %add3A_191 : vector<400x64xf32>
    %tanh3A_193 = math.tanh %add3A_192 : vector<400x64xf32>
    %get3A_194 = arith.constant 0 : index
    %get3A_195 = arith.constant 0 : index
    %get3A_196 = vector.load %arg6[%get3A_194, %get3A_195] : memref<1x64xf32, #tpu.memory_space<vmem>>, vector<1x64xf32>
    %mul3A_197 = vector.broadcast %get3A_196 : vector<1x64xf32> to vector<400x64xf32>
    %mul3A_198 = arith.mulf %tanh3A_193, %mul3A_197 : vector<400x64xf32>
    %reduce_sum3A_199 = arith.constant dense<0.000000e+00> : vector<400xf32>
    %reduce_sum3A_200 = vector.multi_reduction <add>, %mul3A_198, %reduce_sum3A_199 [1] : vector<400x64xf32> to vector<400xf32>
    %broadcast_in_dim3A_201 = vector.shape_cast %reduce_sum3A_200 : vector<400xf32> to vector<400x1xf32>
    %concatenate3A = tpu.concatenate %broadcast_in_dim3A, %broadcast_in_dim3A_95, %broadcast_in_dim3A_148, %broadcast_in_dim3A_201 in 1 : vector<400x1xf32>, vector<400x1xf32>, vector<400x1xf32>, vector<400x1xf32> -> vector<400x4xf32>
    %reduce_max3A = arith.constant dense<0xFF800000> : vector<400xf32>
    %reduce_max3A_202 = vector.multi_reduction <maximumf>, %concatenate3A, %reduce_max3A [1] : vector<400x4xf32> to vector<400xf32>
    %broadcast_in_dim3A_203 = vector.shape_cast %reduce_max3A_202 : vector<400xf32> to vector<400x1xf32>
    %sub3A = vector.broadcast %broadcast_in_dim3A_203 : vector<400x1xf32> to vector<400x4xf32>
    %sub3A_204 = arith.subf %concatenate3A, %sub3A : vector<400x4xf32>
    %exp3A = math.exp %sub3A_204 : vector<400x4xf32>
    %reduce_sum3A_205 = arith.constant dense<0.000000e+00> : vector<400xf32>
    %reduce_sum3A_206 = vector.multi_reduction <add>, %exp3A, %reduce_sum3A_205 [1] : vector<400x4xf32> to vector<400xf32>
    %broadcast_in_dim3A_207 = vector.shape_cast %reduce_sum3A_206 : vector<400xf32> to vector<400x1xf32>
    %div3A_208 = vector.broadcast %broadcast_in_dim3A_207 : vector<400x1xf32> to vector<400x4xf32>
    %div3A_209 = arith.divf %exp3A, %div3A_208 : vector<400x4xf32>
    %slice3A_210 = vector.extract_strided_slice %div3A_209 {offsets = [0, 0], sizes = [400, 1], strides = [1, 1]} : vector<400x4xf32> to vector<400x1xf32>
    %mul3A_211 = vector.broadcast %slice3A_210 : vector<400x1xf32> to vector<400x128xf32>
    %mul3A_212 = arith.mulf %mul3A_211, %mul3A_26 : vector<400x128xf32>
    %slice3A_213 = vector.extract_strided_slice %div3A_209 {offsets = [0, 1], sizes = [400, 1], strides = [1, 1]} : vector<400x4xf32> to vector<400x1xf32>
    %mul3A_214 = vector.broadcast %slice3A_213 : vector<400x1xf32> to vector<400x128xf32>
    %mul3A_215 = arith.mulf %mul3A_214, %mul3A_76 : vector<400x128xf32>
    %add3A_216 = arith.addf %mul3A_212, %mul3A_215 : vector<400x128xf32>
    %slice3A_217 = vector.extract_strided_slice %div3A_209 {offsets = [0, 2], sizes = [400, 1], strides = [1, 1]} : vector<400x4xf32> to vector<400x1xf32>
    %mul3A_218 = vector.broadcast %slice3A_217 : vector<400x1xf32> to vector<400x128xf32>
    %mul3A_219 = arith.mulf %mul3A_218, %mul3A_129 : vector<400x128xf32>
    %add3A_220 = arith.addf %add3A_216, %mul3A_219 : vector<400x128xf32>
    %slice3A_221 = vector.extract_strided_slice %div3A_209 {offsets = [0, 3], sizes = [400, 1], strides = [1, 1]} : vector<400x4xf32> to vector<400x1xf32>
    %mul3A_222 = vector.broadcast %slice3A_221 : vector<400x1xf32> to vector<400x128xf32>
    %mul3A_223 = arith.mulf %mul3A_222, %mul3A_182 : vector<400x128xf32>
    %add3A_224 = arith.addf %add3A_220, %mul3A_223 : vector<400x128xf32>
    %get3A_225 = arith.constant 0 : index
    %get3A_226 = arith.constant 0 : index
    %get3A_227 = vector.load %arg2[%get3A_225, %get3A_226] : memref<400x144xf32, #tpu.memory_space<vmem>>, vector<400x128xf32>
    %get3A_228 = arith.constant 0 : index
    %get3A_229 = arith.constant 0 : index
    %get3A_230 = vector.load %arg7[%get3A_228, %get3A_229] : memref<128x256xf32, #tpu.memory_space<vmem>>, vector<128x256xf32>
    %slice3A_231 = vector.extract_strided_slice %get3A_230 {offsets = [0, 0], sizes = [128, 128], strides = [1, 1]} : vector<128x256xf32> to vector<128x128xf32>
    %dot_general3A_232 = arith.constant dense<0.000000e+00> : vector<400x128xf32>
    %dot_general3A_233 = tpu.matmul %get3A_227, %slice3A_231, %dot_general3A_232 {dimension_numbers = #tpu.dot_dimension_numbers<[1], [1], [0], [0], [0, 0, 1, 0], [], []>, transpose_lhs_hint = false} : vector<400x128xf32>, vector<128x128xf32>, vector<400x128xf32> -> vector<400x128xf32>
    %slice3A_234 = vector.extract_strided_slice %get3A_230 {offsets = [0, 128], sizes = [128, 128], strides = [1, 1]} : vector<128x256xf32> to vector<128x128xf32>
    %dot_general3A_235 = arith.constant dense<0.000000e+00> : vector<400x128xf32>
    %dot_general3A_236 = tpu.matmul %add3A_224, %slice3A_234, %dot_general3A_235 {dimension_numbers = #tpu.dot_dimension_numbers<[1], [1], [0], [0], [0, 0, 1, 0], [], []>, transpose_lhs_hint = false} : vector<400x128xf32>, vector<128x128xf32>, vector<400x128xf32> -> vector<400x128xf32>
    %add3A_237 = arith.addf %dot_general3A_233, %dot_general3A_236 : vector<400x128xf32>
    %swap3A = arith.constant 0 : index
    %swap3A_238 = arith.constant 0 : index
    %swap3A_239 = vector.load %arg8[%swap3A, %swap3A_238] : memref<400x128xf32, #tpu.memory_space<vmem>>, vector<400x128xf32>
    tpu.vector_store %arg8[%swap3A, %swap3A_238], %add3A_237 {strides = array<i32>} : memref<400x128xf32, #tpu.memory_space<vmem>>, vector<400x128xf32>,
    %swap3A_240 = arith.constant 0 : index
    %swap3A_241 = arith.constant 0 : index
    %swap3A_242 = vector.load %arg9[%swap3A_240, %swap3A_241] : memref<400x4xf32, #tpu.memory_space<vmem>>, vector<400x4xf32>
    tpu.vector_store %arg9[%swap3A_240, %swap3A_241], %div3A_209 {strides = array<i32>} : memref<400x4xf32, #tpu.memory_space<vmem>>, vector<400x4xf32>,
    return
  }
  func.func @transform_0(%arg0: i32) -> (i32, i32, i32, i32) {
    %c0_i32 = arith.constant 0 : i32
    %c0_i32_0 = arith.constant 0 : i32
    %c0_i32_1 = arith.constant 0 : i32
    %c0_i32_2 = arith.constant 0 : i32
    return %c0_i32, %c0_i32_0, %arg0, %c0_i32_1 : i32, i32, i32, i32
  }
  func.func @transform_1(%arg0: i32) -> (i32, i32) {
    %c0_i32 = arith.constant 0 : i32
    %c0_i32_0 = arith.constant 0 : i32
    return %arg0, %c0_i32 : i32, i32
  }
  func.func @transform_2(%arg0: i32) -> (i32, i32, i32) {
    %c0_i32 = arith.constant 0 : i32
    %c0_i32_0 = arith.constant 0 : i32
    %c0_i32_1 = arith.constant 0 : i32
    %c0_i32_2 = arith.constant 0 : i32
    return %c0_i32, %c0_i32_0, %c0_i32_1 : i32, i32, i32
  }
  func.func @transform_3(%arg0: i32) -> (i32, i32) {
    %c0_i32 = arith.constant 0 : i32
    %c0_i32_0 = arith.constant 0 : i32
    %c0_i32_1 = arith.constant 0 : i32
    return %c0_i32, %c0_i32_0 : i32, i32
  }
  func.func @transform_4(%arg0: i32) -> (i32, i32) {
    %c0_i32 = arith.constant 0 : i32
    %c0_i32_0 = arith.constant 0 : i32
    %c0_i32_1 = arith.constant 0 : i32
    return %c0_i32, %c0_i32_0 : i32, i32
  }
  func.func @transform_5(%arg0: i32) -> (i32, i32) {
    %c0_i32 = arith.constant 0 : i32
    %c0_i32_0 = arith.constant 0 : i32
    %c0_i32_1 = arith.constant 0 : i32
    return %c0_i32, %c0_i32_0 : i32, i32
  }
  func.func @transform_6(%arg0: i32) -> (i32, i32) {
    %c0_i32 = arith.constant 0 : i32
    %c0_i32_0 = arith.constant 0 : i32
    %c0_i32_1 = arith.constant 0 : i32
    return %c0_i32, %c0_i32_0 : i32, i32
  }
  func.func @transform_7(%arg0: i32) -> (i32, i32) {
    %c0_i32 = arith.constant 0 : i32
    %c0_i32_0 = arith.constant 0 : i32
    return %arg0, %c0_i32 : i32, i32
  }
  func.func @transform_8(%arg0: i32) -> (i32, i32) {
    %c0_i32 = arith.constant 0 : i32
    %c0_i32_0 = arith.constant 0 : i32
    return %arg0, %c0_i32 : i32, i32
  }
}

</mosaic_0001>

<sc_bundles>
// kernel: kernel.5.cloned.1.call-start
scs
__scs_entry_jumppad:
0x0: {  	(pc) =	sbr.rel $0x88, $3  }
0x1: {  	(tag) =	ssettag $0x0;
	lr =	simm.s32 $0x1  }
0x2: {  	[smem:$0x3F99] =	sst lr;
	_ =	strace $0xD0000000  }
0x3: {  	_ = 	snop  }
0x4: {  	_ = 	snop  }
0x5: {  	_ = 	snop  }
0x6: {  	_ = 	snop  }
0x7: {  	_ = 	snop  }
__scs_overlays_trampoline_lowered:
0x8: {  	[smem:$0x3FA8] =	sst s0  }
0x9: {  	[smem:$0x3FA9] =	sst s1  }
0xa: {  	[smem:$0x3FAA] =	sst s2  }
0xb: {  	[smem:$0x3FAB] =	sst s3  }
0xc: {  	[smem:$0x3FAC] =	sst s4  }
0xd: {  	[smem:$0x3FAD] =	sst s5  }
0xe: {  	[smem:$0x3FAE] =	sst s6  }
0xf: {  	[smem:$0x3FAF] =	sst s7  }
0x10: {  	[smem:$0x3FB0] =	sst s8  }
0x11: {  	[smem:$0x3FB1] =	sst s9;
	s0 =	simm.s32 @!p0 $0x0  }
0x12: {  	s1 =	sld [smem:$0x3F97];
	s0 =	simm.s32 @p0 $0x1  }
0x13: {  	[smem:$0x3FB2] =	sst s0;
	s0 =	simm.s32 @!p1 $0x0  }
0x14: {  	s2 =	sld [smem:$0x3F96];
	s0 =	simm.s32 @p1 $0x1  }
0x15: {  	[smem:$0x3FB3] =	sst s0;
	s0 =	simm.s32 @!p2 $0x0  }
0x16: {  	s3 =	sld [smem:$0x3FDB];
	s0 =	simm.s32 @p2 $0x1  }
0x17: {  	s4 =	simm.s32 $0x1BF5;
	[smem:$0x3FB5] =	sst s0  }
0x18: {  	s0 =	sld [smem:$0x3F98];
	_ =	swait.ge [sflag:s4], $0x0  }
0x19: {  	s7 =	sld [smem:$0x3F99]  }
0x1a: {  	s8 =	sadd.s32 $0xFFFFE003, lr  }
0x1b: {  	s9 =	sadd.s32 $0xFFFFFEF7, lr;
	s5 =	simm.s32 $0xFFFFFFFF;
	p2 =	slt.u32 s8, $0xFFFFF086  }
0x1c: {  	p1 =	slt.u32 s9, $0xF7A;
	s5 =	simm.s32 @!p2 $0x0  }
0x1d: {  	s5 =	simm.s32 @p1 $0x1;
	p0 =	seq.s32 s7, s2  }
0x1e: {  	s7 =	smul.u32 @!p0 $0xF7A, s2;
	p2 =	seq.s32 @!p0 s5, $0x0  }
0x1f: {  	s9 =	smul.u32 $0xF7A, s1;
	s8 =	simm.s32 @!p0 $0x1BF5;
	p2 =	por !p2, p0  }
0x20: {  	[sflag:s8] =	ssyncset.s32 @!p0 $0xFFFFF086;
	s6 =	sadd.s32 @!p0 s3, s7;
	s7 =	simm.s32 @!p0 $0x108  }
0x21: {  	s3 =	sadd.s32 s3, s9;
	s6 =	sadd.s32 @!p0 $0x88, s6;
	s7 =	simm.s32 @p2 $0x1082  }
0x22: {  	[simem:s7], [sflag:s8] =	dma.local @!p0 [hbm:s6], $0xF7A  }
0x23: {  	s9 =	sor.u32 $0xD0000000, s2;
	s6 =	simm.s32 $0x108;
	_ =	swait.ge @!p0 [sflag:s8], $0x0  }
0x24: {  	s3 =	sadd.s32 $0x88, s3;
	s6 =	simm.s32 @!p1 $0x1082;
	[sflag:s4] =	ssyncset.s32 $0xFFFFF086  }
0x25: {  	[simem:s6], [sflag:s4] =	dma.local [hbm:s3], $0xF7A  }
0x26: {  	[smem:$0x3F99] =	sst s1;
	(tag) =	ssettag s2;
	_ =	strace s9  }
0x27: {  	s1 =	sld [smem:$0x3FA9]  }
0x28: {  	s2 =	sld [smem:$0x3FAA]  }
0x29: {  	s4 =	sld [smem:$0x3FAC]  }
0x2a: {  	p0 =	seq.s32 s5, $0x0;
	s5 =	sld [smem:$0x3FAD]  }
0x2b: {  	s6 =	sld [smem:$0x3FAE]  }
0x2c: {  	s7 =	sld [smem:$0x3FAF]  }
0x2d: {  	s3 =	simm.s32 $0x108;
	s8 =	sld [smem:$0x3FB0]  }
0x2e: {  	s3 =	simm.s32 @!p0 $0x1082;
	s9 =	sld [smem:$0x3FB1]  }
0x2f: {  	lr =	sadd.s32 s0, s3;
	s0 =	sld [smem:$0x3FA8]  }
0x30: {  	s3 =	sld [smem:$0x3FAB]  }
0x31: {  	[smem:$0x3FB4] =	sst s10  }
0x32: {  	s10 =	sld [smem:$0x3FB2];
	_ =	sdelay $0x3  }
0x33: {  	p0 =	seq.s32 s10, $0x1;
	s10 =	sld [smem:$0x3FB4];
	_ =	sdelay $0x3  }
0x34: {  	[smem:$0x3FB4] =	sst s10  }
0x35: {  	s10 =	sld [smem:$0x3FB3];
	_ =	sdelay $0x3  }
0x36: {  	p1 =	seq.s32 s10, $0x1;
	s10 =	sld [smem:$0x3FB4];
	_ =	sdelay $0x3  }
0x37: {  	[smem:$0x3FB4] =	sst s10  }
0x38: {  	s10 =	sld [smem:$0x3FB5]  }
0x39: {  	_ = 	snop;
	(pc) =	sbr.ind lr, $3  }
0x3a: {  	_ = 	snop  }
0x3b: {  	_ = 	snop  }
0x3c: {  	p2 =	seq.s32 s10, $0x1;
	s10 =	sld [smem:$0x3FB4]  }
0x3d: {  	_ =	shalt  }
0x3e: {  	_ =	shalt  }
0x3f: {  	_ =	shalt  }
0x40: {  	_ =	shalt  }
0x41: {  	_ =	shalt  }
0x42: {  	_ =	shalt  }
0x43: {  	_ =	shalt  }
0x44: {  	_ =	shalt  }
0x45: {  	_ =	shalt  }
0x46: {  	_ =	shalt  }
0x47: {  	_ =	shalt  }
0x48: {  	_ =	shalt  }
0x49: {  	_ =	shalt  }
0x4a: {  	_ =	shalt  }
0x4b: {  	_ =	shalt  }
0x4c: {  	_ =	shalt  }
0x4d: {  	_ =	shalt  }
0x4e: {  	_ =	shalt  }
0x4f: {  	_ =	shalt  }
0x50: {  	_ =	shalt  }
0x51: {  	_ =	shalt  }
0x52: {  	_ =	shalt  }
0x53: {  	_ =	shalt  }
0x54: {  	_ =	shalt  }
0x55: {  	_ =	shalt  }
0x56: {  	_ =	shalt  }
0x57: {  	_ =	shalt  }
0x58: {  	_ =	shalt  }
0x59: {  	_ =	shalt  }
0x5a: {  	_ =	shalt  }
0x5b: {  	_ =	shalt  }
0x5c: {  	_ =	shalt  }
0x5d: {  	_ =	shalt  }
0x5e: {  	_ =	shalt  }
0x5f: {  	_ =	shalt  }
0x60: {  	_ =	shalt  }
0x61: {  	_ =	shalt  }
0x62: {  	_ =	shalt  }
0x63: {  	_ =	shalt  }
0x64: {  	_ =	shalt  }
0x65: {  	_ =	shalt  }
0x66: {  	_ =	shalt  }
0x67: {  	_ =	shalt  }
0x68: {  	_ =	shalt  }
0x69: {  	_ =	shalt  }
0x6a: {  	_ =	shalt  }
0x6b: {  	_ =	shalt  }
0x6c: {  	_ =	shalt  }
0x6d: {  	_ =	shalt  }
0x6e: {  	_ =	shalt  }
0x6f: {  	_ =	shalt  }
0x70: {  	_ =	shalt  }
0x71: {  	_ =	shalt  }
0x72: {  	_ =	shalt  }
0x73: {  	_ =	shalt  }
0x74: {  	_ =	shalt  }
0x75: {  	_ =	shalt  }
0x76: {  	_ =	shalt  }
0x77: {  	_ =	shalt  }
0x78: {  	_ =	shalt  }
0x79: {  	_ =	shalt  }
0x7a: {  	_ =	shalt  }
0x7b: {  	_ =	shalt  }
0x7c: {  	_ =	shalt  }
0x7d: {  	_ =	shalt  }
0x7e: {  	_ =	shalt  }
0x7f: {  	_ =	shalt  }
0x80: {  	_ =	shalt  }
0x81: {  	_ =	shalt  }
0x82: {  	_ =	shalt  }
0x83: {  	_ =	shalt  }
0x84: {  	_ =	shalt  }
0x85: {  	_ =	shalt  }
0x86: {  	_ =	shalt  }
0x87: {  	_ =	shalt  }
.Lfunc_end0:
.L_simem_size_0:
called_computation_lowered:
.L_overlay_start_0:
0x88: {  	s2 =	sld [smem:$0x3FD9]  }
0x89: {  	s3 =	sld [smem:$0x3FFE];
	_ =	sdelay $0x1  }
0x8a: {  	s1 =	srdreg.scid  }
0x8b: {  	s0 =	sand.u32 $0x1, s1  }
0x8c: {  	s14 =	sshll.u32 s0, $0xA;
	s2 =	sadd.s32 s3, s2  }
0x8d: {  	s2 =	sadd.s32 s2, s14  }
0x8e: {  	[smem:$0x3FC0] =	sst s2  }
0x8f: {  	_ = 	snop  }
0x90: {  	s2 =	sld [smem:$0x3FD0];
	_ =	sdelay $0x2  }
0x91: {  	s15 =	simm.s32 $0xA;
	s4 =	simm.s32 $0x10  }
0x92: {  	[smem:s4], [sflag:s15] =	dma.local [hbm:s2], $0x1  }
0x93: {  	_ =	swait.eq [sflag:s15], $0x1  }
0x94: {  	[sflag:s15] =	ssyncset.done $0x0  }
0x95: {  	s16 =	sld [smem:$0x10];
	[sflag:s15] =	ssyncadd.s32 $0xFFFFFFFF  }
0x96: {  	s17 =	sld [smem:$0x11];
	(tm) =	ssettm $0x1  }
0x97: {  	s18 =	sld [smem:$0x3FFB];
	_ =	sdelay $0x3  }
0x98: {  	_ =	strace s18  }
0x99: {  	s4 =	sld [smem:$0x3FFC];
	_ =	sdelay $0x3  }
0x9a: {  	_ =	strace s4  }
0x9b: {  	s4 =	sld [smem:$0x3FFD];
	_ =	sdelay $0x3  }
0x9c: {  	_ =	strace s4  }
0x9d: {  	_ =	strace $0x8FFFFFFF  }
0x9e: {  	s19 =	sld [smem:$0x3FDB];
	_ =	sdelay $0x1  }
0x9f: {  	s5 =	simm.s32 $_scs_section_size  }
0xa0: {  	s6 =	simm.s32 $_size__tile_overlayer_lowered;
	s7 =	simm.s32 $_tile_overlayer_lowered  }
0xa1: {  	s22 =	simm.s32 $0x1BFF;
	s21 =	sshll.u32 s7, $0x1;
	s4 =	sadd.s32 s5, s19  }
0xa2: {  	s8 =	simm.s32 $0x0;
	s20 =	sshll.u32 s6, $0x1;
	s6 =	sadd.s32 s21, s4  }
0xa3: {  	[timem:s8], [sflag:s22] =	dma.local [hbm:s6], s20  }
0xa4: {  	_ =	swait.ge [sflag:s22], s20  }
0xa5: {  	s5 =	ssub.s32 $0x0, s20;
	[sflag:s22] =	ssyncset.done $0x0  }
0xa6: {  	[sflag:s22] =	ssyncadd.s32 s5;
	_ =	sdelay $0x1  }
0xa7: {  	s23 =	simm.s32 $0x1B8B  }
0xa8: {  	_ =	swait.ge [sflag:s23], $0x1  }
0xa9: {  	[sflag:s23] =	ssyncset.done $0x0  }
0xaa: {  	s25 =	simm.s32 $0x1B8E;
	s24 =	sld [smem:$0x3FFE];
	[sflag:s23] =	ssyncadd.s32 $0xFFFFFFFF  }
0xab: {  	s26 =	simm.s32 $execute0_lowered;
	[smem:$0x3FD2] =	sst s25  }
0xac: {  	s6 =	sshll.u32 s26, $0x1;
	_ =	strace $0x80000046;
	[dreg:$0x1] =	wrdreg $0xFFFFFFFF  }
0xad: {  	s28 =	simm.s32 $_size_execute0_lowered;
	s4 =	sadd.s32 s4, s6;
	[dreg:$0x0] =	wrdreg $0x0  }
0xae: {  	s6 =	sshll.u32 s28, $0x1;
	[dreg:$0x2] =	wrdreg s4  }
0xaf: {  	[dreg:$0x3] =	wrdreg s6  }
0xb0: {  	[dreg:$0x4] =	wrdreg $0xC0  }
0xb1: {  	_ =	task [dreg:s8], $0x5FFFF  }
0xb2: {  	[dreg:$0x1] =	wrdreg $0xFFFFFFFF  }
0xb3: {  	[dreg:$0x0] =	wrdreg $0x60  }
0xb4: {  	[dreg:$0x2] =	wrdreg s24  }
0xb5: {  	[dreg:$0x3] =	wrdreg s16  }
0xb6: {  	[dreg:$0x4] =	wrdreg s17  }
0xb7: {  	[dreg:$0x5] =	wrdreg $0x70000  }
0xb8: {  	[dreg:$0x6] =	wrdreg $0x124000  }
0xb9: {  	[dreg:$0x7] =	wrdreg $0x9  }
0xba: {  	_ =	task.clear_ibuf [dreg:s8], $0x8FFFF;
	_ =	strace $0x90000046  }
0xbb: {  	s29 =	simm.s32 $0x9;
	_ =	strace $0x80000048  }
0xbc: {  	_ =	swait.ge [sflag:s29], $0x1  }
0xbd: {  	[sflag:s29] =	ssyncadd.s32 $0xFFFFFFFF  }
0xbe: {  	_ =	strace $0x90000048  }
0xbf: {  	_ =	sfence  }
0xc0: {  	s30 =	sld [smem:$0x0];
	_ =	sdelay $0x2  }
0xc1: {  	s31 =	sshll.u32 s1, $0xD;
	s1 =	sshrl.u32 s1, $0x2  }
0xc2: {  	s3 =	sand.u32 $0x4000, s31;
	s1 =	sadd.s32 s1, s30  }
0xc3: {  	s0 =	sor.u32 s3, s0;
	s1 =	sshll.u32 s1, $0x11  }
0xc4: {  	s0 =	sor.u32 s1, s0  }
0xc5: {  	s0 =	sadd.s32 $0x8F2B, s0  }
0xc6: {  	[sflag:s0] =	ssyncadd.remote.s32 $0x1  }
0xc7: {  	_ =	sfence.sel $0xFFFF  }
0xc8: {  	[dreg:$0x0] =	wrdreg $0xFFFFFFFF;
	(pc) =	sbr.abs _section_cstart, $3  }
0xc9: {  	[dreg:$0x1] =	wrdreg $0xFFFFFFFF  }
0xca: {  	_ =	task.clear_ibuf [dreg:s8], $0x2FFFF;
	_ =	strace $0x9FFFFFFF  }
0xcb: {  	(tm) =	ssettm $0x7FFFFFFF  }
tec
execute0_lowered:
.L_overlay_start_1:
0x0: {  	(tag) =	ssettag $0x1  }
0x1: {  	s1 =	rddreg [dreg:$0x0]  }
0x2: {  	s4 =	rddreg [dreg:$0x1]  }
0x3: {  	s21 =	rddreg [dreg:$0x2]  }
0x4: {  	s2 =	rddreg [dreg:$0x3];
	s20 =	stileid.u32  }
0x5: {  	s3 =	simm.s32 $0x0;
	s5 =	srdreg.scid;
	s0 =	smul.u32 $0x2D00, s20  }
0x6: {  	[smem:$0x7FF] =	sst s3;
	s5 =	sand.u32 $0x1, s5;
	s6 =	smul.u32 $0xB400, s20  }
0x7: {  	s8 =	smul.u32 $0x1400, s20;
	s9 =	sadd.s32 $0x1C00, s1;
	s12 =	sadd.s32 $0x38C00, s1  }
0x8: {  	s7 =	ssub.s32 $0x2, s5;
	s11 =	smul.u32 $0x28000, s5;
	s30 =	sadd.s32 s0, s1  }
0x9: {  	s10 =	sshrl.u32 s7, $0x1;
	s23 =	sadd.s32 $0x2400, s6;
	s13 =	sadd.s32 $0x4800, s6  }
0xa: {  	s14 =	sadd.s32 $0x6C00, s6;
	s7 =	ssub.s32 s7, s10;
	s10 =	smul.u32 $0x168000, s5  }
0xb: {  	s16 =	sadd.s32 $0x9000, s6;
	s11 =	sadd.s32 s8, s11;
	s5 =	sshllo.u32 s5, $0x1  }
0xc: {  	[smem:$0x7FB] =	sst s7;
	s11 =	sshrl.u32 s11, $0x3;
	s15 =	sadd.s32 s6, s10  }
0xd: {  	s17 =	sadd.s32 s4, s11;
	s11 =	sadd.s32 s9, s11;
	s18 =	sadd.s32 s10, s23  }
0xe: {  	s19 =	sadd.s32 s10, s13;
	s22 =	sadd.s32 s10, s14;
	[dreg:$0x6] =	wrdreg s17  }
0xf: {  	s7 =	sadd.s32 s10, s16;
	s15 =	sshrl.u32 s15, $0x3;
	[dreg:$0x7] =	wrdreg s11  }
0x10: {  	s11 =	sshrl.u32 s18, $0x3;
	s18 =	smul.u32 $0x14000, s5;
	s24 =	sshrl.u32 s22, $0x3  }
0x11: {  	s5 =	smul.u32 $0xB4000, s5;
	s17 =	sadd.s32 s12, s15;
	s15 =	sshrl.u32 s19, $0x3  }
0x12: {  	s19 =	sadd.s32 s12, s11;
	s11 =	sadd.s32 s12, s24;
	[dreg:$0x8] =	wrdreg s17  }
0x13: {  	s8 =	sadd.s32 s8, s18;
	s25 =	sadd.s32 s6, s5;
	s0 =	sadd.s32 s23, s5  }
0x14: {  	s10 =	sadd.s32 s13, s5;
	s18 =	sadd.s32 s14, s5;
	s8 =	sshrl.u32 s8, $0x3  }
0x15: {  	s22 =	sshrl.u32 s18, $0x3;
	s18 =	rddreg [dreg:$0x4];
	s4 =	sadd.s32 s4, s8  }
0x16: {  	s5 =	sadd.s32 s16, s5;
	s26 =	sadd.s32 s9, s8;
	[dreg:$0xd] =	wrdreg s4  }
0x17: {  	s24 =	sshrl.u32 s5, $0x3;
	s5 =	sadd.s32 s6, s2;
	[dreg:$0xe] =	wrdreg s26  }
0x18: {  	_ =	strace $0x80000047;
	[dreg:$0x14] =	wrdreg s5  }
0x19: {  	s1 =	sadd.s32 s12, s15;
	[dreg:$0x9] =	wrdreg s19  }
0x1a: {  	s7 =	sshrl.u32 s7, $0x3;
	[dreg:$0xa] =	wrdreg s1  }
0x1b: {  	s17 =	sadd.s32 s12, s7;
	s9 =	sshrl.u32 s0, $0x3;
	[dreg:$0xb] =	wrdreg s11  }
0x1c: {  	s15 =	sshrl.u32 s10, $0x3;
	s9 =	sadd.s32 s12, s9;
	[dreg:$0xc] =	wrdreg s17  }
0x1d: {  	s0 =	sadd.s32 s12, s15;
	s10 =	sadd.s32 s12, s22;
	[dreg:$0x10] =	wrdreg s9  }
0x1e: {  	s22 =	sadd.s32 s6, s18;
	s4 =	sshrl.u32 s25, $0x3;
	[dreg:$0x11] =	wrdreg s0  }
0x1f: {  	s25 =	sshll.u32 s20, $0x6;
	s26 =	smul.u32 $0x2D000, s20;
	[dreg:$0x12] =	wrdreg s10  }
0x20: {  	s8 =	sadd.s32 s12, s4;
	s12 =	sadd.s32 s12, s24;
	s5 =	sld [smem:$0x7FB]  }
0x21: {  	s20 =	sor.u32 $0x1C03, s25;
	s1 =	sadd.s32 $0x5A000, s1;
	s6 =	rddreg [dreg:$0x8]  }
0x22: {  	s24 =	sadd.s32 s13, s18;
	s13 =	sadd.s32 $0x5A000, s11;
	[dreg:$0x1a] =	wrdreg s1  }
0x23: {  	s25 =	sadd.s32 s14, s18;
	s14 =	sadd.s32 $0x5A000, s17;
	[dreg:$0x1b] =	wrdreg s13  }
0x24: {  	s23 =	sadd.s32 s23, s18;
	[dreg:$0x1c] =	wrdreg s14  }
0x25: {  	s17 =	sadd.s32 $0x5A000, s9;
	s0 =	sadd.s32 $0x5A000, s0;
	[dreg:$0xf] =	wrdreg s8  }
0x26: {  	s9 =	simm.s32 $0x3;
	s7 =	sshrl.u32 s26, $0x2;
	[dreg:$0x1e] =	wrdreg s17  }
0x27: {  	s26 =	sadd.s32 s16, s18;
	s16 =	sadd.s32 $0xBC00, s30;
	[dreg:$0x1f] =	wrdreg s0  }
0x28: {  	s30 =	sadd.s32 $0xBC09, s30;
	[dreg:$0x13] =	wrdreg s12;
	s17 =	simm.s32 $0x5C00  }
0x29: {  	s13 =	simm.s32 $0x2400;
	s14 =	simm.s32 $0x2;
	[dreg:$0x15] =	wrdreg s16  }
0x2a: {  	s4 =	sadd.s32 s7, s18;
	[dreg:$0x16] =	wrdreg s30;
	s7 =	sadd.s32 $0x5A000, s19  }
0x2b: {  	s0 =	simm.s32 $0x0;
	s16 =	sadd.s32 $0x5A000, s8;
	[dreg:$0x19] =	wrdreg s7  }
0x2c: {  	s19 =	sadd.s32 $0x5A000, s10;
	s30 =	sadd.s32 $0x5A000, s12;
	[dreg:$0x1d] =	wrdreg s16  }
0x2d: {  	s28 =	sadd.s32 $0x1200, s4;
	s29 =	sadd.s32 $0x3600, s4;
	[smem:$0x7FC] =	sst s19  }
0x2e: {  	s15 =	sadd.s32 $0x5A00, s4;
	s31 =	sadd.s32 $0x7E00, s4;
	[smem:$0x7FD] =	sst s30  }
0x2f: {  	[smem:$0x7FA] =	sst s15;
	s15 =	sadd.s32 $0xA200, s4;
	s4 =	smax.u32 s5, $0x1  }
0x30: {  	s8 =	simm.s32 $0x4800;
	[dreg:$0x17] =	wrdreg s4;
	s4 =	sadd.s32 $0x5A000, s6  }
0x31: {  	s10 =	simm.s32 $0x80;
	s7 =	simm.s32 $0x1;
	[dreg:$0x18] =	wrdreg s4  }
.LBB2_1:
0x32: {  	s1 =	rddreg [dreg:$0x14]  }
0x33: {  	s19 =	rddreg [dreg:$0x15]  }
0x34: {  	s4 =	simm.s32 $0x9;
	s5 =	simm.s32 $0x12;
	s12 =	sshrl.u32 s1, $0x3  }
0x35: {  	[spmem:s12@s4], [sflag:s20] =	dma.strided [hbm:s19@s5], $0x1680, s7, $0x9   }
0x36: {  	_ =	swait.ge [sflag:s9], $0x1680  }
0x37: {  	[sflag:s9] =	ssyncset.done $0x0  }
0x38: {  	[sflag:s9] =	ssyncadd.s32 $0xFFFFE980  }
0x39: {  	[bflag:$0x0] =	sbarrier.arrive $0xFFFF  }
0x3a: {  	[tilespmem:s3], [sflag:$0x3] =	stream.linear.gather [hbm4b:s21+s3], $0x1200, $0x38;
	[tilespmem:$0x1D800] =	vst v63  }
0x3b: {  	_ =	swait.ge [sflag:s9], $0x1200  }
0x3c: {  	[sflag:s9] =	ssyncset.done $0x0  }
0x3d: {  	[sflag:s9] =	ssyncadd.s32 $0xFFFFEE00  }
0x3e: {  	[spmem:s22] =	stream.linear.scatter [tilespmem:s3], [sflag:$0x3], $0x1200, $0x38;
	[tilespmem:$0x1D800] =	vst v63  }
0x3f: {  	_ =	swait.ge [sflag:s9], $0x1200  }
0x40: {  	[sflag:s9] =	ssyncset.done $0x0  }
0x41: {  	[sflag:s9] =	ssyncadd.s32 $0xFFFFEE00  }
0x42: {  	[spmem:s28] =	stream.linear.scatter [tilespmem:s3], [sflag:$0x3], $0x1200, $0x38;
	[tilespmem:$0x1D800] =	vst v63  }
0x43: {  	_ =	swait.ge [sflag:s9], $0x1200  }
0x44: {  	[sflag:s9] =	ssyncset.done $0x0  }
0x45: {  	[sflag:s9] =	ssyncadd.s32 $0xFFFFEE00  }
0x46: {  	[spmem:s23] =	stream.linear.scatter [tilespmem:s3], [sflag:$0x3], $0x1200, $0x38;
	[tilespmem:$0x1D800] =	vst v63  }
0x47: {  	_ =	swait.ge [sflag:s9], $0x1200  }
0x48: {  	[sflag:s9] =	ssyncset.done $0x0  }
0x49: {  	[sflag:s9] =	ssyncadd.s32 $0xFFFFEE00  }
0x4a: {  	[spmem:s29] =	stream.linear.scatter [tilespmem:s3], [sflag:$0x3], $0x1200, $0x38;
	[tilespmem:$0x1D800] =	vst v63  }
0x4b: {  	_ =	swait.ge [sflag:s9], $0x1200  }
0x4c: {  	[sflag:s9] =	ssyncset.done $0x0  }
0x4d: {  	[sflag:s9] =	ssyncadd.s32 $0xFFFFEE00  }
0x4e: {  	[spmem:s24] =	stream.linear.scatter [tilespmem:s3], [sflag:$0x3], $0x1200, $0x38;
	[tilespmem:$0x1D800] =	vst v63  }
0x4f: {  	_ =	swait.ge [sflag:s9], $0x1200  }
0x50: {  	s5 =	sld [smem:$0x7FA]  }
0x51: {  	[sflag:s9] =	ssyncset.done $0x0  }
0x52: {  	[sflag:s9] =	ssyncadd.s32 $0xFFFFEE00  }
0x53: {  	[spmem:s5] =	stream.linear.scatter [tilespmem:s3], [sflag:$0x3], $0x1200, $0x38;
	[tilespmem:$0x1D800] =	vst v63  }
0x54: {  	_ =	swait.ge [sflag:s9], $0x1200  }
0x55: {  	[sflag:s9] =	ssyncset.done $0x0  }
0x56: {  	[sflag:s9] =	ssyncadd.s32 $0xFFFFEE00  }
0x57: {  	[spmem:s25] =	stream.linear.scatter [tilespmem:s3], [sflag:$0x3], $0x1200, $0x38;
	[tilespmem:$0x1D800] =	vst v63  }
0x58: {  	_ =	swait.ge [sflag:s9], $0x1200  }
0x59: {  	[sflag:s9] =	ssyncset.done $0x0  }
0x5a: {  	[sflag:s9] =	ssyncadd.s32 $0xFFFFEE00  }
0x5b: {  	[spmem:s31] =	stream.linear.scatter [tilespmem:s3], [sflag:$0x3], $0x1200, $0x38;
	[tilespmem:$0x1D800] =	vst v63  }
0x5c: {  	_ =	swait.ge [sflag:s9], $0x1200  }
0x5d: {  	[sflag:s9] =	ssyncset.done $0x0  }
0x5e: {  	[sflag:s9] =	ssyncadd.s32 $0xFFFFEE00  }
0x5f: {  	[spmem:s26] =	stream.linear.scatter [tilespmem:s3], [sflag:$0x3], $0x1200, $0x38;
	[tilespmem:$0x1D800] =	vst v63  }
0x60: {  	_ =	swait.ge [sflag:s9], $0x1200  }
0x61: {  	[sflag:s9] =	ssyncset.done $0x0  }
0x62: {  	[sflag:s9] =	ssyncadd.s32 $0xFFFFEE00  }
0x63: {  	[spmem:s15] =	stream.linear.scatter [tilespmem:s3], [sflag:$0x3], $0x1200, $0x38;
	[tilespmem:$0x1D800] =	vst v63  }
0x64: {  	_ =	swait.ge [sflag:s9], $0x1200  }
0x65: {  	[sflag:s9] =	ssyncset.done $0x0  }
0x66: {  	s6 =	rddreg [dreg:$0x6];
	[sflag:s9] =	ssyncadd.s32 $0xFFFFEE00  }
0x67: {  	[tilespmem:s8], [sflag:$0x3] =	stream.linear.gather [hbm4b:s6+s3], $0x1400, $0x38;
	[tilespmem:$0x1D800] =	vst v63  }
0x68: {  	_ =	swait.ge [sflag:s9], $0x1400  }
0x69: {  	[sflag:s9] =	ssyncset.done $0x0  }
0x6a: {  	s11 =	rddreg [dreg:$0x7];
	[sflag:s9] =	ssyncadd.s32 $0xFFFFEC00  }
0x6b: {  	[tilespmem:s17], [sflag:$0x3] =	stream.linear.gather [hbm4b:s11+s3], $0x1400, $0x38;
	[tilespmem:$0x1D800] =	vst v63  }
0x6c: {  	_ =	swait.ge [sflag:s9], $0x1400  }
0x6d: {  	[sflag:s9] =	ssyncset.done $0x0  }
0x6e: {  	[sflag:s9] =	ssyncadd.s32 $0xFFFFEC00  }
0x6f: {  	[bflag:$0x0] =	sbarrier.arrive $0xFFFF  }
0x70: {  	[tilespmem:s3], [sflag:$0x1] =	stream.indirect.gather [spmem:s2], $0x48, s8, s10, $0xb8;
	[tilespmem:$0x1D800] =	vst v63  }
0x71: {  	s16 =	simm.s32 $0x4880  }
0x72: {  	[tilespmem:s13], [sflag:$0x2] =	stream.indirect.gather [spmem:s2], $0x48, s16, s10, $0xb8;
	[tilespmem:$0x1D800] =	vst v63  }
0x73: {  	_ =	swait.ge [sflag:s7], $0x2400  }
0x74: {  	[sflag:s7] =	ssyncset.done $0x0  }
0x75: {  	s17 =	simm.s32 $0x5C00;
	[sflag:s7] =	ssyncadd.s32 $0xFFFFDC00  }
0x76: {  	[spmem:s18] =	stream.indirect.scatter.add.f32 [tilespmem:s3], [sflag:$0x3], $0x48, s17, s10, $0xb8;
	[tilespmem:$0x1D800] =	vst v63  }
0x77: {  	_ =	swait.ge [sflag:s9], $0x2400  }
0x78: {  	[sflag:s9] =	ssyncset.done $0x0  }
0x79: {  	s19 =	simm.s32 $0x4900;
	[sflag:s9] =	ssyncadd.s32 $0xFFFFDC00  }
0x7a: {  	[tilespmem:s3], [sflag:$0x1] =	stream.indirect.gather [spmem:s2], $0x48, s19, s10, $0xb8;
	[tilespmem:$0x1D800] =	vst v63  }
0x7b: {  	_ =	swait.ge [sflag:s14], $0x2400  }
0x7c: {  	[sflag:s14] =	ssyncset.done $0x0  }
0x7d: {  	s30 =	smov.u32 s29;
	s29 =	simm.s32 $0x5C80;
	[sflag:s14] =	ssyncadd.s32 $0xFFFFDC00  }
0x7e: {  	[spmem:s18] =	stream.indirect.scatter.add.f32 [tilespmem:s13], [sflag:$0x3], $0x48, s29, s10, $0xb8;
	[tilespmem:$0x1D800] =	vst v63  }
0x7f: {  	_ =	swait.ge [sflag:s9], $0x2400  }
0x80: {  	[sflag:s9] =	ssyncset.done $0x0  }
0x81: {  	s1 =	simm.s32 $0x400;
	s4 =	simm.s32 $0x4980;
	[sflag:s9] =	ssyncadd.s32 $0xFFFFDC00  }
.LBB2_2:
0x82: {  	[tilespmem:s13], [sflag:$0x2] =	stream.indirect.gather [spmem:s2], $0x48, s4, s10, $0xb8;
	[tilespmem:$0x1D800] =	vst v63  }
0x83: {  	s4 =	smov.u32 s1  }
0x84: {  	p0 =	sne.s32 s1, $0x4800;
	s1 =	sadd.s32 $0x400, s1;
	_ =	swait.ge [sflag:s7], $0x2400  }
0x85: {  	s4 =	sshra.s32 s4, $0x2;
	[sflag:s7] =	ssyncset.done $0x0  }
0x86: {  	s5 =	sadd.s32 $0x5C00, s4;
	[sflag:s7] =	ssyncadd.s32 $0xFFFFDC00  }
0x87: {  	[spmem:s18] =	stream.indirect.scatter.add.f32 [tilespmem:s3], [sflag:$0x3], $0x48, s5, s10, $0xb8;
	[tilespmem:$0x1D800] =	vst v63  }
0x88: {  	_ =	swait.ge [sflag:s9], $0x2400  }
0x89: {  	[sflag:s9] =	ssyncset.done $0x0  }
0x8a: {  	s5 =	sadd.s32 $0x4900, s4;
	[sflag:s9] =	ssyncadd.s32 $0xFFFFDC00  }
0x8b: {  	[tilespmem:s3], [sflag:$0x1] =	stream.indirect.gather [spmem:s2], $0x48, s5, s10, $0xb8;
	[tilespmem:$0x1D800] =	vst v63  }
0x8c: {  	_ =	swait.ge [sflag:s14], $0x2400  }
0x8d: {  	[sflag:s14] =	ssyncset.done $0x0  }
.Ltmp0:
0x8e: {  	s5 =	sadd.s32 $0x5C80, s4;
	[sflag:s14] =	ssyncadd.s32 $0xFFFFDC00;
	(pc) =	sbr.rel @p0 .LBB2_2-.Ltmp0, $4  }
0x8f: {  	[spmem:s18] =	stream.indirect.scatter.add.f32 [tilespmem:s13], [sflag:$0x3], $0x48, s5, s10, $0xb8;
	[tilespmem:$0x1D800] =	vst v63  }
0x90: {  	_ =	swait.ge [sflag:s9], $0x2400  }
0x91: {  	[sflag:s9] =	ssyncset.done $0x0  }
0x92: {  	s4 =	sadd.s32 $0x4980, s4;
	[sflag:s9] =	ssyncadd.s32 $0xFFFFDC00  }
0x93: {  	[tilespmem:s13], [sflag:$0x2] =	stream.indirect.gather [spmem:s2], $0x48, s4, s10, $0xb8;
	[tilespmem:$0x1D800] =	vst v63  }
0x94: {  	_ =	swait.ge [sflag:s7], $0x2400  }
0x95: {  	[sflag:s7] =	ssyncset.done $0x0  }
0x96: {  	s19 =	simm.s32 $0x0;
	s1 =	simm.s32 $0x6F00;
	[sflag:s7] =	ssyncadd.s32 $0xFFFFDC00  }
0x97: {  	[spmem:s18] =	stream.indirect.scatter.add.f32 [tilespmem:s19], [sflag:$0x3], $0x48, s1, s10, $0xb8;
	[tilespmem:$0x1D800] =	vst v63  }
0x98: {  	_ =	swait.ge [sflag:s9], $0x2400  }
0x99: {  	[sflag:s9] =	ssyncset.done $0x0  }
0x9a: {  	[sflag:s9] =	ssyncadd.s32 $0xFFFFDC00  }
0x9b: {  	_ =	swait.ge [sflag:s14], $0x2400  }
0x9c: {  	[sflag:s14] =	ssyncset.done $0x0  }
0x9d: {  	s11 =	simm.s32 $0x6F80;
	[sflag:s14] =	ssyncadd.s32 $0xFFFFDC00  }
0x9e: {  	[spmem:s18] =	stream.indirect.scatter.add.f32 [tilespmem:s13], [sflag:$0x3], $0x48, s11, s10, $0xb8;
	[tilespmem:$0x1D800] =	vst v63  }
0x9f: {  	_ =	swait.ge [sflag:s9], $0x2400  }
0xa0: {  	[sflag:s9] =	ssyncset.done $0x0  }
0xa1: {  	[sflag:s9] =	ssyncadd.s32 $0xFFFFDC00  }
0xa2: {  	[bflag:$0x0] =	sbarrier.arrive $0xFFFF  }
0xa3: {  	s6 =	sshrl.u32 s22, $0x3;
	s16 =	rddreg [dreg:$0x8]  }
0xa4: {  	[hbm:s16], [sflag:s20] =	dma.local [spmem:s6], $0x480  }
0xa5: {  	_ =	swait.ge [sflag:s9], $0x480  }
0xa6: {  	[sflag:s9] =	ssyncset.done $0x0  }
0xa7: {  	s1 =	sshrl.u32 s23, $0x3;
	s17 =	rddreg [dreg:$0x9];
	[sflag:s9] =	ssyncadd.s32 $0xFFFFFB80  }
0xa8: {  	[hbm:s17], [sflag:s20] =	dma.local [spmem:s1], $0x480  }
0xa9: {  	_ =	swait.ge [sflag:s9], $0x480  }
0xaa: {  	[sflag:s9] =	ssyncset.done $0x0  }
0xab: {  	s4 =	sshrl.u32 s24, $0x3;
	s5 =	rddreg [dreg:$0xa];
	[sflag:s9] =	ssyncadd.s32 $0xFFFFFB80  }
0xac: {  	[hbm:s5], [sflag:s20] =	dma.local [spmem:s4], $0x480  }
0xad: {  	_ =	swait.ge [sflag:s9], $0x480  }
0xae: {  	[sflag:s9] =	ssyncset.done $0x0  }
0xaf: {  	s5 =	sshrl.u32 s25, $0x3;
	s11 =	rddreg [dreg:$0xb];
	[sflag:s9] =	ssyncadd.s32 $0xFFFFFB80  }
0xb0: {  	[hbm:s11], [sflag:s20] =	dma.local [spmem:s5], $0x480  }
0xb1: {  	_ =	swait.ge [sflag:s9], $0x480  }
0xb2: {  	[sflag:s9] =	ssyncset.done $0x0  }
0xb3: {  	s11 =	sshrl.u32 s26, $0x3;
	s16 =	rddreg [dreg:$0xc];
	[sflag:s9] =	ssyncadd.s32 $0xFFFFFB80  }
0xb4: {  	[hbm:s16], [sflag:s20] =	dma.local [spmem:s11], $0x480  }
0xb5: {  	_ =	swait.ge [sflag:s9], $0x480  }
0xb6: {  	[sflag:s9] =	ssyncset.done $0x0  }
0xb7: {  	[sflag:s9] =	ssyncadd.s32 $0xFFFFFB80  }
0xb8: {  	[tilespmem:s19], [sflag:$0x3] =	stream.linear.gather [hbm4b:s21+s19], $0x1200, $0x38;
	[tilespmem:$0x1D800] =	vst v63  }
0xb9: {  	_ =	swait.ge [sflag:s9], $0x1200  }
0xba: {  	[sflag:s9] =	ssyncset.done $0x0  }
0xbb: {  	[sflag:s9] =	ssyncadd.s32 $0xFFFFEE00  }
0xbc: {  	[spmem:s22] =	stream.linear.scatter [tilespmem:s19], [sflag:$0x3], $0x1200, $0x38;
	[tilespmem:$0x1D800] =	vst v63  }
0xbd: {  	_ =	swait.ge [sflag:s9], $0x1200  }
0xbe: {  	[sflag:s9] =	ssyncset.done $0x0  }
0xbf: {  	[sflag:s9] =	ssyncadd.s32 $0xFFFFEE00  }
0xc0: {  	[spmem:s28] =	stream.linear.scatter [tilespmem:s19], [sflag:$0x3], $0x1200, $0x38;
	[tilespmem:$0x1D800] =	vst v63  }
0xc1: {  	_ =	swait.ge [sflag:s9], $0x1200  }
0xc2: {  	[sflag:s9] =	ssyncset.done $0x0  }
0xc3: {  	[sflag:s9] =	ssyncadd.s32 $0xFFFFEE00  }
0xc4: {  	[spmem:s23] =	stream.linear.scatter [tilespmem:s19], [sflag:$0x3], $0x1200, $0x38;
	[tilespmem:$0x1D800] =	vst v63  }
0xc5: {  	_ =	swait.ge [sflag:s9], $0x1200  }
0xc6: {  	[sflag:s9] =	ssyncset.done $0x0  }
0xc7: {  	[sflag:s9] =	ssyncadd.s32 $0xFFFFEE00  }
0xc8: {  	[spmem:s30] =	stream.linear.scatter [tilespmem:s19], [sflag:$0x3], $0x1200, $0x38;
	[tilespmem:$0x1D800] =	vst v63  }
0xc9: {  	_ =	swait.ge [sflag:s9], $0x1200  }
0xca: {  	[sflag:s9] =	ssyncset.done $0x0  }
0xcb: {  	[sflag:s9] =	ssyncadd.s32 $0xFFFFEE00  }
0xcc: {  	[spmem:s24] =	stream.linear.scatter [tilespmem:s19], [sflag:$0x3], $0x1200, $0x38;
	[tilespmem:$0x1D800] =	vst v63  }
0xcd: {  	_ =	swait.ge [sflag:s9], $0x1200  }
0xce: {  	s17 =	smov.u32 s21;
	s21 =	sld [smem:$0x7FA]  }
0xcf: {  	[sflag:s9] =	ssyncset.done $0x0  }
0xd0: {  	[sflag:s9] =	ssyncadd.s32 $0xFFFFEE00  }
0xd1: {  	[spmem:s21] =	stream.linear.scatter [tilespmem:s19], [sflag:$0x3], $0x1200, $0x38;
	[tilespmem:$0x1D800] =	vst v63  }
0xd2: {  	_ =	swait.ge [sflag:s9], $0x1200  }
0xd3: {  	[sflag:s9] =	ssyncset.done $0x0  }
0xd4: {  	[sflag:s9] =	ssyncadd.s32 $0xFFFFEE00  }
0xd5: {  	[spmem:s25] =	stream.linear.scatter [tilespmem:s19], [sflag:$0x3], $0x1200, $0x38;
	[tilespmem:$0x1D800] =	vst v63  }
0xd6: {  	_ =	swait.ge [sflag:s9], $0x1200  }
0xd7: {  	[sflag:s9] =	ssyncset.done $0x0  }
0xd8: {  	[sflag:s9] =	ssyncadd.s32 $0xFFFFEE00  }
0xd9: {  	[spmem:s31] =	stream.linear.scatter [tilespmem:s19], [sflag:$0x3], $0x1200, $0x38;
	[tilespmem:$0x1D800] =	vst v63  }
0xda: {  	_ =	swait.ge [sflag:s9], $0x1200  }
0xdb: {  	[sflag:s9] =	ssyncset.done $0x0  }
0xdc: {  	[sflag:s9] =	ssyncadd.s32 $0xFFFFEE00  }
0xdd: {  	[spmem:s26] =	stream.linear.scatter [tilespmem:s19], [sflag:$0x3], $0x1200, $0x38;
	[tilespmem:$0x1D800] =	vst v63  }
0xde: {  	_ =	swait.ge [sflag:s9], $0x1200  }
0xdf: {  	[sflag:s9] =	ssyncset.done $0x0  }
0xe0: {  	[sflag:s9] =	ssyncadd.s32 $0xFFFFEE00  }
0xe1: {  	[spmem:s15] =	stream.linear.scatter [tilespmem:s19], [sflag:$0x3], $0x1200, $0x38;
	[tilespmem:$0x1D800] =	vst v63  }
0xe2: {  	_ =	swait.ge [sflag:s9], $0x1200  }
0xe3: {  	[sflag:s9] =	ssyncset.done $0x0  }
0xe4: {  	s29 =	smov.u32 s28;
	s28 =	rddreg [dreg:$0xd];
	[sflag:s9] =	ssyncadd.s32 $0xFFFFEE00  }
0xe5: {  	[tilespmem:s8], [sflag:$0x3] =	stream.linear.gather [hbm4b:s28+s19], $0x1400, $0x38;
	[tilespmem:$0x1D800] =	vst v63  }
0xe6: {  	_ =	swait.ge [sflag:s9], $0x1400  }
0xe7: {  	[sflag:s9] =	ssyncset.done $0x0  }
0xe8: {  	s28 =	simm.s32 $0x5C00;
	s21 =	rddreg [dreg:$0xe];
	[sflag:s9] =	ssyncadd.s32 $0xFFFFEC00  }
0xe9: {  	[tilespmem:s28], [sflag:$0x3] =	stream.linear.gather [hbm4b:s21+s19], $0x1400, $0x38;
	[tilespmem:$0x1D800] =	vst v63  }
0xea: {  	_ =	swait.ge [sflag:s9], $0x1400  }
0xeb: {  	[sflag:s9] =	ssyncset.done $0x0  }
0xec: {  	[sflag:s9] =	ssyncadd.s32 $0xFFFFEC00  }
0xed: {  	[bflag:$0x0] =	sbarrier.arrive $0xFFFF  }
0xee: {  	[tilespmem:s19], [sflag:$0x1] =	stream.indirect.gather [spmem:s2], $0x48, s8, s10, $0xb8;
	[tilespmem:$0x1D800] =	vst v63  }
0xef: {  	s28 =	simm.s32 $0x4880  }
0xf0: {  	[tilespmem:s13], [sflag:$0x2] =	stream.indirect.gather [spmem:s2], $0x48, s28, s10, $0xb8;
	[tilespmem:$0x1D800] =	vst v63  }
0xf1: {  	_ =	swait.ge [sflag:s7], $0x2400  }
0xf2: {  	[sflag:s7] =	ssyncset.done $0x0  }
0xf3: {  	s16 =	simm.s32 $0x5C00;
	[sflag:s7] =	ssyncadd.s32 $0xFFFFDC00  }
0xf4: {  	[spmem:s18] =	stream.indirect.scatter.add.f32 [tilespmem:s3], [sflag:$0x3], $0x48, s16, s10, $0xb8;
	[tilespmem:$0x1D800] =	vst v63  }
0xf5: {  	_ =	swait.ge [sflag:s9], $0x2400  }
0xf6: {  	[sflag:s9] =	ssyncset.done $0x0  }
0xf7: {  	s21 =	simm.s32 $0x4900;
	[sflag:s9] =	ssyncadd.s32 $0xFFFFDC00  }
0xf8: {  	[tilespmem:s3], [sflag:$0x1] =	stream.indirect.gather [spmem:s2], $0x48, s21, s10, $0xb8;
	[tilespmem:$0x1D800] =	vst v63  }
0xf9: {  	_ =	swait.ge [sflag:s14], $0x2400  }
0xfa: {  	[sflag:s14] =	ssyncset.done $0x0  }
0xfb: {  	s28 =	simm.s32 $0x5C80;
	[sflag:s14] =	ssyncadd.s32 $0xFFFFDC00  }
0xfc: {  	[spmem:s18] =	stream.indirect.scatter.add.f32 [tilespmem:s13], [sflag:$0x3], $0x48, s28, s10, $0xb8;
	[tilespmem:$0x1D800] =	vst v63  }
0xfd: {  	_ =	swait.ge [sflag:s9], $0x2400  }
0xfe: {  	[sflag:s9] =	ssyncset.done $0x0  }
0xff: {  	s19 =	simm.s32 $0x400;
	s21 =	simm.s32 $0x4980;
	[sflag:s9] =	ssyncadd.s32 $0xFFFFDC00  }
.LBB2_4:
0x100: {  	[tilespmem:s13], [sflag:$0x2] =	stream.indirect.gather [spmem:s2], $0x48, s21, s10, $0xb8;
	[tilespmem:$0x1D800] =	vst v63  }
0x101: {  	s21 =	smov.u32 s19  }
0x102: {  	p0 =	sne.s32 s19, $0x4800;
	s19 =	sadd.s32 $0x400, s19;
	_ =	swait.ge [sflag:s7], $0x2400  }
0x103: {  	s21 =	sshra.s32 s21, $0x2;
	[sflag:s7] =	ssyncset.done $0x0  }
0x104: {  	s16 =	sadd.s32 $0x5C00, s21;
	[sflag:s7] =	ssyncadd.s32 $0xFFFFDC00  }
0x105: {  	[spmem:s18] =	stream.indirect.scatter.add.f32 [tilespmem:s3], [sflag:$0x3], $0x48, s16, s10, $0xb8;
	[tilespmem:$0x1D800] =	vst v63  }
0x106: {  	_ =	swait.ge [sflag:s9], $0x2400  }
0x107: {  	[sflag:s9] =	ssyncset.done $0x0  }
0x108: {  	s16 =	sadd.s32 $0x4900, s21;
	[sflag:s9] =	ssyncadd.s32 $0xFFFFDC00  }
0x109: {  	[tilespmem:s3], [sflag:$0x1] =	stream.indirect.gather [spmem:s2], $0x48, s16, s10, $0xb8;
	[tilespmem:$0x1D800] =	vst v63  }
0x10a: {  	_ =	swait.ge [sflag:s14], $0x2400  }
0x10b: {  	[sflag:s14] =	ssyncset.done $0x0  }
.Ltmp1:
0x10c: {  	s16 =	sadd.s32 $0x5C80, s21;
	[sflag:s14] =	ssyncadd.s32 $0xFFFFDC00;
	(pc) =	sbr.rel @p0 .LBB2_4-.Ltmp1, $4  }
0x10d: {  	[spmem:s18] =	stream.indirect.scatter.add.f32 [tilespmem:s13], [sflag:$0x3], $0x48, s16, s10, $0xb8;
	[tilespmem:$0x1D800] =	vst v63  }
0x10e: {  	_ =	swait.ge [sflag:s9], $0x2400  }
0x10f: {  	[sflag:s9] =	ssyncset.done $0x0  }
0x110: {  	s21 =	sadd.s32 $0x4980, s21;
	[sflag:s9] =	ssyncadd.s32 $0xFFFFDC00  }
0x111: {  	[tilespmem:s13], [sflag:$0x2] =	stream.indirect.gather [spmem:s2], $0x48, s21, s10, $0xb8;
	[tilespmem:$0x1D800] =	vst v63  }
0x112: {  	_ =	swait.ge [sflag:s7], $0x2400  }
0x113: {  	[sflag:s7] =	ssyncset.done $0x0  }
0x114: {  	s19 =	simm.s32 $0x0;
	s16 =	simm.s32 $0x6F00;
	[sflag:s7] =	ssyncadd.s32 $0xFFFFDC00  }
0x115: {  	[spmem:s18] =	stream.indirect.scatter.add.f32 [tilespmem:s19], [sflag:$0x3], $0x48, s16, s10, $0xb8;
	[tilespmem:$0x1D800] =	vst v63  }
0x116: {  	_ =	swait.ge [sflag:s9], $0x2400  }
0x117: {  	[sflag:s9] =	ssyncset.done $0x0  }
0x118: {  	[sflag:s9] =	ssyncadd.s32 $0xFFFFDC00  }
0x119: {  	_ =	swait.ge [sflag:s14], $0x2400  }
0x11a: {  	[sflag:s14] =	ssyncset.done $0x0  }
0x11b: {  	s21 =	simm.s32 $0x6F80;
	[sflag:s14] =	ssyncadd.s32 $0xFFFFDC00  }
0x11c: {  	[spmem:s18] =	stream.indirect.scatter.add.f32 [tilespmem:s13], [sflag:$0x3], $0x48, s21, s10, $0xb8;
	[tilespmem:$0x1D800] =	vst v63  }
0x11d: {  	_ =	swait.ge [sflag:s9], $0x2400  }
0x11e: {  	[sflag:s9] =	ssyncset.done $0x0  }
0x11f: {  	[sflag:s9] =	ssyncadd.s32 $0xFFFFDC00  }
0x120: {  	[bflag:$0x0] =	sbarrier.arrive $0xFFFF  }
0x121: {  	s21 =	rddreg [dreg:$0xf]  }
0x122: {  	[hbm:s21], [sflag:s20] =	dma.local [spmem:s6], $0x480  }
0x123: {  	_ =	swait.ge [sflag:s9], $0x480  }
0x124: {  	[sflag:s9] =	ssyncset.done $0x0  }
0x125: {  	s21 =	rddreg [dreg:$0x10];
	[sflag:s9] =	ssyncadd.s32 $0xFFFFFB80  }
0x126: {  	[hbm:s21], [sflag:s20] =	dma.local [spmem:s1], $0x480  }
0x127: {  	_ =	swait.ge [sflag:s9], $0x480  }
0x128: {  	[sflag:s9] =	ssyncset.done $0x0  }
0x129: {  	s21 =	rddreg [dreg:$0x11];
	[sflag:s9] =	ssyncadd.s32 $0xFFFFFB80  }
0x12a: {  	[hbm:s21], [sflag:s20] =	dma.local [spmem:s4], $0x480  }
0x12b: {  	_ =	swait.ge [sflag:s9], $0x480  }
0x12c: {  	[sflag:s9] =	ssyncset.done $0x0  }
0x12d: {  	s21 =	rddreg [dreg:$0x12];
	[sflag:s9] =	ssyncadd.s32 $0xFFFFFB80  }
0x12e: {  	[hbm:s21], [sflag:s20] =	dma.local [spmem:s5], $0x480  }
0x12f: {  	_ =	swait.ge [sflag:s9], $0x480  }
0x130: {  	[sflag:s9] =	ssyncset.done $0x0  }
0x131: {  	s21 =	rddreg [dreg:$0x13];
	[sflag:s9] =	ssyncadd.s32 $0xFFFFFB80  }
0x132: {  	[hbm:s21], [sflag:s20] =	dma.local [spmem:s11], $0x480  }
0x133: {  	_ =	swait.ge [sflag:s9], $0x480  }
0x134: {  	s28 =	simm.s32 $0x12;
	[sflag:s9] =	ssyncset.done $0x0  }
0x135: {  	s21 =	simm.s32 $0x9;
	s16 =	rddreg [dreg:$0x16];
	[sflag:s9] =	ssyncadd.s32 $0xFFFFFB80  }
0x136: {  	[spmem:s12@s21], [sflag:s20] =	dma.strided [hbm:s16@s28], $0x1680, s7, $0x9   }
0x137: {  	_ =	swait.ge [sflag:s9], $0x1680  }
0x138: {  	[sflag:s9] =	ssyncset.done $0x0  }
0x139: {  	[sflag:s9] =	ssyncadd.s32 $0xFFFFE980  }
0x13a: {  	[bflag:$0x0] =	sbarrier.arrive $0xFFFF  }
0x13b: {  	[tilespmem:s19], [sflag:$0x3] =	stream.linear.gather [hbm4b:s17+s19], $0x1200, $0x38;
	[tilespmem:$0x1D800] =	vst v63  }
0x13c: {  	_ =	swait.ge [sflag:s9], $0x1200  }
0x13d: {  	[sflag:s9] =	ssyncset.done $0x0  }
0x13e: {  	[sflag:s9] =	ssyncadd.s32 $0xFFFFEE00  }
0x13f: {  	[spmem:s22] =	stream.linear.scatter [tilespmem:s19], [sflag:$0x3], $0x1200, $0x38;
	[tilespmem:$0x1D800] =	vst v63  }
0x140: {  	_ =	swait.ge [sflag:s9], $0x1200  }
0x141: {  	[sflag:s9] =	ssyncset.done $0x0  }
0x142: {  	[sflag:s9] =	ssyncadd.s32 $0xFFFFEE00  }
0x143: {  	[spmem:s29] =	stream.linear.scatter [tilespmem:s19], [sflag:$0x3], $0x1200, $0x38;
	[tilespmem:$0x1D800] =	vst v63  }
0x144: {  	_ =	swait.ge [sflag:s9], $0x1200  }
0x145: {  	[sflag:s9] =	ssyncset.done $0x0  }
0x146: {  	[sflag:s9] =	ssyncadd.s32 $0xFFFFEE00  }
0x147: {  	[spmem:s23] =	stream.linear.scatter [tilespmem:s19], [sflag:$0x3], $0x1200, $0x38;
	[tilespmem:$0x1D800] =	vst v63  }
0x148: {  	_ =	swait.ge [sflag:s9], $0x1200  }
0x149: {  	[sflag:s9] =	ssyncset.done $0x0  }
0x14a: {  	[sflag:s9] =	ssyncadd.s32 $0xFFFFEE00  }
0x14b: {  	[spmem:s30] =	stream.linear.scatter [tilespmem:s19], [sflag:$0x3], $0x1200, $0x38;
	[tilespmem:$0x1D800] =	vst v63  }
0x14c: {  	_ =	swait.ge [sflag:s9], $0x1200  }
0x14d: {  	[sflag:s9] =	ssyncset.done $0x0  }
0x14e: {  	[sflag:s9] =	ssyncadd.s32 $0xFFFFEE00  }
0x14f: {  	[spmem:s24] =	stream.linear.scatter [tilespmem:s19], [sflag:$0x3], $0x1200, $0x38;
	[tilespmem:$0x1D800] =	vst v63  }
0x150: {  	_ =	swait.ge [sflag:s9], $0x1200  }
0x151: {  	s21 =	smov.u32 s17;
	s17 =	sld [smem:$0x7FA]  }
0x152: {  	[sflag:s9] =	ssyncset.done $0x0  }
0x153: {  	[sflag:s9] =	ssyncadd.s32 $0xFFFFEE00  }
0x154: {  	[spmem:s17] =	stream.linear.scatter [tilespmem:s19], [sflag:$0x3], $0x1200, $0x38;
	[tilespmem:$0x1D800] =	vst v63  }
0x155: {  	_ =	swait.ge [sflag:s9], $0x1200  }
0x156: {  	[sflag:s9] =	ssyncset.done $0x0  }
0x157: {  	[sflag:s9] =	ssyncadd.s32 $0xFFFFEE00  }
0x158: {  	[spmem:s25] =	stream.linear.scatter [tilespmem:s19], [sflag:$0x3], $0x1200, $0x38;
	[tilespmem:$0x1D800] =	vst v63  }
0x159: {  	_ =	swait.ge [sflag:s9], $0x1200  }
0x15a: {  	[sflag:s9] =	ssyncset.done $0x0  }
0x15b: {  	[sflag:s9] =	ssyncadd.s32 $0xFFFFEE00  }
0x15c: {  	[spmem:s31] =	stream.linear.scatter [tilespmem:s19], [sflag:$0x3], $0x1200, $0x38;
	[tilespmem:$0x1D800] =	vst v63  }
0x15d: {  	_ =	swait.ge [sflag:s9], $0x1200  }
0x15e: {  	[sflag:s9] =	ssyncset.done $0x0  }
0x15f: {  	[sflag:s9] =	ssyncadd.s32 $0xFFFFEE00  }
0x160: {  	[spmem:s26] =	stream.linear.scatter [tilespmem:s19], [sflag:$0x3], $0x1200, $0x38;
	[tilespmem:$0x1D800] =	vst v63  }
0x161: {  	_ =	swait.ge [sflag:s9], $0x1200  }
0x162: {  	[sflag:s9] =	ssyncset.done $0x0  }
0x163: {  	[sflag:s9] =	ssyncadd.s32 $0xFFFFEE00  }
0x164: {  	[spmem:s15] =	stream.linear.scatter [tilespmem:s19], [sflag:$0x3], $0x1200, $0x38;
	[tilespmem:$0x1D800] =	vst v63  }
0x165: {  	_ =	swait.ge [sflag:s9], $0x1200  }
0x166: {  	s28 =	smov.u32 s29;
	[sflag:s9] =	ssyncset.done $0x0  }
0x167: {  	s29 =	smov.u32 s30;
	s30 =	rddreg [dreg:$0x6];
	[sflag:s9] =	ssyncadd.s32 $0xFFFFEE00  }
0x168: {  	[tilespmem:s8], [sflag:$0x3] =	stream.linear.gather [hbm4b:s30+s19], $0x1400, $0x38;
	[tilespmem:$0x1D800] =	vst v63  }
0x169: {  	_ =	swait.ge [sflag:s9], $0x1400  }
0x16a: {  	[sflag:s9] =	ssyncset.done $0x0  }
0x16b: {  	s17 =	simm.s32 $0x5C00;
	s16 =	rddreg [dreg:$0x7];
	[sflag:s9] =	ssyncadd.s32 $0xFFFFEC00  }
0x16c: {  	[tilespmem:s17], [sflag:$0x3] =	stream.linear.gather [hbm4b:s16+s19], $0x1400, $0x38;
	[tilespmem:$0x1D800] =	vst v63  }
0x16d: {  	_ =	swait.ge [sflag:s9], $0x1400  }
0x16e: {  	[sflag:s9] =	ssyncset.done $0x0  }
0x16f: {  	[sflag:s9] =	ssyncadd.s32 $0xFFFFEC00  }
0x170: {  	[bflag:$0x0] =	sbarrier.arrive $0xFFFF  }
0x171: {  	[tilespmem:s19], [sflag:$0x1] =	stream.indirect.gather [spmem:s2], $0x48, s8, s10, $0xb8;
	[tilespmem:$0x1D800] =	vst v63  }
0x172: {  	s30 =	simm.s32 $0x4880  }
0x173: {  	[tilespmem:s13], [sflag:$0x2] =	stream.indirect.gather [spmem:s2], $0x48, s30, s10, $0xb8;
	[tilespmem:$0x1D800] =	vst v63  }
0x174: {  	_ =	swait.ge [sflag:s7], $0x2400  }
0x175: {  	[sflag:s7] =	ssyncset.done $0x0  }
0x176: {  	s16 =	simm.s32 $0x5C00;
	[sflag:s7] =	ssyncadd.s32 $0xFFFFDC00  }
0x177: {  	[spmem:s18] =	stream.indirect.scatter.add.f32 [tilespmem:s3], [sflag:$0x3], $0x48, s16, s10, $0xb8;
	[tilespmem:$0x1D800] =	vst v63  }
0x178: {  	_ =	swait.ge [sflag:s9], $0x2400  }
0x179: {  	[sflag:s9] =	ssyncset.done $0x0  }
0x17a: {  	s19 =	simm.s32 $0x4900;
	[sflag:s9] =	ssyncadd.s32 $0xFFFFDC00  }
0x17b: {  	[tilespmem:s3], [sflag:$0x1] =	stream.indirect.gather [spmem:s2], $0x48, s19, s10, $0xb8;
	[tilespmem:$0x1D800] =	vst v63  }
0x17c: {  	_ =	swait.ge [sflag:s14], $0x2400  }
0x17d: {  	[sflag:s14] =	ssyncset.done $0x0  }
0x17e: {  	s30 =	simm.s32 $0x5C80;
	[sflag:s14] =	ssyncadd.s32 $0xFFFFDC00  }
0x17f: {  	[spmem:s18] =	stream.indirect.scatter.add.f32 [tilespmem:s13], [sflag:$0x3], $0x48, s30, s10, $0xb8;
	[tilespmem:$0x1D800] =	vst v63  }
0x180: {  	_ =	swait.ge [sflag:s9], $0x2400  }
0x181: {  	[sflag:s9] =	ssyncset.done $0x0  }
0x182: {  	s12 =	simm.s32 $0x400;
	s19 =	simm.s32 $0x4980;
	[sflag:s9] =	ssyncadd.s32 $0xFFFFDC00  }
.LBB2_6:
0x183: {  	[tilespmem:s13], [sflag:$0x2] =	stream.indirect.gather [spmem:s2], $0x48, s19, s10, $0xb8;
	[tilespmem:$0x1D800] =	vst v63  }
0x184: {  	s16 =	smov.u32 s12  }
0x185: {  	p0 =	sne.s32 s12, $0x4800;
	s12 =	sadd.s32 $0x400, s12;
	_ =	swait.ge [sflag:s7], $0x2400  }
0x186: {  	s16 =	sshra.s32 s16, $0x2;
	[sflag:s7] =	ssyncset.done $0x0  }
0x187: {  	s19 =	sadd.s32 $0x5C00, s16;
	[sflag:s7] =	ssyncadd.s32 $0xFFFFDC00  }
0x188: {  	[spmem:s18] =	stream.indirect.scatter.add.f32 [tilespmem:s3], [sflag:$0x3], $0x48, s19, s10, $0xb8;
	[tilespmem:$0x1D800] =	vst v63  }
0x189: {  	_ =	swait.ge [sflag:s9], $0x2400  }
0x18a: {  	[sflag:s9] =	ssyncset.done $0x0  }
0x18b: {  	s19 =	sadd.s32 $0x4900, s16;
	[sflag:s9] =	ssyncadd.s32 $0xFFFFDC00  }
0x18c: {  	[tilespmem:s3], [sflag:$0x1] =	stream.indirect.gather [spmem:s2], $0x48, s19, s10, $0xb8;
	[tilespmem:$0x1D800] =	vst v63  }
0x18d: {  	_ =	swait.ge [sflag:s14], $0x2400  }
0x18e: {  	[sflag:s14] =	ssyncset.done $0x0  }
.Ltmp2:
0x18f: {  	s19 =	sadd.s32 $0x5C80, s16;
	[sflag:s14] =	ssyncadd.s32 $0xFFFFDC00;
	(pc) =	sbr.rel @p0 .LBB2_6-.Ltmp2, $4  }
0x190: {  	[spmem:s18] =	stream.indirect.scatter.add.f32 [tilespmem:s13], [sflag:$0x3], $0x48, s19, s10, $0xb8;
	[tilespmem:$0x1D800] =	vst v63  }
0x191: {  	_ =	swait.ge [sflag:s9], $0x2400  }
0x192: {  	[sflag:s9] =	ssyncset.done $0x0  }
0x193: {  	s19 =	sadd.s32 $0x4980, s16;
	[sflag:s9] =	ssyncadd.s32 $0xFFFFDC00  }
0x194: {  	[tilespmem:s13], [sflag:$0x2] =	stream.indirect.gather [spmem:s2], $0x48, s19, s10, $0xb8;
	[tilespmem:$0x1D800] =	vst v63  }
0x195: {  	_ =	swait.ge [sflag:s7], $0x2400  }
0x196: {  	[sflag:s7] =	ssyncset.done $0x0  }
0x197: {  	s12 =	simm.s32 $0x0;
	s16 =	simm.s32 $0x6F00;
	[sflag:s7] =	ssyncadd.s32 $0xFFFFDC00  }
0x198: {  	[spmem:s18] =	stream.indirect.scatter.add.f32 [tilespmem:s12], [sflag:$0x3], $0x48, s16, s10, $0xb8;
	[tilespmem:$0x1D800] =	vst v63  }
0x199: {  	_ =	swait.ge [sflag:s9], $0x2400  }
0x19a: {  	[sflag:s9] =	ssyncset.done $0x0  }
0x19b: {  	[sflag:s9] =	ssyncadd.s32 $0xFFFFDC00  }
0x19c: {  	_ =	swait.ge [sflag:s14], $0x2400  }
0x19d: {  	[sflag:s14] =	ssyncset.done $0x0  }
0x19e: {  	s19 =	simm.s32 $0x6F80;
	[sflag:s14] =	ssyncadd.s32 $0xFFFFDC00  }
0x19f: {  	[spmem:s18] =	stream.indirect.scatter.add.f32 [tilespmem:s13], [sflag:$0x3], $0x48, s19, s10, $0xb8;
	[tilespmem:$0x1D800] =	vst v63  }
0x1a0: {  	_ =	swait.ge [sflag:s9], $0x2400  }
0x1a1: {  	[sflag:s9] =	ssyncset.done $0x0  }
0x1a2: {  	[sflag:s9] =	ssyncadd.s32 $0xFFFFDC00  }
0x1a3: {  	[bflag:$0x0] =	sbarrier.arrive $0xFFFF  }
0x1a4: {  	s30 =	rddreg [dreg:$0x18]  }
0x1a5: {  	[hbm:s30], [sflag:s20] =	dma.local [spmem:s6], $0x480  }
0x1a6: {  	_ =	swait.ge [sflag:s9], $0x480  }
0x1a7: {  	[sflag:s9] =	ssyncset.done $0x0  }
0x1a8: {  	s19 =	rddreg [dreg:$0x19];
	[sflag:s9] =	ssyncadd.s32 $0xFFFFFB80  }
0x1a9: {  	[hbm:s19], [sflag:s20] =	dma.local [spmem:s1], $0x480  }
0x1aa: {  	_ =	swait.ge [sflag:s9], $0x480  }
0x1ab: {  	[sflag:s9] =	ssyncset.done $0x0  }
0x1ac: {  	s30 =	rddreg [dreg:$0x1a];
	[sflag:s9] =	ssyncadd.s32 $0xFFFFFB80  }
0x1ad: {  	[hbm:s30], [sflag:s20] =	dma.local [spmem:s4], $0x480  }
0x1ae: {  	_ =	swait.ge [sflag:s9], $0x480  }
0x1af: {  	[sflag:s9] =	ssyncset.done $0x0  }
0x1b0: {  	s19 =	rddreg [dreg:$0x1b];
	[sflag:s9] =	ssyncadd.s32 $0xFFFFFB80  }
0x1b1: {  	[hbm:s19], [sflag:s20] =	dma.local [spmem:s5], $0x480  }
0x1b2: {  	_ =	swait.ge [sflag:s9], $0x480  }
0x1b3: {  	[sflag:s9] =	ssyncset.done $0x0  }
0x1b4: {  	s30 =	rddreg [dreg:$0x1c];
	[sflag:s9] =	ssyncadd.s32 $0xFFFFFB80  }
0x1b5: {  	[hbm:s30], [sflag:s20] =	dma.local [spmem:s11], $0x480  }
0x1b6: {  	_ =	swait.ge [sflag:s9], $0x480  }
0x1b7: {  	[sflag:s9] =	ssyncset.done $0x0  }
0x1b8: {  	[sflag:s9] =	ssyncadd.s32 $0xFFFFFB80  }
0x1b9: {  	[tilespmem:s12], [sflag:$0x3] =	stream.linear.gather [hbm4b:s21+s12], $0x1200, $0x38;
	[tilespmem:$0x1D800] =	vst v63  }
0x1ba: {  	_ =	swait.ge [sflag:s9], $0x1200  }
0x1bb: {  	[sflag:s9] =	ssyncset.done $0x0  }
0x1bc: {  	[sflag:s9] =	ssyncadd.s32 $0xFFFFEE00  }
0x1bd: {  	[spmem:s22] =	stream.linear.scatter [tilespmem:s12], [sflag:$0x3], $0x1200, $0x38;
	[tilespmem:$0x1D800] =	vst v63  }
0x1be: {  	_ =	swait.ge [sflag:s9], $0x1200  }
0x1bf: {  	[sflag:s9] =	ssyncset.done $0x0  }
0x1c0: {  	[sflag:s9] =	ssyncadd.s32 $0xFFFFEE00  }
0x1c1: {  	[spmem:s28] =	stream.linear.scatter [tilespmem:s12], [sflag:$0x3], $0x1200, $0x38;
	[tilespmem:$0x1D800] =	vst v63  }
0x1c2: {  	_ =	swait.ge [sflag:s9], $0x1200  }
0x1c3: {  	[sflag:s9] =	ssyncset.done $0x0  }
0x1c4: {  	[sflag:s9] =	ssyncadd.s32 $0xFFFFEE00  }
0x1c5: {  	[spmem:s23] =	stream.linear.scatter [tilespmem:s12], [sflag:$0x3], $0x1200, $0x38;
	[tilespmem:$0x1D800] =	vst v63  }
0x1c6: {  	_ =	swait.ge [sflag:s9], $0x1200  }
0x1c7: {  	[sflag:s9] =	ssyncset.done $0x0  }
0x1c8: {  	[sflag:s9] =	ssyncadd.s32 $0xFFFFEE00  }
0x1c9: {  	[spmem:s29] =	stream.linear.scatter [tilespmem:s12], [sflag:$0x3], $0x1200, $0x38;
	[tilespmem:$0x1D800] =	vst v63  }
0x1ca: {  	_ =	swait.ge [sflag:s9], $0x1200  }
0x1cb: {  	[sflag:s9] =	ssyncset.done $0x0  }
0x1cc: {  	[sflag:s9] =	ssyncadd.s32 $0xFFFFEE00  }
0x1cd: {  	[spmem:s24] =	stream.linear.scatter [tilespmem:s12], [sflag:$0x3], $0x1200, $0x38;
	[tilespmem:$0x1D800] =	vst v63  }
0x1ce: {  	_ =	swait.ge [sflag:s9], $0x1200  }
0x1cf: {  	s19 =	sld [smem:$0x7FA]  }
0x1d0: {  	[sflag:s9] =	ssyncset.done $0x0  }
0x1d1: {  	[sflag:s9] =	ssyncadd.s32 $0xFFFFEE00  }
0x1d2: {  	[spmem:s19] =	stream.linear.scatter [tilespmem:s12], [sflag:$0x3], $0x1200, $0x38;
	[tilespmem:$0x1D800] =	vst v63  }
0x1d3: {  	_ =	swait.ge [sflag:s9], $0x1200  }
0x1d4: {  	[sflag:s9] =	ssyncset.done $0x0  }
0x1d5: {  	[sflag:s9] =	ssyncadd.s32 $0xFFFFEE00  }
0x1d6: {  	[spmem:s25] =	stream.linear.scatter [tilespmem:s12], [sflag:$0x3], $0x1200, $0x38;
	[tilespmem:$0x1D800] =	vst v63  }
0x1d7: {  	_ =	swait.ge [sflag:s9], $0x1200  }
0x1d8: {  	[sflag:s9] =	ssyncset.done $0x0  }
0x1d9: {  	[sflag:s9] =	ssyncadd.s32 $0xFFFFEE00  }
0x1da: {  	[spmem:s31] =	stream.linear.scatter [tilespmem:s12], [sflag:$0x3], $0x1200, $0x38;
	[tilespmem:$0x1D800] =	vst v63  }
0x1db: {  	_ =	swait.ge [sflag:s9], $0x1200  }
0x1dc: {  	[sflag:s9] =	ssyncset.done $0x0  }
0x1dd: {  	[sflag:s9] =	ssyncadd.s32 $0xFFFFEE00  }
0x1de: {  	[spmem:s26] =	stream.linear.scatter [tilespmem:s12], [sflag:$0x3], $0x1200, $0x38;
	[tilespmem:$0x1D800] =	vst v63  }
0x1df: {  	_ =	swait.ge [sflag:s9], $0x1200  }
0x1e0: {  	[sflag:s9] =	ssyncset.done $0x0  }
0x1e1: {  	[sflag:s9] =	ssyncadd.s32 $0xFFFFEE00  }
0x1e2: {  	[spmem:s15] =	stream.linear.scatter [tilespmem:s12], [sflag:$0x3], $0x1200, $0x38;
	[tilespmem:$0x1D800] =	vst v63  }
0x1e3: {  	_ =	swait.ge [sflag:s9], $0x1200  }
0x1e4: {  	[sflag:s9] =	ssyncset.done $0x0  }
0x1e5: {  	s30 =	rddreg [dreg:$0xd];
	[sflag:s9] =	ssyncadd.s32 $0xFFFFEE00  }
0x1e6: {  	[tilespmem:s8], [sflag:$0x3] =	stream.linear.gather [hbm4b:s30+s12], $0x1400, $0x38;
	[tilespmem:$0x1D800] =	vst v63  }
0x1e7: {  	_ =	swait.ge [sflag:s9], $0x1400  }
0x1e8: {  	[sflag:s9] =	ssyncset.done $0x0  }
0x1e9: {  	s19 =	rddreg [dreg:$0xe];
	[sflag:s9] =	ssyncadd.s32 $0xFFFFEC00  }
0x1ea: {  	[tilespmem:s17], [sflag:$0x3] =	stream.linear.gather [hbm4b:s19+s12], $0x1400, $0x38;
	[tilespmem:$0x1D800] =	vst v63  }
0x1eb: {  	_ =	swait.ge [sflag:s9], $0x1400  }
0x1ec: {  	[sflag:s9] =	ssyncset.done $0x0  }
0x1ed: {  	[sflag:s9] =	ssyncadd.s32 $0xFFFFEC00  }
0x1ee: {  	[bflag:$0x0] =	sbarrier.arrive $0xFFFF  }
0x1ef: {  	[tilespmem:s12], [sflag:$0x1] =	stream.indirect.gather [spmem:s2], $0x48, s8, s10, $0xb8;
	[tilespmem:$0x1D800] =	vst v63  }
0x1f0: {  	s30 =	simm.s32 $0x4880  }
0x1f1: {  	[tilespmem:s13], [sflag:$0x2] =	stream.indirect.gather [spmem:s2], $0x48, s30, s10, $0xb8;
	[tilespmem:$0x1D800] =	vst v63  }
0x1f2: {  	_ =	swait.ge [sflag:s7], $0x2400  }
0x1f3: {  	[sflag:s7] =	ssyncset.done $0x0  }
0x1f4: {  	s16 =	simm.s32 $0x5C00;
	[sflag:s7] =	ssyncadd.s32 $0xFFFFDC00  }
0x1f5: {  	[spmem:s18] =	stream.indirect.scatter.add.f32 [tilespmem:s3], [sflag:$0x3], $0x48, s16, s10, $0xb8;
	[tilespmem:$0x1D800] =	vst v63  }
0x1f6: {  	_ =	swait.ge [sflag:s9], $0x2400  }
0x1f7: {  	[sflag:s9] =	ssyncset.done $0x0  }
0x1f8: {  	s19 =	simm.s32 $0x4900;
	[sflag:s9] =	ssyncadd.s32 $0xFFFFDC00  }
0x1f9: {  	[tilespmem:s3], [sflag:$0x1] =	stream.indirect.gather [spmem:s2], $0x48, s19, s10, $0xb8;
	[tilespmem:$0x1D800] =	vst v63  }
0x1fa: {  	_ =	swait.ge [sflag:s14], $0x2400  }
0x1fb: {  	[sflag:s14] =	ssyncset.done $0x0  }
0x1fc: {  	s30 =	simm.s32 $0x5C80;
	[sflag:s14] =	ssyncadd.s32 $0xFFFFDC00  }
0x1fd: {  	[spmem:s18] =	stream.indirect.scatter.add.f32 [tilespmem:s13], [sflag:$0x3], $0x48, s30, s10, $0xb8;
	[tilespmem:$0x1D800] =	vst v63  }
0x1fe: {  	_ =	swait.ge [sflag:s9], $0x2400  }
0x1ff: {  	[sflag:s9] =	ssyncset.done $0x0  }
0x200: {  	s12 =	simm.s32 $0x400;
	s19 =	simm.s32 $0x4980;
	[sflag:s9] =	ssyncadd.s32 $0xFFFFDC00  }
.LBB2_8:
0x201: {  	[tilespmem:s13], [sflag:$0x2] =	stream.indirect.gather [spmem:s2], $0x48, s19, s10, $0xb8;
	[tilespmem:$0x1D800] =	vst v63  }
0x202: {  	s16 =	smov.u32 s12  }
0x203: {  	p0 =	sne.s32 s12, $0x4800;
	s12 =	sadd.s32 $0x400, s12;
	_ =	swait.ge [sflag:s7], $0x2400  }
0x204: {  	s16 =	sshra.s32 s16, $0x2;
	[sflag:s7] =	ssyncset.done $0x0  }
0x205: {  	s19 =	sadd.s32 $0x5C00, s16;
	[sflag:s7] =	ssyncadd.s32 $0xFFFFDC00  }
0x206: {  	[spmem:s18] =	stream.indirect.scatter.add.f32 [tilespmem:s3], [sflag:$0x3], $0x48, s19, s10, $0xb8;
	[tilespmem:$0x1D800] =	vst v63  }
0x207: {  	_ =	swait.ge [sflag:s9], $0x2400  }
0x208: {  	[sflag:s9] =	ssyncset.done $0x0  }
0x209: {  	s19 =	sadd.s32 $0x4900, s16;
	[sflag:s9] =	ssyncadd.s32 $0xFFFFDC00  }
0x20a: {  	[tilespmem:s3], [sflag:$0x1] =	stream.indirect.gather [spmem:s2], $0x48, s19, s10, $0xb8;
	[tilespmem:$0x1D800] =	vst v63  }
0x20b: {  	_ =	swait.ge [sflag:s14], $0x2400  }
0x20c: {  	[sflag:s14] =	ssyncset.done $0x0  }
.Ltmp3:
0x20d: {  	s19 =	sadd.s32 $0x5C80, s16;
	[sflag:s14] =	ssyncadd.s32 $0xFFFFDC00;
	(pc) =	sbr.rel @p0 .LBB2_8-.Ltmp3, $4  }
0x20e: {  	[spmem:s18] =	stream.indirect.scatter.add.f32 [tilespmem:s13], [sflag:$0x3], $0x48, s19, s10, $0xb8;
	[tilespmem:$0x1D800] =	vst v63  }
0x20f: {  	_ =	swait.ge [sflag:s9], $0x2400  }
0x210: {  	[sflag:s9] =	ssyncset.done $0x0  }
0x211: {  	s19 =	sadd.s32 $0x4980, s16;
	[sflag:s9] =	ssyncadd.s32 $0xFFFFDC00  }
0x212: {  	[tilespmem:s13], [sflag:$0x2] =	stream.indirect.gather [spmem:s2], $0x48, s19, s10, $0xb8;
	[tilespmem:$0x1D800] =	vst v63  }
0x213: {  	_ =	swait.ge [sflag:s7], $0x2400  }
0x214: {  	[sflag:s7] =	ssyncset.done $0x0  }
0x215: {  	s12 =	simm.s32 $0x6F00;
	[sflag:s7] =	ssyncadd.s32 $0xFFFFDC00  }
0x216: {  	[spmem:s18] =	stream.indirect.scatter.add.f32 [tilespmem:s3], [sflag:$0x3], $0x48, s12, s10, $0xb8;
	[tilespmem:$0x1D800] =	vst v63  }
0x217: {  	_ =	swait.ge [sflag:s9], $0x2400  }
0x218: {  	[sflag:s9] =	ssyncset.done $0x0  }
0x219: {  	[sflag:s9] =	ssyncadd.s32 $0xFFFFDC00  }
0x21a: {  	_ =	swait.ge [sflag:s14], $0x2400  }
0x21b: {  	[sflag:s14] =	ssyncset.done $0x0  }
0x21c: {  	s16 =	simm.s32 $0x6F80;
	[sflag:s14] =	ssyncadd.s32 $0xFFFFDC00  }
0x21d: {  	[spmem:s18] =	stream.indirect.scatter.add.f32 [tilespmem:s13], [sflag:$0x3], $0x48, s16, s10, $0xb8;
	[tilespmem:$0x1D800] =	vst v63  }
0x21e: {  	_ =	swait.ge [sflag:s9], $0x2400  }
0x21f: {  	[sflag:s9] =	ssyncset.done $0x0  }
0x220: {  	[sflag:s9] =	ssyncadd.s32 $0xFFFFDC00  }
0x221: {  	[bflag:$0x0] =	sbarrier.arrive $0xFFFF  }
0x222: {  	s19 =	rddreg [dreg:$0x1d]  }
0x223: {  	[hbm:s19], [sflag:s20] =	dma.local [spmem:s6], $0x480  }
0x224: {  	_ =	swait.ge [sflag:s9], $0x480  }
0x225: {  	[sflag:s9] =	ssyncset.done $0x0  }
0x226: {  	s30 =	rddreg [dreg:$0x1e];
	[sflag:s9] =	ssyncadd.s32 $0xFFFFFB80  }
0x227: {  	[hbm:s30], [sflag:s20] =	dma.local [spmem:s1], $0x480  }
0x228: {  	_ =	swait.ge [sflag:s9], $0x480  }
0x229: {  	[sflag:s9] =	ssyncset.done $0x0  }
0x22a: {  	s12 =	rddreg [dreg:$0x1f];
	[sflag:s9] =	ssyncadd.s32 $0xFFFFFB80  }
0x22b: {  	[hbm:s12], [sflag:s20] =	dma.local [spmem:s4], $0x480  }
0x22c: {  	_ =	swait.ge [sflag:s9], $0x480  }
0x22d: {  	s16 =	sld [smem:$0x7FC]  }
0x22e: {  	[sflag:s9] =	ssyncset.done $0x0  }
0x22f: {  	[sflag:s9] =	ssyncadd.s32 $0xFFFFFB80  }
0x230: {  	[hbm:s16], [sflag:s20] =	dma.local [spmem:s5], $0x480  }
0x231: {  	_ =	swait.ge [sflag:s9], $0x480  }
0x232: {  	s19 =	sld [smem:$0x7FD]  }
0x233: {  	[sflag:s9] =	ssyncset.done $0x0  }
0x234: {  	[sflag:s9] =	ssyncadd.s32 $0xFFFFFB80  }
0x235: {  	[hbm:s19], [sflag:s20] =	dma.local [spmem:s11], $0x480  }
0x236: {  	_ =	swait.ge [sflag:s9], $0x480  }
0x237: {  	s0 =	sadd.s32 $0x1, s0;
	s30 =	rddreg [dreg:$0x17]  }
0x238: {  	p0 =	sne.s32 s0, s30  }
.Ltmp4:
0x239: {  	_ = 	snop;
	(pc) =	sbr.rel @p0 .LBB2_1-.Ltmp4, $3  }
0x23a: {  	_ =	sdelay $0x1  }
0x23b: {  	[sflag:s9] =	ssyncset.done $0x0  }
0x23c: {  	[sflag:s9] =	ssyncadd.s32 $0xFFFFFB80  }
0x23d: {  	_ =	sfence.sel $0x180000  }
0x23e: {  	[bflag:$0x0] =	sbarrier.arrive $0xFFFF  }
0x23f: {  	_ =	strace $0x90000047  }
0x240: {  	s0 =	stileid.u32;
	[bflag:$0x2] =	sbarrier.arrive $0xFFFF  }
0x241: {  	p0 =	sne.s32 s0, $0x0;
	s0 =	rddreg [dreg:$0x5]  }
0x242: {  	s0 =	sadd.s32 @!p0 $0x100000, s0  }
0x243: {  	[sflag:s0] =	ssyncadd.tile.s32 @!p0 $0x1;
	_ =	shalt  }
.Lfunc_end2:
_tile_overlayer_lowered:
.L_overlay_start_2:
0x244: {  	(tag) =	ssettag $0x2  }
0x245: {  	s0 =	rddreg [dreg:$0x0];
	s2 =	stileid.u32  }
0x246: {  	s1 =	rddreg [dreg:$0x1];
	p0 =	sne.s32 s2, $0x0  }
0x247: {  	s3 =	rddreg [dreg:$0x2];
	[bflag:$0x3] =	sbarrier.arrive $0xFFFF;
	s2 =	simm.s32 @!p0 $0x1C03  }
0x248: {  	[timem:s3], [sflag:s2] =	dma.local @!p0 [hbm:s0], s1  }
0x249: {  	s0 =	simm.s32 @!p0 $0x3  }
0x24a: {  	_ =	swait.ge @!p0 [sflag:s0], s1  }
0x24b: {  	s1 =	ssub.s32 @!p0 $0x0, s1;
	[sflag:s0] =	ssyncset.done @!p0 $0x0  }
0x24c: {  	[sflag:s0] =	ssyncadd.s32 @!p0 s1  }
0x24d: {  	[bflag:$0x3] =	sbarrier.arrive $0xFFFF  }
0x24e: {  	_ =	shalt  }

</sc_bundles>
